<compile_context>
chip_gen: v7x
topology: tpu7x:2x2x1
jax: 0.10.2.dev20260603
libtpu: 0.0.44.dev20260713+nightly
codegen_flags: <defaults>
</compile_context>

<pallas_src>
import functools

import jax
import jax.numpy as jnp
from jax import lax
from jax.experimental import pallas as pl
from jax.experimental.pallas import tpu as pltpu
from jax.experimental.pallas import tpu_sc as plsc

_B, _N, _K = 4, 5, 3
_C, _H, _W = 256, 96, 96
_ROWS_OUT = _B * _K
_RPS = _H * _W
_NC, _NS = 2, 16
_NW = _NC * _NS
_PIECE = 144
_NBUF = 3
_PIECES = _ROWS_OUT * _RPS // _PIECE
_PPW = _PIECES // _NW
_PPR = _RPS // _PIECE
_TROWS = _B * _K * _K

_mesh = plsc.VectorSubcoreMesh(
    core_axis_name="c", subcore_axis_name="s", num_cores=_NC, num_subcores=_NS
)


@functools.partial(
    pl.kernel,
    out_type=(
        jax.ShapeDtypeStruct((_ROWS_OUT * _RPS, _C), jnp.float32),
        jax.ShapeDtypeStruct((_TROWS, 16), jnp.float32),
    ),
    mesh=_mesh,
    compiler_params=pltpu.CompilerParams(needs_layout_passes=False),
    scratch_types=[
        pltpu.VMEM((16,), jnp.int32),
        pltpu.VMEM((16,), jnp.int32),
        pltpu.VMEM((_PIECE, _C), jnp.float32),
        pltpu.VMEM((_PIECE, _C), jnp.float32),
        pltpu.VMEM((_PIECE, _C), jnp.float32),
        pltpu.VMEM((_B * _N * _N, 16), jnp.float32),
        pltpu.VMEM((_TROWS, 16), jnp.float32),
        pltpu.SemaphoreType.DMA,
        pltpu.SemaphoreType.DMA,
    ],
)
def _sc_gather(feat_ref, t_ref, keep_ref, rl_ref, out_ref, outt_ref,
               keep_v, rl_v, buf0, buf1, buf2, t_v, tbuf, sem_in, sem_out):
    wid = lax.axis_index("s") * _NC + lax.axis_index("c")
    pltpu.sync_copy(keep_ref, keep_v)
    pltpu.sync_copy(rl_ref, rl_v)

    lane = lax.iota(jnp.int32, 16)
    keep = keep_v[...]
    rl = rl_v[...]
    grow = keep
    for t in range(_B):
        rl_t = jnp.take_along_axis(rl, jnp.full((16,), t, jnp.int32), axis=0)
        grow = grow + jnp.where(lane // _K > t, rl_t, 0)

    def _src_slice(j):
        p = wid * _PPW + j
        r = p // _PPR
        g = jnp.max(jnp.where(lane == r, grow, 0))
        return feat_ref.at[pl.ds(g * _RPS + (p % _PPR) * _PIECE, _PIECE)]

    bufs = (buf0, buf1, buf2)
    in_dma = [None] * _NBUF
    out_dma = [None] * _NBUF
    for b in range(_NBUF - 1):
        in_dma[b] = pltpu.async_copy(_src_slice(b), bufs[b], sem_in)
    for j in range(_PPW):
        p = j % _NBUF
        q = (j + _NBUF - 1) % _NBUF
        if j + _NBUF - 1 < _PPW:
            if out_dma[q] is not None:
                out_dma[q].wait()
            in_dma[q] = pltpu.async_copy(
                _src_slice(j + _NBUF - 1), bufs[q], sem_in)
        in_dma[p].wait()
        out_dma[p] = pltpu.async_copy(
            bufs[p],
            out_ref.at[pl.ds((wid * _PPW + j) * _PIECE, _PIECE)], sem_out)
    for p in range(_NBUF):
        if out_dma[p] is not None:
            out_dma[p].wait()

    @pl.when(wid == 0)
    def _():
        pltpu.sync_copy(t_ref, t_v)
        srcs = []
        for j3 in range(3):
            jj = j3 * 16 + lane
            b = jj // (_K * _K)
            r3 = jj - b * (_K * _K)
            ki = jnp.take_along_axis(
                keep, jnp.minimum(b * _K + r3 // _K, 15), axis=0)
            kj = jnp.take_along_axis(
                keep, jnp.minimum(b * _K + r3 % _K, 15), axis=0)
            src = jnp.minimum(b, _B - 1) * (_N * _N) + ki * _N + kj
            srcs.append(jnp.minimum(src, _B * _N * _N - 1))
        for j in range(_TROWS):
            srcj = jnp.take_along_axis(
                srcs[j // 16], jnp.full((16,), j % 16, jnp.int32), axis=0)
            tbuf[j, :] = plsc.load_gather(t_v, [srcj, lane])
        pltpu.sync_copy(tbuf, outt_ref)


def kernel(feat_map, t_matrix, id_keep, record_len):
    feat2d = feat_map.transpose(0, 2, 3, 1).reshape(_B * _N * _RPS, _C)
    t2d = t_matrix.reshape(_B * _N * _N, 16)
    keep_pad = jnp.zeros((16,), jnp.int32).at[:_B * _K].set(
        id_keep.reshape(-1).astype(jnp.int32))
    rl_pad = jnp.zeros((16,), jnp.int32).at[:_B].set(
        record_len.astype(jnp.int32))
    out_feat, out_t = _sc_gather(feat2d, t2d, keep_pad, rl_pad)
    new_feat_map = out_feat.reshape(_ROWS_OUT, _H, _W, _C).transpose(0, 3, 1, 2)
    new_t_matrix = out_t.reshape(_B, _K, _K, 4, 4)
    new_record_len = jnp.full((_B,), _K, dtype=record_len.dtype)
    return (new_feat_map, new_record_len, new_t_matrix)

# --- scband reference (transcript-rebuilt; emitter-appended) ---
"""Pipeline reference for scband-base-attacker-detect-model-42279658061980 (READ-ONLY COPY).

The authoritative reference and input builder live on the scoring server;
editing this copy changes nothing except your own understanding.
"""

import jax, jax.numpy as jnp
import numpy as np

B = 4
N = 5
K = 3
C, H, W = 256, 96, 96


def setup_inputs(seed: int = 0) -> dict:
    key = jax.random.key(seed)
    k1, k2, k3 = jax.random.split(key, 3)
    feat_map = jax.random.normal(k1, (B * N, C, H, W), dtype=jnp.float32)
    t_matrix = jax.random.normal(k2, (B, N, N, 4, 4), dtype=jnp.float32)
    id_keep = jnp.sort(jax.random.randint(k3, (B, K), 0, N), axis=1)
    record_len = jnp.full((B,), N, dtype=jnp.int32)
    return {"feat_map": feat_map, "t_matrix": t_matrix, "id_keep": id_keep, "record_len": record_len}


def reference(feat_map, t_matrix, id_keep, record_len):
    # Faithful jax translation of BaseAttackerDetectModel.del_attacker with
    # feat_maps = [feat_map] (single-level list) and stacked id_keep/t_matrix.
    B_ = id_keep.shape[0]
    K_ = id_keep.shape[1]
    # regroup: cumulative offsets of record_len give per-batch start indices;
    # torch.cat([fm[keep] for fm, keep in zip(batch_feat_map, id_keep)]) is a
    # single global gather with offset-shifted indices.
    offsets = jnp.concatenate([jnp.zeros((1,), dtype=record_len.dtype), jnp.cumsum(record_len)[:-1]])
    global_idx = (offsets[:, None] + id_keep.astype(record_len.dtype)).reshape(-1)
    new_feat_map = jnp.take(feat_map, global_idx, axis=0)
    # new_t_matrix[b] = t_matrix[b][keep][:, keep]
    b_idx = jnp.arange(B_)[:, None, None]
    new_t_matrix = t_matrix[b_idx, id_keep[:, :, None], id_keep[:, None, :]]
    new_record_len = jnp.full((B_,), K_, dtype=record_len.dtype)
    return (new_feat_map, new_record_len, new_t_matrix)

if __name__ == "__main__":
    import jax
    _d = setup_inputs()
    print(jax.jit(kernel)(*tuple(_d.values())))

</pallas_src>

<mosaic_0001>
#map = affine_map<(d0, d1) -> (0, 0)>
#map1 = affine_map<(d0, d1) -> (0)>
module attributes {stable_mosaic.version = 14 : i64} {
  func.func @_sc_gather(%arg0: i32, %arg1: i32, %arg2: memref<184320x256xf32, #tpu.memory_space<hbm>>, %arg3: memref<100x16xf32, #tpu.memory_space<hbm>>, %arg4: memref<16xi32, #tpu.memory_space<hbm>>, %arg5: memref<16xi32, #tpu.memory_space<hbm>>, %arg6: memref<110592x256xf32, #tpu.memory_space<hbm>>, %arg7: memref<36x16xf32, #tpu.memory_space<hbm>>, %arg8: memref<16xi32, #tpu.memory_space<vmem>>, %arg9: memref<16xi32, #tpu.memory_space<vmem>>, %arg10: memref<144x256xf32, #tpu.memory_space<vmem>>, %arg11: memref<144x256xf32, #tpu.memory_space<vmem>>, %arg12: memref<144x256xf32, #tpu.memory_space<vmem>>, %arg13: memref<100x16xf32, #tpu.memory_space<vmem>>, %arg14: memref<36x16xf32, #tpu.memory_space<vmem>>, %arg15: memref<!tpu.dma_semaphore, #tpu.memory_space<semaphore_mem>>, %arg16: memref<!tpu.dma_semaphore, #tpu.memory_space<semaphore_mem>>) attributes {dimension_semantics = [#tpu.dimension_semantics<core_parallel>, #tpu.dimension_semantics<subcore_parallel>], iteration_bounds = array<i64: 2, 16>, scalar_prefetch = 0 : i64, scratch_operands = 9 : i64, tpu.core_type = #tpu.core_type<sc_vector_subcore>, window_params = [{transform_indices = #map}, {transform_indices = #map}, {transform_indices = #map1}, {transform_indices = #map1}, {transform_indices = #map}, {transform_indices = #map}]} {
    %mul3A = arith.constant 2 : i32
    %mul3A_0 = arith.muli %arg1, %mul3A : i32
    %add3A = arith.addi %mul3A_0, %arg0 : i32
    "tpu.region"() ({
      %run_scoped3A = tpu.sem_alloc : memref<!tpu.dma_semaphore, #tpu.memory_space<semaphore_mem>>
      tpu.enqueue_dma source(%arg4 : memref<16xi32, #tpu.memory_space<hbm>>) target(%arg8 : memref<16xi32, #tpu.memory_space<vmem>>) target_semaphore(%run_scoped3A : memref<!tpu.dma_semaphore, #tpu.memory_space<semaphore_mem>>)
      tpu.wait_dma2 semaphore(%run_scoped3A : memref<!tpu.dma_semaphore, #tpu.memory_space<semaphore_mem>>) src(%arg4 : memref<16xi32, #tpu.memory_space<hbm>>) dst(%arg8 : memref<16xi32, #tpu.memory_space<vmem>>)
      tpu.yield
    }) : () -> ()
    "tpu.region"() ({
      %run_scoped3A = tpu.sem_alloc : memref<!tpu.dma_semaphore, #tpu.memory_space<semaphore_mem>>
      tpu.enqueue_dma source(%arg5 : memref<16xi32, #tpu.memory_space<hbm>>) target(%arg9 : memref<16xi32, #tpu.memory_space<vmem>>) target_semaphore(%run_scoped3A : memref<!tpu.dma_semaphore, #tpu.memory_space<semaphore_mem>>)
      tpu.wait_dma2 semaphore(%run_scoped3A : memref<!tpu.dma_semaphore, #tpu.memory_space<semaphore_mem>>) src(%arg5 : memref<16xi32, #tpu.memory_space<hbm>>) dst(%arg9 : memref<16xi32, #tpu.memory_space<vmem>>)
      tpu.yield
    }) : () -> ()
    %iota3A = tpu.iota {dimensions = array<i32: 0>} : vector<16xi32>
    %get3A = arith.constant 0 : index
    %get3A_1 = tpu.vector_load %arg8[%get3A] {strides = array<i32>} : memref<16xi32, #tpu.memory_space<vmem>>, vector<16xi32>,
    %get3A_2 = arith.constant 0 : index
    %get3A_3 = tpu.vector_load %arg9[%get3A_2] {strides = array<i32>} : memref<16xi32, #tpu.memory_space<vmem>>, vector<16xi32>,
    %broadcast_in_dim3A = arith.constant 0 : i32
    %broadcast_in_dim3A_4 = vector.broadcast %broadcast_in_dim3A : i32 to vector<16xi32>
    %lt3A = arith.constant 0 : i32
    %lt3A_5 = vector.broadcast %lt3A : i32 to vector<16xi32>
    %lt3A_6 = arith.cmpi slt, %broadcast_in_dim3A_4, %lt3A_5 : vector<16xi32>
    %add3A_7 = arith.constant 16 : i32
    %add3A_8 = vector.broadcast %add3A_7 : i32 to vector<16xi32>
    %add3A_9 = arith.addi %broadcast_in_dim3A_4, %add3A_8 : vector<16xi32>
    %select_n3A = arith.select %lt3A_6, %add3A_9, %broadcast_in_dim3A_4 : vector<16xi1>, vector<16xi32>
    %reshape3A = vector.shape_cast %select_n3A : vector<16xi32> to vector<16x1xi32>
    %gather3A = vector.shape_cast %reshape3A : vector<16x1xi32> to vector<16xi32>
    %gather3A_10 = tpu.dynamic_gather %get3A_3[%gather3A] in [0] : vector<16xi32>, vector<16xi32> -> vector<16xi32>
    %jit3A = arith.constant 3 : i32
    %div3A = vector.broadcast %jit3A : i32 to vector<16xi32>
    %div3A_11 = arith.divsi %iota3A, %div3A : vector<16xi32>
    %sign3A = arith.constant 0 : i32
    %sign3A_12 = vector.broadcast %sign3A : i32 to vector<16xi32>
    %sign3A_13 = arith.cmpi sgt, %iota3A, %sign3A_12 : vector<16xi32>
    %sign3A_14 = arith.extui %sign3A_13 : vector<16xi1> to vector<16xi32>
    %sign3A_15 = arith.constant 0 : i32
    %sign3A_16 = vector.broadcast %sign3A_15 : i32 to vector<16xi32>
    %sign3A_17 = arith.cmpi slt, %iota3A, %sign3A_16 : vector<16xi32>
    %sign3A_18 = arith.extui %sign3A_17 : vector<16xi1> to vector<16xi32>
    %sign3A_19 = arith.subi %sign3A_14, %sign3A_18 : vector<16xi32>
    %sign3A_20 = arith.constant 0 : i32
    %sign3A_21 = arith.cmpi sgt, %jit3A, %sign3A_20 : i32
    %sign3A_22 = arith.extui %sign3A_21 : i1 to i32
    %sign3A_23 = arith.constant 0 : i32
    %sign3A_24 = arith.cmpi slt, %jit3A, %sign3A_23 : i32
    %sign3A_25 = arith.extui %sign3A_24 : i1 to i32
    %sign3A_26 = arith.subi %sign3A_22, %sign3A_25 : i32
    %ne3A = vector.broadcast %sign3A_26 : i32 to vector<16xi32>
    %ne3A_27 = arith.cmpi ne, %sign3A_19, %ne3A : vector<16xi32>
    %rem3A = vector.broadcast %jit3A : i32 to vector<16xi32>
    %rem3A_28 = arith.remsi %iota3A, %rem3A : vector<16xi32>
    %ne3A_29 = arith.constant 0 : i32
    %ne3A_30 = vector.broadcast %ne3A_29 : i32 to vector<16xi32>
    %ne3A_31 = arith.cmpi ne, %rem3A_28, %ne3A_30 : vector<16xi32>
    %and3A = arith.andi %ne3A_27, %ne3A_31 : vector<16xi1>
    %sub3A = arith.constant 1 : i32
    %sub3A_32 = vector.broadcast %sub3A : i32 to vector<16xi32>
    %sub3A_33 = arith.subi %div3A_11, %sub3A_32 : vector<16xi32>
    %select_n3A_34 = arith.select %and3A, %sub3A_33, %div3A_11 : vector<16xi1>, vector<16xi32>
    %gt3A = arith.constant 0 : i32
    %gt3A_35 = vector.broadcast %gt3A : i32 to vector<16xi32>
    %gt3A_36 = arith.cmpi sgt, %select_n3A_34, %gt3A_35 : vector<16xi32>
    %jit3A_37 = arith.constant 0 : i32
    %broadcast_in_dim3A_38 = vector.broadcast %jit3A_37 : i32 to vector<16xi32>
    %select_n3A_39 = arith.select %gt3A_36, %gather3A_10, %broadcast_in_dim3A_38 : vector<16xi1>, vector<16xi32>
    %add3A_40 = arith.addi %get3A_1, %select_n3A_39 : vector<16xi32>
    %broadcast_in_dim3A_41 = arith.constant 1 : i32
    %broadcast_in_dim3A_42 = vector.broadcast %broadcast_in_dim3A_41 : i32 to vector<16xi32>
    %lt3A_43 = arith.constant 0 : i32
    %lt3A_44 = vector.broadcast %lt3A_43 : i32 to vector<16xi32>
    %lt3A_45 = arith.cmpi slt, %broadcast_in_dim3A_42, %lt3A_44 : vector<16xi32>
    %add3A_46 = arith.constant 16 : i32
    %add3A_47 = vector.broadcast %add3A_46 : i32 to vector<16xi32>
    %add3A_48 = arith.addi %broadcast_in_dim3A_42, %add3A_47 : vector<16xi32>
    %select_n3A_49 = arith.select %lt3A_45, %add3A_48, %broadcast_in_dim3A_42 : vector<16xi1>, vector<16xi32>
    %reshape3A_50 = vector.shape_cast %select_n3A_49 : vector<16xi32> to vector<16x1xi32>
    %gather3A_51 = vector.shape_cast %reshape3A_50 : vector<16x1xi32> to vector<16xi32>
    %gather3A_52 = tpu.dynamic_gather %get3A_3[%gather3A_51] in [0] : vector<16xi32>, vector<16xi32> -> vector<16xi32>
    %jit3A_53 = arith.constant 3 : i32
    %div3A_54 = vector.broadcast %jit3A_53 : i32 to vector<16xi32>
    %div3A_55 = arith.divsi %iota3A, %div3A_54 : vector<16xi32>
    %sign3A_56 = arith.constant 0 : i32
    %sign3A_57 = vector.broadcast %sign3A_56 : i32 to vector<16xi32>
    %sign3A_58 = arith.cmpi sgt, %iota3A, %sign3A_57 : vector<16xi32>
    %sign3A_59 = arith.extui %sign3A_58 : vector<16xi1> to vector<16xi32>
    %sign3A_60 = arith.constant 0 : i32
    %sign3A_61 = vector.broadcast %sign3A_60 : i32 to vector<16xi32>
    %sign3A_62 = arith.cmpi slt, %iota3A, %sign3A_61 : vector<16xi32>
    %sign3A_63 = arith.extui %sign3A_62 : vector<16xi1> to vector<16xi32>
    %sign3A_64 = arith.subi %sign3A_59, %sign3A_63 : vector<16xi32>
    %sign3A_65 = arith.constant 0 : i32
    %sign3A_66 = arith.cmpi sgt, %jit3A_53, %sign3A_65 : i32
    %sign3A_67 = arith.extui %sign3A_66 : i1 to i32
    %sign3A_68 = arith.constant 0 : i32
    %sign3A_69 = arith.cmpi slt, %jit3A_53, %sign3A_68 : i32
    %sign3A_70 = arith.extui %sign3A_69 : i1 to i32
    %sign3A_71 = arith.subi %sign3A_67, %sign3A_70 : i32
    %ne3A_72 = vector.broadcast %sign3A_71 : i32 to vector<16xi32>
    %ne3A_73 = arith.cmpi ne, %sign3A_64, %ne3A_72 : vector<16xi32>
    %rem3A_74 = vector.broadcast %jit3A_53 : i32 to vector<16xi32>
    %rem3A_75 = arith.remsi %iota3A, %rem3A_74 : vector<16xi32>
    %ne3A_76 = arith.constant 0 : i32
    %ne3A_77 = vector.broadcast %ne3A_76 : i32 to vector<16xi32>
    %ne3A_78 = arith.cmpi ne, %rem3A_75, %ne3A_77 : vector<16xi32>
    %and3A_79 = arith.andi %ne3A_73, %ne3A_78 : vector<16xi1>
    %sub3A_80 = arith.constant 1 : i32
    %sub3A_81 = vector.broadcast %sub3A_80 : i32 to vector<16xi32>
    %sub3A_82 = arith.subi %div3A_55, %sub3A_81 : vector<16xi32>
    %select_n3A_83 = arith.select %and3A_79, %sub3A_82, %div3A_55 : vector<16xi1>, vector<16xi32>
    %gt3A_84 = arith.constant 1 : i32
    %gt3A_85 = vector.broadcast %gt3A_84 : i32 to vector<16xi32>
    %gt3A_86 = arith.cmpi sgt, %select_n3A_83, %gt3A_85 : vector<16xi32>
    %jit3A_87 = arith.constant 0 : i32
    %broadcast_in_dim3A_88 = vector.broadcast %jit3A_87 : i32 to vector<16xi32>
    %select_n3A_89 = arith.select %gt3A_86, %gather3A_52, %broadcast_in_dim3A_88 : vector<16xi1>, vector<16xi32>
    %add3A_90 = arith.addi %add3A_40, %select_n3A_89 : vector<16xi32>
    %broadcast_in_dim3A_91 = arith.constant 2 : i32
    %broadcast_in_dim3A_92 = vector.broadcast %broadcast_in_dim3A_91 : i32 to vector<16xi32>
    %lt3A_93 = arith.constant 0 : i32
    %lt3A_94 = vector.broadcast %lt3A_93 : i32 to vector<16xi32>
    %lt3A_95 = arith.cmpi slt, %broadcast_in_dim3A_92, %lt3A_94 : vector<16xi32>
    %add3A_96 = arith.constant 16 : i32
    %add3A_97 = vector.broadcast %add3A_96 : i32 to vector<16xi32>
    %add3A_98 = arith.addi %broadcast_in_dim3A_92, %add3A_97 : vector<16xi32>
    %select_n3A_99 = arith.select %lt3A_95, %add3A_98, %broadcast_in_dim3A_92 : vector<16xi1>, vector<16xi32>
    %reshape3A_100 = vector.shape_cast %select_n3A_99 : vector<16xi32> to vector<16x1xi32>
    %gather3A_101 = vector.shape_cast %reshape3A_100 : vector<16x1xi32> to vector<16xi32>
    %gather3A_102 = tpu.dynamic_gather %get3A_3[%gather3A_101] in [0] : vector<16xi32>, vector<16xi32> -> vector<16xi32>
    %jit3A_103 = arith.constant 3 : i32
    %div3A_104 = vector.broadcast %jit3A_103 : i32 to vector<16xi32>
    %div3A_105 = arith.divsi %iota3A, %div3A_104 : vector<16xi32>
    %sign3A_106 = arith.constant 0 : i32
    %sign3A_107 = vector.broadcast %sign3A_106 : i32 to vector<16xi32>
    %sign3A_108 = arith.cmpi sgt, %iota3A, %sign3A_107 : vector<16xi32>
    %sign3A_109 = arith.extui %sign3A_108 : vector<16xi1> to vector<16xi32>
    %sign3A_110 = arith.constant 0 : i32
    %sign3A_111 = vector.broadcast %sign3A_110 : i32 to vector<16xi32>
    %sign3A_112 = arith.cmpi slt, %iota3A, %sign3A_111 : vector<16xi32>
    %sign3A_113 = arith.extui %sign3A_112 : vector<16xi1> to vector<16xi32>
    %sign3A_114 = arith.subi %sign3A_109, %sign3A_113 : vector<16xi32>
    %sign3A_115 = arith.constant 0 : i32
    %sign3A_116 = arith.cmpi sgt, %jit3A_103, %sign3A_115 : i32
    %sign3A_117 = arith.extui %sign3A_116 : i1 to i32
    %sign3A_118 = arith.constant 0 : i32
    %sign3A_119 = arith.cmpi slt, %jit3A_103, %sign3A_118 : i32
    %sign3A_120 = arith.extui %sign3A_119 : i1 to i32
    %sign3A_121 = arith.subi %sign3A_117, %sign3A_120 : i32
    %ne3A_122 = vector.broadcast %sign3A_121 : i32 to vector<16xi32>
    %ne3A_123 = arith.cmpi ne, %sign3A_114, %ne3A_122 : vector<16xi32>
    %rem3A_124 = vector.broadcast %jit3A_103 : i32 to vector<16xi32>
    %rem3A_125 = arith.remsi %iota3A, %rem3A_124 : vector<16xi32>
    %ne3A_126 = arith.constant 0 : i32
    %ne3A_127 = vector.broadcast %ne3A_126 : i32 to vector<16xi32>
    %ne3A_128 = arith.cmpi ne, %rem3A_125, %ne3A_127 : vector<16xi32>
    %and3A_129 = arith.andi %ne3A_123, %ne3A_128 : vector<16xi1>
    %sub3A_130 = arith.constant 1 : i32
    %sub3A_131 = vector.broadcast %sub3A_130 : i32 to vector<16xi32>
    %sub3A_132 = arith.subi %div3A_105, %sub3A_131 : vector<16xi32>
    %select_n3A_133 = arith.select %and3A_129, %sub3A_132, %div3A_105 : vector<16xi1>, vector<16xi32>
    %gt3A_134 = arith.constant 2 : i32
    %gt3A_135 = vector.broadcast %gt3A_134 : i32 to vector<16xi32>
    %gt3A_136 = arith.cmpi sgt, %select_n3A_133, %gt3A_135 : vector<16xi32>
    %jit3A_137 = arith.constant 0 : i32
    %broadcast_in_dim3A_138 = vector.broadcast %jit3A_137 : i32 to vector<16xi32>
    %select_n3A_139 = arith.select %gt3A_136, %gather3A_102, %broadcast_in_dim3A_138 : vector<16xi1>, vector<16xi32>
    %add3A_140 = arith.addi %add3A_90, %select_n3A_139 : vector<16xi32>
    %broadcast_in_dim3A_141 = arith.constant 3 : i32
    %broadcast_in_dim3A_142 = vector.broadcast %broadcast_in_dim3A_141 : i32 to vector<16xi32>
    %lt3A_143 = arith.constant 0 : i32
    %lt3A_144 = vector.broadcast %lt3A_143 : i32 to vector<16xi32>
    %lt3A_145 = arith.cmpi slt, %broadcast_in_dim3A_142, %lt3A_144 : vector<16xi32>
    %add3A_146 = arith.constant 16 : i32
    %add3A_147 = vector.broadcast %add3A_146 : i32 to vector<16xi32>
    %add3A_148 = arith.addi %broadcast_in_dim3A_142, %add3A_147 : vector<16xi32>
    %select_n3A_149 = arith.select %lt3A_145, %add3A_148, %broadcast_in_dim3A_142 : vector<16xi1>, vector<16xi32>
    %reshape3A_150 = vector.shape_cast %select_n3A_149 : vector<16xi32> to vector<16x1xi32>
    %gather3A_151 = vector.shape_cast %reshape3A_150 : vector<16x1xi32> to vector<16xi32>
    %gather3A_152 = tpu.dynamic_gather %get3A_3[%gather3A_151] in [0] : vector<16xi32>, vector<16xi32> -> vector<16xi32>
    %jit3A_153 = arith.constant 3 : i32
    %div3A_154 = vector.broadcast %jit3A_153 : i32 to vector<16xi32>
    %div3A_155 = arith.divsi %iota3A, %div3A_154 : vector<16xi32>
    %sign3A_156 = arith.constant 0 : i32
    %sign3A_157 = vector.broadcast %sign3A_156 : i32 to vector<16xi32>
    %sign3A_158 = arith.cmpi sgt, %iota3A, %sign3A_157 : vector<16xi32>
    %sign3A_159 = arith.extui %sign3A_158 : vector<16xi1> to vector<16xi32>
    %sign3A_160 = arith.constant 0 : i32
    %sign3A_161 = vector.broadcast %sign3A_160 : i32 to vector<16xi32>
    %sign3A_162 = arith.cmpi slt, %iota3A, %sign3A_161 : vector<16xi32>
    %sign3A_163 = arith.extui %sign3A_162 : vector<16xi1> to vector<16xi32>
    %sign3A_164 = arith.subi %sign3A_159, %sign3A_163 : vector<16xi32>
    %sign3A_165 = arith.constant 0 : i32
    %sign3A_166 = arith.cmpi sgt, %jit3A_153, %sign3A_165 : i32
    %sign3A_167 = arith.extui %sign3A_166 : i1 to i32
    %sign3A_168 = arith.constant 0 : i32
    %sign3A_169 = arith.cmpi slt, %jit3A_153, %sign3A_168 : i32
    %sign3A_170 = arith.extui %sign3A_169 : i1 to i32
    %sign3A_171 = arith.subi %sign3A_167, %sign3A_170 : i32
    %ne3A_172 = vector.broadcast %sign3A_171 : i32 to vector<16xi32>
    %ne3A_173 = arith.cmpi ne, %sign3A_164, %ne3A_172 : vector<16xi32>
    %rem3A_174 = vector.broadcast %jit3A_153 : i32 to vector<16xi32>
    %rem3A_175 = arith.remsi %iota3A, %rem3A_174 : vector<16xi32>
    %ne3A_176 = arith.constant 0 : i32
    %ne3A_177 = vector.broadcast %ne3A_176 : i32 to vector<16xi32>
    %ne3A_178 = arith.cmpi ne, %rem3A_175, %ne3A_177 : vector<16xi32>
    %and3A_179 = arith.andi %ne3A_173, %ne3A_178 : vector<16xi1>
    %sub3A_180 = arith.constant 1 : i32
    %sub3A_181 = vector.broadcast %sub3A_180 : i32 to vector<16xi32>
    %sub3A_182 = arith.subi %div3A_155, %sub3A_181 : vector<16xi32>
    %select_n3A_183 = arith.select %and3A_179, %sub3A_182, %div3A_155 : vector<16xi1>, vector<16xi32>
    %gt3A_184 = arith.constant 3 : i32
    %gt3A_185 = vector.broadcast %gt3A_184 : i32 to vector<16xi32>
    %gt3A_186 = arith.cmpi sgt, %select_n3A_183, %gt3A_185 : vector<16xi32>
    %jit3A_187 = arith.constant 0 : i32
    %broadcast_in_dim3A_188 = vector.broadcast %jit3A_187 : i32 to vector<16xi32>
    %select_n3A_189 = arith.select %gt3A_186, %gather3A_152, %broadcast_in_dim3A_188 : vector<16xi1>, vector<16xi32>
    %add3A_190 = arith.addi %add3A_140, %select_n3A_189 : vector<16xi32>
    %mul3A_191 = arith.constant 24 : i32
    %mul3A_192 = arith.muli %add3A, %mul3A_191 : i32
    %add3A_193 = arith.constant 0 : i32
    %add3A_194 = arith.addi %mul3A_192, %add3A_193 : i32
    %jit3A_195 = arith.constant 64 : i32
    %div3A_196 = arith.divsi %add3A_194, %jit3A_195 : i32
    %sign3A_197 = arith.constant 0 : i32
    %sign3A_198 = arith.cmpi sgt, %add3A_194, %sign3A_197 : i32
    %sign3A_199 = arith.extui %sign3A_198 : i1 to i32
    %sign3A_200 = arith.constant 0 : i32
    %sign3A_201 = arith.cmpi slt, %add3A_194, %sign3A_200 : i32
    %sign3A_202 = arith.extui %sign3A_201 : i1 to i32
    %sign3A_203 = arith.subi %sign3A_199, %sign3A_202 : i32
    %sign3A_204 = arith.constant 0 : i32
    %sign3A_205 = arith.cmpi sgt, %jit3A_195, %sign3A_204 : i32
    %sign3A_206 = arith.extui %sign3A_205 : i1 to i32
    %sign3A_207 = arith.constant 0 : i32
    %sign3A_208 = arith.cmpi slt, %jit3A_195, %sign3A_207 : i32
    %sign3A_209 = arith.extui %sign3A_208 : i1 to i32
    %sign3A_210 = arith.subi %sign3A_206, %sign3A_209 : i32
    %ne3A_211 = arith.cmpi ne, %sign3A_203, %sign3A_210 : i32
    %rem3A_212 = arith.remsi %add3A_194, %jit3A_195 : i32
    %ne3A_213 = arith.constant 0 : i32
    %ne3A_214 = arith.cmpi ne, %rem3A_212, %ne3A_213 : i32
    %and3A_215 = arith.andi %ne3A_211, %ne3A_214 : i1
    %sub3A_216 = arith.constant 1 : i32
    %sub3A_217 = arith.subi %div3A_196, %sub3A_216 : i32
    %select_n3A_218 = arith.select %and3A_215, %sub3A_217, %div3A_196 : i32
    %eq3A = vector.broadcast %select_n3A_218 : i32 to vector<16xi32>
    %eq3A_219 = arith.cmpi eq, %iota3A, %eq3A : vector<16xi32>
    %jit3A_220 = arith.constant 0 : i32
    %broadcast_in_dim3A_221 = vector.broadcast %jit3A_220 : i32 to vector<16xi32>
    %select_n3A_222 = arith.select %eq3A_219, %add3A_190, %broadcast_in_dim3A_221 : vector<16xi1>, vector<16xi32>
    %reduce_max3A = arith.constant true
    %reduce_max3A_223 = vector.broadcast %reduce_max3A : i1 to vector<16xi1>
    %reduce_max3A_224 = arith.constant -2147483648 : i32
    %reduce_max3A_225 = vector.broadcast %reduce_max3A_224 : i32 to vector<16xi32>
    %reduce_max3A_226 = arith.xori %select_n3A_222, %reduce_max3A_225 : vector<16xi32>
    %reduce_max3A_227 = tpu.scan <max>, %reduce_max3A_226 masked %reduce_max3A_223 : vector<16xi32>, vector<16xi1> -> vector<16xi32>
    %reduce_max3A_228 = arith.xori %reduce_max3A_227, %reduce_max3A_225 : vector<16xi32>
    %reduce_max3A_229 = vector.extract %reduce_max3A_228[15] : i32 from vector<16xi32>
    %mul3A_230 = arith.constant 9216 : i32
    %mul3A_231 = arith.muli %reduce_max3A_229, %mul3A_230 : i32
    %jit3A_232 = arith.constant 64 : i32
    %eq3A_233 = arith.constant 0 : i32
    %eq3A_234 = arith.cmpi eq, %jit3A_232, %eq3A_233 : i32
    %jit3A_235 = arith.constant 1 : i32
    %select_n3A_236 = arith.select %eq3A_234, %jit3A_235, %jit3A_232 : i32
    %rem3A_237 = arith.remsi %add3A_194, %select_n3A_236 : i32
    %ne3A_238 = arith.constant 0 : i32
    %ne3A_239 = arith.cmpi ne, %rem3A_237, %ne3A_238 : i32
    %lt3A_240 = arith.constant 0 : i32
    %lt3A_241 = arith.cmpi slt, %rem3A_237, %lt3A_240 : i32
    %lt3A_242 = arith.constant 0 : i32
    %lt3A_243 = arith.cmpi slt, %select_n3A_236, %lt3A_242 : i32
    %ne3A_244 = arith.xori %lt3A_241, %lt3A_243 : i1
    %and3A_245 = arith.andi %ne3A_244, %ne3A_239 : i1
    %add3A_246 = arith.addi %rem3A_237, %select_n3A_236 : i32
    %select_n3A_247 = arith.select %and3A_245, %add3A_246, %rem3A_237 : i32
    %mul3A_248 = arith.constant 144 : i32
    %mul3A_249 = arith.muli %select_n3A_247, %mul3A_248 : i32
    %add3A_250 = arith.addi %mul3A_231, %mul3A_249 : i32
    %dma_start3A = arith.constant 0 : i32
    %dma_start3A_251 = tpu.memref_slice %arg2[%add3A_250, %dma_start3A] : memref<184320x256xf32, #tpu.memory_space<hbm>> -> memref<144x256xf32, #tpu.memory_space<hbm>>
    %dma_start3A_252 = arith.constant 0 : i32
    %dma_start3A_253 = tpu.memref_slice %arg2[%add3A_250, %dma_start3A_252] : memref<184320x256xf32, #tpu.memory_space<hbm>> -> memref<144x256xf32, #tpu.memory_space<hbm>>
    tpu.enqueue_dma source(%dma_start3A_253 : memref<144x256xf32, #tpu.memory_space<hbm>>) target(%arg10 : memref<144x256xf32, #tpu.memory_space<vmem>>) target_semaphore(%arg15 : memref<!tpu.dma_semaphore, #tpu.memory_space<semaphore_mem>>)
    %mul3A_254 = arith.constant 24 : i32
    %mul3A_255 = arith.muli %add3A, %mul3A_254 : i32
    %add3A_256 = arith.constant 1 : i32
    %add3A_257 = arith.addi %mul3A_255, %add3A_256 : i32
    %jit3A_258 = arith.constant 64 : i32
    %div3A_259 = arith.divsi %add3A_257, %jit3A_258 : i32
    %sign3A_260 = arith.constant 0 : i32
    %sign3A_261 = arith.cmpi sgt, %add3A_257, %sign3A_260 : i32
    %sign3A_262 = arith.extui %sign3A_261 : i1 to i32
    %sign3A_263 = arith.constant 0 : i32
    %sign3A_264 = arith.cmpi slt, %add3A_257, %sign3A_263 : i32
    %sign3A_265 = arith.extui %sign3A_264 : i1 to i32
    %sign3A_266 = arith.subi %sign3A_262, %sign3A_265 : i32
    %sign3A_267 = arith.constant 0 : i32
    %sign3A_268 = arith.cmpi sgt, %jit3A_258, %sign3A_267 : i32
    %sign3A_269 = arith.extui %sign3A_268 : i1 to i32
    %sign3A_270 = arith.constant 0 : i32
    %sign3A_271 = arith.cmpi slt, %jit3A_258, %sign3A_270 : i32
    %sign3A_272 = arith.extui %sign3A_271 : i1 to i32
    %sign3A_273 = arith.subi %sign3A_269, %sign3A_272 : i32
    %ne3A_274 = arith.cmpi ne, %sign3A_266, %sign3A_273 : i32
    %rem3A_275 = arith.remsi %add3A_257, %jit3A_258 : i32
    %ne3A_276 = arith.constant 0 : i32
    %ne3A_277 = arith.cmpi ne, %rem3A_275, %ne3A_276 : i32
    %and3A_278 = arith.andi %ne3A_274, %ne3A_277 : i1
    %sub3A_279 = arith.constant 1 : i32
    %sub3A_280 = arith.subi %div3A_259, %sub3A_279 : i32
    %select_n3A_281 = arith.select %and3A_278, %sub3A_280, %div3A_259 : i32
    %eq3A_282 = vector.broadcast %select_n3A_281 : i32 to vector<16xi32>
    %eq3A_283 = arith.cmpi eq, %iota3A, %eq3A_282 : vector<16xi32>
    %jit3A_284 = arith.constant 0 : i32
    %broadcast_in_dim3A_285 = vector.broadcast %jit3A_284 : i32 to vector<16xi32>
    %select_n3A_286 = arith.select %eq3A_283, %add3A_190, %broadcast_in_dim3A_285 : vector<16xi1>, vector<16xi32>
    %reduce_max3A_287 = arith.constant true
    %reduce_max3A_288 = vector.broadcast %reduce_max3A_287 : i1 to vector<16xi1>
    %reduce_max3A_289 = arith.constant -2147483648 : i32
    %reduce_max3A_290 = vector.broadcast %reduce_max3A_289 : i32 to vector<16xi32>
    %reduce_max3A_291 = arith.xori %select_n3A_286, %reduce_max3A_290 : vector<16xi32>
    %reduce_max3A_292 = tpu.scan <max>, %reduce_max3A_291 masked %reduce_max3A_288 : vector<16xi32>, vector<16xi1> -> vector<16xi32>
    %reduce_max3A_293 = arith.xori %reduce_max3A_292, %reduce_max3A_290 : vector<16xi32>
    %reduce_max3A_294 = vector.extract %reduce_max3A_293[15] : i32 from vector<16xi32>
    %mul3A_295 = arith.constant 9216 : i32
    %mul3A_296 = arith.muli %reduce_max3A_294, %mul3A_295 : i32
    %jit3A_297 = arith.constant 64 : i32
    %eq3A_298 = arith.constant 0 : i32
    %eq3A_299 = arith.cmpi eq, %jit3A_297, %eq3A_298 : i32
    %jit3A_300 = arith.constant 1 : i32
    %select_n3A_301 = arith.select %eq3A_299, %jit3A_300, %jit3A_297 : i32
    %rem3A_302 = arith.remsi %add3A_257, %select_n3A_301 : i32
    %ne3A_303 = arith.constant 0 : i32
    %ne3A_304 = arith.cmpi ne, %rem3A_302, %ne3A_303 : i32
    %lt3A_305 = arith.constant 0 : i32
    %lt3A_306 = arith.cmpi slt, %rem3A_302, %lt3A_305 : i32
    %lt3A_307 = arith.constant 0 : i32
    %lt3A_308 = arith.cmpi slt, %select_n3A_301, %lt3A_307 : i32
    %ne3A_309 = arith.xori %lt3A_306, %lt3A_308 : i1
    %and3A_310 = arith.andi %ne3A_309, %ne3A_304 : i1
    %add3A_311 = arith.addi %rem3A_302, %select_n3A_301 : i32
    %select_n3A_312 = arith.select %and3A_310, %add3A_311, %rem3A_302 : i32
    %mul3A_313 = arith.constant 144 : i32
    %mul3A_314 = arith.muli %select_n3A_312, %mul3A_313 : i32
    %add3A_315 = arith.addi %mul3A_296, %mul3A_314 : i32
    %dma_start3A_316 = arith.constant 0 : i32
    %dma_start3A_317 = tpu.memref_slice %arg2[%add3A_315, %dma_start3A_316] : memref<184320x256xf32, #tpu.memory_space<hbm>> -> memref<144x256xf32, #tpu.memory_space<hbm>>
    %dma_start3A_318 = arith.constant 0 : i32
    %dma_start3A_319 = tpu.memref_slice %arg2[%add3A_315, %dma_start3A_318] : memref<184320x256xf32, #tpu.memory_space<hbm>> -> memref<144x256xf32, #tpu.memory_space<hbm>>
    tpu.enqueue_dma source(%dma_start3A_319 : memref<144x256xf32, #tpu.memory_space<hbm>>) target(%arg11 : memref<144x256xf32, #tpu.memory_space<vmem>>) target_semaphore(%arg15 : memref<!tpu.dma_semaphore, #tpu.memory_space<semaphore_mem>>)
    %mul3A_320 = arith.constant 24 : i32
    %mul3A_321 = arith.muli %add3A, %mul3A_320 : i32
    %add3A_322 = arith.constant 2 : i32
    %add3A_323 = arith.addi %mul3A_321, %add3A_322 : i32
    %jit3A_324 = arith.constant 64 : i32
    %div3A_325 = arith.divsi %add3A_323, %jit3A_324 : i32
    %sign3A_326 = arith.constant 0 : i32
    %sign3A_327 = arith.cmpi sgt, %add3A_323, %sign3A_326 : i32
    %sign3A_328 = arith.extui %sign3A_327 : i1 to i32
    %sign3A_329 = arith.constant 0 : i32
    %sign3A_330 = arith.cmpi slt, %add3A_323, %sign3A_329 : i32
    %sign3A_331 = arith.extui %sign3A_330 : i1 to i32
    %sign3A_332 = arith.subi %sign3A_328, %sign3A_331 : i32
    %sign3A_333 = arith.constant 0 : i32
    %sign3A_334 = arith.cmpi sgt, %jit3A_324, %sign3A_333 : i32
    %sign3A_335 = arith.extui %sign3A_334 : i1 to i32
    %sign3A_336 = arith.constant 0 : i32
    %sign3A_337 = arith.cmpi slt, %jit3A_324, %sign3A_336 : i32
    %sign3A_338 = arith.extui %sign3A_337 : i1 to i32
    %sign3A_339 = arith.subi %sign3A_335, %sign3A_338 : i32
    %ne3A_340 = arith.cmpi ne, %sign3A_332, %sign3A_339 : i32
    %rem3A_341 = arith.remsi %add3A_323, %jit3A_324 : i32
    %ne3A_342 = arith.constant 0 : i32
    %ne3A_343 = arith.cmpi ne, %rem3A_341, %ne3A_342 : i32
    %and3A_344 = arith.andi %ne3A_340, %ne3A_343 : i1
    %sub3A_345 = arith.constant 1 : i32
    %sub3A_346 = arith.subi %div3A_325, %sub3A_345 : i32
    %select_n3A_347 = arith.select %and3A_344, %sub3A_346, %div3A_325 : i32
    %eq3A_348 = vector.broadcast %select_n3A_347 : i32 to vector<16xi32>
    %eq3A_349 = arith.cmpi eq, %iota3A, %eq3A_348 : vector<16xi32>
    %jit3A_350 = arith.constant 0 : i32
    %broadcast_in_dim3A_351 = vector.broadcast %jit3A_350 : i32 to vector<16xi32>
    %select_n3A_352 = arith.select %eq3A_349, %add3A_190, %broadcast_in_dim3A_351 : vector<16xi1>, vector<16xi32>
    %reduce_max3A_353 = arith.constant true
    %reduce_max3A_354 = vector.broadcast %reduce_max3A_353 : i1 to vector<16xi1>
    %reduce_max3A_355 = arith.constant -2147483648 : i32
    %reduce_max3A_356 = vector.broadcast %reduce_max3A_355 : i32 to vector<16xi32>
    %reduce_max3A_357 = arith.xori %select_n3A_352, %reduce_max3A_356 : vector<16xi32>
    %reduce_max3A_358 = tpu.scan <max>, %reduce_max3A_357 masked %reduce_max3A_354 : vector<16xi32>, vector<16xi1> -> vector<16xi32>
    %reduce_max3A_359 = arith.xori %reduce_max3A_358, %reduce_max3A_356 : vector<16xi32>
    %reduce_max3A_360 = vector.extract %reduce_max3A_359[15] : i32 from vector<16xi32>
    %mul3A_361 = arith.constant 9216 : i32
    %mul3A_362 = arith.muli %reduce_max3A_360, %mul3A_361 : i32
    %jit3A_363 = arith.constant 64 : i32
    %eq3A_364 = arith.constant 0 : i32
    %eq3A_365 = arith.cmpi eq, %jit3A_363, %eq3A_364 : i32
    %jit3A_366 = arith.constant 1 : i32
    %select_n3A_367 = arith.select %eq3A_365, %jit3A_366, %jit3A_363 : i32
    %rem3A_368 = arith.remsi %add3A_323, %select_n3A_367 : i32
    %ne3A_369 = arith.constant 0 : i32
    %ne3A_370 = arith.cmpi ne, %rem3A_368, %ne3A_369 : i32
    %lt3A_371 = arith.constant 0 : i32
    %lt3A_372 = arith.cmpi slt, %rem3A_368, %lt3A_371 : i32
    %lt3A_373 = arith.constant 0 : i32
    %lt3A_374 = arith.cmpi slt, %select_n3A_367, %lt3A_373 : i32
    %ne3A_375 = arith.xori %lt3A_372, %lt3A_374 : i1
    %and3A_376 = arith.andi %ne3A_375, %ne3A_370 : i1
    %add3A_377 = arith.addi %rem3A_368, %select_n3A_367 : i32
    %select_n3A_378 = arith.select %and3A_376, %add3A_377, %rem3A_368 : i32
    %mul3A_379 = arith.constant 144 : i32
    %mul3A_380 = arith.muli %select_n3A_378, %mul3A_379 : i32
    %add3A_381 = arith.addi %mul3A_362, %mul3A_380 : i32
    %dma_start3A_382 = arith.constant 0 : i32
    %dma_start3A_383 = tpu.memref_slice %arg2[%add3A_381, %dma_start3A_382] : memref<184320x256xf32, #tpu.memory_space<hbm>> -> memref<144x256xf32, #tpu.memory_space<hbm>>
    %dma_start3A_384 = arith.constant 0 : i32
    %dma_start3A_385 = tpu.memref_slice %arg2[%add3A_381, %dma_start3A_384] : memref<184320x256xf32, #tpu.memory_space<hbm>> -> memref<144x256xf32, #tpu.memory_space<hbm>>
    tpu.enqueue_dma source(%dma_start3A_385 : memref<144x256xf32, #tpu.memory_space<hbm>>) target(%arg12 : memref<144x256xf32, #tpu.memory_space<vmem>>) target_semaphore(%arg15 : memref<!tpu.dma_semaphore, #tpu.memory_space<semaphore_mem>>)
    %dma_wait3A = arith.constant 0 : i32
    %dma_wait3A_386 = tpu.memref_slice %arg2[%add3A_250, %dma_wait3A] : memref<184320x256xf32, #tpu.memory_space<hbm>> -> memref<144x256xf32, #tpu.memory_space<hbm>>
    %dma_wait3A_387 = arith.constant 0 : i32
    %dma_wait3A_388 = tpu.memref_slice %arg2[%add3A_250, %dma_wait3A_387] : memref<184320x256xf32, #tpu.memory_space<hbm>> -> memref<144x256xf32, #tpu.memory_space<hbm>>
    tpu.wait_dma2 semaphore(%arg15 : memref<!tpu.dma_semaphore, #tpu.memory_space<semaphore_mem>>) src(%dma_wait3A_388 : memref<144x256xf32, #tpu.memory_space<hbm>>) dst(%arg10 : memref<144x256xf32, #tpu.memory_space<vmem>>)
    %mul3A_389 = arith.constant 24 : i32
    %mul3A_390 = arith.muli %add3A, %mul3A_389 : i32
    %add3A_391 = arith.constant 0 : i32
    %add3A_392 = arith.addi %mul3A_390, %add3A_391 : i32
    %mul3A_393 = arith.constant 144 : i32
    %mul3A_394 = arith.muli %add3A_392, %mul3A_393 : i32
    %dma_start3A_395 = arith.constant 0 : i32
    %dma_start3A_396 = tpu.memref_slice %arg6[%mul3A_394, %dma_start3A_395] : memref<110592x256xf32, #tpu.memory_space<hbm>> -> memref<144x256xf32, #tpu.memory_space<hbm>>
    %dma_start3A_397 = arith.constant 0 : i32
    %dma_start3A_398 = tpu.memref_slice %arg6[%mul3A_394, %dma_start3A_397] : memref<110592x256xf32, #tpu.memory_space<hbm>> -> memref<144x256xf32, #tpu.memory_space<hbm>>
    tpu.enqueue_dma source(%arg10 : memref<144x256xf32, #tpu.memory_space<vmem>>) target(%dma_start3A_398 : memref<144x256xf32, #tpu.memory_space<hbm>>) target_semaphore(%arg16 : memref<!tpu.dma_semaphore, #tpu.memory_space<semaphore_mem>>)
    %dma_wait3A_399 = arith.constant 0 : i32
    %dma_wait3A_400 = tpu.memref_slice %arg6[%mul3A_394, %dma_wait3A_399] : memref<110592x256xf32, #tpu.memory_space<hbm>> -> memref<144x256xf32, #tpu.memory_space<hbm>>
    %dma_wait3A_401 = arith.constant 0 : i32
    %dma_wait3A_402 = tpu.memref_slice %arg6[%mul3A_394, %dma_wait3A_401] : memref<110592x256xf32, #tpu.memory_space<hbm>> -> memref<144x256xf32, #tpu.memory_space<hbm>>
    tpu.wait_dma2 semaphore(%arg16 : memref<!tpu.dma_semaphore, #tpu.memory_space<semaphore_mem>>) src(%arg10 : memref<144x256xf32, #tpu.memory_space<vmem>>) dst(%dma_wait3A_402 : memref<144x256xf32, #tpu.memory_space<hbm>>)
    %mul3A_403 = arith.constant 24 : i32
    %mul3A_404 = arith.muli %add3A, %mul3A_403 : i32
    %add3A_405 = arith.constant 3 : i32
    %add3A_406 = arith.addi %mul3A_404, %add3A_405 : i32
    %jit3A_407 = arith.constant 64 : i32
    %div3A_408 = arith.divsi %add3A_406, %jit3A_407 : i32
    %sign3A_409 = arith.constant 0 : i32
    %sign3A_410 = arith.cmpi sgt, %add3A_406, %sign3A_409 : i32
    %sign3A_411 = arith.extui %sign3A_410 : i1 to i32
    %sign3A_412 = arith.constant 0 : i32
    %sign3A_413 = arith.cmpi slt, %add3A_406, %sign3A_412 : i32
    %sign3A_414 = arith.extui %sign3A_413 : i1 to i32
    %sign3A_415 = arith.subi %sign3A_411, %sign3A_414 : i32
    %sign3A_416 = arith.constant 0 : i32
    %sign3A_417 = arith.cmpi sgt, %jit3A_407, %sign3A_416 : i32
    %sign3A_418 = arith.extui %sign3A_417 : i1 to i32
    %sign3A_419 = arith.constant 0 : i32
    %sign3A_420 = arith.cmpi slt, %jit3A_407, %sign3A_419 : i32
    %sign3A_421 = arith.extui %sign3A_420 : i1 to i32
    %sign3A_422 = arith.subi %sign3A_418, %sign3A_421 : i32
    %ne3A_423 = arith.cmpi ne, %sign3A_415, %sign3A_422 : i32
    %rem3A_424 = arith.remsi %add3A_406, %jit3A_407 : i32
    %ne3A_425 = arith.constant 0 : i32
    %ne3A_426 = arith.cmpi ne, %rem3A_424, %ne3A_425 : i32
    %and3A_427 = arith.andi %ne3A_423, %ne3A_426 : i1
    %sub3A_428 = arith.constant 1 : i32
    %sub3A_429 = arith.subi %div3A_408, %sub3A_428 : i32
    %select_n3A_430 = arith.select %and3A_427, %sub3A_429, %div3A_408 : i32
    %eq3A_431 = vector.broadcast %select_n3A_430 : i32 to vector<16xi32>
    %eq3A_432 = arith.cmpi eq, %iota3A, %eq3A_431 : vector<16xi32>
    %jit3A_433 = arith.constant 0 : i32
    %broadcast_in_dim3A_434 = vector.broadcast %jit3A_433 : i32 to vector<16xi32>
    %select_n3A_435 = arith.select %eq3A_432, %add3A_190, %broadcast_in_dim3A_434 : vector<16xi1>, vector<16xi32>
    %reduce_max3A_436 = arith.constant true
    %reduce_max3A_437 = vector.broadcast %reduce_max3A_436 : i1 to vector<16xi1>
    %reduce_max3A_438 = arith.constant -2147483648 : i32
    %reduce_max3A_439 = vector.broadcast %reduce_max3A_438 : i32 to vector<16xi32>
    %reduce_max3A_440 = arith.xori %select_n3A_435, %reduce_max3A_439 : vector<16xi32>
    %reduce_max3A_441 = tpu.scan <max>, %reduce_max3A_440 masked %reduce_max3A_437 : vector<16xi32>, vector<16xi1> -> vector<16xi32>
    %reduce_max3A_442 = arith.xori %reduce_max3A_441, %reduce_max3A_439 : vector<16xi32>
    %reduce_max3A_443 = vector.extract %reduce_max3A_442[15] : i32 from vector<16xi32>
    %mul3A_444 = arith.constant 9216 : i32
    %mul3A_445 = arith.muli %reduce_max3A_443, %mul3A_444 : i32
    %jit3A_446 = arith.constant 64 : i32
    %eq3A_447 = arith.constant 0 : i32
    %eq3A_448 = arith.cmpi eq, %jit3A_446, %eq3A_447 : i32
    %jit3A_449 = arith.constant 1 : i32
    %select_n3A_450 = arith.select %eq3A_448, %jit3A_449, %jit3A_446 : i32
    %rem3A_451 = arith.remsi %add3A_406, %select_n3A_450 : i32
    %ne3A_452 = arith.constant 0 : i32
    %ne3A_453 = arith.cmpi ne, %rem3A_451, %ne3A_452 : i32
    %lt3A_454 = arith.constant 0 : i32
    %lt3A_455 = arith.cmpi slt, %rem3A_451, %lt3A_454 : i32
    %lt3A_456 = arith.constant 0 : i32
    %lt3A_457 = arith.cmpi slt, %select_n3A_450, %lt3A_456 : i32
    %ne3A_458 = arith.xori %lt3A_455, %lt3A_457 : i1
    %and3A_459 = arith.andi %ne3A_458, %ne3A_453 : i1
    %add3A_460 = arith.addi %rem3A_451, %select_n3A_450 : i32
    %select_n3A_461 = arith.select %and3A_459, %add3A_460, %rem3A_451 : i32
    %mul3A_462 = arith.constant 144 : i32
    %mul3A_463 = arith.muli %select_n3A_461, %mul3A_462 : i32
    %add3A_464 = arith.addi %mul3A_445, %mul3A_463 : i32
    %dma_start3A_465 = arith.constant 0 : i32
    %dma_start3A_466 = tpu.memref_slice %arg2[%add3A_464, %dma_start3A_465] : memref<184320x256xf32, #tpu.memory_space<hbm>> -> memref<144x256xf32, #tpu.memory_space<hbm>>
    %dma_start3A_467 = arith.constant 0 : i32
    %dma_start3A_468 = tpu.memref_slice %arg2[%add3A_464, %dma_start3A_467] : memref<184320x256xf32, #tpu.memory_space<hbm>> -> memref<144x256xf32, #tpu.memory_space<hbm>>
    tpu.enqueue_dma source(%dma_start3A_468 : memref<144x256xf32, #tpu.memory_space<hbm>>) target(%arg10 : memref<144x256xf32, #tpu.memory_space<vmem>>) target_semaphore(%arg15 : memref<!tpu.dma_semaphore, #tpu.memory_space<semaphore_mem>>)
    %dma_wait3A_469 = arith.constant 0 : i32
    %dma_wait3A_470 = tpu.memref_slice %arg2[%add3A_315, %dma_wait3A_469] : memref<184320x256xf32, #tpu.memory_space<hbm>> -> memref<144x256xf32, #tpu.memory_space<hbm>>
    %dma_wait3A_471 = arith.constant 0 : i32
    %dma_wait3A_472 = tpu.memref_slice %arg2[%add3A_315, %dma_wait3A_471] : memref<184320x256xf32, #tpu.memory_space<hbm>> -> memref<144x256xf32, #tpu.memory_space<hbm>>
    tpu.wait_dma2 semaphore(%arg15 : memref<!tpu.dma_semaphore, #tpu.memory_space<semaphore_mem>>) src(%dma_wait3A_472 : memref<144x256xf32, #tpu.memory_space<hbm>>) dst(%arg11 : memref<144x256xf32, #tpu.memory_space<vmem>>)
    %mul3A_473 = arith.constant 24 : i32
    %mul3A_474 = arith.muli %add3A, %mul3A_473 : i32
    %add3A_475 = arith.constant 1 : i32
    %add3A_476 = arith.addi %mul3A_474, %add3A_475 : i32
    %mul3A_477 = arith.constant 144 : i32
    %mul3A_478 = arith.muli %add3A_476, %mul3A_477 : i32
    %dma_start3A_479 = arith.constant 0 : i32
    %dma_start3A_480 = tpu.memref_slice %arg6[%mul3A_478, %dma_start3A_479] : memref<110592x256xf32, #tpu.memory_space<hbm>> -> memref<144x256xf32, #tpu.memory_space<hbm>>
    %dma_start3A_481 = arith.constant 0 : i32
    %dma_start3A_482 = tpu.memref_slice %arg6[%mul3A_478, %dma_start3A_481] : memref<110592x256xf32, #tpu.memory_space<hbm>> -> memref<144x256xf32, #tpu.memory_space<hbm>>
    tpu.enqueue_dma source(%arg11 : memref<144x256xf32, #tpu.memory_space<vmem>>) target(%dma_start3A_482 : memref<144x256xf32, #tpu.memory_space<hbm>>) target_semaphore(%arg16 : memref<!tpu.dma_semaphore, #tpu.memory_space<semaphore_mem>>)
    %dma_wait3A_483 = arith.constant 0 : i32
    %dma_wait3A_484 = tpu.memref_slice %arg6[%mul3A_478, %dma_wait3A_483] : memref<110592x256xf32, #tpu.memory_space<hbm>> -> memref<144x256xf32, #tpu.memory_space<hbm>>
    %dma_wait3A_485 = arith.constant 0 : i32
    %dma_wait3A_486 = tpu.memref_slice %arg6[%mul3A_478, %dma_wait3A_485] : memref<110592x256xf32, #tpu.memory_space<hbm>> -> memref<144x256xf32, #tpu.memory_space<hbm>>
    tpu.wait_dma2 semaphore(%arg16 : memref<!tpu.dma_semaphore, #tpu.memory_space<semaphore_mem>>) src(%arg11 : memref<144x256xf32, #tpu.memory_space<vmem>>) dst(%dma_wait3A_486 : memref<144x256xf32, #tpu.memory_space<hbm>>)
    %mul3A_487 = arith.constant 24 : i32
    %mul3A_488 = arith.muli %add3A, %mul3A_487 : i32
    %add3A_489 = arith.constant 4 : i32
    %add3A_490 = arith.addi %mul3A_488, %add3A_489 : i32
    %jit3A_491 = arith.constant 64 : i32
    %div3A_492 = arith.divsi %add3A_490, %jit3A_491 : i32
    %sign3A_493 = arith.constant 0 : i32
    %sign3A_494 = arith.cmpi sgt, %add3A_490, %sign3A_493 : i32
    %sign3A_495 = arith.extui %sign3A_494 : i1 to i32
    %sign3A_496 = arith.constant 0 : i32
    %sign3A_497 = arith.cmpi slt, %add3A_490, %sign3A_496 : i32
    %sign3A_498 = arith.extui %sign3A_497 : i1 to i32
    %sign3A_499 = arith.subi %sign3A_495, %sign3A_498 : i32
    %sign3A_500 = arith.constant 0 : i32
    %sign3A_501 = arith.cmpi sgt, %jit3A_491, %sign3A_500 : i32
    %sign3A_502 = arith.extui %sign3A_501 : i1 to i32
    %sign3A_503 = arith.constant 0 : i32
    %sign3A_504 = arith.cmpi slt, %jit3A_491, %sign3A_503 : i32
    %sign3A_505 = arith.extui %sign3A_504 : i1 to i32
    %sign3A_506 = arith.subi %sign3A_502, %sign3A_505 : i32
    %ne3A_507 = arith.cmpi ne, %sign3A_499, %sign3A_506 : i32
    %rem3A_508 = arith.remsi %add3A_490, %jit3A_491 : i32
    %ne3A_509 = arith.constant 0 : i32
    %ne3A_510 = arith.cmpi ne, %rem3A_508, %ne3A_509 : i32
    %and3A_511 = arith.andi %ne3A_507, %ne3A_510 : i1
    %sub3A_512 = arith.constant 1 : i32
    %sub3A_513 = arith.subi %div3A_492, %sub3A_512 : i32
    %select_n3A_514 = arith.select %and3A_511, %sub3A_513, %div3A_492 : i32
    %eq3A_515 = vector.broadcast %select_n3A_514 : i32 to vector<16xi32>
    %eq3A_516 = arith.cmpi eq, %iota3A, %eq3A_515 : vector<16xi32>
    %jit3A_517 = arith.constant 0 : i32
    %broadcast_in_dim3A_518 = vector.broadcast %jit3A_517 : i32 to vector<16xi32>
    %select_n3A_519 = arith.select %eq3A_516, %add3A_190, %broadcast_in_dim3A_518 : vector<16xi1>, vector<16xi32>
    %reduce_max3A_520 = arith.constant true
    %reduce_max3A_521 = vector.broadcast %reduce_max3A_520 : i1 to vector<16xi1>
    %reduce_max3A_522 = arith.constant -2147483648 : i32
    %reduce_max3A_523 = vector.broadcast %reduce_max3A_522 : i32 to vector<16xi32>
    %reduce_max3A_524 = arith.xori %select_n3A_519, %reduce_max3A_523 : vector<16xi32>
    %reduce_max3A_525 = tpu.scan <max>, %reduce_max3A_524 masked %reduce_max3A_521 : vector<16xi32>, vector<16xi1> -> vector<16xi32>
    %reduce_max3A_526 = arith.xori %reduce_max3A_525, %reduce_max3A_523 : vector<16xi32>
    %reduce_max3A_527 = vector.extract %reduce_max3A_526[15] : i32 from vector<16xi32>
    %mul3A_528 = arith.constant 9216 : i32
    %mul3A_529 = arith.muli %reduce_max3A_527, %mul3A_528 : i32
    %jit3A_530 = arith.constant 64 : i32
    %eq3A_531 = arith.constant 0 : i32
    %eq3A_532 = arith.cmpi eq, %jit3A_530, %eq3A_531 : i32
    %jit3A_533 = arith.constant 1 : i32
    %select_n3A_534 = arith.select %eq3A_532, %jit3A_533, %jit3A_530 : i32
    %rem3A_535 = arith.remsi %add3A_490, %select_n3A_534 : i32
    %ne3A_536 = arith.constant 0 : i32
    %ne3A_537 = arith.cmpi ne, %rem3A_535, %ne3A_536 : i32
    %lt3A_538 = arith.constant 0 : i32
    %lt3A_539 = arith.cmpi slt, %rem3A_535, %lt3A_538 : i32
    %lt3A_540 = arith.constant 0 : i32
    %lt3A_541 = arith.cmpi slt, %select_n3A_534, %lt3A_540 : i32
    %ne3A_542 = arith.xori %lt3A_539, %lt3A_541 : i1
    %and3A_543 = arith.andi %ne3A_542, %ne3A_537 : i1
    %add3A_544 = arith.addi %rem3A_535, %select_n3A_534 : i32
    %select_n3A_545 = arith.select %and3A_543, %add3A_544, %rem3A_535 : i32
    %mul3A_546 = arith.constant 144 : i32
    %mul3A_547 = arith.muli %select_n3A_545, %mul3A_546 : i32
    %add3A_548 = arith.addi %mul3A_529, %mul3A_547 : i32
    %dma_start3A_549 = arith.constant 0 : i32
    %dma_start3A_550 = tpu.memref_slice %arg2[%add3A_548, %dma_start3A_549] : memref<184320x256xf32, #tpu.memory_space<hbm>> -> memref<144x256xf32, #tpu.memory_space<hbm>>
    %dma_start3A_551 = arith.constant 0 : i32
    %dma_start3A_552 = tpu.memref_slice %arg2[%add3A_548, %dma_start3A_551] : memref<184320x256xf32, #tpu.memory_space<hbm>> -> memref<144x256xf32, #tpu.memory_space<hbm>>
    tpu.enqueue_dma source(%dma_start3A_552 : memref<144x256xf32, #tpu.memory_space<hbm>>) target(%arg11 : memref<144x256xf32, #tpu.memory_space<vmem>>) target_semaphore(%arg15 : memref<!tpu.dma_semaphore, #tpu.memory_space<semaphore_mem>>)
    %dma_wait3A_553 = arith.constant 0 : i32
    %dma_wait3A_554 = tpu.memref_slice %arg2[%add3A_381, %dma_wait3A_553] : memref<184320x256xf32, #tpu.memory_space<hbm>> -> memref<144x256xf32, #tpu.memory_space<hbm>>
    %dma_wait3A_555 = arith.constant 0 : i32
    %dma_wait3A_556 = tpu.memref_slice %arg2[%add3A_381, %dma_wait3A_555] : memref<184320x256xf32, #tpu.memory_space<hbm>> -> memref<144x256xf32, #tpu.memory_space<hbm>>
    tpu.wait_dma2 semaphore(%arg15 : memref<!tpu.dma_semaphore, #tpu.memory_space<semaphore_mem>>) src(%dma_wait3A_556 : memref<144x256xf32, #tpu.memory_space<hbm>>) dst(%arg12 : memref<144x256xf32, #tpu.memory_space<vmem>>)
    %mul3A_557 = arith.constant 24 : i32
    %mul3A_558 = arith.muli %add3A, %mul3A_557 : i32
    %add3A_559 = arith.constant 2 : i32
    %add3A_560 = arith.addi %mul3A_558, %add3A_559 : i32
    %mul3A_561 = arith.constant 144 : i32
    %mul3A_562 = arith.muli %add3A_560, %mul3A_561 : i32
    %dma_start3A_563 = arith.constant 0 : i32
    %dma_start3A_564 = tpu.memref_slice %arg6[%mul3A_562, %dma_start3A_563] : memref<110592x256xf32, #tpu.memory_space<hbm>> -> memref<144x256xf32, #tpu.memory_space<hbm>>
    %dma_start3A_565 = arith.constant 0 : i32
    %dma_start3A_566 = tpu.memref_slice %arg6[%mul3A_562, %dma_start3A_565] : memref<110592x256xf32, #tpu.memory_space<hbm>> -> memref<144x256xf32, #tpu.memory_space<hbm>>
    tpu.enqueue_dma source(%arg12 : memref<144x256xf32, #tpu.memory_space<vmem>>) target(%dma_start3A_566 : memref<144x256xf32, #tpu.memory_space<hbm>>) target_semaphore(%arg16 : memref<!tpu.dma_semaphore, #tpu.memory_space<semaphore_mem>>)
    %dma_wait3A_567 = arith.constant 0 : i32
    %dma_wait3A_568 = tpu.memref_slice %arg6[%mul3A_562, %dma_wait3A_567] : memref<110592x256xf32, #tpu.memory_space<hbm>> -> memref<144x256xf32, #tpu.memory_space<hbm>>
    %dma_wait3A_569 = arith.constant 0 : i32
    %dma_wait3A_570 = tpu.memref_slice %arg6[%mul3A_562, %dma_wait3A_569] : memref<110592x256xf32, #tpu.memory_space<hbm>> -> memref<144x256xf32, #tpu.memory_space<hbm>>
    tpu.wait_dma2 semaphore(%arg16 : memref<!tpu.dma_semaphore, #tpu.memory_space<semaphore_mem>>) src(%arg12 : memref<144x256xf32, #tpu.memory_space<vmem>>) dst(%dma_wait3A_570 : memref<144x256xf32, #tpu.memory_space<hbm>>)
    %mul3A_571 = arith.constant 24 : i32
    %mul3A_572 = arith.muli %add3A, %mul3A_571 : i32
    %add3A_573 = arith.constant 5 : i32
    %add3A_574 = arith.addi %mul3A_572, %add3A_573 : i32
    %jit3A_575 = arith.constant 64 : i32
    %div3A_576 = arith.divsi %add3A_574, %jit3A_575 : i32
    %sign3A_577 = arith.constant 0 : i32
    %sign3A_578 = arith.cmpi sgt, %add3A_574, %sign3A_577 : i32
    %sign3A_579 = arith.extui %sign3A_578 : i1 to i32
    %sign3A_580 = arith.constant 0 : i32
    %sign3A_581 = arith.cmpi slt, %add3A_574, %sign3A_580 : i32
    %sign3A_582 = arith.extui %sign3A_581 : i1 to i32
    %sign3A_583 = arith.subi %sign3A_579, %sign3A_582 : i32
    %sign3A_584 = arith.constant 0 : i32
    %sign3A_585 = arith.cmpi sgt, %jit3A_575, %sign3A_584 : i32
    %sign3A_586 = arith.extui %sign3A_585 : i1 to i32
    %sign3A_587 = arith.constant 0 : i32
    %sign3A_588 = arith.cmpi slt, %jit3A_575, %sign3A_587 : i32
    %sign3A_589 = arith.extui %sign3A_588 : i1 to i32
    %sign3A_590 = arith.subi %sign3A_586, %sign3A_589 : i32
    %ne3A_591 = arith.cmpi ne, %sign3A_583, %sign3A_590 : i32
    %rem3A_592 = arith.remsi %add3A_574, %jit3A_575 : i32
    %ne3A_593 = arith.constant 0 : i32
    %ne3A_594 = arith.cmpi ne, %rem3A_592, %ne3A_593 : i32
    %and3A_595 = arith.andi %ne3A_591, %ne3A_594 : i1
    %sub3A_596 = arith.constant 1 : i32
    %sub3A_597 = arith.subi %div3A_576, %sub3A_596 : i32
    %select_n3A_598 = arith.select %and3A_595, %sub3A_597, %div3A_576 : i32
    %eq3A_599 = vector.broadcast %select_n3A_598 : i32 to vector<16xi32>
    %eq3A_600 = arith.cmpi eq, %iota3A, %eq3A_599 : vector<16xi32>
    %jit3A_601 = arith.constant 0 : i32
    %broadcast_in_dim3A_602 = vector.broadcast %jit3A_601 : i32 to vector<16xi32>
    %select_n3A_603 = arith.select %eq3A_600, %add3A_190, %broadcast_in_dim3A_602 : vector<16xi1>, vector<16xi32>
    %reduce_max3A_604 = arith.constant true
    %reduce_max3A_605 = vector.broadcast %reduce_max3A_604 : i1 to vector<16xi1>
    %reduce_max3A_606 = arith.constant -2147483648 : i32
    %reduce_max3A_607 = vector.broadcast %reduce_max3A_606 : i32 to vector<16xi32>
    %reduce_max3A_608 = arith.xori %select_n3A_603, %reduce_max3A_607 : vector<16xi32>
    %reduce_max3A_609 = tpu.scan <max>, %reduce_max3A_608 masked %reduce_max3A_605 : vector<16xi32>, vector<16xi1> -> vector<16xi32>
    %reduce_max3A_610 = arith.xori %reduce_max3A_609, %reduce_max3A_607 : vector<16xi32>
    %reduce_max3A_611 = vector.extract %reduce_max3A_610[15] : i32 from vector<16xi32>
    %mul3A_612 = arith.constant 9216 : i32
    %mul3A_613 = arith.muli %reduce_max3A_611, %mul3A_612 : i32
    %jit3A_614 = arith.constant 64 : i32
    %eq3A_615 = arith.constant 0 : i32
    %eq3A_616 = arith.cmpi eq, %jit3A_614, %eq3A_615 : i32
    %jit3A_617 = arith.constant 1 : i32
    %select_n3A_618 = arith.select %eq3A_616, %jit3A_617, %jit3A_614 : i32
    %rem3A_619 = arith.remsi %add3A_574, %select_n3A_618 : i32
    %ne3A_620 = arith.constant 0 : i32
    %ne3A_621 = arith.cmpi ne, %rem3A_619, %ne3A_620 : i32
    %lt3A_622 = arith.constant 0 : i32
    %lt3A_623 = arith.cmpi slt, %rem3A_619, %lt3A_622 : i32
    %lt3A_624 = arith.constant 0 : i32
    %lt3A_625 = arith.cmpi slt, %select_n3A_618, %lt3A_624 : i32
    %ne3A_626 = arith.xori %lt3A_623, %lt3A_625 : i1
    %and3A_627 = arith.andi %ne3A_626, %ne3A_621 : i1
    %add3A_628 = arith.addi %rem3A_619, %select_n3A_618 : i32
    %select_n3A_629 = arith.select %and3A_627, %add3A_628, %rem3A_619 : i32
    %mul3A_630 = arith.constant 144 : i32
    %mul3A_631 = arith.muli %select_n3A_629, %mul3A_630 : i32
    %add3A_632 = arith.addi %mul3A_613, %mul3A_631 : i32
    %dma_start3A_633 = arith.constant 0 : i32
    %dma_start3A_634 = tpu.memref_slice %arg2[%add3A_632, %dma_start3A_633] : memref<184320x256xf32, #tpu.memory_space<hbm>> -> memref<144x256xf32, #tpu.memory_space<hbm>>
    %dma_start3A_635 = arith.constant 0 : i32
    %dma_start3A_636 = tpu.memref_slice %arg2[%add3A_632, %dma_start3A_635] : memref<184320x256xf32, #tpu.memory_space<hbm>> -> memref<144x256xf32, #tpu.memory_space<hbm>>
    tpu.enqueue_dma source(%dma_start3A_636 : memref<144x256xf32, #tpu.memory_space<hbm>>) target(%arg12 : memref<144x256xf32, #tpu.memory_space<vmem>>) target_semaphore(%arg15 : memref<!tpu.dma_semaphore, #tpu.memory_space<semaphore_mem>>)
    %dma_wait3A_637 = arith.constant 0 : i32
    %dma_wait3A_638 = tpu.memref_slice %arg2[%add3A_464, %dma_wait3A_637] : memref<184320x256xf32, #tpu.memory_space<hbm>> -> memref<144x256xf32, #tpu.memory_space<hbm>>
    %dma_wait3A_639 = arith.constant 0 : i32
    %dma_wait3A_640 = tpu.memref_slice %arg2[%add3A_464, %dma_wait3A_639] : memref<184320x256xf32, #tpu.memory_space<hbm>> -> memref<144x256xf32, #tpu.memory_space<hbm>>
    tpu.wait_dma2 semaphore(%arg15 : memref<!tpu.dma_semaphore, #tpu.memory_space<semaphore_mem>>) src(%dma_wait3A_640 : memref<144x256xf32, #tpu.memory_space<hbm>>) dst(%arg10 : memref<144x256xf32, #tpu.memory_space<vmem>>)
    %mul3A_641 = arith.constant 24 : i32
    %mul3A_642 = arith.muli %add3A, %mul3A_641 : i32
    %add3A_643 = arith.constant 3 : i32
    %add3A_644 = arith.addi %mul3A_642, %add3A_643 : i32
    %mul3A_645 = arith.constant 144 : i32
    %mul3A_646 = arith.muli %add3A_644, %mul3A_645 : i32
    %dma_start3A_647 = arith.constant 0 : i32
    %dma_start3A_648 = tpu.memref_slice %arg6[%mul3A_646, %dma_start3A_647] : memref<110592x256xf32, #tpu.memory_space<hbm>> -> memref<144x256xf32, #tpu.memory_space<hbm>>
    %dma_start3A_649 = arith.constant 0 : i32
    %dma_start3A_650 = tpu.memref_slice %arg6[%mul3A_646, %dma_start3A_649] : memref<110592x256xf32, #tpu.memory_space<hbm>> -> memref<144x256xf32, #tpu.memory_space<hbm>>
    tpu.enqueue_dma source(%arg10 : memref<144x256xf32, #tpu.memory_space<vmem>>) target(%dma_start3A_650 : memref<144x256xf32, #tpu.memory_space<hbm>>) target_semaphore(%arg16 : memref<!tpu.dma_semaphore, #tpu.memory_space<semaphore_mem>>)
    %dma_wait3A_651 = arith.constant 0 : i32
    %dma_wait3A_652 = tpu.memref_slice %arg6[%mul3A_646, %dma_wait3A_651] : memref<110592x256xf32, #tpu.memory_space<hbm>> -> memref<144x256xf32, #tpu.memory_space<hbm>>
    %dma_wait3A_653 = arith.constant 0 : i32
    %dma_wait3A_654 = tpu.memref_slice %arg6[%mul3A_646, %dma_wait3A_653] : memref<110592x256xf32, #tpu.memory_space<hbm>> -> memref<144x256xf32, #tpu.memory_space<hbm>>
    tpu.wait_dma2 semaphore(%arg16 : memref<!tpu.dma_semaphore, #tpu.memory_space<semaphore_mem>>) src(%arg10 : memref<144x256xf32, #tpu.memory_space<vmem>>) dst(%dma_wait3A_654 : memref<144x256xf32, #tpu.memory_space<hbm>>)
    %mul3A_655 = arith.constant 24 : i32
    %mul3A_656 = arith.muli %add3A, %mul3A_655 : i32
    %add3A_657 = arith.constant 6 : i32
    %add3A_658 = arith.addi %mul3A_656, %add3A_657 : i32
    %jit3A_659 = arith.constant 64 : i32
    %div3A_660 = arith.divsi %add3A_658, %jit3A_659 : i32
    %sign3A_661 = arith.constant 0 : i32
    %sign3A_662 = arith.cmpi sgt, %add3A_658, %sign3A_661 : i32
    %sign3A_663 = arith.extui %sign3A_662 : i1 to i32
    %sign3A_664 = arith.constant 0 : i32
    %sign3A_665 = arith.cmpi slt, %add3A_658, %sign3A_664 : i32
    %sign3A_666 = arith.extui %sign3A_665 : i1 to i32
    %sign3A_667 = arith.subi %sign3A_663, %sign3A_666 : i32
    %sign3A_668 = arith.constant 0 : i32
    %sign3A_669 = arith.cmpi sgt, %jit3A_659, %sign3A_668 : i32
    %sign3A_670 = arith.extui %sign3A_669 : i1 to i32
    %sign3A_671 = arith.constant 0 : i32
    %sign3A_672 = arith.cmpi slt, %jit3A_659, %sign3A_671 : i32
    %sign3A_673 = arith.extui %sign3A_672 : i1 to i32
    %sign3A_674 = arith.subi %sign3A_670, %sign3A_673 : i32
    %ne3A_675 = arith.cmpi ne, %sign3A_667, %sign3A_674 : i32
    %rem3A_676 = arith.remsi %add3A_658, %jit3A_659 : i32
    %ne3A_677 = arith.constant 0 : i32
    %ne3A_678 = arith.cmpi ne, %rem3A_676, %ne3A_677 : i32
    %and3A_679 = arith.andi %ne3A_675, %ne3A_678 : i1
    %sub3A_680 = arith.constant 1 : i32
    %sub3A_681 = arith.subi %div3A_660, %sub3A_680 : i32
    %select_n3A_682 = arith.select %and3A_679, %sub3A_681, %div3A_660 : i32
    %eq3A_683 = vector.broadcast %select_n3A_682 : i32 to vector<16xi32>
    %eq3A_684 = arith.cmpi eq, %iota3A, %eq3A_683 : vector<16xi32>
    %jit3A_685 = arith.constant 0 : i32
    %broadcast_in_dim3A_686 = vector.broadcast %jit3A_685 : i32 to vector<16xi32>
    %select_n3A_687 = arith.select %eq3A_684, %add3A_190, %broadcast_in_dim3A_686 : vector<16xi1>, vector<16xi32>
    %reduce_max3A_688 = arith.constant true
    %reduce_max3A_689 = vector.broadcast %reduce_max3A_688 : i1 to vector<16xi1>
    %reduce_max3A_690 = arith.constant -2147483648 : i32
    %reduce_max3A_691 = vector.broadcast %reduce_max3A_690 : i32 to vector<16xi32>
    %reduce_max3A_692 = arith.xori %select_n3A_687, %reduce_max3A_691 : vector<16xi32>
    %reduce_max3A_693 = tpu.scan <max>, %reduce_max3A_692 masked %reduce_max3A_689 : vector<16xi32>, vector<16xi1> -> vector<16xi32>
    %reduce_max3A_694 = arith.xori %reduce_max3A_693, %reduce_max3A_691 : vector<16xi32>
    %reduce_max3A_695 = vector.extract %reduce_max3A_694[15] : i32 from vector<16xi32>
    %mul3A_696 = arith.constant 9216 : i32
    %mul3A_697 = arith.muli %reduce_max3A_695, %mul3A_696 : i32
    %jit3A_698 = arith.constant 64 : i32
    %eq3A_699 = arith.constant 0 : i32
    %eq3A_700 = arith.cmpi eq, %jit3A_698, %eq3A_699 : i32
    %jit3A_701 = arith.constant 1 : i32
    %select_n3A_702 = arith.select %eq3A_700, %jit3A_701, %jit3A_698 : i32
    %rem3A_703 = arith.remsi %add3A_658, %select_n3A_702 : i32
    %ne3A_704 = arith.constant 0 : i32
    %ne3A_705 = arith.cmpi ne, %rem3A_703, %ne3A_704 : i32
    %lt3A_706 = arith.constant 0 : i32
    %lt3A_707 = arith.cmpi slt, %rem3A_703, %lt3A_706 : i32
    %lt3A_708 = arith.constant 0 : i32
    %lt3A_709 = arith.cmpi slt, %select_n3A_702, %lt3A_708 : i32
    %ne3A_710 = arith.xori %lt3A_707, %lt3A_709 : i1
    %and3A_711 = arith.andi %ne3A_710, %ne3A_705 : i1
    %add3A_712 = arith.addi %rem3A_703, %select_n3A_702 : i32
    %select_n3A_713 = arith.select %and3A_711, %add3A_712, %rem3A_703 : i32
    %mul3A_714 = arith.constant 144 : i32
    %mul3A_715 = arith.muli %select_n3A_713, %mul3A_714 : i32
    %add3A_716 = arith.addi %mul3A_697, %mul3A_715 : i32
    %dma_start3A_717 = arith.constant 0 : i32
    %dma_start3A_718 = tpu.memref_slice %arg2[%add3A_716, %dma_start3A_717] : memref<184320x256xf32, #tpu.memory_space<hbm>> -> memref<144x256xf32, #tpu.memory_space<hbm>>
    %dma_start3A_719 = arith.constant 0 : i32
    %dma_start3A_720 = tpu.memref_slice %arg2[%add3A_716, %dma_start3A_719] : memref<184320x256xf32, #tpu.memory_space<hbm>> -> memref<144x256xf32, #tpu.memory_space<hbm>>
    tpu.enqueue_dma source(%dma_start3A_720 : memref<144x256xf32, #tpu.memory_space<hbm>>) target(%arg10 : memref<144x256xf32, #tpu.memory_space<vmem>>) target_semaphore(%arg15 : memref<!tpu.dma_semaphore, #tpu.memory_space<semaphore_mem>>)
    %dma_wait3A_721 = arith.constant 0 : i32
    %dma_wait3A_722 = tpu.memref_slice %arg2[%add3A_548, %dma_wait3A_721] : memref<184320x256xf32, #tpu.memory_space<hbm>> -> memref<144x256xf32, #tpu.memory_space<hbm>>
    %dma_wait3A_723 = arith.constant 0 : i32
    %dma_wait3A_724 = tpu.memref_slice %arg2[%add3A_548, %dma_wait3A_723] : memref<184320x256xf32, #tpu.memory_space<hbm>> -> memref<144x256xf32, #tpu.memory_space<hbm>>
    tpu.wait_dma2 semaphore(%arg15 : memref<!tpu.dma_semaphore, #tpu.memory_space<semaphore_mem>>) src(%dma_wait3A_724 : memref<144x256xf32, #tpu.memory_space<hbm>>) dst(%arg11 : memref<144x256xf32, #tpu.memory_space<vmem>>)
    %mul3A_725 = arith.constant 24 : i32
    %mul3A_726 = arith.muli %add3A, %mul3A_725 : i32
    %add3A_727 = arith.constant 4 : i32
    %add3A_728 = arith.addi %mul3A_726, %add3A_727 : i32
    %mul3A_729 = arith.constant 144 : i32
    %mul3A_730 = arith.muli %add3A_728, %mul3A_729 : i32
    %dma_start3A_731 = arith.constant 0 : i32
    %dma_start3A_732 = tpu.memref_slice %arg6[%mul3A_730, %dma_start3A_731] : memref<110592x256xf32, #tpu.memory_space<hbm>> -> memref<144x256xf32, #tpu.memory_space<hbm>>
    %dma_start3A_733 = arith.constant 0 : i32
    %dma_start3A_734 = tpu.memref_slice %arg6[%mul3A_730, %dma_start3A_733] : memref<110592x256xf32, #tpu.memory_space<hbm>> -> memref<144x256xf32, #tpu.memory_space<hbm>>
    tpu.enqueue_dma source(%arg11 : memref<144x256xf32, #tpu.memory_space<vmem>>) target(%dma_start3A_734 : memref<144x256xf32, #tpu.memory_space<hbm>>) target_semaphore(%arg16 : memref<!tpu.dma_semaphore, #tpu.memory_space<semaphore_mem>>)
    %dma_wait3A_735 = arith.constant 0 : i32
    %dma_wait3A_736 = tpu.memref_slice %arg6[%mul3A_730, %dma_wait3A_735] : memref<110592x256xf32, #tpu.memory_space<hbm>> -> memref<144x256xf32, #tpu.memory_space<hbm>>
    %dma_wait3A_737 = arith.constant 0 : i32
    %dma_wait3A_738 = tpu.memref_slice %arg6[%mul3A_730, %dma_wait3A_737] : memref<110592x256xf32, #tpu.memory_space<hbm>> -> memref<144x256xf32, #tpu.memory_space<hbm>>
    tpu.wait_dma2 semaphore(%arg16 : memref<!tpu.dma_semaphore, #tpu.memory_space<semaphore_mem>>) src(%arg11 : memref<144x256xf32, #tpu.memory_space<vmem>>) dst(%dma_wait3A_738 : memref<144x256xf32, #tpu.memory_space<hbm>>)
    %mul3A_739 = arith.constant 24 : i32
    %mul3A_740 = arith.muli %add3A, %mul3A_739 : i32
    %add3A_741 = arith.constant 7 : i32
    %add3A_742 = arith.addi %mul3A_740, %add3A_741 : i32
    %jit3A_743 = arith.constant 64 : i32
    %div3A_744 = arith.divsi %add3A_742, %jit3A_743 : i32
    %sign3A_745 = arith.constant 0 : i32
    %sign3A_746 = arith.cmpi sgt, %add3A_742, %sign3A_745 : i32
    %sign3A_747 = arith.extui %sign3A_746 : i1 to i32
    %sign3A_748 = arith.constant 0 : i32
    %sign3A_749 = arith.cmpi slt, %add3A_742, %sign3A_748 : i32
    %sign3A_750 = arith.extui %sign3A_749 : i1 to i32
    %sign3A_751 = arith.subi %sign3A_747, %sign3A_750 : i32
    %sign3A_752 = arith.constant 0 : i32
    %sign3A_753 = arith.cmpi sgt, %jit3A_743, %sign3A_752 : i32
    %sign3A_754 = arith.extui %sign3A_753 : i1 to i32
    %sign3A_755 = arith.constant 0 : i32
    %sign3A_756 = arith.cmpi slt, %jit3A_743, %sign3A_755 : i32
    %sign3A_757 = arith.extui %sign3A_756 : i1 to i32
    %sign3A_758 = arith.subi %sign3A_754, %sign3A_757 : i32
    %ne3A_759 = arith.cmpi ne, %sign3A_751, %sign3A_758 : i32
    %rem3A_760 = arith.remsi %add3A_742, %jit3A_743 : i32
    %ne3A_761 = arith.constant 0 : i32
    %ne3A_762 = arith.cmpi ne, %rem3A_760, %ne3A_761 : i32
    %and3A_763 = arith.andi %ne3A_759, %ne3A_762 : i1
    %sub3A_764 = arith.constant 1 : i32
    %sub3A_765 = arith.subi %div3A_744, %sub3A_764 : i32
    %select_n3A_766 = arith.select %and3A_763, %sub3A_765, %div3A_744 : i32
    %eq3A_767 = vector.broadcast %select_n3A_766 : i32 to vector<16xi32>
    %eq3A_768 = arith.cmpi eq, %iota3A, %eq3A_767 : vector<16xi32>
    %jit3A_769 = arith.constant 0 : i32
    %broadcast_in_dim3A_770 = vector.broadcast %jit3A_769 : i32 to vector<16xi32>
    %select_n3A_771 = arith.select %eq3A_768, %add3A_190, %broadcast_in_dim3A_770 : vector<16xi1>, vector<16xi32>
    %reduce_max3A_772 = arith.constant true
    %reduce_max3A_773 = vector.broadcast %reduce_max3A_772 : i1 to vector<16xi1>
    %reduce_max3A_774 = arith.constant -2147483648 : i32
    %reduce_max3A_775 = vector.broadcast %reduce_max3A_774 : i32 to vector<16xi32>
    %reduce_max3A_776 = arith.xori %select_n3A_771, %reduce_max3A_775 : vector<16xi32>
    %reduce_max3A_777 = tpu.scan <max>, %reduce_max3A_776 masked %reduce_max3A_773 : vector<16xi32>, vector<16xi1> -> vector<16xi32>
    %reduce_max3A_778 = arith.xori %reduce_max3A_777, %reduce_max3A_775 : vector<16xi32>
    %reduce_max3A_779 = vector.extract %reduce_max3A_778[15] : i32 from vector<16xi32>
    %mul3A_780 = arith.constant 9216 : i32
    %mul3A_781 = arith.muli %reduce_max3A_779, %mul3A_780 : i32
    %jit3A_782 = arith.constant 64 : i32
    %eq3A_783 = arith.constant 0 : i32
    %eq3A_784 = arith.cmpi eq, %jit3A_782, %eq3A_783 : i32
    %jit3A_785 = arith.constant 1 : i32
    %select_n3A_786 = arith.select %eq3A_784, %jit3A_785, %jit3A_782 : i32
    %rem3A_787 = arith.remsi %add3A_742, %select_n3A_786 : i32
    %ne3A_788 = arith.constant 0 : i32
    %ne3A_789 = arith.cmpi ne, %rem3A_787, %ne3A_788 : i32
    %lt3A_790 = arith.constant 0 : i32
    %lt3A_791 = arith.cmpi slt, %rem3A_787, %lt3A_790 : i32
    %lt3A_792 = arith.constant 0 : i32
    %lt3A_793 = arith.cmpi slt, %select_n3A_786, %lt3A_792 : i32
    %ne3A_794 = arith.xori %lt3A_791, %lt3A_793 : i1
    %and3A_795 = arith.andi %ne3A_794, %ne3A_789 : i1
    %add3A_796 = arith.addi %rem3A_787, %select_n3A_786 : i32
    %select_n3A_797 = arith.select %and3A_795, %add3A_796, %rem3A_787 : i32
    %mul3A_798 = arith.constant 144 : i32
    %mul3A_799 = arith.muli %select_n3A_797, %mul3A_798 : i32
    %add3A_800 = arith.addi %mul3A_781, %mul3A_799 : i32
    %dma_start3A_801 = arith.constant 0 : i32
    %dma_start3A_802 = tpu.memref_slice %arg2[%add3A_800, %dma_start3A_801] : memref<184320x256xf32, #tpu.memory_space<hbm>> -> memref<144x256xf32, #tpu.memory_space<hbm>>
    %dma_start3A_803 = arith.constant 0 : i32
    %dma_start3A_804 = tpu.memref_slice %arg2[%add3A_800, %dma_start3A_803] : memref<184320x256xf32, #tpu.memory_space<hbm>> -> memref<144x256xf32, #tpu.memory_space<hbm>>
    tpu.enqueue_dma source(%dma_start3A_804 : memref<144x256xf32, #tpu.memory_space<hbm>>) target(%arg11 : memref<144x256xf32, #tpu.memory_space<vmem>>) target_semaphore(%arg15 : memref<!tpu.dma_semaphore, #tpu.memory_space<semaphore_mem>>)
    %dma_wait3A_805 = arith.constant 0 : i32
    %dma_wait3A_806 = tpu.memref_slice %arg2[%add3A_632, %dma_wait3A_805] : memref<184320x256xf32, #tpu.memory_space<hbm>> -> memref<144x256xf32, #tpu.memory_space<hbm>>
    %dma_wait3A_807 = arith.constant 0 : i32
    %dma_wait3A_808 = tpu.memref_slice %arg2[%add3A_632, %dma_wait3A_807] : memref<184320x256xf32, #tpu.memory_space<hbm>> -> memref<144x256xf32, #tpu.memory_space<hbm>>
    tpu.wait_dma2 semaphore(%arg15 : memref<!tpu.dma_semaphore, #tpu.memory_space<semaphore_mem>>) src(%dma_wait3A_808 : memref<144x256xf32, #tpu.memory_space<hbm>>) dst(%arg12 : memref<144x256xf32, #tpu.memory_space<vmem>>)
    %mul3A_809 = arith.constant 24 : i32
    %mul3A_810 = arith.muli %add3A, %mul3A_809 : i32
    %add3A_811 = arith.constant 5 : i32
    %add3A_812 = arith.addi %mul3A_810, %add3A_811 : i32
    %mul3A_813 = arith.constant 144 : i32
    %mul3A_814 = arith.muli %add3A_812, %mul3A_813 : i32
    %dma_start3A_815 = arith.constant 0 : i32
    %dma_start3A_816 = tpu.memref_slice %arg6[%mul3A_814, %dma_start3A_815] : memref<110592x256xf32, #tpu.memory_space<hbm>> -> memref<144x256xf32, #tpu.memory_space<hbm>>
    %dma_start3A_817 = arith.constant 0 : i32
    %dma_start3A_818 = tpu.memref_slice %arg6[%mul3A_814, %dma_start3A_817] : memref<110592x256xf32, #tpu.memory_space<hbm>> -> memref<144x256xf32, #tpu.memory_space<hbm>>
    tpu.enqueue_dma source(%arg12 : memref<144x256xf32, #tpu.memory_space<vmem>>) target(%dma_start3A_818 : memref<144x256xf32, #tpu.memory_space<hbm>>) target_semaphore(%arg16 : memref<!tpu.dma_semaphore, #tpu.memory_space<semaphore_mem>>)
    %dma_wait3A_819 = arith.constant 0 : i32
    %dma_wait3A_820 = tpu.memref_slice %arg6[%mul3A_814, %dma_wait3A_819] : memref<110592x256xf32, #tpu.memory_space<hbm>> -> memref<144x256xf32, #tpu.memory_space<hbm>>
    %dma_wait3A_821 = arith.constant 0 : i32
    %dma_wait3A_822 = tpu.memref_slice %arg6[%mul3A_814, %dma_wait3A_821] : memref<110592x256xf32, #tpu.memory_space<hbm>> -> memref<144x256xf32, #tpu.memory_space<hbm>>
    tpu.wait_dma2 semaphore(%arg16 : memref<!tpu.dma_semaphore, #tpu.memory_space<semaphore_mem>>) src(%arg12 : memref<144x256xf32, #tpu.memory_space<vmem>>) dst(%dma_wait3A_822 : memref<144x256xf32, #tpu.memory_space<hbm>>)
    %mul3A_823 = arith.constant 24 : i32
    %mul3A_824 = arith.muli %add3A, %mul3A_823 : i32
    %add3A_825 = arith.constant 8 : i32
    %add3A_826 = arith.addi %mul3A_824, %add3A_825 : i32
    %jit3A_827 = arith.constant 64 : i32
    %div3A_828 = arith.divsi %add3A_826, %jit3A_827 : i32
    %sign3A_829 = arith.constant 0 : i32
    %sign3A_830 = arith.cmpi sgt, %add3A_826, %sign3A_829 : i32
    %sign3A_831 = arith.extui %sign3A_830 : i1 to i32
    %sign3A_832 = arith.constant 0 : i32
    %sign3A_833 = arith.cmpi slt, %add3A_826, %sign3A_832 : i32
    %sign3A_834 = arith.extui %sign3A_833 : i1 to i32
    %sign3A_835 = arith.subi %sign3A_831, %sign3A_834 : i32
    %sign3A_836 = arith.constant 0 : i32
    %sign3A_837 = arith.cmpi sgt, %jit3A_827, %sign3A_836 : i32
    %sign3A_838 = arith.extui %sign3A_837 : i1 to i32
    %sign3A_839 = arith.constant 0 : i32
    %sign3A_840 = arith.cmpi slt, %jit3A_827, %sign3A_839 : i32
    %sign3A_841 = arith.extui %sign3A_840 : i1 to i32
    %sign3A_842 = arith.subi %sign3A_838, %sign3A_841 : i32
    %ne3A_843 = arith.cmpi ne, %sign3A_835, %sign3A_842 : i32
    %rem3A_844 = arith.remsi %add3A_826, %jit3A_827 : i32
    %ne3A_845 = arith.constant 0 : i32
    %ne3A_846 = arith.cmpi ne, %rem3A_844, %ne3A_845 : i32
    %and3A_847 = arith.andi %ne3A_843, %ne3A_846 : i1
    %sub3A_848 = arith.constant 1 : i32
    %sub3A_849 = arith.subi %div3A_828, %sub3A_848 : i32
    %select_n3A_850 = arith.select %and3A_847, %sub3A_849, %div3A_828 : i32
    %eq3A_851 = vector.broadcast %select_n3A_850 : i32 to vector<16xi32>
    %eq3A_852 = arith.cmpi eq, %iota3A, %eq3A_851 : vector<16xi32>
    %jit3A_853 = arith.constant 0 : i32
    %broadcast_in_dim3A_854 = vector.broadcast %jit3A_853 : i32 to vector<16xi32>
    %select_n3A_855 = arith.select %eq3A_852, %add3A_190, %broadcast_in_dim3A_854 : vector<16xi1>, vector<16xi32>
    %reduce_max3A_856 = arith.constant true
    %reduce_max3A_857 = vector.broadcast %reduce_max3A_856 : i1 to vector<16xi1>
    %reduce_max3A_858 = arith.constant -2147483648 : i32
    %reduce_max3A_859 = vector.broadcast %reduce_max3A_858 : i32 to vector<16xi32>
    %reduce_max3A_860 = arith.xori %select_n3A_855, %reduce_max3A_859 : vector<16xi32>
    %reduce_max3A_861 = tpu.scan <max>, %reduce_max3A_860 masked %reduce_max3A_857 : vector<16xi32>, vector<16xi1> -> vector<16xi32>
    %reduce_max3A_862 = arith.xori %reduce_max3A_861, %reduce_max3A_859 : vector<16xi32>
    %reduce_max3A_863 = vector.extract %reduce_max3A_862[15] : i32 from vector<16xi32>
    %mul3A_864 = arith.constant 9216 : i32
    %mul3A_865 = arith.muli %reduce_max3A_863, %mul3A_864 : i32
    %jit3A_866 = arith.constant 64 : i32
    %eq3A_867 = arith.constant 0 : i32
    %eq3A_868 = arith.cmpi eq, %jit3A_866, %eq3A_867 : i32
    %jit3A_869 = arith.constant 1 : i32
    %select_n3A_870 = arith.select %eq3A_868, %jit3A_869, %jit3A_866 : i32
    %rem3A_871 = arith.remsi %add3A_826, %select_n3A_870 : i32
    %ne3A_872 = arith.constant 0 : i32
    %ne3A_873 = arith.cmpi ne, %rem3A_871, %ne3A_872 : i32
    %lt3A_874 = arith.constant 0 : i32
    %lt3A_875 = arith.cmpi slt, %rem3A_871, %lt3A_874 : i32
    %lt3A_876 = arith.constant 0 : i32
    %lt3A_877 = arith.cmpi slt, %select_n3A_870, %lt3A_876 : i32
    %ne3A_878 = arith.xori %lt3A_875, %lt3A_877 : i1
    %and3A_879 = arith.andi %ne3A_878, %ne3A_873 : i1
    %add3A_880 = arith.addi %rem3A_871, %select_n3A_870 : i32
    %select_n3A_881 = arith.select %and3A_879, %add3A_880, %rem3A_871 : i32
    %mul3A_882 = arith.constant 144 : i32
    %mul3A_883 = arith.muli %select_n3A_881, %mul3A_882 : i32
    %add3A_884 = arith.addi %mul3A_865, %mul3A_883 : i32
    %dma_start3A_885 = arith.constant 0 : i32
    %dma_start3A_886 = tpu.memref_slice %arg2[%add3A_884, %dma_start3A_885] : memref<184320x256xf32, #tpu.memory_space<hbm>> -> memref<144x256xf32, #tpu.memory_space<hbm>>
    %dma_start3A_887 = arith.constant 0 : i32
    %dma_start3A_888 = tpu.memref_slice %arg2[%add3A_884, %dma_start3A_887] : memref<184320x256xf32, #tpu.memory_space<hbm>> -> memref<144x256xf32, #tpu.memory_space<hbm>>
    tpu.enqueue_dma source(%dma_start3A_888 : memref<144x256xf32, #tpu.memory_space<hbm>>) target(%arg12 : memref<144x256xf32, #tpu.memory_space<vmem>>) target_semaphore(%arg15 : memref<!tpu.dma_semaphore, #tpu.memory_space<semaphore_mem>>)
    %dma_wait3A_889 = arith.constant 0 : i32
    %dma_wait3A_890 = tpu.memref_slice %arg2[%add3A_716, %dma_wait3A_889] : memref<184320x256xf32, #tpu.memory_space<hbm>> -> memref<144x256xf32, #tpu.memory_space<hbm>>
    %dma_wait3A_891 = arith.constant 0 : i32
    %dma_wait3A_892 = tpu.memref_slice %arg2[%add3A_716, %dma_wait3A_891] : memref<184320x256xf32, #tpu.memory_space<hbm>> -> memref<144x256xf32, #tpu.memory_space<hbm>>
    tpu.wait_dma2 semaphore(%arg15 : memref<!tpu.dma_semaphore, #tpu.memory_space<semaphore_mem>>) src(%dma_wait3A_892 : memref<144x256xf32, #tpu.memory_space<hbm>>) dst(%arg10 : memref<144x256xf32, #tpu.memory_space<vmem>>)
    %mul3A_893 = arith.constant 24 : i32
    %mul3A_894 = arith.muli %add3A, %mul3A_893 : i32
    %add3A_895 = arith.constant 6 : i32
    %add3A_896 = arith.addi %mul3A_894, %add3A_895 : i32
    %mul3A_897 = arith.constant 144 : i32
    %mul3A_898 = arith.muli %add3A_896, %mul3A_897 : i32
    %dma_start3A_899 = arith.constant 0 : i32
    %dma_start3A_900 = tpu.memref_slice %arg6[%mul3A_898, %dma_start3A_899] : memref<110592x256xf32, #tpu.memory_space<hbm>> -> memref<144x256xf32, #tpu.memory_space<hbm>>
    %dma_start3A_901 = arith.constant 0 : i32
    %dma_start3A_902 = tpu.memref_slice %arg6[%mul3A_898, %dma_start3A_901] : memref<110592x256xf32, #tpu.memory_space<hbm>> -> memref<144x256xf32, #tpu.memory_space<hbm>>
    tpu.enqueue_dma source(%arg10 : memref<144x256xf32, #tpu.memory_space<vmem>>) target(%dma_start3A_902 : memref<144x256xf32, #tpu.memory_space<hbm>>) target_semaphore(%arg16 : memref<!tpu.dma_semaphore, #tpu.memory_space<semaphore_mem>>)
    %dma_wait3A_903 = arith.constant 0 : i32
    %dma_wait3A_904 = tpu.memref_slice %arg6[%mul3A_898, %dma_wait3A_903] : memref<110592x256xf32, #tpu.memory_space<hbm>> -> memref<144x256xf32, #tpu.memory_space<hbm>>
    %dma_wait3A_905 = arith.constant 0 : i32
    %dma_wait3A_906 = tpu.memref_slice %arg6[%mul3A_898, %dma_wait3A_905] : memref<110592x256xf32, #tpu.memory_space<hbm>> -> memref<144x256xf32, #tpu.memory_space<hbm>>
    tpu.wait_dma2 semaphore(%arg16 : memref<!tpu.dma_semaphore, #tpu.memory_space<semaphore_mem>>) src(%arg10 : memref<144x256xf32, #tpu.memory_space<vmem>>) dst(%dma_wait3A_906 : memref<144x256xf32, #tpu.memory_space<hbm>>)
    %mul3A_907 = arith.constant 24 : i32
    %mul3A_908 = arith.muli %add3A, %mul3A_907 : i32
    %add3A_909 = arith.constant 9 : i32
    %add3A_910 = arith.addi %mul3A_908, %add3A_909 : i32
    %jit3A_911 = arith.constant 64 : i32
    %div3A_912 = arith.divsi %add3A_910, %jit3A_911 : i32
    %sign3A_913 = arith.constant 0 : i32
    %sign3A_914 = arith.cmpi sgt, %add3A_910, %sign3A_913 : i32
    %sign3A_915 = arith.extui %sign3A_914 : i1 to i32
    %sign3A_916 = arith.constant 0 : i32
    %sign3A_917 = arith.cmpi slt, %add3A_910, %sign3A_916 : i32
    %sign3A_918 = arith.extui %sign3A_917 : i1 to i32
    %sign3A_919 = arith.subi %sign3A_915, %sign3A_918 : i32
    %sign3A_920 = arith.constant 0 : i32
    %sign3A_921 = arith.cmpi sgt, %jit3A_911, %sign3A_920 : i32
    %sign3A_922 = arith.extui %sign3A_921 : i1 to i32
    %sign3A_923 = arith.constant 0 : i32
    %sign3A_924 = arith.cmpi slt, %jit3A_911, %sign3A_923 : i32
    %sign3A_925 = arith.extui %sign3A_924 : i1 to i32
    %sign3A_926 = arith.subi %sign3A_922, %sign3A_925 : i32
    %ne3A_927 = arith.cmpi ne, %sign3A_919, %sign3A_926 : i32
    %rem3A_928 = arith.remsi %add3A_910, %jit3A_911 : i32
    %ne3A_929 = arith.constant 0 : i32
    %ne3A_930 = arith.cmpi ne, %rem3A_928, %ne3A_929 : i32
    %and3A_931 = arith.andi %ne3A_927, %ne3A_930 : i1
    %sub3A_932 = arith.constant 1 : i32
    %sub3A_933 = arith.subi %div3A_912, %sub3A_932 : i32
    %select_n3A_934 = arith.select %and3A_931, %sub3A_933, %div3A_912 : i32
    %eq3A_935 = vector.broadcast %select_n3A_934 : i32 to vector<16xi32>
    %eq3A_936 = arith.cmpi eq, %iota3A, %eq3A_935 : vector<16xi32>
    %jit3A_937 = arith.constant 0 : i32
    %broadcast_in_dim3A_938 = vector.broadcast %jit3A_937 : i32 to vector<16xi32>
    %select_n3A_939 = arith.select %eq3A_936, %add3A_190, %broadcast_in_dim3A_938 : vector<16xi1>, vector<16xi32>
    %reduce_max3A_940 = arith.constant true
    %reduce_max3A_941 = vector.broadcast %reduce_max3A_940 : i1 to vector<16xi1>
    %reduce_max3A_942 = arith.constant -2147483648 : i32
    %reduce_max3A_943 = vector.broadcast %reduce_max3A_942 : i32 to vector<16xi32>
    %reduce_max3A_944 = arith.xori %select_n3A_939, %reduce_max3A_943 : vector<16xi32>
    %reduce_max3A_945 = tpu.scan <max>, %reduce_max3A_944 masked %reduce_max3A_941 : vector<16xi32>, vector<16xi1> -> vector<16xi32>
    %reduce_max3A_946 = arith.xori %reduce_max3A_945, %reduce_max3A_943 : vector<16xi32>
    %reduce_max3A_947 = vector.extract %reduce_max3A_946[15] : i32 from vector<16xi32>
    %mul3A_948 = arith.constant 9216 : i32
    %mul3A_949 = arith.muli %reduce_max3A_947, %mul3A_948 : i32
    %jit3A_950 = arith.constant 64 : i32
    %eq3A_951 = arith.constant 0 : i32
    %eq3A_952 = arith.cmpi eq, %jit3A_950, %eq3A_951 : i32
    %jit3A_953 = arith.constant 1 : i32
    %select_n3A_954 = arith.select %eq3A_952, %jit3A_953, %jit3A_950 : i32
    %rem3A_955 = arith.remsi %add3A_910, %select_n3A_954 : i32
    %ne3A_956 = arith.constant 0 : i32
    %ne3A_957 = arith.cmpi ne, %rem3A_955, %ne3A_956 : i32
    %lt3A_958 = arith.constant 0 : i32
    %lt3A_959 = arith.cmpi slt, %rem3A_955, %lt3A_958 : i32
    %lt3A_960 = arith.constant 0 : i32
    %lt3A_961 = arith.cmpi slt, %select_n3A_954, %lt3A_960 : i32
    %ne3A_962 = arith.xori %lt3A_959, %lt3A_961 : i1
    %and3A_963 = arith.andi %ne3A_962, %ne3A_957 : i1
    %add3A_964 = arith.addi %rem3A_955, %select_n3A_954 : i32
    %select_n3A_965 = arith.select %and3A_963, %add3A_964, %rem3A_955 : i32
    %mul3A_966 = arith.constant 144 : i32
    %mul3A_967 = arith.muli %select_n3A_965, %mul3A_966 : i32
    %add3A_968 = arith.addi %mul3A_949, %mul3A_967 : i32
    %dma_start3A_969 = arith.constant 0 : i32
    %dma_start3A_970 = tpu.memref_slice %arg2[%add3A_968, %dma_start3A_969] : memref<184320x256xf32, #tpu.memory_space<hbm>> -> memref<144x256xf32, #tpu.memory_space<hbm>>
    %dma_start3A_971 = arith.constant 0 : i32
    %dma_start3A_972 = tpu.memref_slice %arg2[%add3A_968, %dma_start3A_971] : memref<184320x256xf32, #tpu.memory_space<hbm>> -> memref<144x256xf32, #tpu.memory_space<hbm>>
    tpu.enqueue_dma source(%dma_start3A_972 : memref<144x256xf32, #tpu.memory_space<hbm>>) target(%arg10 : memref<144x256xf32, #tpu.memory_space<vmem>>) target_semaphore(%arg15 : memref<!tpu.dma_semaphore, #tpu.memory_space<semaphore_mem>>)
    %dma_wait3A_973 = arith.constant 0 : i32
    %dma_wait3A_974 = tpu.memref_slice %arg2[%add3A_800, %dma_wait3A_973] : memref<184320x256xf32, #tpu.memory_space<hbm>> -> memref<144x256xf32, #tpu.memory_space<hbm>>
    %dma_wait3A_975 = arith.constant 0 : i32
    %dma_wait3A_976 = tpu.memref_slice %arg2[%add3A_800, %dma_wait3A_975] : memref<184320x256xf32, #tpu.memory_space<hbm>> -> memref<144x256xf32, #tpu.memory_space<hbm>>
    tpu.wait_dma2 semaphore(%arg15 : memref<!tpu.dma_semaphore, #tpu.memory_space<semaphore_mem>>) src(%dma_wait3A_976 : memref<144x256xf32, #tpu.memory_space<hbm>>) dst(%arg11 : memref<144x256xf32, #tpu.memory_space<vmem>>)
    %mul3A_977 = arith.constant 24 : i32
    %mul3A_978 = arith.muli %add3A, %mul3A_977 : i32
    %add3A_979 = arith.constant 7 : i32
    %add3A_980 = arith.addi %mul3A_978, %add3A_979 : i32
    %mul3A_981 = arith.constant 144 : i32
    %mul3A_982 = arith.muli %add3A_980, %mul3A_981 : i32
    %dma_start3A_983 = arith.constant 0 : i32
    %dma_start3A_984 = tpu.memref_slice %arg6[%mul3A_982, %dma_start3A_983] : memref<110592x256xf32, #tpu.memory_space<hbm>> -> memref<144x256xf32, #tpu.memory_space<hbm>>
    %dma_start3A_985 = arith.constant 0 : i32
    %dma_start3A_986 = tpu.memref_slice %arg6[%mul3A_982, %dma_start3A_985] : memref<110592x256xf32, #tpu.memory_space<hbm>> -> memref<144x256xf32, #tpu.memory_space<hbm>>
    tpu.enqueue_dma source(%arg11 : memref<144x256xf32, #tpu.memory_space<vmem>>) target(%dma_start3A_986 : memref<144x256xf32, #tpu.memory_space<hbm>>) target_semaphore(%arg16 : memref<!tpu.dma_semaphore, #tpu.memory_space<semaphore_mem>>)
    %dma_wait3A_987 = arith.constant 0 : i32
    %dma_wait3A_988 = tpu.memref_slice %arg6[%mul3A_982, %dma_wait3A_987] : memref<110592x256xf32, #tpu.memory_space<hbm>> -> memref<144x256xf32, #tpu.memory_space<hbm>>
    %dma_wait3A_989 = arith.constant 0 : i32
    %dma_wait3A_990 = tpu.memref_slice %arg6[%mul3A_982, %dma_wait3A_989] : memref<110592x256xf32, #tpu.memory_space<hbm>> -> memref<144x256xf32, #tpu.memory_space<hbm>>
    tpu.wait_dma2 semaphore(%arg16 : memref<!tpu.dma_semaphore, #tpu.memory_space<semaphore_mem>>) src(%arg11 : memref<144x256xf32, #tpu.memory_space<vmem>>) dst(%dma_wait3A_990 : memref<144x256xf32, #tpu.memory_space<hbm>>)
    %mul3A_991 = arith.constant 24 : i32
    %mul3A_992 = arith.muli %add3A, %mul3A_991 : i32
    %add3A_993 = arith.constant 10 : i32
    %add3A_994 = arith.addi %mul3A_992, %add3A_993 : i32
    %jit3A_995 = arith.constant 64 : i32
    %div3A_996 = arith.divsi %add3A_994, %jit3A_995 : i32
    %sign3A_997 = arith.constant 0 : i32
    %sign3A_998 = arith.cmpi sgt, %add3A_994, %sign3A_997 : i32
    %sign3A_999 = arith.extui %sign3A_998 : i1 to i32
    %sign3A_1000 = arith.constant 0 : i32
    %sign3A_1001 = arith.cmpi slt, %add3A_994, %sign3A_1000 : i32
    %sign3A_1002 = arith.extui %sign3A_1001 : i1 to i32
    %sign3A_1003 = arith.subi %sign3A_999, %sign3A_1002 : i32
    %sign3A_1004 = arith.constant 0 : i32
    %sign3A_1005 = arith.cmpi sgt, %jit3A_995, %sign3A_1004 : i32
    %sign3A_1006 = arith.extui %sign3A_1005 : i1 to i32
    %sign3A_1007 = arith.constant 0 : i32
    %sign3A_1008 = arith.cmpi slt, %jit3A_995, %sign3A_1007 : i32
    %sign3A_1009 = arith.extui %sign3A_1008 : i1 to i32
    %sign3A_1010 = arith.subi %sign3A_1006, %sign3A_1009 : i32
    %ne3A_1011 = arith.cmpi ne, %sign3A_1003, %sign3A_1010 : i32
    %rem3A_1012 = arith.remsi %add3A_994, %jit3A_995 : i32
    %ne3A_1013 = arith.constant 0 : i32
    %ne3A_1014 = arith.cmpi ne, %rem3A_1012, %ne3A_1013 : i32
    %and3A_1015 = arith.andi %ne3A_1011, %ne3A_1014 : i1
    %sub3A_1016 = arith.constant 1 : i32
    %sub3A_1017 = arith.subi %div3A_996, %sub3A_1016 : i32
    %select_n3A_1018 = arith.select %and3A_1015, %sub3A_1017, %div3A_996 : i32
    %eq3A_1019 = vector.broadcast %select_n3A_1018 : i32 to vector<16xi32>
    %eq3A_1020 = arith.cmpi eq, %iota3A, %eq3A_1019 : vector<16xi32>
    %jit3A_1021 = arith.constant 0 : i32
    %broadcast_in_dim3A_1022 = vector.broadcast %jit3A_1021 : i32 to vector<16xi32>
    %select_n3A_1023 = arith.select %eq3A_1020, %add3A_190, %broadcast_in_dim3A_1022 : vector<16xi1>, vector<16xi32>
    %reduce_max3A_1024 = arith.constant true
    %reduce_max3A_1025 = vector.broadcast %reduce_max3A_1024 : i1 to vector<16xi1>
    %reduce_max3A_1026 = arith.constant -2147483648 : i32
    %reduce_max3A_1027 = vector.broadcast %reduce_max3A_1026 : i32 to vector<16xi32>
    %reduce_max3A_1028 = arith.xori %select_n3A_1023, %reduce_max3A_1027 : vector<16xi32>
    %reduce_max3A_1029 = tpu.scan <max>, %reduce_max3A_1028 masked %reduce_max3A_1025 : vector<16xi32>, vector<16xi1> -> vector<16xi32>
    %reduce_max3A_1030 = arith.xori %reduce_max3A_1029, %reduce_max3A_1027 : vector<16xi32>
    %reduce_max3A_1031 = vector.extract %reduce_max3A_1030[15] : i32 from vector<16xi32>
    %mul3A_1032 = arith.constant 9216 : i32
    %mul3A_1033 = arith.muli %reduce_max3A_1031, %mul3A_1032 : i32
    %jit3A_1034 = arith.constant 64 : i32
    %eq3A_1035 = arith.constant 0 : i32
    %eq3A_1036 = arith.cmpi eq, %jit3A_1034, %eq3A_1035 : i32
    %jit3A_1037 = arith.constant 1 : i32
    %select_n3A_1038 = arith.select %eq3A_1036, %jit3A_1037, %jit3A_1034 : i32
    %rem3A_1039 = arith.remsi %add3A_994, %select_n3A_1038 : i32
    %ne3A_1040 = arith.constant 0 : i32
    %ne3A_1041 = arith.cmpi ne, %rem3A_1039, %ne3A_1040 : i32
    %lt3A_1042 = arith.constant 0 : i32
    %lt3A_1043 = arith.cmpi slt, %rem3A_1039, %lt3A_1042 : i32
    %lt3A_1044 = arith.constant 0 : i32
    %lt3A_1045 = arith.cmpi slt, %select_n3A_1038, %lt3A_1044 : i32
    %ne3A_1046 = arith.xori %lt3A_1043, %lt3A_1045 : i1
    %and3A_1047 = arith.andi %ne3A_1046, %ne3A_1041 : i1
    %add3A_1048 = arith.addi %rem3A_1039, %select_n3A_1038 : i32
    %select_n3A_1049 = arith.select %and3A_1047, %add3A_1048, %rem3A_1039 : i32
    %mul3A_1050 = arith.constant 144 : i32
    %mul3A_1051 = arith.muli %select_n3A_1049, %mul3A_1050 : i32
    %add3A_1052 = arith.addi %mul3A_1033, %mul3A_1051 : i32
    %dma_start3A_1053 = arith.constant 0 : i32
    %dma_start3A_1054 = tpu.memref_slice %arg2[%add3A_1052, %dma_start3A_1053] : memref<184320x256xf32, #tpu.memory_space<hbm>> -> memref<144x256xf32, #tpu.memory_space<hbm>>
    %dma_start3A_1055 = arith.constant 0 : i32
    %dma_start3A_1056 = tpu.memref_slice %arg2[%add3A_1052, %dma_start3A_1055] : memref<184320x256xf32, #tpu.memory_space<hbm>> -> memref<144x256xf32, #tpu.memory_space<hbm>>
    tpu.enqueue_dma source(%dma_start3A_1056 : memref<144x256xf32, #tpu.memory_space<hbm>>) target(%arg11 : memref<144x256xf32, #tpu.memory_space<vmem>>) target_semaphore(%arg15 : memref<!tpu.dma_semaphore, #tpu.memory_space<semaphore_mem>>)
    %dma_wait3A_1057 = arith.constant 0 : i32
    %dma_wait3A_1058 = tpu.memref_slice %arg2[%add3A_884, %dma_wait3A_1057] : memref<184320x256xf32, #tpu.memory_space<hbm>> -> memref<144x256xf32, #tpu.memory_space<hbm>>
    %dma_wait3A_1059 = arith.constant 0 : i32
    %dma_wait3A_1060 = tpu.memref_slice %arg2[%add3A_884, %dma_wait3A_1059] : memref<184320x256xf32, #tpu.memory_space<hbm>> -> memref<144x256xf32, #tpu.memory_space<hbm>>
    tpu.wait_dma2 semaphore(%arg15 : memref<!tpu.dma_semaphore, #tpu.memory_space<semaphore_mem>>) src(%dma_wait3A_1060 : memref<144x256xf32, #tpu.memory_space<hbm>>) dst(%arg12 : memref<144x256xf32, #tpu.memory_space<vmem>>)
    %mul3A_1061 = arith.constant 24 : i32
    %mul3A_1062 = arith.muli %add3A, %mul3A_1061 : i32
    %add3A_1063 = arith.constant 8 : i32
    %add3A_1064 = arith.addi %mul3A_1062, %add3A_1063 : i32
    %mul3A_1065 = arith.constant 144 : i32
    %mul3A_1066 = arith.muli %add3A_1064, %mul3A_1065 : i32
    %dma_start3A_1067 = arith.constant 0 : i32
    %dma_start3A_1068 = tpu.memref_slice %arg6[%mul3A_1066, %dma_start3A_1067] : memref<110592x256xf32, #tpu.memory_space<hbm>> -> memref<144x256xf32, #tpu.memory_space<hbm>>
    %dma_start3A_1069 = arith.constant 0 : i32
    %dma_start3A_1070 = tpu.memref_slice %arg6[%mul3A_1066, %dma_start3A_1069] : memref<110592x256xf32, #tpu.memory_space<hbm>> -> memref<144x256xf32, #tpu.memory_space<hbm>>
    tpu.enqueue_dma source(%arg12 : memref<144x256xf32, #tpu.memory_space<vmem>>) target(%dma_start3A_1070 : memref<144x256xf32, #tpu.memory_space<hbm>>) target_semaphore(%arg16 : memref<!tpu.dma_semaphore, #tpu.memory_space<semaphore_mem>>)
    %dma_wait3A_1071 = arith.constant 0 : i32
    %dma_wait3A_1072 = tpu.memref_slice %arg6[%mul3A_1066, %dma_wait3A_1071] : memref<110592x256xf32, #tpu.memory_space<hbm>> -> memref<144x256xf32, #tpu.memory_space<hbm>>
    %dma_wait3A_1073 = arith.constant 0 : i32
    %dma_wait3A_1074 = tpu.memref_slice %arg6[%mul3A_1066, %dma_wait3A_1073] : memref<110592x256xf32, #tpu.memory_space<hbm>> -> memref<144x256xf32, #tpu.memory_space<hbm>>
    tpu.wait_dma2 semaphore(%arg16 : memref<!tpu.dma_semaphore, #tpu.memory_space<semaphore_mem>>) src(%arg12 : memref<144x256xf32, #tpu.memory_space<vmem>>) dst(%dma_wait3A_1074 : memref<144x256xf32, #tpu.memory_space<hbm>>)
    %mul3A_1075 = arith.constant 24 : i32
    %mul3A_1076 = arith.muli %add3A, %mul3A_1075 : i32
    %add3A_1077 = arith.constant 11 : i32
    %add3A_1078 = arith.addi %mul3A_1076, %add3A_1077 : i32
    %jit3A_1079 = arith.constant 64 : i32
    %div3A_1080 = arith.divsi %add3A_1078, %jit3A_1079 : i32
    %sign3A_1081 = arith.constant 0 : i32
    %sign3A_1082 = arith.cmpi sgt, %add3A_1078, %sign3A_1081 : i32
    %sign3A_1083 = arith.extui %sign3A_1082 : i1 to i32
    %sign3A_1084 = arith.constant 0 : i32
    %sign3A_1085 = arith.cmpi slt, %add3A_1078, %sign3A_1084 : i32
    %sign3A_1086 = arith.extui %sign3A_1085 : i1 to i32
    %sign3A_1087 = arith.subi %sign3A_1083, %sign3A_1086 : i32
    %sign3A_1088 = arith.constant 0 : i32
    %sign3A_1089 = arith.cmpi sgt, %jit3A_1079, %sign3A_1088 : i32
    %sign3A_1090 = arith.extui %sign3A_1089 : i1 to i32
    %sign3A_1091 = arith.constant 0 : i32
    %sign3A_1092 = arith.cmpi slt, %jit3A_1079, %sign3A_1091 : i32
    %sign3A_1093 = arith.extui %sign3A_1092 : i1 to i32
    %sign3A_1094 = arith.subi %sign3A_1090, %sign3A_1093 : i32
    %ne3A_1095 = arith.cmpi ne, %sign3A_1087, %sign3A_1094 : i32
    %rem3A_1096 = arith.remsi %add3A_1078, %jit3A_1079 : i32
    %ne3A_1097 = arith.constant 0 : i32
    %ne3A_1098 = arith.cmpi ne, %rem3A_1096, %ne3A_1097 : i32
    %and3A_1099 = arith.andi %ne3A_1095, %ne3A_1098 : i1
    %sub3A_1100 = arith.constant 1 : i32
    %sub3A_1101 = arith.subi %div3A_1080, %sub3A_1100 : i32
    %select_n3A_1102 = arith.select %and3A_1099, %sub3A_1101, %div3A_1080 : i32
    %eq3A_1103 = vector.broadcast %select_n3A_1102 : i32 to vector<16xi32>
    %eq3A_1104 = arith.cmpi eq, %iota3A, %eq3A_1103 : vector<16xi32>
    %jit3A_1105 = arith.constant 0 : i32
    %broadcast_in_dim3A_1106 = vector.broadcast %jit3A_1105 : i32 to vector<16xi32>
    %select_n3A_1107 = arith.select %eq3A_1104, %add3A_190, %broadcast_in_dim3A_1106 : vector<16xi1>, vector<16xi32>
    %reduce_max3A_1108 = arith.constant true
    %reduce_max3A_1109 = vector.broadcast %reduce_max3A_1108 : i1 to vector<16xi1>
    %reduce_max3A_1110 = arith.constant -2147483648 : i32
    %reduce_max3A_1111 = vector.broadcast %reduce_max3A_1110 : i32 to vector<16xi32>
    %reduce_max3A_1112 = arith.xori %select_n3A_1107, %reduce_max3A_1111 : vector<16xi32>
    %reduce_max3A_1113 = tpu.scan <max>, %reduce_max3A_1112 masked %reduce_max3A_1109 : vector<16xi32>, vector<16xi1> -> vector<16xi32>
    %reduce_max3A_1114 = arith.xori %reduce_max3A_1113, %reduce_max3A_1111 : vector<16xi32>
    %reduce_max3A_1115 = vector.extract %reduce_max3A_1114[15] : i32 from vector<16xi32>
    %mul3A_1116 = arith.constant 9216 : i32
    %mul3A_1117 = arith.muli %reduce_max3A_1115, %mul3A_1116 : i32
    %jit3A_1118 = arith.constant 64 : i32
    %eq3A_1119 = arith.constant 0 : i32
    %eq3A_1120 = arith.cmpi eq, %jit3A_1118, %eq3A_1119 : i32
    %jit3A_1121 = arith.constant 1 : i32
    %select_n3A_1122 = arith.select %eq3A_1120, %jit3A_1121, %jit3A_1118 : i32
    %rem3A_1123 = arith.remsi %add3A_1078, %select_n3A_1122 : i32
    %ne3A_1124 = arith.constant 0 : i32
    %ne3A_1125 = arith.cmpi ne, %rem3A_1123, %ne3A_1124 : i32
    %lt3A_1126 = arith.constant 0 : i32
    %lt3A_1127 = arith.cmpi slt, %rem3A_1123, %lt3A_1126 : i32
    %lt3A_1128 = arith.constant 0 : i32
    %lt3A_1129 = arith.cmpi slt, %select_n3A_1122, %lt3A_1128 : i32
    %ne3A_1130 = arith.xori %lt3A_1127, %lt3A_1129 : i1
    %and3A_1131 = arith.andi %ne3A_1130, %ne3A_1125 : i1
    %add3A_1132 = arith.addi %rem3A_1123, %select_n3A_1122 : i32
    %select_n3A_1133 = arith.select %and3A_1131, %add3A_1132, %rem3A_1123 : i32
    %mul3A_1134 = arith.constant 144 : i32
    %mul3A_1135 = arith.muli %select_n3A_1133, %mul3A_1134 : i32
    %add3A_1136 = arith.addi %mul3A_1117, %mul3A_1135 : i32
    %dma_start3A_1137 = arith.constant 0 : i32
    %dma_start3A_1138 = tpu.memref_slice %arg2[%add3A_1136, %dma_start3A_1137] : memref<184320x256xf32, #tpu.memory_space<hbm>> -> memref<144x256xf32, #tpu.memory_space<hbm>>
    %dma_start3A_1139 = arith.constant 0 : i32
    %dma_start3A_1140 = tpu.memref_slice %arg2[%add3A_1136, %dma_start3A_1139] : memref<184320x256xf32, #tpu.memory_space<hbm>> -> memref<144x256xf32, #tpu.memory_space<hbm>>
    tpu.enqueue_dma source(%dma_start3A_1140 : memref<144x256xf32, #tpu.memory_space<hbm>>) target(%arg12 : memref<144x256xf32, #tpu.memory_space<vmem>>) target_semaphore(%arg15 : memref<!tpu.dma_semaphore, #tpu.memory_space<semaphore_mem>>)
    %dma_wait3A_1141 = arith.constant 0 : i32
    %dma_wait3A_1142 = tpu.memref_slice %arg2[%add3A_968, %dma_wait3A_1141] : memref<184320x256xf32, #tpu.memory_space<hbm>> -> memref<144x256xf32, #tpu.memory_space<hbm>>
    %dma_wait3A_1143 = arith.constant 0 : i32
    %dma_wait3A_1144 = tpu.memref_slice %arg2[%add3A_968, %dma_wait3A_1143] : memref<184320x256xf32, #tpu.memory_space<hbm>> -> memref<144x256xf32, #tpu.memory_space<hbm>>
    tpu.wait_dma2 semaphore(%arg15 : memref<!tpu.dma_semaphore, #tpu.memory_space<semaphore_mem>>) src(%dma_wait3A_1144 : memref<144x256xf32, #tpu.memory_space<hbm>>) dst(%arg10 : memref<144x256xf32, #tpu.memory_space<vmem>>)
    %mul3A_1145 = arith.constant 24 : i32
    %mul3A_1146 = arith.muli %add3A, %mul3A_1145 : i32
    %add3A_1147 = arith.constant 9 : i32
    %add3A_1148 = arith.addi %mul3A_1146, %add3A_1147 : i32
    %mul3A_1149 = arith.constant 144 : i32
    %mul3A_1150 = arith.muli %add3A_1148, %mul3A_1149 : i32
    %dma_start3A_1151 = arith.constant 0 : i32
    %dma_start3A_1152 = tpu.memref_slice %arg6[%mul3A_1150, %dma_start3A_1151] : memref<110592x256xf32, #tpu.memory_space<hbm>> -> memref<144x256xf32, #tpu.memory_space<hbm>>
    %dma_start3A_1153 = arith.constant 0 : i32
    %dma_start3A_1154 = tpu.memref_slice %arg6[%mul3A_1150, %dma_start3A_1153] : memref<110592x256xf32, #tpu.memory_space<hbm>> -> memref<144x256xf32, #tpu.memory_space<hbm>>
    tpu.enqueue_dma source(%arg10 : memref<144x256xf32, #tpu.memory_space<vmem>>) target(%dma_start3A_1154 : memref<144x256xf32, #tpu.memory_space<hbm>>) target_semaphore(%arg16 : memref<!tpu.dma_semaphore, #tpu.memory_space<semaphore_mem>>)
    %dma_wait3A_1155 = arith.constant 0 : i32
    %dma_wait3A_1156 = tpu.memref_slice %arg6[%mul3A_1150, %dma_wait3A_1155] : memref<110592x256xf32, #tpu.memory_space<hbm>> -> memref<144x256xf32, #tpu.memory_space<hbm>>
    %dma_wait3A_1157 = arith.constant 0 : i32
    %dma_wait3A_1158 = tpu.memref_slice %arg6[%mul3A_1150, %dma_wait3A_1157] : memref<110592x256xf32, #tpu.memory_space<hbm>> -> memref<144x256xf32, #tpu.memory_space<hbm>>
    tpu.wait_dma2 semaphore(%arg16 : memref<!tpu.dma_semaphore, #tpu.memory_space<semaphore_mem>>) src(%arg10 : memref<144x256xf32, #tpu.memory_space<vmem>>) dst(%dma_wait3A_1158 : memref<144x256xf32, #tpu.memory_space<hbm>>)
    %mul3A_1159 = arith.constant 24 : i32
    %mul3A_1160 = arith.muli %add3A, %mul3A_1159 : i32
    %add3A_1161 = arith.constant 12 : i32
    %add3A_1162 = arith.addi %mul3A_1160, %add3A_1161 : i32
    %jit3A_1163 = arith.constant 64 : i32
    %div3A_1164 = arith.divsi %add3A_1162, %jit3A_1163 : i32
    %sign3A_1165 = arith.constant 0 : i32
    %sign3A_1166 = arith.cmpi sgt, %add3A_1162, %sign3A_1165 : i32
    %sign3A_1167 = arith.extui %sign3A_1166 : i1 to i32
    %sign3A_1168 = arith.constant 0 : i32
    %sign3A_1169 = arith.cmpi slt, %add3A_1162, %sign3A_1168 : i32
    %sign3A_1170 = arith.extui %sign3A_1169 : i1 to i32
    %sign3A_1171 = arith.subi %sign3A_1167, %sign3A_1170 : i32
    %sign3A_1172 = arith.constant 0 : i32
    %sign3A_1173 = arith.cmpi sgt, %jit3A_1163, %sign3A_1172 : i32
    %sign3A_1174 = arith.extui %sign3A_1173 : i1 to i32
    %sign3A_1175 = arith.constant 0 : i32
    %sign3A_1176 = arith.cmpi slt, %jit3A_1163, %sign3A_1175 : i32
    %sign3A_1177 = arith.extui %sign3A_1176 : i1 to i32
    %sign3A_1178 = arith.subi %sign3A_1174, %sign3A_1177 : i32
    %ne3A_1179 = arith.cmpi ne, %sign3A_1171, %sign3A_1178 : i32
    %rem3A_1180 = arith.remsi %add3A_1162, %jit3A_1163 : i32
    %ne3A_1181 = arith.constant 0 : i32
    %ne3A_1182 = arith.cmpi ne, %rem3A_1180, %ne3A_1181 : i32
    %and3A_1183 = arith.andi %ne3A_1179, %ne3A_1182 : i1
    %sub3A_1184 = arith.constant 1 : i32
    %sub3A_1185 = arith.subi %div3A_1164, %sub3A_1184 : i32
    %select_n3A_1186 = arith.select %and3A_1183, %sub3A_1185, %div3A_1164 : i32
    %eq3A_1187 = vector.broadcast %select_n3A_1186 : i32 to vector<16xi32>
    %eq3A_1188 = arith.cmpi eq, %iota3A, %eq3A_1187 : vector<16xi32>
    %jit3A_1189 = arith.constant 0 : i32
    %broadcast_in_dim3A_1190 = vector.broadcast %jit3A_1189 : i32 to vector<16xi32>
    %select_n3A_1191 = arith.select %eq3A_1188, %add3A_190, %broadcast_in_dim3A_1190 : vector<16xi1>, vector<16xi32>
    %reduce_max3A_1192 = arith.constant true
    %reduce_max3A_1193 = vector.broadcast %reduce_max3A_1192 : i1 to vector<16xi1>
    %reduce_max3A_1194 = arith.constant -2147483648 : i32
    %reduce_max3A_1195 = vector.broadcast %reduce_max3A_1194 : i32 to vector<16xi32>
    %reduce_max3A_1196 = arith.xori %select_n3A_1191, %reduce_max3A_1195 : vector<16xi32>
    %reduce_max3A_1197 = tpu.scan <max>, %reduce_max3A_1196 masked %reduce_max3A_1193 : vector<16xi32>, vector<16xi1> -> vector<16xi32>
    %reduce_max3A_1198 = arith.xori %reduce_max3A_1197, %reduce_max3A_1195 : vector<16xi32>
    %reduce_max3A_1199 = vector.extract %reduce_max3A_1198[15] : i32 from vector<16xi32>
    %mul3A_1200 = arith.constant 9216 : i32
    %mul3A_1201 = arith.muli %reduce_max3A_1199, %mul3A_1200 : i32
    %jit3A_1202 = arith.constant 64 : i32
    %eq3A_1203 = arith.constant 0 : i32
    %eq3A_1204 = arith.cmpi eq, %jit3A_1202, %eq3A_1203 : i32
    %jit3A_1205 = arith.constant 1 : i32
    %select_n3A_1206 = arith.select %eq3A_1204, %jit3A_1205, %jit3A_1202 : i32
    %rem3A_1207 = arith.remsi %add3A_1162, %select_n3A_1206 : i32
    %ne3A_1208 = arith.constant 0 : i32
    %ne3A_1209 = arith.cmpi ne, %rem3A_1207, %ne3A_1208 : i32
    %lt3A_1210 = arith.constant 0 : i32
    %lt3A_1211 = arith.cmpi slt, %rem3A_1207, %lt3A_1210 : i32
    %lt3A_1212 = arith.constant 0 : i32
    %lt3A_1213 = arith.cmpi slt, %select_n3A_1206, %lt3A_1212 : i32
    %ne3A_1214 = arith.xori %lt3A_1211, %lt3A_1213 : i1
    %and3A_1215 = arith.andi %ne3A_1214, %ne3A_1209 : i1
    %add3A_1216 = arith.addi %rem3A_1207, %select_n3A_1206 : i32
    %select_n3A_1217 = arith.select %and3A_1215, %add3A_1216, %rem3A_1207 : i32
    %mul3A_1218 = arith.constant 144 : i32
    %mul3A_1219 = arith.muli %select_n3A_1217, %mul3A_1218 : i32
    %add3A_1220 = arith.addi %mul3A_1201, %mul3A_1219 : i32
    %dma_start3A_1221 = arith.constant 0 : i32
    %dma_start3A_1222 = tpu.memref_slice %arg2[%add3A_1220, %dma_start3A_1221] : memref<184320x256xf32, #tpu.memory_space<hbm>> -> memref<144x256xf32, #tpu.memory_space<hbm>>
    %dma_start3A_1223 = arith.constant 0 : i32
    %dma_start3A_1224 = tpu.memref_slice %arg2[%add3A_1220, %dma_start3A_1223] : memref<184320x256xf32, #tpu.memory_space<hbm>> -> memref<144x256xf32, #tpu.memory_space<hbm>>
    tpu.enqueue_dma source(%dma_start3A_1224 : memref<144x256xf32, #tpu.memory_space<hbm>>) target(%arg10 : memref<144x256xf32, #tpu.memory_space<vmem>>) target_semaphore(%arg15 : memref<!tpu.dma_semaphore, #tpu.memory_space<semaphore_mem>>)
    %dma_wait3A_1225 = arith.constant 0 : i32
    %dma_wait3A_1226 = tpu.memref_slice %arg2[%add3A_1052, %dma_wait3A_1225] : memref<184320x256xf32, #tpu.memory_space<hbm>> -> memref<144x256xf32, #tpu.memory_space<hbm>>
    %dma_wait3A_1227 = arith.constant 0 : i32
    %dma_wait3A_1228 = tpu.memref_slice %arg2[%add3A_1052, %dma_wait3A_1227] : memref<184320x256xf32, #tpu.memory_space<hbm>> -> memref<144x256xf32, #tpu.memory_space<hbm>>
    tpu.wait_dma2 semaphore(%arg15 : memref<!tpu.dma_semaphore, #tpu.memory_space<semaphore_mem>>) src(%dma_wait3A_1228 : memref<144x256xf32, #tpu.memory_space<hbm>>) dst(%arg11 : memref<144x256xf32, #tpu.memory_space<vmem>>)
    %mul3A_1229 = arith.constant 24 : i32
    %mul3A_1230 = arith.muli %add3A, %mul3A_1229 : i32
    %add3A_1231 = arith.constant 10 : i32
    %add3A_1232 = arith.addi %mul3A_1230, %add3A_1231 : i32
    %mul3A_1233 = arith.constant 144 : i32
    %mul3A_1234 = arith.muli %add3A_1232, %mul3A_1233 : i32
    %dma_start3A_1235 = arith.constant 0 : i32
    %dma_start3A_1236 = tpu.memref_slice %arg6[%mul3A_1234, %dma_start3A_1235] : memref<110592x256xf32, #tpu.memory_space<hbm>> -> memref<144x256xf32, #tpu.memory_space<hbm>>
    %dma_start3A_1237 = arith.constant 0 : i32
    %dma_start3A_1238 = tpu.memref_slice %arg6[%mul3A_1234, %dma_start3A_1237] : memref<110592x256xf32, #tpu.memory_space<hbm>> -> memref<144x256xf32, #tpu.memory_space<hbm>>
    tpu.enqueue_dma source(%arg11 : memref<144x256xf32, #tpu.memory_space<vmem>>) target(%dma_start3A_1238 : memref<144x256xf32, #tpu.memory_space<hbm>>) target_semaphore(%arg16 : memref<!tpu.dma_semaphore, #tpu.memory_space<semaphore_mem>>)
    %dma_wait3A_1239 = arith.constant 0 : i32
    %dma_wait3A_1240 = tpu.memref_slice %arg6[%mul3A_1234, %dma_wait3A_1239] : memref<110592x256xf32, #tpu.memory_space<hbm>> -> memref<144x256xf32, #tpu.memory_space<hbm>>
    %dma_wait3A_1241 = arith.constant 0 : i32
    %dma_wait3A_1242 = tpu.memref_slice %arg6[%mul3A_1234, %dma_wait3A_1241] : memref<110592x256xf32, #tpu.memory_space<hbm>> -> memref<144x256xf32, #tpu.memory_space<hbm>>
    tpu.wait_dma2 semaphore(%arg16 : memref<!tpu.dma_semaphore, #tpu.memory_space<semaphore_mem>>) src(%arg11 : memref<144x256xf32, #tpu.memory_space<vmem>>) dst(%dma_wait3A_1242 : memref<144x256xf32, #tpu.memory_space<hbm>>)
    %mul3A_1243 = arith.constant 24 : i32
    %mul3A_1244 = arith.muli %add3A, %mul3A_1243 : i32
    %add3A_1245 = arith.constant 13 : i32
    %add3A_1246 = arith.addi %mul3A_1244, %add3A_1245 : i32
    %jit3A_1247 = arith.constant 64 : i32
    %div3A_1248 = arith.divsi %add3A_1246, %jit3A_1247 : i32
    %sign3A_1249 = arith.constant 0 : i32
    %sign3A_1250 = arith.cmpi sgt, %add3A_1246, %sign3A_1249 : i32
    %sign3A_1251 = arith.extui %sign3A_1250 : i1 to i32
    %sign3A_1252 = arith.constant 0 : i32
    %sign3A_1253 = arith.cmpi slt, %add3A_1246, %sign3A_1252 : i32
    %sign3A_1254 = arith.extui %sign3A_1253 : i1 to i32
    %sign3A_1255 = arith.subi %sign3A_1251, %sign3A_1254 : i32
    %sign3A_1256 = arith.constant 0 : i32
    %sign3A_1257 = arith.cmpi sgt, %jit3A_1247, %sign3A_1256 : i32
    %sign3A_1258 = arith.extui %sign3A_1257 : i1 to i32
    %sign3A_1259 = arith.constant 0 : i32
    %sign3A_1260 = arith.cmpi slt, %jit3A_1247, %sign3A_1259 : i32
    %sign3A_1261 = arith.extui %sign3A_1260 : i1 to i32
    %sign3A_1262 = arith.subi %sign3A_1258, %sign3A_1261 : i32
    %ne3A_1263 = arith.cmpi ne, %sign3A_1255, %sign3A_1262 : i32
    %rem3A_1264 = arith.remsi %add3A_1246, %jit3A_1247 : i32
    %ne3A_1265 = arith.constant 0 : i32
    %ne3A_1266 = arith.cmpi ne, %rem3A_1264, %ne3A_1265 : i32
    %and3A_1267 = arith.andi %ne3A_1263, %ne3A_1266 : i1
    %sub3A_1268 = arith.constant 1 : i32
    %sub3A_1269 = arith.subi %div3A_1248, %sub3A_1268 : i32
    %select_n3A_1270 = arith.select %and3A_1267, %sub3A_1269, %div3A_1248 : i32
    %eq3A_1271 = vector.broadcast %select_n3A_1270 : i32 to vector<16xi32>
    %eq3A_1272 = arith.cmpi eq, %iota3A, %eq3A_1271 : vector<16xi32>
    %jit3A_1273 = arith.constant 0 : i32
    %broadcast_in_dim3A_1274 = vector.broadcast %jit3A_1273 : i32 to vector<16xi32>
    %select_n3A_1275 = arith.select %eq3A_1272, %add3A_190, %broadcast_in_dim3A_1274 : vector<16xi1>, vector<16xi32>
    %reduce_max3A_1276 = arith.constant true
    %reduce_max3A_1277 = vector.broadcast %reduce_max3A_1276 : i1 to vector<16xi1>
    %reduce_max3A_1278 = arith.constant -2147483648 : i32
    %reduce_max3A_1279 = vector.broadcast %reduce_max3A_1278 : i32 to vector<16xi32>
    %reduce_max3A_1280 = arith.xori %select_n3A_1275, %reduce_max3A_1279 : vector<16xi32>
    %reduce_max3A_1281 = tpu.scan <max>, %reduce_max3A_1280 masked %reduce_max3A_1277 : vector<16xi32>, vector<16xi1> -> vector<16xi32>
    %reduce_max3A_1282 = arith.xori %reduce_max3A_1281, %reduce_max3A_1279 : vector<16xi32>
    %reduce_max3A_1283 = vector.extract %reduce_max3A_1282[15] : i32 from vector<16xi32>
    %mul3A_1284 = arith.constant 9216 : i32
    %mul3A_1285 = arith.muli %reduce_max3A_1283, %mul3A_1284 : i32
    %jit3A_1286 = arith.constant 64 : i32
    %eq3A_1287 = arith.constant 0 : i32
    %eq3A_1288 = arith.cmpi eq, %jit3A_1286, %eq3A_1287 : i32
    %jit3A_1289 = arith.constant 1 : i32
    %select_n3A_1290 = arith.select %eq3A_1288, %jit3A_1289, %jit3A_1286 : i32
    %rem3A_1291 = arith.remsi %add3A_1246, %select_n3A_1290 : i32
    %ne3A_1292 = arith.constant 0 : i32
    %ne3A_1293 = arith.cmpi ne, %rem3A_1291, %ne3A_1292 : i32
    %lt3A_1294 = arith.constant 0 : i32
    %lt3A_1295 = arith.cmpi slt, %rem3A_1291, %lt3A_1294 : i32
    %lt3A_1296 = arith.constant 0 : i32
    %lt3A_1297 = arith.cmpi slt, %select_n3A_1290, %lt3A_1296 : i32
    %ne3A_1298 = arith.xori %lt3A_1295, %lt3A_1297 : i1
    %and3A_1299 = arith.andi %ne3A_1298, %ne3A_1293 : i1
    %add3A_1300 = arith.addi %rem3A_1291, %select_n3A_1290 : i32
    %select_n3A_1301 = arith.select %and3A_1299, %add3A_1300, %rem3A_1291 : i32
    %mul3A_1302 = arith.constant 144 : i32
    %mul3A_1303 = arith.muli %select_n3A_1301, %mul3A_1302 : i32
    %add3A_1304 = arith.addi %mul3A_1285, %mul3A_1303 : i32
    %dma_start3A_1305 = arith.constant 0 : i32
    %dma_start3A_1306 = tpu.memref_slice %arg2[%add3A_1304, %dma_start3A_1305] : memref<184320x256xf32, #tpu.memory_space<hbm>> -> memref<144x256xf32, #tpu.memory_space<hbm>>
    %dma_start3A_1307 = arith.constant 0 : i32
    %dma_start3A_1308 = tpu.memref_slice %arg2[%add3A_1304, %dma_start3A_1307] : memref<184320x256xf32, #tpu.memory_space<hbm>> -> memref<144x256xf32, #tpu.memory_space<hbm>>
    tpu.enqueue_dma source(%dma_start3A_1308 : memref<144x256xf32, #tpu.memory_space<hbm>>) target(%arg11 : memref<144x256xf32, #tpu.memory_space<vmem>>) target_semaphore(%arg15 : memref<!tpu.dma_semaphore, #tpu.memory_space<semaphore_mem>>)
    %dma_wait3A_1309 = arith.constant 0 : i32
    %dma_wait3A_1310 = tpu.memref_slice %arg2[%add3A_1136, %dma_wait3A_1309] : memref<184320x256xf32, #tpu.memory_space<hbm>> -> memref<144x256xf32, #tpu.memory_space<hbm>>
    %dma_wait3A_1311 = arith.constant 0 : i32
    %dma_wait3A_1312 = tpu.memref_slice %arg2[%add3A_1136, %dma_wait3A_1311] : memref<184320x256xf32, #tpu.memory_space<hbm>> -> memref<144x256xf32, #tpu.memory_space<hbm>>
    tpu.wait_dma2 semaphore(%arg15 : memref<!tpu.dma_semaphore, #tpu.memory_space<semaphore_mem>>) src(%dma_wait3A_1312 : memref<144x256xf32, #tpu.memory_space<hbm>>) dst(%arg12 : memref<144x256xf32, #tpu.memory_space<vmem>>)
    %mul3A_1313 = arith.constant 24 : i32
    %mul3A_1314 = arith.muli %add3A, %mul3A_1313 : i32
    %add3A_1315 = arith.constant 11 : i32
    %add3A_1316 = arith.addi %mul3A_1314, %add3A_1315 : i32
    %mul3A_1317 = arith.constant 144 : i32
    %mul3A_1318 = arith.muli %add3A_1316, %mul3A_1317 : i32
    %dma_start3A_1319 = arith.constant 0 : i32
    %dma_start3A_1320 = tpu.memref_slice %arg6[%mul3A_1318, %dma_start3A_1319] : memref<110592x256xf32, #tpu.memory_space<hbm>> -> memref<144x256xf32, #tpu.memory_space<hbm>>
    %dma_start3A_1321 = arith.constant 0 : i32
    %dma_start3A_1322 = tpu.memref_slice %arg6[%mul3A_1318, %dma_start3A_1321] : memref<110592x256xf32, #tpu.memory_space<hbm>> -> memref<144x256xf32, #tpu.memory_space<hbm>>
    tpu.enqueue_dma source(%arg12 : memref<144x256xf32, #tpu.memory_space<vmem>>) target(%dma_start3A_1322 : memref<144x256xf32, #tpu.memory_space<hbm>>) target_semaphore(%arg16 : memref<!tpu.dma_semaphore, #tpu.memory_space<semaphore_mem>>)
    %dma_wait3A_1323 = arith.constant 0 : i32
    %dma_wait3A_1324 = tpu.memref_slice %arg6[%mul3A_1318, %dma_wait3A_1323] : memref<110592x256xf32, #tpu.memory_space<hbm>> -> memref<144x256xf32, #tpu.memory_space<hbm>>
    %dma_wait3A_1325 = arith.constant 0 : i32
    %dma_wait3A_1326 = tpu.memref_slice %arg6[%mul3A_1318, %dma_wait3A_1325] : memref<110592x256xf32, #tpu.memory_space<hbm>> -> memref<144x256xf32, #tpu.memory_space<hbm>>
    tpu.wait_dma2 semaphore(%arg16 : memref<!tpu.dma_semaphore, #tpu.memory_space<semaphore_mem>>) src(%arg12 : memref<144x256xf32, #tpu.memory_space<vmem>>) dst(%dma_wait3A_1326 : memref<144x256xf32, #tpu.memory_space<hbm>>)
    %mul3A_1327 = arith.constant 24 : i32
    %mul3A_1328 = arith.muli %add3A, %mul3A_1327 : i32
    %add3A_1329 = arith.constant 14 : i32
    %add3A_1330 = arith.addi %mul3A_1328, %add3A_1329 : i32
    %jit3A_1331 = arith.constant 64 : i32
    %div3A_1332 = arith.divsi %add3A_1330, %jit3A_1331 : i32
    %sign3A_1333 = arith.constant 0 : i32
    %sign3A_1334 = arith.cmpi sgt, %add3A_1330, %sign3A_1333 : i32
    %sign3A_1335 = arith.extui %sign3A_1334 : i1 to i32
    %sign3A_1336 = arith.constant 0 : i32
    %sign3A_1337 = arith.cmpi slt, %add3A_1330, %sign3A_1336 : i32
    %sign3A_1338 = arith.extui %sign3A_1337 : i1 to i32
    %sign3A_1339 = arith.subi %sign3A_1335, %sign3A_1338 : i32
    %sign3A_1340 = arith.constant 0 : i32
    %sign3A_1341 = arith.cmpi sgt, %jit3A_1331, %sign3A_1340 : i32
    %sign3A_1342 = arith.extui %sign3A_1341 : i1 to i32
    %sign3A_1343 = arith.constant 0 : i32
    %sign3A_1344 = arith.cmpi slt, %jit3A_1331, %sign3A_1343 : i32
    %sign3A_1345 = arith.extui %sign3A_1344 : i1 to i32
    %sign3A_1346 = arith.subi %sign3A_1342, %sign3A_1345 : i32
    %ne3A_1347 = arith.cmpi ne, %sign3A_1339, %sign3A_1346 : i32
    %rem3A_1348 = arith.remsi %add3A_1330, %jit3A_1331 : i32
    %ne3A_1349 = arith.constant 0 : i32
    %ne3A_1350 = arith.cmpi ne, %rem3A_1348, %ne3A_1349 : i32
    %and3A_1351 = arith.andi %ne3A_1347, %ne3A_1350 : i1
    %sub3A_1352 = arith.constant 1 : i32
    %sub3A_1353 = arith.subi %div3A_1332, %sub3A_1352 : i32
    %select_n3A_1354 = arith.select %and3A_1351, %sub3A_1353, %div3A_1332 : i32
    %eq3A_1355 = vector.broadcast %select_n3A_1354 : i32 to vector<16xi32>
    %eq3A_1356 = arith.cmpi eq, %iota3A, %eq3A_1355 : vector<16xi32>
    %jit3A_1357 = arith.constant 0 : i32
    %broadcast_in_dim3A_1358 = vector.broadcast %jit3A_1357 : i32 to vector<16xi32>
    %select_n3A_1359 = arith.select %eq3A_1356, %add3A_190, %broadcast_in_dim3A_1358 : vector<16xi1>, vector<16xi32>
    %reduce_max3A_1360 = arith.constant true
    %reduce_max3A_1361 = vector.broadcast %reduce_max3A_1360 : i1 to vector<16xi1>
    %reduce_max3A_1362 = arith.constant -2147483648 : i32
    %reduce_max3A_1363 = vector.broadcast %reduce_max3A_1362 : i32 to vector<16xi32>
    %reduce_max3A_1364 = arith.xori %select_n3A_1359, %reduce_max3A_1363 : vector<16xi32>
    %reduce_max3A_1365 = tpu.scan <max>, %reduce_max3A_1364 masked %reduce_max3A_1361 : vector<16xi32>, vector<16xi1> -> vector<16xi32>
    %reduce_max3A_1366 = arith.xori %reduce_max3A_1365, %reduce_max3A_1363 : vector<16xi32>
    %reduce_max3A_1367 = vector.extract %reduce_max3A_1366[15] : i32 from vector<16xi32>
    %mul3A_1368 = arith.constant 9216 : i32
    %mul3A_1369 = arith.muli %reduce_max3A_1367, %mul3A_1368 : i32
    %jit3A_1370 = arith.constant 64 : i32
    %eq3A_1371 = arith.constant 0 : i32
    %eq3A_1372 = arith.cmpi eq, %jit3A_1370, %eq3A_1371 : i32
    %jit3A_1373 = arith.constant 1 : i32
    %select_n3A_1374 = arith.select %eq3A_1372, %jit3A_1373, %jit3A_1370 : i32
    %rem3A_1375 = arith.remsi %add3A_1330, %select_n3A_1374 : i32
    %ne3A_1376 = arith.constant 0 : i32
    %ne3A_1377 = arith.cmpi ne, %rem3A_1375, %ne3A_1376 : i32
    %lt3A_1378 = arith.constant 0 : i32
    %lt3A_1379 = arith.cmpi slt, %rem3A_1375, %lt3A_1378 : i32
    %lt3A_1380 = arith.constant 0 : i32
    %lt3A_1381 = arith.cmpi slt, %select_n3A_1374, %lt3A_1380 : i32
    %ne3A_1382 = arith.xori %lt3A_1379, %lt3A_1381 : i1
    %and3A_1383 = arith.andi %ne3A_1382, %ne3A_1377 : i1
    %add3A_1384 = arith.addi %rem3A_1375, %select_n3A_1374 : i32
    %select_n3A_1385 = arith.select %and3A_1383, %add3A_1384, %rem3A_1375 : i32
    %mul3A_1386 = arith.constant 144 : i32
    %mul3A_1387 = arith.muli %select_n3A_1385, %mul3A_1386 : i32
    %add3A_1388 = arith.addi %mul3A_1369, %mul3A_1387 : i32
    %dma_start3A_1389 = arith.constant 0 : i32
    %dma_start3A_1390 = tpu.memref_slice %arg2[%add3A_1388, %dma_start3A_1389] : memref<184320x256xf32, #tpu.memory_space<hbm>> -> memref<144x256xf32, #tpu.memory_space<hbm>>
    %dma_start3A_1391 = arith.constant 0 : i32
    %dma_start3A_1392 = tpu.memref_slice %arg2[%add3A_1388, %dma_start3A_1391] : memref<184320x256xf32, #tpu.memory_space<hbm>> -> memref<144x256xf32, #tpu.memory_space<hbm>>
    tpu.enqueue_dma source(%dma_start3A_1392 : memref<144x256xf32, #tpu.memory_space<hbm>>) target(%arg12 : memref<144x256xf32, #tpu.memory_space<vmem>>) target_semaphore(%arg15 : memref<!tpu.dma_semaphore, #tpu.memory_space<semaphore_mem>>)
    %dma_wait3A_1393 = arith.constant 0 : i32
    %dma_wait3A_1394 = tpu.memref_slice %arg2[%add3A_1220, %dma_wait3A_1393] : memref<184320x256xf32, #tpu.memory_space<hbm>> -> memref<144x256xf32, #tpu.memory_space<hbm>>
    %dma_wait3A_1395 = arith.constant 0 : i32
    %dma_wait3A_1396 = tpu.memref_slice %arg2[%add3A_1220, %dma_wait3A_1395] : memref<184320x256xf32, #tpu.memory_space<hbm>> -> memref<144x256xf32, #tpu.memory_space<hbm>>
    tpu.wait_dma2 semaphore(%arg15 : memref<!tpu.dma_semaphore, #tpu.memory_space<semaphore_mem>>) src(%dma_wait3A_1396 : memref<144x256xf32, #tpu.memory_space<hbm>>) dst(%arg10 : memref<144x256xf32, #tpu.memory_space<vmem>>)
    %mul3A_1397 = arith.constant 24 : i32
    %mul3A_1398 = arith.muli %add3A, %mul3A_1397 : i32
    %add3A_1399 = arith.constant 12 : i32
    %add3A_1400 = arith.addi %mul3A_1398, %add3A_1399 : i32
    %mul3A_1401 = arith.constant 144 : i32
    %mul3A_1402 = arith.muli %add3A_1400, %mul3A_1401 : i32
    %dma_start3A_1403 = arith.constant 0 : i32
    %dma_start3A_1404 = tpu.memref_slice %arg6[%mul3A_1402, %dma_start3A_1403] : memref<110592x256xf32, #tpu.memory_space<hbm>> -> memref<144x256xf32, #tpu.memory_space<hbm>>
    %dma_start3A_1405 = arith.constant 0 : i32
    %dma_start3A_1406 = tpu.memref_slice %arg6[%mul3A_1402, %dma_start3A_1405] : memref<110592x256xf32, #tpu.memory_space<hbm>> -> memref<144x256xf32, #tpu.memory_space<hbm>>
    tpu.enqueue_dma source(%arg10 : memref<144x256xf32, #tpu.memory_space<vmem>>) target(%dma_start3A_1406 : memref<144x256xf32, #tpu.memory_space<hbm>>) target_semaphore(%arg16 : memref<!tpu.dma_semaphore, #tpu.memory_space<semaphore_mem>>)
    %dma_wait3A_1407 = arith.constant 0 : i32
    %dma_wait3A_1408 = tpu.memref_slice %arg6[%mul3A_1402, %dma_wait3A_1407] : memref<110592x256xf32, #tpu.memory_space<hbm>> -> memref<144x256xf32, #tpu.memory_space<hbm>>
    %dma_wait3A_1409 = arith.constant 0 : i32
    %dma_wait3A_1410 = tpu.memref_slice %arg6[%mul3A_1402, %dma_wait3A_1409] : memref<110592x256xf32, #tpu.memory_space<hbm>> -> memref<144x256xf32, #tpu.memory_space<hbm>>
    tpu.wait_dma2 semaphore(%arg16 : memref<!tpu.dma_semaphore, #tpu.memory_space<semaphore_mem>>) src(%arg10 : memref<144x256xf32, #tpu.memory_space<vmem>>) dst(%dma_wait3A_1410 : memref<144x256xf32, #tpu.memory_space<hbm>>)
    %mul3A_1411 = arith.constant 24 : i32
    %mul3A_1412 = arith.muli %add3A, %mul3A_1411 : i32
    %add3A_1413 = arith.constant 15 : i32
    %add3A_1414 = arith.addi %mul3A_1412, %add3A_1413 : i32
    %jit3A_1415 = arith.constant 64 : i32
    %div3A_1416 = arith.divsi %add3A_1414, %jit3A_1415 : i32
    %sign3A_1417 = arith.constant 0 : i32
    %sign3A_1418 = arith.cmpi sgt, %add3A_1414, %sign3A_1417 : i32
    %sign3A_1419 = arith.extui %sign3A_1418 : i1 to i32
    %sign3A_1420 = arith.constant 0 : i32
    %sign3A_1421 = arith.cmpi slt, %add3A_1414, %sign3A_1420 : i32
    %sign3A_1422 = arith.extui %sign3A_1421 : i1 to i32
    %sign3A_1423 = arith.subi %sign3A_1419, %sign3A_1422 : i32
    %sign3A_1424 = arith.constant 0 : i32
    %sign3A_1425 = arith.cmpi sgt, %jit3A_1415, %sign3A_1424 : i32
    %sign3A_1426 = arith.extui %sign3A_1425 : i1 to i32
    %sign3A_1427 = arith.constant 0 : i32
    %sign3A_1428 = arith.cmpi slt, %jit3A_1415, %sign3A_1427 : i32
    %sign3A_1429 = arith.extui %sign3A_1428 : i1 to i32
    %sign3A_1430 = arith.subi %sign3A_1426, %sign3A_1429 : i32
    %ne3A_1431 = arith.cmpi ne, %sign3A_1423, %sign3A_1430 : i32
    %rem3A_1432 = arith.remsi %add3A_1414, %jit3A_1415 : i32
    %ne3A_1433 = arith.constant 0 : i32
    %ne3A_1434 = arith.cmpi ne, %rem3A_1432, %ne3A_1433 : i32
    %and3A_1435 = arith.andi %ne3A_1431, %ne3A_1434 : i1
    %sub3A_1436 = arith.constant 1 : i32
    %sub3A_1437 = arith.subi %div3A_1416, %sub3A_1436 : i32
    %select_n3A_1438 = arith.select %and3A_1435, %sub3A_1437, %div3A_1416 : i32
    %eq3A_1439 = vector.broadcast %select_n3A_1438 : i32 to vector<16xi32>
    %eq3A_1440 = arith.cmpi eq, %iota3A, %eq3A_1439 : vector<16xi32>
    %jit3A_1441 = arith.constant 0 : i32
    %broadcast_in_dim3A_1442 = vector.broadcast %jit3A_1441 : i32 to vector<16xi32>
    %select_n3A_1443 = arith.select %eq3A_1440, %add3A_190, %broadcast_in_dim3A_1442 : vector<16xi1>, vector<16xi32>
    %reduce_max3A_1444 = arith.constant true
    %reduce_max3A_1445 = vector.broadcast %reduce_max3A_1444 : i1 to vector<16xi1>
    %reduce_max3A_1446 = arith.constant -2147483648 : i32
    %reduce_max3A_1447 = vector.broadcast %reduce_max3A_1446 : i32 to vector<16xi32>
    %reduce_max3A_1448 = arith.xori %select_n3A_1443, %reduce_max3A_1447 : vector<16xi32>
    %reduce_max3A_1449 = tpu.scan <max>, %reduce_max3A_1448 masked %reduce_max3A_1445 : vector<16xi32>, vector<16xi1> -> vector<16xi32>
    %reduce_max3A_1450 = arith.xori %reduce_max3A_1449, %reduce_max3A_1447 : vector<16xi32>
    %reduce_max3A_1451 = vector.extract %reduce_max3A_1450[15] : i32 from vector<16xi32>
    %mul3A_1452 = arith.constant 9216 : i32
    %mul3A_1453 = arith.muli %reduce_max3A_1451, %mul3A_1452 : i32
    %jit3A_1454 = arith.constant 64 : i32
    %eq3A_1455 = arith.constant 0 : i32
    %eq3A_1456 = arith.cmpi eq, %jit3A_1454, %eq3A_1455 : i32
    %jit3A_1457 = arith.constant 1 : i32
    %select_n3A_1458 = arith.select %eq3A_1456, %jit3A_1457, %jit3A_1454 : i32
    %rem3A_1459 = arith.remsi %add3A_1414, %select_n3A_1458 : i32
    %ne3A_1460 = arith.constant 0 : i32
    %ne3A_1461 = arith.cmpi ne, %rem3A_1459, %ne3A_1460 : i32
    %lt3A_1462 = arith.constant 0 : i32
    %lt3A_1463 = arith.cmpi slt, %rem3A_1459, %lt3A_1462 : i32
    %lt3A_1464 = arith.constant 0 : i32
    %lt3A_1465 = arith.cmpi slt, %select_n3A_1458, %lt3A_1464 : i32
    %ne3A_1466 = arith.xori %lt3A_1463, %lt3A_1465 : i1
    %and3A_1467 = arith.andi %ne3A_1466, %ne3A_1461 : i1
    %add3A_1468 = arith.addi %rem3A_1459, %select_n3A_1458 : i32
    %select_n3A_1469 = arith.select %and3A_1467, %add3A_1468, %rem3A_1459 : i32
    %mul3A_1470 = arith.constant 144 : i32
    %mul3A_1471 = arith.muli %select_n3A_1469, %mul3A_1470 : i32
    %add3A_1472 = arith.addi %mul3A_1453, %mul3A_1471 : i32
    %dma_start3A_1473 = arith.constant 0 : i32
    %dma_start3A_1474 = tpu.memref_slice %arg2[%add3A_1472, %dma_start3A_1473] : memref<184320x256xf32, #tpu.memory_space<hbm>> -> memref<144x256xf32, #tpu.memory_space<hbm>>
    %dma_start3A_1475 = arith.constant 0 : i32
    %dma_start3A_1476 = tpu.memref_slice %arg2[%add3A_1472, %dma_start3A_1475] : memref<184320x256xf32, #tpu.memory_space<hbm>> -> memref<144x256xf32, #tpu.memory_space<hbm>>
    tpu.enqueue_dma source(%dma_start3A_1476 : memref<144x256xf32, #tpu.memory_space<hbm>>) target(%arg10 : memref<144x256xf32, #tpu.memory_space<vmem>>) target_semaphore(%arg15 : memref<!tpu.dma_semaphore, #tpu.memory_space<semaphore_mem>>)
    %dma_wait3A_1477 = arith.constant 0 : i32
    %dma_wait3A_1478 = tpu.memref_slice %arg2[%add3A_1304, %dma_wait3A_1477] : memref<184320x256xf32, #tpu.memory_space<hbm>> -> memref<144x256xf32, #tpu.memory_space<hbm>>
    %dma_wait3A_1479 = arith.constant 0 : i32
    %dma_wait3A_1480 = tpu.memref_slice %arg2[%add3A_1304, %dma_wait3A_1479] : memref<184320x256xf32, #tpu.memory_space<hbm>> -> memref<144x256xf32, #tpu.memory_space<hbm>>
    tpu.wait_dma2 semaphore(%arg15 : memref<!tpu.dma_semaphore, #tpu.memory_space<semaphore_mem>>) src(%dma_wait3A_1480 : memref<144x256xf32, #tpu.memory_space<hbm>>) dst(%arg11 : memref<144x256xf32, #tpu.memory_space<vmem>>)
    %mul3A_1481 = arith.constant 24 : i32
    %mul3A_1482 = arith.muli %add3A, %mul3A_1481 : i32
    %add3A_1483 = arith.constant 13 : i32
    %add3A_1484 = arith.addi %mul3A_1482, %add3A_1483 : i32
    %mul3A_1485 = arith.constant 144 : i32
    %mul3A_1486 = arith.muli %add3A_1484, %mul3A_1485 : i32
    %dma_start3A_1487 = arith.constant 0 : i32
    %dma_start3A_1488 = tpu.memref_slice %arg6[%mul3A_1486, %dma_start3A_1487] : memref<110592x256xf32, #tpu.memory_space<hbm>> -> memref<144x256xf32, #tpu.memory_space<hbm>>
    %dma_start3A_1489 = arith.constant 0 : i32
    %dma_start3A_1490 = tpu.memref_slice %arg6[%mul3A_1486, %dma_start3A_1489] : memref<110592x256xf32, #tpu.memory_space<hbm>> -> memref<144x256xf32, #tpu.memory_space<hbm>>
    tpu.enqueue_dma source(%arg11 : memref<144x256xf32, #tpu.memory_space<vmem>>) target(%dma_start3A_1490 : memref<144x256xf32, #tpu.memory_space<hbm>>) target_semaphore(%arg16 : memref<!tpu.dma_semaphore, #tpu.memory_space<semaphore_mem>>)
    %dma_wait3A_1491 = arith.constant 0 : i32
    %dma_wait3A_1492 = tpu.memref_slice %arg6[%mul3A_1486, %dma_wait3A_1491] : memref<110592x256xf32, #tpu.memory_space<hbm>> -> memref<144x256xf32, #tpu.memory_space<hbm>>
    %dma_wait3A_1493 = arith.constant 0 : i32
    %dma_wait3A_1494 = tpu.memref_slice %arg6[%mul3A_1486, %dma_wait3A_1493] : memref<110592x256xf32, #tpu.memory_space<hbm>> -> memref<144x256xf32, #tpu.memory_space<hbm>>
    tpu.wait_dma2 semaphore(%arg16 : memref<!tpu.dma_semaphore, #tpu.memory_space<semaphore_mem>>) src(%arg11 : memref<144x256xf32, #tpu.memory_space<vmem>>) dst(%dma_wait3A_1494 : memref<144x256xf32, #tpu.memory_space<hbm>>)
    %mul3A_1495 = arith.constant 24 : i32
    %mul3A_1496 = arith.muli %add3A, %mul3A_1495 : i32
    %add3A_1497 = arith.constant 16 : i32
    %add3A_1498 = arith.addi %mul3A_1496, %add3A_1497 : i32
    %jit3A_1499 = arith.constant 64 : i32
    %div3A_1500 = arith.divsi %add3A_1498, %jit3A_1499 : i32
    %sign3A_1501 = arith.constant 0 : i32
    %sign3A_1502 = arith.cmpi sgt, %add3A_1498, %sign3A_1501 : i32
    %sign3A_1503 = arith.extui %sign3A_1502 : i1 to i32
    %sign3A_1504 = arith.constant 0 : i32
    %sign3A_1505 = arith.cmpi slt, %add3A_1498, %sign3A_1504 : i32
    %sign3A_1506 = arith.extui %sign3A_1505 : i1 to i32
    %sign3A_1507 = arith.subi %sign3A_1503, %sign3A_1506 : i32
    %sign3A_1508 = arith.constant 0 : i32
    %sign3A_1509 = arith.cmpi sgt, %jit3A_1499, %sign3A_1508 : i32
    %sign3A_1510 = arith.extui %sign3A_1509 : i1 to i32
    %sign3A_1511 = arith.constant 0 : i32
    %sign3A_1512 = arith.cmpi slt, %jit3A_1499, %sign3A_1511 : i32
    %sign3A_1513 = arith.extui %sign3A_1512 : i1 to i32
    %sign3A_1514 = arith.subi %sign3A_1510, %sign3A_1513 : i32
    %ne3A_1515 = arith.cmpi ne, %sign3A_1507, %sign3A_1514 : i32
    %rem3A_1516 = arith.remsi %add3A_1498, %jit3A_1499 : i32
    %ne3A_1517 = arith.constant 0 : i32
    %ne3A_1518 = arith.cmpi ne, %rem3A_1516, %ne3A_1517 : i32
    %and3A_1519 = arith.andi %ne3A_1515, %ne3A_1518 : i1
    %sub3A_1520 = arith.constant 1 : i32
    %sub3A_1521 = arith.subi %div3A_1500, %sub3A_1520 : i32
    %select_n3A_1522 = arith.select %and3A_1519, %sub3A_1521, %div3A_1500 : i32
    %eq3A_1523 = vector.broadcast %select_n3A_1522 : i32 to vector<16xi32>
    %eq3A_1524 = arith.cmpi eq, %iota3A, %eq3A_1523 : vector<16xi32>
    %jit3A_1525 = arith.constant 0 : i32
    %broadcast_in_dim3A_1526 = vector.broadcast %jit3A_1525 : i32 to vector<16xi32>
    %select_n3A_1527 = arith.select %eq3A_1524, %add3A_190, %broadcast_in_dim3A_1526 : vector<16xi1>, vector<16xi32>
    %reduce_max3A_1528 = arith.constant true
    %reduce_max3A_1529 = vector.broadcast %reduce_max3A_1528 : i1 to vector<16xi1>
    %reduce_max3A_1530 = arith.constant -2147483648 : i32
    %reduce_max3A_1531 = vector.broadcast %reduce_max3A_1530 : i32 to vector<16xi32>
    %reduce_max3A_1532 = arith.xori %select_n3A_1527, %reduce_max3A_1531 : vector<16xi32>
    %reduce_max3A_1533 = tpu.scan <max>, %reduce_max3A_1532 masked %reduce_max3A_1529 : vector<16xi32>, vector<16xi1> -> vector<16xi32>
    %reduce_max3A_1534 = arith.xori %reduce_max3A_1533, %reduce_max3A_1531 : vector<16xi32>
    %reduce_max3A_1535 = vector.extract %reduce_max3A_1534[15] : i32 from vector<16xi32>
    %mul3A_1536 = arith.constant 9216 : i32
    %mul3A_1537 = arith.muli %reduce_max3A_1535, %mul3A_1536 : i32
    %jit3A_1538 = arith.constant 64 : i32
    %eq3A_1539 = arith.constant 0 : i32
    %eq3A_1540 = arith.cmpi eq, %jit3A_1538, %eq3A_1539 : i32
    %jit3A_1541 = arith.constant 1 : i32
    %select_n3A_1542 = arith.select %eq3A_1540, %jit3A_1541, %jit3A_1538 : i32
    %rem3A_1543 = arith.remsi %add3A_1498, %select_n3A_1542 : i32
    %ne3A_1544 = arith.constant 0 : i32
    %ne3A_1545 = arith.cmpi ne, %rem3A_1543, %ne3A_1544 : i32
    %lt3A_1546 = arith.constant 0 : i32
    %lt3A_1547 = arith.cmpi slt, %rem3A_1543, %lt3A_1546 : i32
    %lt3A_1548 = arith.constant 0 : i32
    %lt3A_1549 = arith.cmpi slt, %select_n3A_1542, %lt3A_1548 : i32
    %ne3A_1550 = arith.xori %lt3A_1547, %lt3A_1549 : i1
    %and3A_1551 = arith.andi %ne3A_1550, %ne3A_1545 : i1
    %add3A_1552 = arith.addi %rem3A_1543, %select_n3A_1542 : i32
    %select_n3A_1553 = arith.select %and3A_1551, %add3A_1552, %rem3A_1543 : i32
    %mul3A_1554 = arith.constant 144 : i32
    %mul3A_1555 = arith.muli %select_n3A_1553, %mul3A_1554 : i32
    %add3A_1556 = arith.addi %mul3A_1537, %mul3A_1555 : i32
    %dma_start3A_1557 = arith.constant 0 : i32
    %dma_start3A_1558 = tpu.memref_slice %arg2[%add3A_1556, %dma_start3A_1557] : memref<184320x256xf32, #tpu.memory_space<hbm>> -> memref<144x256xf32, #tpu.memory_space<hbm>>
    %dma_start3A_1559 = arith.constant 0 : i32
    %dma_start3A_1560 = tpu.memref_slice %arg2[%add3A_1556, %dma_start3A_1559] : memref<184320x256xf32, #tpu.memory_space<hbm>> -> memref<144x256xf32, #tpu.memory_space<hbm>>
    tpu.enqueue_dma source(%dma_start3A_1560 : memref<144x256xf32, #tpu.memory_space<hbm>>) target(%arg11 : memref<144x256xf32, #tpu.memory_space<vmem>>) target_semaphore(%arg15 : memref<!tpu.dma_semaphore, #tpu.memory_space<semaphore_mem>>)
    %dma_wait3A_1561 = arith.constant 0 : i32
    %dma_wait3A_1562 = tpu.memref_slice %arg2[%add3A_1388, %dma_wait3A_1561] : memref<184320x256xf32, #tpu.memory_space<hbm>> -> memref<144x256xf32, #tpu.memory_space<hbm>>
    %dma_wait3A_1563 = arith.constant 0 : i32
    %dma_wait3A_1564 = tpu.memref_slice %arg2[%add3A_1388, %dma_wait3A_1563] : memref<184320x256xf32, #tpu.memory_space<hbm>> -> memref<144x256xf32, #tpu.memory_space<hbm>>
    tpu.wait_dma2 semaphore(%arg15 : memref<!tpu.dma_semaphore, #tpu.memory_space<semaphore_mem>>) src(%dma_wait3A_1564 : memref<144x256xf32, #tpu.memory_space<hbm>>) dst(%arg12 : memref<144x256xf32, #tpu.memory_space<vmem>>)
    %mul3A_1565 = arith.constant 24 : i32
    %mul3A_1566 = arith.muli %add3A, %mul3A_1565 : i32
    %add3A_1567 = arith.constant 14 : i32
    %add3A_1568 = arith.addi %mul3A_1566, %add3A_1567 : i32
    %mul3A_1569 = arith.constant 144 : i32
    %mul3A_1570 = arith.muli %add3A_1568, %mul3A_1569 : i32
    %dma_start3A_1571 = arith.constant 0 : i32
    %dma_start3A_1572 = tpu.memref_slice %arg6[%mul3A_1570, %dma_start3A_1571] : memref<110592x256xf32, #tpu.memory_space<hbm>> -> memref<144x256xf32, #tpu.memory_space<hbm>>
    %dma_start3A_1573 = arith.constant 0 : i32
    %dma_start3A_1574 = tpu.memref_slice %arg6[%mul3A_1570, %dma_start3A_1573] : memref<110592x256xf32, #tpu.memory_space<hbm>> -> memref<144x256xf32, #tpu.memory_space<hbm>>
    tpu.enqueue_dma source(%arg12 : memref<144x256xf32, #tpu.memory_space<vmem>>) target(%dma_start3A_1574 : memref<144x256xf32, #tpu.memory_space<hbm>>) target_semaphore(%arg16 : memref<!tpu.dma_semaphore, #tpu.memory_space<semaphore_mem>>)
    %dma_wait3A_1575 = arith.constant 0 : i32
    %dma_wait3A_1576 = tpu.memref_slice %arg6[%mul3A_1570, %dma_wait3A_1575] : memref<110592x256xf32, #tpu.memory_space<hbm>> -> memref<144x256xf32, #tpu.memory_space<hbm>>
    %dma_wait3A_1577 = arith.constant 0 : i32
    %dma_wait3A_1578 = tpu.memref_slice %arg6[%mul3A_1570, %dma_wait3A_1577] : memref<110592x256xf32, #tpu.memory_space<hbm>> -> memref<144x256xf32, #tpu.memory_space<hbm>>
    tpu.wait_dma2 semaphore(%arg16 : memref<!tpu.dma_semaphore, #tpu.memory_space<semaphore_mem>>) src(%arg12 : memref<144x256xf32, #tpu.memory_space<vmem>>) dst(%dma_wait3A_1578 : memref<144x256xf32, #tpu.memory_space<hbm>>)
    %mul3A_1579 = arith.constant 24 : i32
    %mul3A_1580 = arith.muli %add3A, %mul3A_1579 : i32
    %add3A_1581 = arith.constant 17 : i32
    %add3A_1582 = arith.addi %mul3A_1580, %add3A_1581 : i32
    %jit3A_1583 = arith.constant 64 : i32
    %div3A_1584 = arith.divsi %add3A_1582, %jit3A_1583 : i32
    %sign3A_1585 = arith.constant 0 : i32
    %sign3A_1586 = arith.cmpi sgt, %add3A_1582, %sign3A_1585 : i32
    %sign3A_1587 = arith.extui %sign3A_1586 : i1 to i32
    %sign3A_1588 = arith.constant 0 : i32
    %sign3A_1589 = arith.cmpi slt, %add3A_1582, %sign3A_1588 : i32
    %sign3A_1590 = arith.extui %sign3A_1589 : i1 to i32
    %sign3A_1591 = arith.subi %sign3A_1587, %sign3A_1590 : i32
    %sign3A_1592 = arith.constant 0 : i32
    %sign3A_1593 = arith.cmpi sgt, %jit3A_1583, %sign3A_1592 : i32
    %sign3A_1594 = arith.extui %sign3A_1593 : i1 to i32
    %sign3A_1595 = arith.constant 0 : i32
    %sign3A_1596 = arith.cmpi slt, %jit3A_1583, %sign3A_1595 : i32
    %sign3A_1597 = arith.extui %sign3A_1596 : i1 to i32
    %sign3A_1598 = arith.subi %sign3A_1594, %sign3A_1597 : i32
    %ne3A_1599 = arith.cmpi ne, %sign3A_1591, %sign3A_1598 : i32
    %rem3A_1600 = arith.remsi %add3A_1582, %jit3A_1583 : i32
    %ne3A_1601 = arith.constant 0 : i32
    %ne3A_1602 = arith.cmpi ne, %rem3A_1600, %ne3A_1601 : i32
    %and3A_1603 = arith.andi %ne3A_1599, %ne3A_1602 : i1
    %sub3A_1604 = arith.constant 1 : i32
    %sub3A_1605 = arith.subi %div3A_1584, %sub3A_1604 : i32
    %select_n3A_1606 = arith.select %and3A_1603, %sub3A_1605, %div3A_1584 : i32
    %eq3A_1607 = vector.broadcast %select_n3A_1606 : i32 to vector<16xi32>
    %eq3A_1608 = arith.cmpi eq, %iota3A, %eq3A_1607 : vector<16xi32>
    %jit3A_1609 = arith.constant 0 : i32
    %broadcast_in_dim3A_1610 = vector.broadcast %jit3A_1609 : i32 to vector<16xi32>
    %select_n3A_1611 = arith.select %eq3A_1608, %add3A_190, %broadcast_in_dim3A_1610 : vector<16xi1>, vector<16xi32>
    %reduce_max3A_1612 = arith.constant true
    %reduce_max3A_1613 = vector.broadcast %reduce_max3A_1612 : i1 to vector<16xi1>
    %reduce_max3A_1614 = arith.constant -2147483648 : i32
    %reduce_max3A_1615 = vector.broadcast %reduce_max3A_1614 : i32 to vector<16xi32>
    %reduce_max3A_1616 = arith.xori %select_n3A_1611, %reduce_max3A_1615 : vector<16xi32>
    %reduce_max3A_1617 = tpu.scan <max>, %reduce_max3A_1616 masked %reduce_max3A_1613 : vector<16xi32>, vector<16xi1> -> vector<16xi32>
    %reduce_max3A_1618 = arith.xori %reduce_max3A_1617, %reduce_max3A_1615 : vector<16xi32>
    %reduce_max3A_1619 = vector.extract %reduce_max3A_1618[15] : i32 from vector<16xi32>
    %mul3A_1620 = arith.constant 9216 : i32
    %mul3A_1621 = arith.muli %reduce_max3A_1619, %mul3A_1620 : i32
    %jit3A_1622 = arith.constant 64 : i32
    %eq3A_1623 = arith.constant 0 : i32
    %eq3A_1624 = arith.cmpi eq, %jit3A_1622, %eq3A_1623 : i32
    %jit3A_1625 = arith.constant 1 : i32
    %select_n3A_1626 = arith.select %eq3A_1624, %jit3A_1625, %jit3A_1622 : i32
    %rem3A_1627 = arith.remsi %add3A_1582, %select_n3A_1626 : i32
    %ne3A_1628 = arith.constant 0 : i32
    %ne3A_1629 = arith.cmpi ne, %rem3A_1627, %ne3A_1628 : i32
    %lt3A_1630 = arith.constant 0 : i32
    %lt3A_1631 = arith.cmpi slt, %rem3A_1627, %lt3A_1630 : i32
    %lt3A_1632 = arith.constant 0 : i32
    %lt3A_1633 = arith.cmpi slt, %select_n3A_1626, %lt3A_1632 : i32
    %ne3A_1634 = arith.xori %lt3A_1631, %lt3A_1633 : i1
    %and3A_1635 = arith.andi %ne3A_1634, %ne3A_1629 : i1
    %add3A_1636 = arith.addi %rem3A_1627, %select_n3A_1626 : i32
    %select_n3A_1637 = arith.select %and3A_1635, %add3A_1636, %rem3A_1627 : i32
    %mul3A_1638 = arith.constant 144 : i32
    %mul3A_1639 = arith.muli %select_n3A_1637, %mul3A_1638 : i32
    %add3A_1640 = arith.addi %mul3A_1621, %mul3A_1639 : i32
    %dma_start3A_1641 = arith.constant 0 : i32
    %dma_start3A_1642 = tpu.memref_slice %arg2[%add3A_1640, %dma_start3A_1641] : memref<184320x256xf32, #tpu.memory_space<hbm>> -> memref<144x256xf32, #tpu.memory_space<hbm>>
    %dma_start3A_1643 = arith.constant 0 : i32
    %dma_start3A_1644 = tpu.memref_slice %arg2[%add3A_1640, %dma_start3A_1643] : memref<184320x256xf32, #tpu.memory_space<hbm>> -> memref<144x256xf32, #tpu.memory_space<hbm>>
    tpu.enqueue_dma source(%dma_start3A_1644 : memref<144x256xf32, #tpu.memory_space<hbm>>) target(%arg12 : memref<144x256xf32, #tpu.memory_space<vmem>>) target_semaphore(%arg15 : memref<!tpu.dma_semaphore, #tpu.memory_space<semaphore_mem>>)
    %dma_wait3A_1645 = arith.constant 0 : i32
    %dma_wait3A_1646 = tpu.memref_slice %arg2[%add3A_1472, %dma_wait3A_1645] : memref<184320x256xf32, #tpu.memory_space<hbm>> -> memref<144x256xf32, #tpu.memory_space<hbm>>
    %dma_wait3A_1647 = arith.constant 0 : i32
    %dma_wait3A_1648 = tpu.memref_slice %arg2[%add3A_1472, %dma_wait3A_1647] : memref<184320x256xf32, #tpu.memory_space<hbm>> -> memref<144x256xf32, #tpu.memory_space<hbm>>
    tpu.wait_dma2 semaphore(%arg15 : memref<!tpu.dma_semaphore, #tpu.memory_space<semaphore_mem>>) src(%dma_wait3A_1648 : memref<144x256xf32, #tpu.memory_space<hbm>>) dst(%arg10 : memref<144x256xf32, #tpu.memory_space<vmem>>)
    %mul3A_1649 = arith.constant 24 : i32
    %mul3A_1650 = arith.muli %add3A, %mul3A_1649 : i32
    %add3A_1651 = arith.constant 15 : i32
    %add3A_1652 = arith.addi %mul3A_1650, %add3A_1651 : i32
    %mul3A_1653 = arith.constant 144 : i32
    %mul3A_1654 = arith.muli %add3A_1652, %mul3A_1653 : i32
    %dma_start3A_1655 = arith.constant 0 : i32
    %dma_start3A_1656 = tpu.memref_slice %arg6[%mul3A_1654, %dma_start3A_1655] : memref<110592x256xf32, #tpu.memory_space<hbm>> -> memref<144x256xf32, #tpu.memory_space<hbm>>
    %dma_start3A_1657 = arith.constant 0 : i32
    %dma_start3A_1658 = tpu.memref_slice %arg6[%mul3A_1654, %dma_start3A_1657] : memref<110592x256xf32, #tpu.memory_space<hbm>> -> memref<144x256xf32, #tpu.memory_space<hbm>>
    tpu.enqueue_dma source(%arg10 : memref<144x256xf32, #tpu.memory_space<vmem>>) target(%dma_start3A_1658 : memref<144x256xf32, #tpu.memory_space<hbm>>) target_semaphore(%arg16 : memref<!tpu.dma_semaphore, #tpu.memory_space<semaphore_mem>>)
    %dma_wait3A_1659 = arith.constant 0 : i32
    %dma_wait3A_1660 = tpu.memref_slice %arg6[%mul3A_1654, %dma_wait3A_1659] : memref<110592x256xf32, #tpu.memory_space<hbm>> -> memref<144x256xf32, #tpu.memory_space<hbm>>
    %dma_wait3A_1661 = arith.constant 0 : i32
    %dma_wait3A_1662 = tpu.memref_slice %arg6[%mul3A_1654, %dma_wait3A_1661] : memref<110592x256xf32, #tpu.memory_space<hbm>> -> memref<144x256xf32, #tpu.memory_space<hbm>>
    tpu.wait_dma2 semaphore(%arg16 : memref<!tpu.dma_semaphore, #tpu.memory_space<semaphore_mem>>) src(%arg10 : memref<144x256xf32, #tpu.memory_space<vmem>>) dst(%dma_wait3A_1662 : memref<144x256xf32, #tpu.memory_space<hbm>>)
    %mul3A_1663 = arith.constant 24 : i32
    %mul3A_1664 = arith.muli %add3A, %mul3A_1663 : i32
    %add3A_1665 = arith.constant 18 : i32
    %add3A_1666 = arith.addi %mul3A_1664, %add3A_1665 : i32
    %jit3A_1667 = arith.constant 64 : i32
    %div3A_1668 = arith.divsi %add3A_1666, %jit3A_1667 : i32
    %sign3A_1669 = arith.constant 0 : i32
    %sign3A_1670 = arith.cmpi sgt, %add3A_1666, %sign3A_1669 : i32
    %sign3A_1671 = arith.extui %sign3A_1670 : i1 to i32
    %sign3A_1672 = arith.constant 0 : i32
    %sign3A_1673 = arith.cmpi slt, %add3A_1666, %sign3A_1672 : i32
    %sign3A_1674 = arith.extui %sign3A_1673 : i1 to i32
    %sign3A_1675 = arith.subi %sign3A_1671, %sign3A_1674 : i32
    %sign3A_1676 = arith.constant 0 : i32
    %sign3A_1677 = arith.cmpi sgt, %jit3A_1667, %sign3A_1676 : i32
    %sign3A_1678 = arith.extui %sign3A_1677 : i1 to i32
    %sign3A_1679 = arith.constant 0 : i32
    %sign3A_1680 = arith.cmpi slt, %jit3A_1667, %sign3A_1679 : i32
    %sign3A_1681 = arith.extui %sign3A_1680 : i1 to i32
    %sign3A_1682 = arith.subi %sign3A_1678, %sign3A_1681 : i32
    %ne3A_1683 = arith.cmpi ne, %sign3A_1675, %sign3A_1682 : i32
    %rem3A_1684 = arith.remsi %add3A_1666, %jit3A_1667 : i32
    %ne3A_1685 = arith.constant 0 : i32
    %ne3A_1686 = arith.cmpi ne, %rem3A_1684, %ne3A_1685 : i32
    %and3A_1687 = arith.andi %ne3A_1683, %ne3A_1686 : i1
    %sub3A_1688 = arith.constant 1 : i32
    %sub3A_1689 = arith.subi %div3A_1668, %sub3A_1688 : i32
    %select_n3A_1690 = arith.select %and3A_1687, %sub3A_1689, %div3A_1668 : i32
    %eq3A_1691 = vector.broadcast %select_n3A_1690 : i32 to vector<16xi32>
    %eq3A_1692 = arith.cmpi eq, %iota3A, %eq3A_1691 : vector<16xi32>
    %jit3A_1693 = arith.constant 0 : i32
    %broadcast_in_dim3A_1694 = vector.broadcast %jit3A_1693 : i32 to vector<16xi32>
    %select_n3A_1695 = arith.select %eq3A_1692, %add3A_190, %broadcast_in_dim3A_1694 : vector<16xi1>, vector<16xi32>
    %reduce_max3A_1696 = arith.constant true
    %reduce_max3A_1697 = vector.broadcast %reduce_max3A_1696 : i1 to vector<16xi1>
    %reduce_max3A_1698 = arith.constant -2147483648 : i32
    %reduce_max3A_1699 = vector.broadcast %reduce_max3A_1698 : i32 to vector<16xi32>
    %reduce_max3A_1700 = arith.xori %select_n3A_1695, %reduce_max3A_1699 : vector<16xi32>
    %reduce_max3A_1701 = tpu.scan <max>, %reduce_max3A_1700 masked %reduce_max3A_1697 : vector<16xi32>, vector<16xi1> -> vector<16xi32>
    %reduce_max3A_1702 = arith.xori %reduce_max3A_1701, %reduce_max3A_1699 : vector<16xi32>
    %reduce_max3A_1703 = vector.extract %reduce_max3A_1702[15] : i32 from vector<16xi32>
    %mul3A_1704 = arith.constant 9216 : i32
    %mul3A_1705 = arith.muli %reduce_max3A_1703, %mul3A_1704 : i32
    %jit3A_1706 = arith.constant 64 : i32
    %eq3A_1707 = arith.constant 0 : i32
    %eq3A_1708 = arith.cmpi eq, %jit3A_1706, %eq3A_1707 : i32
    %jit3A_1709 = arith.constant 1 : i32
    %select_n3A_1710 = arith.select %eq3A_1708, %jit3A_1709, %jit3A_1706 : i32
    %rem3A_1711 = arith.remsi %add3A_1666, %select_n3A_1710 : i32
    %ne3A_1712 = arith.constant 0 : i32
    %ne3A_1713 = arith.cmpi ne, %rem3A_1711, %ne3A_1712 : i32
    %lt3A_1714 = arith.constant 0 : i32
    %lt3A_1715 = arith.cmpi slt, %rem3A_1711, %lt3A_1714 : i32
    %lt3A_1716 = arith.constant 0 : i32
    %lt3A_1717 = arith.cmpi slt, %select_n3A_1710, %lt3A_1716 : i32
    %ne3A_1718 = arith.xori %lt3A_1715, %lt3A_1717 : i1
    %and3A_1719 = arith.andi %ne3A_1718, %ne3A_1713 : i1
    %add3A_1720 = arith.addi %rem3A_1711, %select_n3A_1710 : i32
    %select_n3A_1721 = arith.select %and3A_1719, %add3A_1720, %rem3A_1711 : i32
    %mul3A_1722 = arith.constant 144 : i32
    %mul3A_1723 = arith.muli %select_n3A_1721, %mul3A_1722 : i32
    %add3A_1724 = arith.addi %mul3A_1705, %mul3A_1723 : i32
    %dma_start3A_1725 = arith.constant 0 : i32
    %dma_start3A_1726 = tpu.memref_slice %arg2[%add3A_1724, %dma_start3A_1725] : memref<184320x256xf32, #tpu.memory_space<hbm>> -> memref<144x256xf32, #tpu.memory_space<hbm>>
    %dma_start3A_1727 = arith.constant 0 : i32
    %dma_start3A_1728 = tpu.memref_slice %arg2[%add3A_1724, %dma_start3A_1727] : memref<184320x256xf32, #tpu.memory_space<hbm>> -> memref<144x256xf32, #tpu.memory_space<hbm>>
    tpu.enqueue_dma source(%dma_start3A_1728 : memref<144x256xf32, #tpu.memory_space<hbm>>) target(%arg10 : memref<144x256xf32, #tpu.memory_space<vmem>>) target_semaphore(%arg15 : memref<!tpu.dma_semaphore, #tpu.memory_space<semaphore_mem>>)
    %dma_wait3A_1729 = arith.constant 0 : i32
    %dma_wait3A_1730 = tpu.memref_slice %arg2[%add3A_1556, %dma_wait3A_1729] : memref<184320x256xf32, #tpu.memory_space<hbm>> -> memref<144x256xf32, #tpu.memory_space<hbm>>
    %dma_wait3A_1731 = arith.constant 0 : i32
    %dma_wait3A_1732 = tpu.memref_slice %arg2[%add3A_1556, %dma_wait3A_1731] : memref<184320x256xf32, #tpu.memory_space<hbm>> -> memref<144x256xf32, #tpu.memory_space<hbm>>
    tpu.wait_dma2 semaphore(%arg15 : memref<!tpu.dma_semaphore, #tpu.memory_space<semaphore_mem>>) src(%dma_wait3A_1732 : memref<144x256xf32, #tpu.memory_space<hbm>>) dst(%arg11 : memref<144x256xf32, #tpu.memory_space<vmem>>)
    %mul3A_1733 = arith.constant 24 : i32
    %mul3A_1734 = arith.muli %add3A, %mul3A_1733 : i32
    %add3A_1735 = arith.constant 16 : i32
    %add3A_1736 = arith.addi %mul3A_1734, %add3A_1735 : i32
    %mul3A_1737 = arith.constant 144 : i32
    %mul3A_1738 = arith.muli %add3A_1736, %mul3A_1737 : i32
    %dma_start3A_1739 = arith.constant 0 : i32
    %dma_start3A_1740 = tpu.memref_slice %arg6[%mul3A_1738, %dma_start3A_1739] : memref<110592x256xf32, #tpu.memory_space<hbm>> -> memref<144x256xf32, #tpu.memory_space<hbm>>
    %dma_start3A_1741 = arith.constant 0 : i32
    %dma_start3A_1742 = tpu.memref_slice %arg6[%mul3A_1738, %dma_start3A_1741] : memref<110592x256xf32, #tpu.memory_space<hbm>> -> memref<144x256xf32, #tpu.memory_space<hbm>>
    tpu.enqueue_dma source(%arg11 : memref<144x256xf32, #tpu.memory_space<vmem>>) target(%dma_start3A_1742 : memref<144x256xf32, #tpu.memory_space<hbm>>) target_semaphore(%arg16 : memref<!tpu.dma_semaphore, #tpu.memory_space<semaphore_mem>>)
    %dma_wait3A_1743 = arith.constant 0 : i32
    %dma_wait3A_1744 = tpu.memref_slice %arg6[%mul3A_1738, %dma_wait3A_1743] : memref<110592x256xf32, #tpu.memory_space<hbm>> -> memref<144x256xf32, #tpu.memory_space<hbm>>
    %dma_wait3A_1745 = arith.constant 0 : i32
    %dma_wait3A_1746 = tpu.memref_slice %arg6[%mul3A_1738, %dma_wait3A_1745] : memref<110592x256xf32, #tpu.memory_space<hbm>> -> memref<144x256xf32, #tpu.memory_space<hbm>>
    tpu.wait_dma2 semaphore(%arg16 : memref<!tpu.dma_semaphore, #tpu.memory_space<semaphore_mem>>) src(%arg11 : memref<144x256xf32, #tpu.memory_space<vmem>>) dst(%dma_wait3A_1746 : memref<144x256xf32, #tpu.memory_space<hbm>>)
    %mul3A_1747 = arith.constant 24 : i32
    %mul3A_1748 = arith.muli %add3A, %mul3A_1747 : i32
    %add3A_1749 = arith.constant 19 : i32
    %add3A_1750 = arith.addi %mul3A_1748, %add3A_1749 : i32
    %jit3A_1751 = arith.constant 64 : i32
    %div3A_1752 = arith.divsi %add3A_1750, %jit3A_1751 : i32
    %sign3A_1753 = arith.constant 0 : i32
    %sign3A_1754 = arith.cmpi sgt, %add3A_1750, %sign3A_1753 : i32
    %sign3A_1755 = arith.extui %sign3A_1754 : i1 to i32
    %sign3A_1756 = arith.constant 0 : i32
    %sign3A_1757 = arith.cmpi slt, %add3A_1750, %sign3A_1756 : i32
    %sign3A_1758 = arith.extui %sign3A_1757 : i1 to i32
    %sign3A_1759 = arith.subi %sign3A_1755, %sign3A_1758 : i32
    %sign3A_1760 = arith.constant 0 : i32
    %sign3A_1761 = arith.cmpi sgt, %jit3A_1751, %sign3A_1760 : i32
    %sign3A_1762 = arith.extui %sign3A_1761 : i1 to i32
    %sign3A_1763 = arith.constant 0 : i32
    %sign3A_1764 = arith.cmpi slt, %jit3A_1751, %sign3A_1763 : i32
    %sign3A_1765 = arith.extui %sign3A_1764 : i1 to i32
    %sign3A_1766 = arith.subi %sign3A_1762, %sign3A_1765 : i32
    %ne3A_1767 = arith.cmpi ne, %sign3A_1759, %sign3A_1766 : i32
    %rem3A_1768 = arith.remsi %add3A_1750, %jit3A_1751 : i32
    %ne3A_1769 = arith.constant 0 : i32
    %ne3A_1770 = arith.cmpi ne, %rem3A_1768, %ne3A_1769 : i32
    %and3A_1771 = arith.andi %ne3A_1767, %ne3A_1770 : i1
    %sub3A_1772 = arith.constant 1 : i32
    %sub3A_1773 = arith.subi %div3A_1752, %sub3A_1772 : i32
    %select_n3A_1774 = arith.select %and3A_1771, %sub3A_1773, %div3A_1752 : i32
    %eq3A_1775 = vector.broadcast %select_n3A_1774 : i32 to vector<16xi32>
    %eq3A_1776 = arith.cmpi eq, %iota3A, %eq3A_1775 : vector<16xi32>
    %jit3A_1777 = arith.constant 0 : i32
    %broadcast_in_dim3A_1778 = vector.broadcast %jit3A_1777 : i32 to vector<16xi32>
    %select_n3A_1779 = arith.select %eq3A_1776, %add3A_190, %broadcast_in_dim3A_1778 : vector<16xi1>, vector<16xi32>
    %reduce_max3A_1780 = arith.constant true
    %reduce_max3A_1781 = vector.broadcast %reduce_max3A_1780 : i1 to vector<16xi1>
    %reduce_max3A_1782 = arith.constant -2147483648 : i32
    %reduce_max3A_1783 = vector.broadcast %reduce_max3A_1782 : i32 to vector<16xi32>
    %reduce_max3A_1784 = arith.xori %select_n3A_1779, %reduce_max3A_1783 : vector<16xi32>
    %reduce_max3A_1785 = tpu.scan <max>, %reduce_max3A_1784 masked %reduce_max3A_1781 : vector<16xi32>, vector<16xi1> -> vector<16xi32>
    %reduce_max3A_1786 = arith.xori %reduce_max3A_1785, %reduce_max3A_1783 : vector<16xi32>
    %reduce_max3A_1787 = vector.extract %reduce_max3A_1786[15] : i32 from vector<16xi32>
    %mul3A_1788 = arith.constant 9216 : i32
    %mul3A_1789 = arith.muli %reduce_max3A_1787, %mul3A_1788 : i32
    %jit3A_1790 = arith.constant 64 : i32
    %eq3A_1791 = arith.constant 0 : i32
    %eq3A_1792 = arith.cmpi eq, %jit3A_1790, %eq3A_1791 : i32
    %jit3A_1793 = arith.constant 1 : i32
    %select_n3A_1794 = arith.select %eq3A_1792, %jit3A_1793, %jit3A_1790 : i32
    %rem3A_1795 = arith.remsi %add3A_1750, %select_n3A_1794 : i32
    %ne3A_1796 = arith.constant 0 : i32
    %ne3A_1797 = arith.cmpi ne, %rem3A_1795, %ne3A_1796 : i32
    %lt3A_1798 = arith.constant 0 : i32
    %lt3A_1799 = arith.cmpi slt, %rem3A_1795, %lt3A_1798 : i32
    %lt3A_1800 = arith.constant 0 : i32
    %lt3A_1801 = arith.cmpi slt, %select_n3A_1794, %lt3A_1800 : i32
    %ne3A_1802 = arith.xori %lt3A_1799, %lt3A_1801 : i1
    %and3A_1803 = arith.andi %ne3A_1802, %ne3A_1797 : i1
    %add3A_1804 = arith.addi %rem3A_1795, %select_n3A_1794 : i32
    %select_n3A_1805 = arith.select %and3A_1803, %add3A_1804, %rem3A_1795 : i32
    %mul3A_1806 = arith.constant 144 : i32
    %mul3A_1807 = arith.muli %select_n3A_1805, %mul3A_1806 : i32
    %add3A_1808 = arith.addi %mul3A_1789, %mul3A_1807 : i32
    %dma_start3A_1809 = arith.constant 0 : i32
    %dma_start3A_1810 = tpu.memref_slice %arg2[%add3A_1808, %dma_start3A_1809] : memref<184320x256xf32, #tpu.memory_space<hbm>> -> memref<144x256xf32, #tpu.memory_space<hbm>>
    %dma_start3A_1811 = arith.constant 0 : i32
    %dma_start3A_1812 = tpu.memref_slice %arg2[%add3A_1808, %dma_start3A_1811] : memref<184320x256xf32, #tpu.memory_space<hbm>> -> memref<144x256xf32, #tpu.memory_space<hbm>>
    tpu.enqueue_dma source(%dma_start3A_1812 : memref<144x256xf32, #tpu.memory_space<hbm>>) target(%arg11 : memref<144x256xf32, #tpu.memory_space<vmem>>) target_semaphore(%arg15 : memref<!tpu.dma_semaphore, #tpu.memory_space<semaphore_mem>>)
    %dma_wait3A_1813 = arith.constant 0 : i32
    %dma_wait3A_1814 = tpu.memref_slice %arg2[%add3A_1640, %dma_wait3A_1813] : memref<184320x256xf32, #tpu.memory_space<hbm>> -> memref<144x256xf32, #tpu.memory_space<hbm>>
    %dma_wait3A_1815 = arith.constant 0 : i32
    %dma_wait3A_1816 = tpu.memref_slice %arg2[%add3A_1640, %dma_wait3A_1815] : memref<184320x256xf32, #tpu.memory_space<hbm>> -> memref<144x256xf32, #tpu.memory_space<hbm>>
    tpu.wait_dma2 semaphore(%arg15 : memref<!tpu.dma_semaphore, #tpu.memory_space<semaphore_mem>>) src(%dma_wait3A_1816 : memref<144x256xf32, #tpu.memory_space<hbm>>) dst(%arg12 : memref<144x256xf32, #tpu.memory_space<vmem>>)
    %mul3A_1817 = arith.constant 24 : i32
    %mul3A_1818 = arith.muli %add3A, %mul3A_1817 : i32
    %add3A_1819 = arith.constant 17 : i32
    %add3A_1820 = arith.addi %mul3A_1818, %add3A_1819 : i32
    %mul3A_1821 = arith.constant 144 : i32
    %mul3A_1822 = arith.muli %add3A_1820, %mul3A_1821 : i32
    %dma_start3A_1823 = arith.constant 0 : i32
    %dma_start3A_1824 = tpu.memref_slice %arg6[%mul3A_1822, %dma_start3A_1823] : memref<110592x256xf32, #tpu.memory_space<hbm>> -> memref<144x256xf32, #tpu.memory_space<hbm>>
    %dma_start3A_1825 = arith.constant 0 : i32
    %dma_start3A_1826 = tpu.memref_slice %arg6[%mul3A_1822, %dma_start3A_1825] : memref<110592x256xf32, #tpu.memory_space<hbm>> -> memref<144x256xf32, #tpu.memory_space<hbm>>
    tpu.enqueue_dma source(%arg12 : memref<144x256xf32, #tpu.memory_space<vmem>>) target(%dma_start3A_1826 : memref<144x256xf32, #tpu.memory_space<hbm>>) target_semaphore(%arg16 : memref<!tpu.dma_semaphore, #tpu.memory_space<semaphore_mem>>)
    %dma_wait3A_1827 = arith.constant 0 : i32
    %dma_wait3A_1828 = tpu.memref_slice %arg6[%mul3A_1822, %dma_wait3A_1827] : memref<110592x256xf32, #tpu.memory_space<hbm>> -> memref<144x256xf32, #tpu.memory_space<hbm>>
    %dma_wait3A_1829 = arith.constant 0 : i32
    %dma_wait3A_1830 = tpu.memref_slice %arg6[%mul3A_1822, %dma_wait3A_1829] : memref<110592x256xf32, #tpu.memory_space<hbm>> -> memref<144x256xf32, #tpu.memory_space<hbm>>
    tpu.wait_dma2 semaphore(%arg16 : memref<!tpu.dma_semaphore, #tpu.memory_space<semaphore_mem>>) src(%arg12 : memref<144x256xf32, #tpu.memory_space<vmem>>) dst(%dma_wait3A_1830 : memref<144x256xf32, #tpu.memory_space<hbm>>)
    %mul3A_1831 = arith.constant 24 : i32
    %mul3A_1832 = arith.muli %add3A, %mul3A_1831 : i32
    %add3A_1833 = arith.constant 20 : i32
    %add3A_1834 = arith.addi %mul3A_1832, %add3A_1833 : i32
    %jit3A_1835 = arith.constant 64 : i32
    %div3A_1836 = arith.divsi %add3A_1834, %jit3A_1835 : i32
    %sign3A_1837 = arith.constant 0 : i32
    %sign3A_1838 = arith.cmpi sgt, %add3A_1834, %sign3A_1837 : i32
    %sign3A_1839 = arith.extui %sign3A_1838 : i1 to i32
    %sign3A_1840 = arith.constant 0 : i32
    %sign3A_1841 = arith.cmpi slt, %add3A_1834, %sign3A_1840 : i32
    %sign3A_1842 = arith.extui %sign3A_1841 : i1 to i32
    %sign3A_1843 = arith.subi %sign3A_1839, %sign3A_1842 : i32
    %sign3A_1844 = arith.constant 0 : i32
    %sign3A_1845 = arith.cmpi sgt, %jit3A_1835, %sign3A_1844 : i32
    %sign3A_1846 = arith.extui %sign3A_1845 : i1 to i32
    %sign3A_1847 = arith.constant 0 : i32
    %sign3A_1848 = arith.cmpi slt, %jit3A_1835, %sign3A_1847 : i32
    %sign3A_1849 = arith.extui %sign3A_1848 : i1 to i32
    %sign3A_1850 = arith.subi %sign3A_1846, %sign3A_1849 : i32
    %ne3A_1851 = arith.cmpi ne, %sign3A_1843, %sign3A_1850 : i32
    %rem3A_1852 = arith.remsi %add3A_1834, %jit3A_1835 : i32
    %ne3A_1853 = arith.constant 0 : i32
    %ne3A_1854 = arith.cmpi ne, %rem3A_1852, %ne3A_1853 : i32
    %and3A_1855 = arith.andi %ne3A_1851, %ne3A_1854 : i1
    %sub3A_1856 = arith.constant 1 : i32
    %sub3A_1857 = arith.subi %div3A_1836, %sub3A_1856 : i32
    %select_n3A_1858 = arith.select %and3A_1855, %sub3A_1857, %div3A_1836 : i32
    %eq3A_1859 = vector.broadcast %select_n3A_1858 : i32 to vector<16xi32>
    %eq3A_1860 = arith.cmpi eq, %iota3A, %eq3A_1859 : vector<16xi32>
    %jit3A_1861 = arith.constant 0 : i32
    %broadcast_in_dim3A_1862 = vector.broadcast %jit3A_1861 : i32 to vector<16xi32>
    %select_n3A_1863 = arith.select %eq3A_1860, %add3A_190, %broadcast_in_dim3A_1862 : vector<16xi1>, vector<16xi32>
    %reduce_max3A_1864 = arith.constant true
    %reduce_max3A_1865 = vector.broadcast %reduce_max3A_1864 : i1 to vector<16xi1>
    %reduce_max3A_1866 = arith.constant -2147483648 : i32
    %reduce_max3A_1867 = vector.broadcast %reduce_max3A_1866 : i32 to vector<16xi32>
    %reduce_max3A_1868 = arith.xori %select_n3A_1863, %reduce_max3A_1867 : vector<16xi32>
    %reduce_max3A_1869 = tpu.scan <max>, %reduce_max3A_1868 masked %reduce_max3A_1865 : vector<16xi32>, vector<16xi1> -> vector<16xi32>
    %reduce_max3A_1870 = arith.xori %reduce_max3A_1869, %reduce_max3A_1867 : vector<16xi32>
    %reduce_max3A_1871 = vector.extract %reduce_max3A_1870[15] : i32 from vector<16xi32>
    %mul3A_1872 = arith.constant 9216 : i32
    %mul3A_1873 = arith.muli %reduce_max3A_1871, %mul3A_1872 : i32
    %jit3A_1874 = arith.constant 64 : i32
    %eq3A_1875 = arith.constant 0 : i32
    %eq3A_1876 = arith.cmpi eq, %jit3A_1874, %eq3A_1875 : i32
    %jit3A_1877 = arith.constant 1 : i32
    %select_n3A_1878 = arith.select %eq3A_1876, %jit3A_1877, %jit3A_1874 : i32
    %rem3A_1879 = arith.remsi %add3A_1834, %select_n3A_1878 : i32
    %ne3A_1880 = arith.constant 0 : i32
    %ne3A_1881 = arith.cmpi ne, %rem3A_1879, %ne3A_1880 : i32
    %lt3A_1882 = arith.constant 0 : i32
    %lt3A_1883 = arith.cmpi slt, %rem3A_1879, %lt3A_1882 : i32
    %lt3A_1884 = arith.constant 0 : i32
    %lt3A_1885 = arith.cmpi slt, %select_n3A_1878, %lt3A_1884 : i32
    %ne3A_1886 = arith.xori %lt3A_1883, %lt3A_1885 : i1
    %and3A_1887 = arith.andi %ne3A_1886, %ne3A_1881 : i1
    %add3A_1888 = arith.addi %rem3A_1879, %select_n3A_1878 : i32
    %select_n3A_1889 = arith.select %and3A_1887, %add3A_1888, %rem3A_1879 : i32
    %mul3A_1890 = arith.constant 144 : i32
    %mul3A_1891 = arith.muli %select_n3A_1889, %mul3A_1890 : i32
    %add3A_1892 = arith.addi %mul3A_1873, %mul3A_1891 : i32
    %dma_start3A_1893 = arith.constant 0 : i32
    %dma_start3A_1894 = tpu.memref_slice %arg2[%add3A_1892, %dma_start3A_1893] : memref<184320x256xf32, #tpu.memory_space<hbm>> -> memref<144x256xf32, #tpu.memory_space<hbm>>
    %dma_start3A_1895 = arith.constant 0 : i32
    %dma_start3A_1896 = tpu.memref_slice %arg2[%add3A_1892, %dma_start3A_1895] : memref<184320x256xf32, #tpu.memory_space<hbm>> -> memref<144x256xf32, #tpu.memory_space<hbm>>
    tpu.enqueue_dma source(%dma_start3A_1896 : memref<144x256xf32, #tpu.memory_space<hbm>>) target(%arg12 : memref<144x256xf32, #tpu.memory_space<vmem>>) target_semaphore(%arg15 : memref<!tpu.dma_semaphore, #tpu.memory_space<semaphore_mem>>)
    %dma_wait3A_1897 = arith.constant 0 : i32
    %dma_wait3A_1898 = tpu.memref_slice %arg2[%add3A_1724, %dma_wait3A_1897] : memref<184320x256xf32, #tpu.memory_space<hbm>> -> memref<144x256xf32, #tpu.memory_space<hbm>>
    %dma_wait3A_1899 = arith.constant 0 : i32
    %dma_wait3A_1900 = tpu.memref_slice %arg2[%add3A_1724, %dma_wait3A_1899] : memref<184320x256xf32, #tpu.memory_space<hbm>> -> memref<144x256xf32, #tpu.memory_space<hbm>>
    tpu.wait_dma2 semaphore(%arg15 : memref<!tpu.dma_semaphore, #tpu.memory_space<semaphore_mem>>) src(%dma_wait3A_1900 : memref<144x256xf32, #tpu.memory_space<hbm>>) dst(%arg10 : memref<144x256xf32, #tpu.memory_space<vmem>>)
    %mul3A_1901 = arith.constant 24 : i32
    %mul3A_1902 = arith.muli %add3A, %mul3A_1901 : i32
    %add3A_1903 = arith.constant 18 : i32
    %add3A_1904 = arith.addi %mul3A_1902, %add3A_1903 : i32
    %mul3A_1905 = arith.constant 144 : i32
    %mul3A_1906 = arith.muli %add3A_1904, %mul3A_1905 : i32
    %dma_start3A_1907 = arith.constant 0 : i32
    %dma_start3A_1908 = tpu.memref_slice %arg6[%mul3A_1906, %dma_start3A_1907] : memref<110592x256xf32, #tpu.memory_space<hbm>> -> memref<144x256xf32, #tpu.memory_space<hbm>>
    %dma_start3A_1909 = arith.constant 0 : i32
    %dma_start3A_1910 = tpu.memref_slice %arg6[%mul3A_1906, %dma_start3A_1909] : memref<110592x256xf32, #tpu.memory_space<hbm>> -> memref<144x256xf32, #tpu.memory_space<hbm>>
    tpu.enqueue_dma source(%arg10 : memref<144x256xf32, #tpu.memory_space<vmem>>) target(%dma_start3A_1910 : memref<144x256xf32, #tpu.memory_space<hbm>>) target_semaphore(%arg16 : memref<!tpu.dma_semaphore, #tpu.memory_space<semaphore_mem>>)
    %dma_wait3A_1911 = arith.constant 0 : i32
    %dma_wait3A_1912 = tpu.memref_slice %arg6[%mul3A_1906, %dma_wait3A_1911] : memref<110592x256xf32, #tpu.memory_space<hbm>> -> memref<144x256xf32, #tpu.memory_space<hbm>>
    %dma_wait3A_1913 = arith.constant 0 : i32
    %dma_wait3A_1914 = tpu.memref_slice %arg6[%mul3A_1906, %dma_wait3A_1913] : memref<110592x256xf32, #tpu.memory_space<hbm>> -> memref<144x256xf32, #tpu.memory_space<hbm>>
    tpu.wait_dma2 semaphore(%arg16 : memref<!tpu.dma_semaphore, #tpu.memory_space<semaphore_mem>>) src(%arg10 : memref<144x256xf32, #tpu.memory_space<vmem>>) dst(%dma_wait3A_1914 : memref<144x256xf32, #tpu.memory_space<hbm>>)
    %mul3A_1915 = arith.constant 24 : i32
    %mul3A_1916 = arith.muli %add3A, %mul3A_1915 : i32
    %add3A_1917 = arith.constant 21 : i32
    %add3A_1918 = arith.addi %mul3A_1916, %add3A_1917 : i32
    %jit3A_1919 = arith.constant 64 : i32
    %div3A_1920 = arith.divsi %add3A_1918, %jit3A_1919 : i32
    %sign3A_1921 = arith.constant 0 : i32
    %sign3A_1922 = arith.cmpi sgt, %add3A_1918, %sign3A_1921 : i32
    %sign3A_1923 = arith.extui %sign3A_1922 : i1 to i32
    %sign3A_1924 = arith.constant 0 : i32
    %sign3A_1925 = arith.cmpi slt, %add3A_1918, %sign3A_1924 : i32
    %sign3A_1926 = arith.extui %sign3A_1925 : i1 to i32
    %sign3A_1927 = arith.subi %sign3A_1923, %sign3A_1926 : i32
    %sign3A_1928 = arith.constant 0 : i32
    %sign3A_1929 = arith.cmpi sgt, %jit3A_1919, %sign3A_1928 : i32
    %sign3A_1930 = arith.extui %sign3A_1929 : i1 to i32
    %sign3A_1931 = arith.constant 0 : i32
    %sign3A_1932 = arith.cmpi slt, %jit3A_1919, %sign3A_1931 : i32
    %sign3A_1933 = arith.extui %sign3A_1932 : i1 to i32
    %sign3A_1934 = arith.subi %sign3A_1930, %sign3A_1933 : i32
    %ne3A_1935 = arith.cmpi ne, %sign3A_1927, %sign3A_1934 : i32
    %rem3A_1936 = arith.remsi %add3A_1918, %jit3A_1919 : i32
    %ne3A_1937 = arith.constant 0 : i32
    %ne3A_1938 = arith.cmpi ne, %rem3A_1936, %ne3A_1937 : i32
    %and3A_1939 = arith.andi %ne3A_1935, %ne3A_1938 : i1
    %sub3A_1940 = arith.constant 1 : i32
    %sub3A_1941 = arith.subi %div3A_1920, %sub3A_1940 : i32
    %select_n3A_1942 = arith.select %and3A_1939, %sub3A_1941, %div3A_1920 : i32
    %eq3A_1943 = vector.broadcast %select_n3A_1942 : i32 to vector<16xi32>
    %eq3A_1944 = arith.cmpi eq, %iota3A, %eq3A_1943 : vector<16xi32>
    %jit3A_1945 = arith.constant 0 : i32
    %broadcast_in_dim3A_1946 = vector.broadcast %jit3A_1945 : i32 to vector<16xi32>
    %select_n3A_1947 = arith.select %eq3A_1944, %add3A_190, %broadcast_in_dim3A_1946 : vector<16xi1>, vector<16xi32>
    %reduce_max3A_1948 = arith.constant true
    %reduce_max3A_1949 = vector.broadcast %reduce_max3A_1948 : i1 to vector<16xi1>
    %reduce_max3A_1950 = arith.constant -2147483648 : i32
    %reduce_max3A_1951 = vector.broadcast %reduce_max3A_1950 : i32 to vector<16xi32>
    %reduce_max3A_1952 = arith.xori %select_n3A_1947, %reduce_max3A_1951 : vector<16xi32>
    %reduce_max3A_1953 = tpu.scan <max>, %reduce_max3A_1952 masked %reduce_max3A_1949 : vector<16xi32>, vector<16xi1> -> vector<16xi32>
    %reduce_max3A_1954 = arith.xori %reduce_max3A_1953, %reduce_max3A_1951 : vector<16xi32>
    %reduce_max3A_1955 = vector.extract %reduce_max3A_1954[15] : i32 from vector<16xi32>
    %mul3A_1956 = arith.constant 9216 : i32
    %mul3A_1957 = arith.muli %reduce_max3A_1955, %mul3A_1956 : i32
    %jit3A_1958 = arith.constant 64 : i32
    %eq3A_1959 = arith.constant 0 : i32
    %eq3A_1960 = arith.cmpi eq, %jit3A_1958, %eq3A_1959 : i32
    %jit3A_1961 = arith.constant 1 : i32
    %select_n3A_1962 = arith.select %eq3A_1960, %jit3A_1961, %jit3A_1958 : i32
    %rem3A_1963 = arith.remsi %add3A_1918, %select_n3A_1962 : i32
    %ne3A_1964 = arith.constant 0 : i32
    %ne3A_1965 = arith.cmpi ne, %rem3A_1963, %ne3A_1964 : i32
    %lt3A_1966 = arith.constant 0 : i32
    %lt3A_1967 = arith.cmpi slt, %rem3A_1963, %lt3A_1966 : i32
    %lt3A_1968 = arith.constant 0 : i32
    %lt3A_1969 = arith.cmpi slt, %select_n3A_1962, %lt3A_1968 : i32
    %ne3A_1970 = arith.xori %lt3A_1967, %lt3A_1969 : i1
    %and3A_1971 = arith.andi %ne3A_1970, %ne3A_1965 : i1
    %add3A_1972 = arith.addi %rem3A_1963, %select_n3A_1962 : i32
    %select_n3A_1973 = arith.select %and3A_1971, %add3A_1972, %rem3A_1963 : i32
    %mul3A_1974 = arith.constant 144 : i32
    %mul3A_1975 = arith.muli %select_n3A_1973, %mul3A_1974 : i32
    %add3A_1976 = arith.addi %mul3A_1957, %mul3A_1975 : i32
    %dma_start3A_1977 = arith.constant 0 : i32
    %dma_start3A_1978 = tpu.memref_slice %arg2[%add3A_1976, %dma_start3A_1977] : memref<184320x256xf32, #tpu.memory_space<hbm>> -> memref<144x256xf32, #tpu.memory_space<hbm>>
    %dma_start3A_1979 = arith.constant 0 : i32
    %dma_start3A_1980 = tpu.memref_slice %arg2[%add3A_1976, %dma_start3A_1979] : memref<184320x256xf32, #tpu.memory_space<hbm>> -> memref<144x256xf32, #tpu.memory_space<hbm>>
    tpu.enqueue_dma source(%dma_start3A_1980 : memref<144x256xf32, #tpu.memory_space<hbm>>) target(%arg10 : memref<144x256xf32, #tpu.memory_space<vmem>>) target_semaphore(%arg15 : memref<!tpu.dma_semaphore, #tpu.memory_space<semaphore_mem>>)
    %dma_wait3A_1981 = arith.constant 0 : i32
    %dma_wait3A_1982 = tpu.memref_slice %arg2[%add3A_1808, %dma_wait3A_1981] : memref<184320x256xf32, #tpu.memory_space<hbm>> -> memref<144x256xf32, #tpu.memory_space<hbm>>
    %dma_wait3A_1983 = arith.constant 0 : i32
    %dma_wait3A_1984 = tpu.memref_slice %arg2[%add3A_1808, %dma_wait3A_1983] : memref<184320x256xf32, #tpu.memory_space<hbm>> -> memref<144x256xf32, #tpu.memory_space<hbm>>
    tpu.wait_dma2 semaphore(%arg15 : memref<!tpu.dma_semaphore, #tpu.memory_space<semaphore_mem>>) src(%dma_wait3A_1984 : memref<144x256xf32, #tpu.memory_space<hbm>>) dst(%arg11 : memref<144x256xf32, #tpu.memory_space<vmem>>)
    %mul3A_1985 = arith.constant 24 : i32
    %mul3A_1986 = arith.muli %add3A, %mul3A_1985 : i32
    %add3A_1987 = arith.constant 19 : i32
    %add3A_1988 = arith.addi %mul3A_1986, %add3A_1987 : i32
    %mul3A_1989 = arith.constant 144 : i32
    %mul3A_1990 = arith.muli %add3A_1988, %mul3A_1989 : i32
    %dma_start3A_1991 = arith.constant 0 : i32
    %dma_start3A_1992 = tpu.memref_slice %arg6[%mul3A_1990, %dma_start3A_1991] : memref<110592x256xf32, #tpu.memory_space<hbm>> -> memref<144x256xf32, #tpu.memory_space<hbm>>
    %dma_start3A_1993 = arith.constant 0 : i32
    %dma_start3A_1994 = tpu.memref_slice %arg6[%mul3A_1990, %dma_start3A_1993] : memref<110592x256xf32, #tpu.memory_space<hbm>> -> memref<144x256xf32, #tpu.memory_space<hbm>>
    tpu.enqueue_dma source(%arg11 : memref<144x256xf32, #tpu.memory_space<vmem>>) target(%dma_start3A_1994 : memref<144x256xf32, #tpu.memory_space<hbm>>) target_semaphore(%arg16 : memref<!tpu.dma_semaphore, #tpu.memory_space<semaphore_mem>>)
    %dma_wait3A_1995 = arith.constant 0 : i32
    %dma_wait3A_1996 = tpu.memref_slice %arg6[%mul3A_1990, %dma_wait3A_1995] : memref<110592x256xf32, #tpu.memory_space<hbm>> -> memref<144x256xf32, #tpu.memory_space<hbm>>
    %dma_wait3A_1997 = arith.constant 0 : i32
    %dma_wait3A_1998 = tpu.memref_slice %arg6[%mul3A_1990, %dma_wait3A_1997] : memref<110592x256xf32, #tpu.memory_space<hbm>> -> memref<144x256xf32, #tpu.memory_space<hbm>>
    tpu.wait_dma2 semaphore(%arg16 : memref<!tpu.dma_semaphore, #tpu.memory_space<semaphore_mem>>) src(%arg11 : memref<144x256xf32, #tpu.memory_space<vmem>>) dst(%dma_wait3A_1998 : memref<144x256xf32, #tpu.memory_space<hbm>>)
    %mul3A_1999 = arith.constant 24 : i32
    %mul3A_2000 = arith.muli %add3A, %mul3A_1999 : i32
    %add3A_2001 = arith.constant 22 : i32
    %add3A_2002 = arith.addi %mul3A_2000, %add3A_2001 : i32
    %jit3A_2003 = arith.constant 64 : i32
    %div3A_2004 = arith.divsi %add3A_2002, %jit3A_2003 : i32
    %sign3A_2005 = arith.constant 0 : i32
    %sign3A_2006 = arith.cmpi sgt, %add3A_2002, %sign3A_2005 : i32
    %sign3A_2007 = arith.extui %sign3A_2006 : i1 to i32
    %sign3A_2008 = arith.constant 0 : i32
    %sign3A_2009 = arith.cmpi slt, %add3A_2002, %sign3A_2008 : i32
    %sign3A_2010 = arith.extui %sign3A_2009 : i1 to i32
    %sign3A_2011 = arith.subi %sign3A_2007, %sign3A_2010 : i32
    %sign3A_2012 = arith.constant 0 : i32
    %sign3A_2013 = arith.cmpi sgt, %jit3A_2003, %sign3A_2012 : i32
    %sign3A_2014 = arith.extui %sign3A_2013 : i1 to i32
    %sign3A_2015 = arith.constant 0 : i32
    %sign3A_2016 = arith.cmpi slt, %jit3A_2003, %sign3A_2015 : i32
    %sign3A_2017 = arith.extui %sign3A_2016 : i1 to i32
    %sign3A_2018 = arith.subi %sign3A_2014, %sign3A_2017 : i32
    %ne3A_2019 = arith.cmpi ne, %sign3A_2011, %sign3A_2018 : i32
    %rem3A_2020 = arith.remsi %add3A_2002, %jit3A_2003 : i32
    %ne3A_2021 = arith.constant 0 : i32
    %ne3A_2022 = arith.cmpi ne, %rem3A_2020, %ne3A_2021 : i32
    %and3A_2023 = arith.andi %ne3A_2019, %ne3A_2022 : i1
    %sub3A_2024 = arith.constant 1 : i32
    %sub3A_2025 = arith.subi %div3A_2004, %sub3A_2024 : i32
    %select_n3A_2026 = arith.select %and3A_2023, %sub3A_2025, %div3A_2004 : i32
    %eq3A_2027 = vector.broadcast %select_n3A_2026 : i32 to vector<16xi32>
    %eq3A_2028 = arith.cmpi eq, %iota3A, %eq3A_2027 : vector<16xi32>
    %jit3A_2029 = arith.constant 0 : i32
    %broadcast_in_dim3A_2030 = vector.broadcast %jit3A_2029 : i32 to vector<16xi32>
    %select_n3A_2031 = arith.select %eq3A_2028, %add3A_190, %broadcast_in_dim3A_2030 : vector<16xi1>, vector<16xi32>
    %reduce_max3A_2032 = arith.constant true
    %reduce_max3A_2033 = vector.broadcast %reduce_max3A_2032 : i1 to vector<16xi1>
    %reduce_max3A_2034 = arith.constant -2147483648 : i32
    %reduce_max3A_2035 = vector.broadcast %reduce_max3A_2034 : i32 to vector<16xi32>
    %reduce_max3A_2036 = arith.xori %select_n3A_2031, %reduce_max3A_2035 : vector<16xi32>
    %reduce_max3A_2037 = tpu.scan <max>, %reduce_max3A_2036 masked %reduce_max3A_2033 : vector<16xi32>, vector<16xi1> -> vector<16xi32>
    %reduce_max3A_2038 = arith.xori %reduce_max3A_2037, %reduce_max3A_2035 : vector<16xi32>
    %reduce_max3A_2039 = vector.extract %reduce_max3A_2038[15] : i32 from vector<16xi32>
    %mul3A_2040 = arith.constant 9216 : i32
    %mul3A_2041 = arith.muli %reduce_max3A_2039, %mul3A_2040 : i32
    %jit3A_2042 = arith.constant 64 : i32
    %eq3A_2043 = arith.constant 0 : i32
    %eq3A_2044 = arith.cmpi eq, %jit3A_2042, %eq3A_2043 : i32
    %jit3A_2045 = arith.constant 1 : i32
    %select_n3A_2046 = arith.select %eq3A_2044, %jit3A_2045, %jit3A_2042 : i32
    %rem3A_2047 = arith.remsi %add3A_2002, %select_n3A_2046 : i32
    %ne3A_2048 = arith.constant 0 : i32
    %ne3A_2049 = arith.cmpi ne, %rem3A_2047, %ne3A_2048 : i32
    %lt3A_2050 = arith.constant 0 : i32
    %lt3A_2051 = arith.cmpi slt, %rem3A_2047, %lt3A_2050 : i32
    %lt3A_2052 = arith.constant 0 : i32
    %lt3A_2053 = arith.cmpi slt, %select_n3A_2046, %lt3A_2052 : i32
    %ne3A_2054 = arith.xori %lt3A_2051, %lt3A_2053 : i1
    %and3A_2055 = arith.andi %ne3A_2054, %ne3A_2049 : i1
    %add3A_2056 = arith.addi %rem3A_2047, %select_n3A_2046 : i32
    %select_n3A_2057 = arith.select %and3A_2055, %add3A_2056, %rem3A_2047 : i32
    %mul3A_2058 = arith.constant 144 : i32
    %mul3A_2059 = arith.muli %select_n3A_2057, %mul3A_2058 : i32
    %add3A_2060 = arith.addi %mul3A_2041, %mul3A_2059 : i32
    %dma_start3A_2061 = arith.constant 0 : i32
    %dma_start3A_2062 = tpu.memref_slice %arg2[%add3A_2060, %dma_start3A_2061] : memref<184320x256xf32, #tpu.memory_space<hbm>> -> memref<144x256xf32, #tpu.memory_space<hbm>>
    %dma_start3A_2063 = arith.constant 0 : i32
    %dma_start3A_2064 = tpu.memref_slice %arg2[%add3A_2060, %dma_start3A_2063] : memref<184320x256xf32, #tpu.memory_space<hbm>> -> memref<144x256xf32, #tpu.memory_space<hbm>>
    tpu.enqueue_dma source(%dma_start3A_2064 : memref<144x256xf32, #tpu.memory_space<hbm>>) target(%arg11 : memref<144x256xf32, #tpu.memory_space<vmem>>) target_semaphore(%arg15 : memref<!tpu.dma_semaphore, #tpu.memory_space<semaphore_mem>>)
    %dma_wait3A_2065 = arith.constant 0 : i32
    %dma_wait3A_2066 = tpu.memref_slice %arg2[%add3A_1892, %dma_wait3A_2065] : memref<184320x256xf32, #tpu.memory_space<hbm>> -> memref<144x256xf32, #tpu.memory_space<hbm>>
    %dma_wait3A_2067 = arith.constant 0 : i32
    %dma_wait3A_2068 = tpu.memref_slice %arg2[%add3A_1892, %dma_wait3A_2067] : memref<184320x256xf32, #tpu.memory_space<hbm>> -> memref<144x256xf32, #tpu.memory_space<hbm>>
    tpu.wait_dma2 semaphore(%arg15 : memref<!tpu.dma_semaphore, #tpu.memory_space<semaphore_mem>>) src(%dma_wait3A_2068 : memref<144x256xf32, #tpu.memory_space<hbm>>) dst(%arg12 : memref<144x256xf32, #tpu.memory_space<vmem>>)
    %mul3A_2069 = arith.constant 24 : i32
    %mul3A_2070 = arith.muli %add3A, %mul3A_2069 : i32
    %add3A_2071 = arith.constant 20 : i32
    %add3A_2072 = arith.addi %mul3A_2070, %add3A_2071 : i32
    %mul3A_2073 = arith.constant 144 : i32
    %mul3A_2074 = arith.muli %add3A_2072, %mul3A_2073 : i32
    %dma_start3A_2075 = arith.constant 0 : i32
    %dma_start3A_2076 = tpu.memref_slice %arg6[%mul3A_2074, %dma_start3A_2075] : memref<110592x256xf32, #tpu.memory_space<hbm>> -> memref<144x256xf32, #tpu.memory_space<hbm>>
    %dma_start3A_2077 = arith.constant 0 : i32
    %dma_start3A_2078 = tpu.memref_slice %arg6[%mul3A_2074, %dma_start3A_2077] : memref<110592x256xf32, #tpu.memory_space<hbm>> -> memref<144x256xf32, #tpu.memory_space<hbm>>
    tpu.enqueue_dma source(%arg12 : memref<144x256xf32, #tpu.memory_space<vmem>>) target(%dma_start3A_2078 : memref<144x256xf32, #tpu.memory_space<hbm>>) target_semaphore(%arg16 : memref<!tpu.dma_semaphore, #tpu.memory_space<semaphore_mem>>)
    %dma_wait3A_2079 = arith.constant 0 : i32
    %dma_wait3A_2080 = tpu.memref_slice %arg6[%mul3A_2074, %dma_wait3A_2079] : memref<110592x256xf32, #tpu.memory_space<hbm>> -> memref<144x256xf32, #tpu.memory_space<hbm>>
    %dma_wait3A_2081 = arith.constant 0 : i32
    %dma_wait3A_2082 = tpu.memref_slice %arg6[%mul3A_2074, %dma_wait3A_2081] : memref<110592x256xf32, #tpu.memory_space<hbm>> -> memref<144x256xf32, #tpu.memory_space<hbm>>
    tpu.wait_dma2 semaphore(%arg16 : memref<!tpu.dma_semaphore, #tpu.memory_space<semaphore_mem>>) src(%arg12 : memref<144x256xf32, #tpu.memory_space<vmem>>) dst(%dma_wait3A_2082 : memref<144x256xf32, #tpu.memory_space<hbm>>)
    %mul3A_2083 = arith.constant 24 : i32
    %mul3A_2084 = arith.muli %add3A, %mul3A_2083 : i32
    %add3A_2085 = arith.constant 23 : i32
    %add3A_2086 = arith.addi %mul3A_2084, %add3A_2085 : i32
    %jit3A_2087 = arith.constant 64 : i32
    %div3A_2088 = arith.divsi %add3A_2086, %jit3A_2087 : i32
    %sign3A_2089 = arith.constant 0 : i32
    %sign3A_2090 = arith.cmpi sgt, %add3A_2086, %sign3A_2089 : i32
    %sign3A_2091 = arith.extui %sign3A_2090 : i1 to i32
    %sign3A_2092 = arith.constant 0 : i32
    %sign3A_2093 = arith.cmpi slt, %add3A_2086, %sign3A_2092 : i32
    %sign3A_2094 = arith.extui %sign3A_2093 : i1 to i32
    %sign3A_2095 = arith.subi %sign3A_2091, %sign3A_2094 : i32
    %sign3A_2096 = arith.constant 0 : i32
    %sign3A_2097 = arith.cmpi sgt, %jit3A_2087, %sign3A_2096 : i32
    %sign3A_2098 = arith.extui %sign3A_2097 : i1 to i32
    %sign3A_2099 = arith.constant 0 : i32
    %sign3A_2100 = arith.cmpi slt, %jit3A_2087, %sign3A_2099 : i32
    %sign3A_2101 = arith.extui %sign3A_2100 : i1 to i32
    %sign3A_2102 = arith.subi %sign3A_2098, %sign3A_2101 : i32
    %ne3A_2103 = arith.cmpi ne, %sign3A_2095, %sign3A_2102 : i32
    %rem3A_2104 = arith.remsi %add3A_2086, %jit3A_2087 : i32
    %ne3A_2105 = arith.constant 0 : i32
    %ne3A_2106 = arith.cmpi ne, %rem3A_2104, %ne3A_2105 : i32
    %and3A_2107 = arith.andi %ne3A_2103, %ne3A_2106 : i1
    %sub3A_2108 = arith.constant 1 : i32
    %sub3A_2109 = arith.subi %div3A_2088, %sub3A_2108 : i32
    %select_n3A_2110 = arith.select %and3A_2107, %sub3A_2109, %div3A_2088 : i32
    %eq3A_2111 = vector.broadcast %select_n3A_2110 : i32 to vector<16xi32>
    %eq3A_2112 = arith.cmpi eq, %iota3A, %eq3A_2111 : vector<16xi32>
    %jit3A_2113 = arith.constant 0 : i32
    %broadcast_in_dim3A_2114 = vector.broadcast %jit3A_2113 : i32 to vector<16xi32>
    %select_n3A_2115 = arith.select %eq3A_2112, %add3A_190, %broadcast_in_dim3A_2114 : vector<16xi1>, vector<16xi32>
    %reduce_max3A_2116 = arith.constant true
    %reduce_max3A_2117 = vector.broadcast %reduce_max3A_2116 : i1 to vector<16xi1>
    %reduce_max3A_2118 = arith.constant -2147483648 : i32
    %reduce_max3A_2119 = vector.broadcast %reduce_max3A_2118 : i32 to vector<16xi32>
    %reduce_max3A_2120 = arith.xori %select_n3A_2115, %reduce_max3A_2119 : vector<16xi32>
    %reduce_max3A_2121 = tpu.scan <max>, %reduce_max3A_2120 masked %reduce_max3A_2117 : vector<16xi32>, vector<16xi1> -> vector<16xi32>
    %reduce_max3A_2122 = arith.xori %reduce_max3A_2121, %reduce_max3A_2119 : vector<16xi32>
    %reduce_max3A_2123 = vector.extract %reduce_max3A_2122[15] : i32 from vector<16xi32>
    %mul3A_2124 = arith.constant 9216 : i32
    %mul3A_2125 = arith.muli %reduce_max3A_2123, %mul3A_2124 : i32
    %jit3A_2126 = arith.constant 64 : i32
    %eq3A_2127 = arith.constant 0 : i32
    %eq3A_2128 = arith.cmpi eq, %jit3A_2126, %eq3A_2127 : i32
    %jit3A_2129 = arith.constant 1 : i32
    %select_n3A_2130 = arith.select %eq3A_2128, %jit3A_2129, %jit3A_2126 : i32
    %rem3A_2131 = arith.remsi %add3A_2086, %select_n3A_2130 : i32
    %ne3A_2132 = arith.constant 0 : i32
    %ne3A_2133 = arith.cmpi ne, %rem3A_2131, %ne3A_2132 : i32
    %lt3A_2134 = arith.constant 0 : i32
    %lt3A_2135 = arith.cmpi slt, %rem3A_2131, %lt3A_2134 : i32
    %lt3A_2136 = arith.constant 0 : i32
    %lt3A_2137 = arith.cmpi slt, %select_n3A_2130, %lt3A_2136 : i32
    %ne3A_2138 = arith.xori %lt3A_2135, %lt3A_2137 : i1
    %and3A_2139 = arith.andi %ne3A_2138, %ne3A_2133 : i1
    %add3A_2140 = arith.addi %rem3A_2131, %select_n3A_2130 : i32
    %select_n3A_2141 = arith.select %and3A_2139, %add3A_2140, %rem3A_2131 : i32
    %mul3A_2142 = arith.constant 144 : i32
    %mul3A_2143 = arith.muli %select_n3A_2141, %mul3A_2142 : i32
    %add3A_2144 = arith.addi %mul3A_2125, %mul3A_2143 : i32
    %dma_start3A_2145 = arith.constant 0 : i32
    %dma_start3A_2146 = tpu.memref_slice %arg2[%add3A_2144, %dma_start3A_2145] : memref<184320x256xf32, #tpu.memory_space<hbm>> -> memref<144x256xf32, #tpu.memory_space<hbm>>
    %dma_start3A_2147 = arith.constant 0 : i32
    %dma_start3A_2148 = tpu.memref_slice %arg2[%add3A_2144, %dma_start3A_2147] : memref<184320x256xf32, #tpu.memory_space<hbm>> -> memref<144x256xf32, #tpu.memory_space<hbm>>
    tpu.enqueue_dma source(%dma_start3A_2148 : memref<144x256xf32, #tpu.memory_space<hbm>>) target(%arg12 : memref<144x256xf32, #tpu.memory_space<vmem>>) target_semaphore(%arg15 : memref<!tpu.dma_semaphore, #tpu.memory_space<semaphore_mem>>)
    %dma_wait3A_2149 = arith.constant 0 : i32
    %dma_wait3A_2150 = tpu.memref_slice %arg2[%add3A_1976, %dma_wait3A_2149] : memref<184320x256xf32, #tpu.memory_space<hbm>> -> memref<144x256xf32, #tpu.memory_space<hbm>>
    %dma_wait3A_2151 = arith.constant 0 : i32
    %dma_wait3A_2152 = tpu.memref_slice %arg2[%add3A_1976, %dma_wait3A_2151] : memref<184320x256xf32, #tpu.memory_space<hbm>> -> memref<144x256xf32, #tpu.memory_space<hbm>>
    tpu.wait_dma2 semaphore(%arg15 : memref<!tpu.dma_semaphore, #tpu.memory_space<semaphore_mem>>) src(%dma_wait3A_2152 : memref<144x256xf32, #tpu.memory_space<hbm>>) dst(%arg10 : memref<144x256xf32, #tpu.memory_space<vmem>>)
    %mul3A_2153 = arith.constant 24 : i32
    %mul3A_2154 = arith.muli %add3A, %mul3A_2153 : i32
    %add3A_2155 = arith.constant 21 : i32
    %add3A_2156 = arith.addi %mul3A_2154, %add3A_2155 : i32
    %mul3A_2157 = arith.constant 144 : i32
    %mul3A_2158 = arith.muli %add3A_2156, %mul3A_2157 : i32
    %dma_start3A_2159 = arith.constant 0 : i32
    %dma_start3A_2160 = tpu.memref_slice %arg6[%mul3A_2158, %dma_start3A_2159] : memref<110592x256xf32, #tpu.memory_space<hbm>> -> memref<144x256xf32, #tpu.memory_space<hbm>>
    %dma_start3A_2161 = arith.constant 0 : i32
    %dma_start3A_2162 = tpu.memref_slice %arg6[%mul3A_2158, %dma_start3A_2161] : memref<110592x256xf32, #tpu.memory_space<hbm>> -> memref<144x256xf32, #tpu.memory_space<hbm>>
    tpu.enqueue_dma source(%arg10 : memref<144x256xf32, #tpu.memory_space<vmem>>) target(%dma_start3A_2162 : memref<144x256xf32, #tpu.memory_space<hbm>>) target_semaphore(%arg16 : memref<!tpu.dma_semaphore, #tpu.memory_space<semaphore_mem>>)
    %dma_wait3A_2163 = arith.constant 0 : i32
    %dma_wait3A_2164 = tpu.memref_slice %arg2[%add3A_2060, %dma_wait3A_2163] : memref<184320x256xf32, #tpu.memory_space<hbm>> -> memref<144x256xf32, #tpu.memory_space<hbm>>
    %dma_wait3A_2165 = arith.constant 0 : i32
    %dma_wait3A_2166 = tpu.memref_slice %arg2[%add3A_2060, %dma_wait3A_2165] : memref<184320x256xf32, #tpu.memory_space<hbm>> -> memref<144x256xf32, #tpu.memory_space<hbm>>
    tpu.wait_dma2 semaphore(%arg15 : memref<!tpu.dma_semaphore, #tpu.memory_space<semaphore_mem>>) src(%dma_wait3A_2166 : memref<144x256xf32, #tpu.memory_space<hbm>>) dst(%arg11 : memref<144x256xf32, #tpu.memory_space<vmem>>)
    %mul3A_2167 = arith.constant 24 : i32
    %mul3A_2168 = arith.muli %add3A, %mul3A_2167 : i32
    %add3A_2169 = arith.constant 22 : i32
    %add3A_2170 = arith.addi %mul3A_2168, %add3A_2169 : i32
    %mul3A_2171 = arith.constant 144 : i32
    %mul3A_2172 = arith.muli %add3A_2170, %mul3A_2171 : i32
    %dma_start3A_2173 = arith.constant 0 : i32
    %dma_start3A_2174 = tpu.memref_slice %arg6[%mul3A_2172, %dma_start3A_2173] : memref<110592x256xf32, #tpu.memory_space<hbm>> -> memref<144x256xf32, #tpu.memory_space<hbm>>
    %dma_start3A_2175 = arith.constant 0 : i32
    %dma_start3A_2176 = tpu.memref_slice %arg6[%mul3A_2172, %dma_start3A_2175] : memref<110592x256xf32, #tpu.memory_space<hbm>> -> memref<144x256xf32, #tpu.memory_space<hbm>>
    tpu.enqueue_dma source(%arg11 : memref<144x256xf32, #tpu.memory_space<vmem>>) target(%dma_start3A_2176 : memref<144x256xf32, #tpu.memory_space<hbm>>) target_semaphore(%arg16 : memref<!tpu.dma_semaphore, #tpu.memory_space<semaphore_mem>>)
    %dma_wait3A_2177 = arith.constant 0 : i32
    %dma_wait3A_2178 = tpu.memref_slice %arg2[%add3A_2144, %dma_wait3A_2177] : memref<184320x256xf32, #tpu.memory_space<hbm>> -> memref<144x256xf32, #tpu.memory_space<hbm>>
    %dma_wait3A_2179 = arith.constant 0 : i32
    %dma_wait3A_2180 = tpu.memref_slice %arg2[%add3A_2144, %dma_wait3A_2179] : memref<184320x256xf32, #tpu.memory_space<hbm>> -> memref<144x256xf32, #tpu.memory_space<hbm>>
    tpu.wait_dma2 semaphore(%arg15 : memref<!tpu.dma_semaphore, #tpu.memory_space<semaphore_mem>>) src(%dma_wait3A_2180 : memref<144x256xf32, #tpu.memory_space<hbm>>) dst(%arg12 : memref<144x256xf32, #tpu.memory_space<vmem>>)
    %mul3A_2181 = arith.constant 24 : i32
    %mul3A_2182 = arith.muli %add3A, %mul3A_2181 : i32
    %add3A_2183 = arith.constant 23 : i32
    %add3A_2184 = arith.addi %mul3A_2182, %add3A_2183 : i32
    %mul3A_2185 = arith.constant 144 : i32
    %mul3A_2186 = arith.muli %add3A_2184, %mul3A_2185 : i32
    %dma_start3A_2187 = arith.constant 0 : i32
    %dma_start3A_2188 = tpu.memref_slice %arg6[%mul3A_2186, %dma_start3A_2187] : memref<110592x256xf32, #tpu.memory_space<hbm>> -> memref<144x256xf32, #tpu.memory_space<hbm>>
    %dma_start3A_2189 = arith.constant 0 : i32
    %dma_start3A_2190 = tpu.memref_slice %arg6[%mul3A_2186, %dma_start3A_2189] : memref<110592x256xf32, #tpu.memory_space<hbm>> -> memref<144x256xf32, #tpu.memory_space<hbm>>
    tpu.enqueue_dma source(%arg12 : memref<144x256xf32, #tpu.memory_space<vmem>>) target(%dma_start3A_2190 : memref<144x256xf32, #tpu.memory_space<hbm>>) target_semaphore(%arg16 : memref<!tpu.dma_semaphore, #tpu.memory_space<semaphore_mem>>)
    %dma_wait3A_2191 = arith.constant 0 : i32
    %dma_wait3A_2192 = tpu.memref_slice %arg6[%mul3A_2158, %dma_wait3A_2191] : memref<110592x256xf32, #tpu.memory_space<hbm>> -> memref<144x256xf32, #tpu.memory_space<hbm>>
    %dma_wait3A_2193 = arith.constant 0 : i32
    %dma_wait3A_2194 = tpu.memref_slice %arg6[%mul3A_2158, %dma_wait3A_2193] : memref<110592x256xf32, #tpu.memory_space<hbm>> -> memref<144x256xf32, #tpu.memory_space<hbm>>
    tpu.wait_dma2 semaphore(%arg16 : memref<!tpu.dma_semaphore, #tpu.memory_space<semaphore_mem>>) src(%arg10 : memref<144x256xf32, #tpu.memory_space<vmem>>) dst(%dma_wait3A_2194 : memref<144x256xf32, #tpu.memory_space<hbm>>)
    %dma_wait3A_2195 = arith.constant 0 : i32
    %dma_wait3A_2196 = tpu.memref_slice %arg6[%mul3A_2172, %dma_wait3A_2195] : memref<110592x256xf32, #tpu.memory_space<hbm>> -> memref<144x256xf32, #tpu.memory_space<hbm>>
    %dma_wait3A_2197 = arith.constant 0 : i32
    %dma_wait3A_2198 = tpu.memref_slice %arg6[%mul3A_2172, %dma_wait3A_2197] : memref<110592x256xf32, #tpu.memory_space<hbm>> -> memref<144x256xf32, #tpu.memory_space<hbm>>
    tpu.wait_dma2 semaphore(%arg16 : memref<!tpu.dma_semaphore, #tpu.memory_space<semaphore_mem>>) src(%arg11 : memref<144x256xf32, #tpu.memory_space<vmem>>) dst(%dma_wait3A_2198 : memref<144x256xf32, #tpu.memory_space<hbm>>)
    %dma_wait3A_2199 = arith.constant 0 : i32
    %dma_wait3A_2200 = tpu.memref_slice %arg6[%mul3A_2186, %dma_wait3A_2199] : memref<110592x256xf32, #tpu.memory_space<hbm>> -> memref<144x256xf32, #tpu.memory_space<hbm>>
    %dma_wait3A_2201 = arith.constant 0 : i32
    %dma_wait3A_2202 = tpu.memref_slice %arg6[%mul3A_2186, %dma_wait3A_2201] : memref<110592x256xf32, #tpu.memory_space<hbm>> -> memref<144x256xf32, #tpu.memory_space<hbm>>
    tpu.wait_dma2 semaphore(%arg16 : memref<!tpu.dma_semaphore, #tpu.memory_space<semaphore_mem>>) src(%arg12 : memref<144x256xf32, #tpu.memory_space<vmem>>) dst(%dma_wait3A_2202 : memref<144x256xf32, #tpu.memory_space<hbm>>)
    %eq3A_2203 = arith.constant 0 : i32
    %eq3A_2204 = arith.cmpi eq, %add3A, %eq3A_2203 : i32
    %convert_element_type3A = arith.extui %eq3A_2204 : i1 to i32
    %cond3A = arith.constant 0 : i32
    %cond3A_2205 = arith.cmpi ne, %convert_element_type3A, %cond3A : i32
    scf.if %cond3A_2205 {
      "tpu.region"() ({
        %run_scoped3A = tpu.sem_alloc : memref<!tpu.dma_semaphore, #tpu.memory_space<semaphore_mem>>
        tpu.enqueue_dma source(%arg3 : memref<100x16xf32, #tpu.memory_space<hbm>>) target(%arg13 : memref<100x16xf32, #tpu.memory_space<vmem>>) target_semaphore(%run_scoped3A : memref<!tpu.dma_semaphore, #tpu.memory_space<semaphore_mem>>)
        tpu.wait_dma2 semaphore(%run_scoped3A : memref<!tpu.dma_semaphore, #tpu.memory_space<semaphore_mem>>) src(%arg3 : memref<100x16xf32, #tpu.memory_space<hbm>>) dst(%arg13 : memref<100x16xf32, #tpu.memory_space<vmem>>)
        tpu.yield
      }) : () -> ()
      %add3A_2206 = arith.constant 0 : i32
      %add3A_2207 = vector.broadcast %add3A_2206 : i32 to vector<16xi32>
      %add3A_2208 = arith.addi %add3A_2207, %iota3A : vector<16xi32>
      %jit3A_2209 = arith.constant 9 : i32
      %div3A_2210 = vector.broadcast %jit3A_2209 : i32 to vector<16xi32>
      %div3A_2211 = arith.divsi %add3A_2208, %div3A_2210 : vector<16xi32>
      %sign3A_2212 = arith.constant 0 : i32
      %sign3A_2213 = vector.broadcast %sign3A_2212 : i32 to vector<16xi32>
      %sign3A_2214 = arith.cmpi sgt, %add3A_2208, %sign3A_2213 : vector<16xi32>
      %sign3A_2215 = arith.extui %sign3A_2214 : vector<16xi1> to vector<16xi32>
      %sign3A_2216 = arith.constant 0 : i32
      %sign3A_2217 = vector.broadcast %sign3A_2216 : i32 to vector<16xi32>
      %sign3A_2218 = arith.cmpi slt, %add3A_2208, %sign3A_2217 : vector<16xi32>
      %sign3A_2219 = arith.extui %sign3A_2218 : vector<16xi1> to vector<16xi32>
      %sign3A_2220 = arith.subi %sign3A_2215, %sign3A_2219 : vector<16xi32>
      %sign3A_2221 = arith.constant 0 : i32
      %sign3A_2222 = arith.cmpi sgt, %jit3A_2209, %sign3A_2221 : i32
      %sign3A_2223 = arith.extui %sign3A_2222 : i1 to i32
      %sign3A_2224 = arith.constant 0 : i32
      %sign3A_2225 = arith.cmpi slt, %jit3A_2209, %sign3A_2224 : i32
      %sign3A_2226 = arith.extui %sign3A_2225 : i1 to i32
      %sign3A_2227 = arith.subi %sign3A_2223, %sign3A_2226 : i32
      %ne3A_2228 = vector.broadcast %sign3A_2227 : i32 to vector<16xi32>
      %ne3A_2229 = arith.cmpi ne, %sign3A_2220, %ne3A_2228 : vector<16xi32>
      %rem3A_2230 = vector.broadcast %jit3A_2209 : i32 to vector<16xi32>
      %rem3A_2231 = arith.remsi %add3A_2208, %rem3A_2230 : vector<16xi32>
      %ne3A_2232 = arith.constant 0 : i32
      %ne3A_2233 = vector.broadcast %ne3A_2232 : i32 to vector<16xi32>
      %ne3A_2234 = arith.cmpi ne, %rem3A_2231, %ne3A_2233 : vector<16xi32>
      %and3A_2235 = arith.andi %ne3A_2229, %ne3A_2234 : vector<16xi1>
      %sub3A_2236 = arith.constant 1 : i32
      %sub3A_2237 = vector.broadcast %sub3A_2236 : i32 to vector<16xi32>
      %sub3A_2238 = arith.subi %div3A_2211, %sub3A_2237 : vector<16xi32>
      %select_n3A_2239 = arith.select %and3A_2235, %sub3A_2238, %div3A_2211 : vector<16xi1>, vector<16xi32>
      %mul3A_2240 = arith.constant 9 : i32
      %mul3A_2241 = vector.broadcast %mul3A_2240 : i32 to vector<16xi32>
      %mul3A_2242 = arith.muli %select_n3A_2239, %mul3A_2241 : vector<16xi32>
      %sub3A_2243 = arith.subi %add3A_2208, %mul3A_2242 : vector<16xi32>
      %mul3A_2244 = arith.constant 3 : i32
      %mul3A_2245 = vector.broadcast %mul3A_2244 : i32 to vector<16xi32>
      %mul3A_2246 = arith.muli %select_n3A_2239, %mul3A_2245 : vector<16xi32>
      %jit3A_2247 = arith.constant 3 : i32
      %div3A_2248 = vector.broadcast %jit3A_2247 : i32 to vector<16xi32>
      %div3A_2249 = arith.divsi %sub3A_2243, %div3A_2248 : vector<16xi32>
      %sign3A_2250 = arith.constant 0 : i32
      %sign3A_2251 = vector.broadcast %sign3A_2250 : i32 to vector<16xi32>
      %sign3A_2252 = arith.cmpi sgt, %sub3A_2243, %sign3A_2251 : vector<16xi32>
      %sign3A_2253 = arith.extui %sign3A_2252 : vector<16xi1> to vector<16xi32>
      %sign3A_2254 = arith.constant 0 : i32
      %sign3A_2255 = vector.broadcast %sign3A_2254 : i32 to vector<16xi32>
      %sign3A_2256 = arith.cmpi slt, %sub3A_2243, %sign3A_2255 : vector<16xi32>
      %sign3A_2257 = arith.extui %sign3A_2256 : vector<16xi1> to vector<16xi32>
      %sign3A_2258 = arith.subi %sign3A_2253, %sign3A_2257 : vector<16xi32>
      %sign3A_2259 = arith.constant 0 : i32
      %sign3A_2260 = arith.cmpi sgt, %jit3A_2247, %sign3A_2259 : i32
      %sign3A_2261 = arith.extui %sign3A_2260 : i1 to i32
      %sign3A_2262 = arith.constant 0 : i32
      %sign3A_2263 = arith.cmpi slt, %jit3A_2247, %sign3A_2262 : i32
      %sign3A_2264 = arith.extui %sign3A_2263 : i1 to i32
      %sign3A_2265 = arith.subi %sign3A_2261, %sign3A_2264 : i32
      %ne3A_2266 = vector.broadcast %sign3A_2265 : i32 to vector<16xi32>
      %ne3A_2267 = arith.cmpi ne, %sign3A_2258, %ne3A_2266 : vector<16xi32>
      %rem3A_2268 = vector.broadcast %jit3A_2247 : i32 to vector<16xi32>
      %rem3A_2269 = arith.remsi %sub3A_2243, %rem3A_2268 : vector<16xi32>
      %ne3A_2270 = arith.constant 0 : i32
      %ne3A_2271 = vector.broadcast %ne3A_2270 : i32 to vector<16xi32>
      %ne3A_2272 = arith.cmpi ne, %rem3A_2269, %ne3A_2271 : vector<16xi32>
      %and3A_2273 = arith.andi %ne3A_2267, %ne3A_2272 : vector<16xi1>
      %sub3A_2274 = arith.constant 1 : i32
      %sub3A_2275 = vector.broadcast %sub3A_2274 : i32 to vector<16xi32>
      %sub3A_2276 = arith.subi %div3A_2249, %sub3A_2275 : vector<16xi32>
      %select_n3A_2277 = arith.select %and3A_2273, %sub3A_2276, %div3A_2249 : vector<16xi1>, vector<16xi32>
      %add3A_2278 = arith.addi %mul3A_2246, %select_n3A_2277 : vector<16xi32>
      %min3A = arith.constant 15 : i32
      %min3A_2279 = vector.broadcast %min3A : i32 to vector<16xi32>
      %min3A_2280 = arith.minsi %add3A_2278, %min3A_2279 : vector<16xi32>
      %lt3A_2281 = arith.constant 0 : i32
      %lt3A_2282 = vector.broadcast %lt3A_2281 : i32 to vector<16xi32>
      %lt3A_2283 = arith.cmpi slt, %min3A_2280, %lt3A_2282 : vector<16xi32>
      %add3A_2284 = arith.constant 16 : i32
      %add3A_2285 = vector.broadcast %add3A_2284 : i32 to vector<16xi32>
      %add3A_2286 = arith.addi %min3A_2280, %add3A_2285 : vector<16xi32>
      %select_n3A_2287 = arith.select %lt3A_2283, %add3A_2286, %min3A_2280 : vector<16xi1>, vector<16xi32>
      %reshape3A_2288 = vector.shape_cast %select_n3A_2287 : vector<16xi32> to vector<16x1xi32>
      %gather3A_2289 = vector.shape_cast %reshape3A_2288 : vector<16x1xi32> to vector<16xi32>
      %gather3A_2290 = tpu.dynamic_gather %get3A_1[%gather3A_2289] in [0] : vector<16xi32>, vector<16xi32> -> vector<16xi32>
      %mul3A_2291 = arith.constant 3 : i32
      %mul3A_2292 = vector.broadcast %mul3A_2291 : i32 to vector<16xi32>
      %mul3A_2293 = arith.muli %select_n3A_2239, %mul3A_2292 : vector<16xi32>
      %jit3A_2294 = arith.constant 3 : i32
      %eq3A_2295 = arith.constant 0 : i32
      %eq3A_2296 = arith.cmpi eq, %jit3A_2294, %eq3A_2295 : i32
      %jit3A_2297 = arith.constant 1 : i32
      %select_n3A_2298 = arith.select %eq3A_2296, %jit3A_2297, %jit3A_2294 : i32
      %rem3A_2299 = vector.broadcast %select_n3A_2298 : i32 to vector<16xi32>
      %rem3A_2300 = arith.remsi %sub3A_2243, %rem3A_2299 : vector<16xi32>
      %ne3A_2301 = arith.constant 0 : i32
      %ne3A_2302 = vector.broadcast %ne3A_2301 : i32 to vector<16xi32>
      %ne3A_2303 = arith.cmpi ne, %rem3A_2300, %ne3A_2302 : vector<16xi32>
      %lt3A_2304 = arith.constant 0 : i32
      %lt3A_2305 = vector.broadcast %lt3A_2304 : i32 to vector<16xi32>
      %lt3A_2306 = arith.cmpi slt, %rem3A_2300, %lt3A_2305 : vector<16xi32>
      %lt3A_2307 = arith.constant 0 : i32
      %lt3A_2308 = arith.cmpi slt, %select_n3A_2298, %lt3A_2307 : i32
      %ne3A_2309 = vector.broadcast %lt3A_2308 : i1 to vector<16xi1>
      %ne3A_2310 = vector.broadcast %ne3A_2309 : vector<16xi1> to vector<16xi1>
      %ne3A_2311 = arith.xori %lt3A_2306, %ne3A_2310 : vector<16xi1>
      %and3A_2312 = arith.andi %ne3A_2311, %ne3A_2303 : vector<16xi1>
      %add3A_2313 = vector.broadcast %select_n3A_2298 : i32 to vector<16xi32>
      %add3A_2314 = arith.addi %rem3A_2300, %add3A_2313 : vector<16xi32>
      %select_n3A_2315 = arith.select %and3A_2312, %add3A_2314, %rem3A_2300 : vector<16xi1>, vector<16xi32>
      %add3A_2316 = arith.addi %mul3A_2293, %select_n3A_2315 : vector<16xi32>
      %min3A_2317 = arith.constant 15 : i32
      %min3A_2318 = vector.broadcast %min3A_2317 : i32 to vector<16xi32>
      %min3A_2319 = arith.minsi %add3A_2316, %min3A_2318 : vector<16xi32>
      %lt3A_2320 = arith.constant 0 : i32
      %lt3A_2321 = vector.broadcast %lt3A_2320 : i32 to vector<16xi32>
      %lt3A_2322 = arith.cmpi slt, %min3A_2319, %lt3A_2321 : vector<16xi32>
      %add3A_2323 = arith.constant 16 : i32
      %add3A_2324 = vector.broadcast %add3A_2323 : i32 to vector<16xi32>
      %add3A_2325 = arith.addi %min3A_2319, %add3A_2324 : vector<16xi32>
      %select_n3A_2326 = arith.select %lt3A_2322, %add3A_2325, %min3A_2319 : vector<16xi1>, vector<16xi32>
      %reshape3A_2327 = vector.shape_cast %select_n3A_2326 : vector<16xi32> to vector<16x1xi32>
      %gather3A_2328 = vector.shape_cast %reshape3A_2327 : vector<16x1xi32> to vector<16xi32>
      %gather3A_2329 = tpu.dynamic_gather %get3A_1[%gather3A_2328] in [0] : vector<16xi32>, vector<16xi32> -> vector<16xi32>
      %min3A_2330 = arith.constant 3 : i32
      %min3A_2331 = vector.broadcast %min3A_2330 : i32 to vector<16xi32>
      %min3A_2332 = arith.minsi %select_n3A_2239, %min3A_2331 : vector<16xi32>
      %mul3A_2333 = arith.constant 25 : i32
      %mul3A_2334 = vector.broadcast %mul3A_2333 : i32 to vector<16xi32>
      %mul3A_2335 = arith.muli %min3A_2332, %mul3A_2334 : vector<16xi32>
      %mul3A_2336 = arith.constant 5 : i32
      %mul3A_2337 = vector.broadcast %mul3A_2336 : i32 to vector<16xi32>
      %mul3A_2338 = arith.muli %gather3A_2290, %mul3A_2337 : vector<16xi32>
      %add3A_2339 = arith.addi %mul3A_2335, %mul3A_2338 : vector<16xi32>
      %add3A_2340 = arith.addi %add3A_2339, %gather3A_2329 : vector<16xi32>
      %min3A_2341 = arith.constant 99 : i32
      %min3A_2342 = vector.broadcast %min3A_2341 : i32 to vector<16xi32>
      %min3A_2343 = arith.minsi %add3A_2340, %min3A_2342 : vector<16xi32>
      %add3A_2344 = arith.constant 16 : i32
      %add3A_2345 = vector.broadcast %add3A_2344 : i32 to vector<16xi32>
      %add3A_2346 = arith.addi %add3A_2345, %iota3A : vector<16xi32>
      %jit3A_2347 = arith.constant 9 : i32
      %div3A_2348 = vector.broadcast %jit3A_2347 : i32 to vector<16xi32>
      %div3A_2349 = arith.divsi %add3A_2346, %div3A_2348 : vector<16xi32>
      %sign3A_2350 = arith.constant 0 : i32
      %sign3A_2351 = vector.broadcast %sign3A_2350 : i32 to vector<16xi32>
      %sign3A_2352 = arith.cmpi sgt, %add3A_2346, %sign3A_2351 : vector<16xi32>
      %sign3A_2353 = arith.extui %sign3A_2352 : vector<16xi1> to vector<16xi32>
      %sign3A_2354 = arith.constant 0 : i32
      %sign3A_2355 = vector.broadcast %sign3A_2354 : i32 to vector<16xi32>
      %sign3A_2356 = arith.cmpi slt, %add3A_2346, %sign3A_2355 : vector<16xi32>
      %sign3A_2357 = arith.extui %sign3A_2356 : vector<16xi1> to vector<16xi32>
      %sign3A_2358 = arith.subi %sign3A_2353, %sign3A_2357 : vector<16xi32>
      %sign3A_2359 = arith.constant 0 : i32
      %sign3A_2360 = arith.cmpi sgt, %jit3A_2347, %sign3A_2359 : i32
      %sign3A_2361 = arith.extui %sign3A_2360 : i1 to i32
      %sign3A_2362 = arith.constant 0 : i32
      %sign3A_2363 = arith.cmpi slt, %jit3A_2347, %sign3A_2362 : i32
      %sign3A_2364 = arith.extui %sign3A_2363 : i1 to i32
      %sign3A_2365 = arith.subi %sign3A_2361, %sign3A_2364 : i32
      %ne3A_2366 = vector.broadcast %sign3A_2365 : i32 to vector<16xi32>
      %ne3A_2367 = arith.cmpi ne, %sign3A_2358, %ne3A_2366 : vector<16xi32>
      %rem3A_2368 = vector.broadcast %jit3A_2347 : i32 to vector<16xi32>
      %rem3A_2369 = arith.remsi %add3A_2346, %rem3A_2368 : vector<16xi32>
      %ne3A_2370 = arith.constant 0 : i32
      %ne3A_2371 = vector.broadcast %ne3A_2370 : i32 to vector<16xi32>
      %ne3A_2372 = arith.cmpi ne, %rem3A_2369, %ne3A_2371 : vector<16xi32>
      %and3A_2373 = arith.andi %ne3A_2367, %ne3A_2372 : vector<16xi1>
      %sub3A_2374 = arith.constant 1 : i32
      %sub3A_2375 = vector.broadcast %sub3A_2374 : i32 to vector<16xi32>
      %sub3A_2376 = arith.subi %div3A_2349, %sub3A_2375 : vector<16xi32>
      %select_n3A_2377 = arith.select %and3A_2373, %sub3A_2376, %div3A_2349 : vector<16xi1>, vector<16xi32>
      %mul3A_2378 = arith.constant 9 : i32
      %mul3A_2379 = vector.broadcast %mul3A_2378 : i32 to vector<16xi32>
      %mul3A_2380 = arith.muli %select_n3A_2377, %mul3A_2379 : vector<16xi32>
      %sub3A_2381 = arith.subi %add3A_2346, %mul3A_2380 : vector<16xi32>
      %mul3A_2382 = arith.constant 3 : i32
      %mul3A_2383 = vector.broadcast %mul3A_2382 : i32 to vector<16xi32>
      %mul3A_2384 = arith.muli %select_n3A_2377, %mul3A_2383 : vector<16xi32>
      %jit3A_2385 = arith.constant 3 : i32
      %div3A_2386 = vector.broadcast %jit3A_2385 : i32 to vector<16xi32>
      %div3A_2387 = arith.divsi %sub3A_2381, %div3A_2386 : vector<16xi32>
      %sign3A_2388 = arith.constant 0 : i32
      %sign3A_2389 = vector.broadcast %sign3A_2388 : i32 to vector<16xi32>
      %sign3A_2390 = arith.cmpi sgt, %sub3A_2381, %sign3A_2389 : vector<16xi32>
      %sign3A_2391 = arith.extui %sign3A_2390 : vector<16xi1> to vector<16xi32>
      %sign3A_2392 = arith.constant 0 : i32
      %sign3A_2393 = vector.broadcast %sign3A_2392 : i32 to vector<16xi32>
      %sign3A_2394 = arith.cmpi slt, %sub3A_2381, %sign3A_2393 : vector<16xi32>
      %sign3A_2395 = arith.extui %sign3A_2394 : vector<16xi1> to vector<16xi32>
      %sign3A_2396 = arith.subi %sign3A_2391, %sign3A_2395 : vector<16xi32>
      %sign3A_2397 = arith.constant 0 : i32
      %sign3A_2398 = arith.cmpi sgt, %jit3A_2385, %sign3A_2397 : i32
      %sign3A_2399 = arith.extui %sign3A_2398 : i1 to i32
      %sign3A_2400 = arith.constant 0 : i32
      %sign3A_2401 = arith.cmpi slt, %jit3A_2385, %sign3A_2400 : i32
      %sign3A_2402 = arith.extui %sign3A_2401 : i1 to i32
      %sign3A_2403 = arith.subi %sign3A_2399, %sign3A_2402 : i32
      %ne3A_2404 = vector.broadcast %sign3A_2403 : i32 to vector<16xi32>
      %ne3A_2405 = arith.cmpi ne, %sign3A_2396, %ne3A_2404 : vector<16xi32>
      %rem3A_2406 = vector.broadcast %jit3A_2385 : i32 to vector<16xi32>
      %rem3A_2407 = arith.remsi %sub3A_2381, %rem3A_2406 : vector<16xi32>
      %ne3A_2408 = arith.constant 0 : i32
      %ne3A_2409 = vector.broadcast %ne3A_2408 : i32 to vector<16xi32>
      %ne3A_2410 = arith.cmpi ne, %rem3A_2407, %ne3A_2409 : vector<16xi32>
      %and3A_2411 = arith.andi %ne3A_2405, %ne3A_2410 : vector<16xi1>
      %sub3A_2412 = arith.constant 1 : i32
      %sub3A_2413 = vector.broadcast %sub3A_2412 : i32 to vector<16xi32>
      %sub3A_2414 = arith.subi %div3A_2387, %sub3A_2413 : vector<16xi32>
      %select_n3A_2415 = arith.select %and3A_2411, %sub3A_2414, %div3A_2387 : vector<16xi1>, vector<16xi32>
      %add3A_2416 = arith.addi %mul3A_2384, %select_n3A_2415 : vector<16xi32>
      %min3A_2417 = arith.constant 15 : i32
      %min3A_2418 = vector.broadcast %min3A_2417 : i32 to vector<16xi32>
      %min3A_2419 = arith.minsi %add3A_2416, %min3A_2418 : vector<16xi32>
      %lt3A_2420 = arith.constant 0 : i32
      %lt3A_2421 = vector.broadcast %lt3A_2420 : i32 to vector<16xi32>
      %lt3A_2422 = arith.cmpi slt, %min3A_2419, %lt3A_2421 : vector<16xi32>
      %add3A_2423 = arith.constant 16 : i32
      %add3A_2424 = vector.broadcast %add3A_2423 : i32 to vector<16xi32>
      %add3A_2425 = arith.addi %min3A_2419, %add3A_2424 : vector<16xi32>
      %select_n3A_2426 = arith.select %lt3A_2422, %add3A_2425, %min3A_2419 : vector<16xi1>, vector<16xi32>
      %reshape3A_2427 = vector.shape_cast %select_n3A_2426 : vector<16xi32> to vector<16x1xi32>
      %gather3A_2428 = vector.shape_cast %reshape3A_2427 : vector<16x1xi32> to vector<16xi32>
      %gather3A_2429 = tpu.dynamic_gather %get3A_1[%gather3A_2428] in [0] : vector<16xi32>, vector<16xi32> -> vector<16xi32>
      %mul3A_2430 = arith.constant 3 : i32
      %mul3A_2431 = vector.broadcast %mul3A_2430 : i32 to vector<16xi32>
      %mul3A_2432 = arith.muli %select_n3A_2377, %mul3A_2431 : vector<16xi32>
      %jit3A_2433 = arith.constant 3 : i32
      %eq3A_2434 = arith.constant 0 : i32
      %eq3A_2435 = arith.cmpi eq, %jit3A_2433, %eq3A_2434 : i32
      %jit3A_2436 = arith.constant 1 : i32
      %select_n3A_2437 = arith.select %eq3A_2435, %jit3A_2436, %jit3A_2433 : i32
      %rem3A_2438 = vector.broadcast %select_n3A_2437 : i32 to vector<16xi32>
      %rem3A_2439 = arith.remsi %sub3A_2381, %rem3A_2438 : vector<16xi32>
      %ne3A_2440 = arith.constant 0 : i32
      %ne3A_2441 = vector.broadcast %ne3A_2440 : i32 to vector<16xi32>
      %ne3A_2442 = arith.cmpi ne, %rem3A_2439, %ne3A_2441 : vector<16xi32>
      %lt3A_2443 = arith.constant 0 : i32
      %lt3A_2444 = vector.broadcast %lt3A_2443 : i32 to vector<16xi32>
      %lt3A_2445 = arith.cmpi slt, %rem3A_2439, %lt3A_2444 : vector<16xi32>
      %lt3A_2446 = arith.constant 0 : i32
      %lt3A_2447 = arith.cmpi slt, %select_n3A_2437, %lt3A_2446 : i32
      %ne3A_2448 = vector.broadcast %lt3A_2447 : i1 to vector<16xi1>
      %ne3A_2449 = vector.broadcast %ne3A_2448 : vector<16xi1> to vector<16xi1>
      %ne3A_2450 = arith.xori %lt3A_2445, %ne3A_2449 : vector<16xi1>
      %and3A_2451 = arith.andi %ne3A_2450, %ne3A_2442 : vector<16xi1>
      %add3A_2452 = vector.broadcast %select_n3A_2437 : i32 to vector<16xi32>
      %add3A_2453 = arith.addi %rem3A_2439, %add3A_2452 : vector<16xi32>
      %select_n3A_2454 = arith.select %and3A_2451, %add3A_2453, %rem3A_2439 : vector<16xi1>, vector<16xi32>
      %add3A_2455 = arith.addi %mul3A_2432, %select_n3A_2454 : vector<16xi32>
      %min3A_2456 = arith.constant 15 : i32
      %min3A_2457 = vector.broadcast %min3A_2456 : i32 to vector<16xi32>
      %min3A_2458 = arith.minsi %add3A_2455, %min3A_2457 : vector<16xi32>
      %lt3A_2459 = arith.constant 0 : i32
      %lt3A_2460 = vector.broadcast %lt3A_2459 : i32 to vector<16xi32>
      %lt3A_2461 = arith.cmpi slt, %min3A_2458, %lt3A_2460 : vector<16xi32>
      %add3A_2462 = arith.constant 16 : i32
      %add3A_2463 = vector.broadcast %add3A_2462 : i32 to vector<16xi32>
      %add3A_2464 = arith.addi %min3A_2458, %add3A_2463 : vector<16xi32>
      %select_n3A_2465 = arith.select %lt3A_2461, %add3A_2464, %min3A_2458 : vector<16xi1>, vector<16xi32>
      %reshape3A_2466 = vector.shape_cast %select_n3A_2465 : vector<16xi32> to vector<16x1xi32>
      %gather3A_2467 = vector.shape_cast %reshape3A_2466 : vector<16x1xi32> to vector<16xi32>
      %gather3A_2468 = tpu.dynamic_gather %get3A_1[%gather3A_2467] in [0] : vector<16xi32>, vector<16xi32> -> vector<16xi32>
      %min3A_2469 = arith.constant 3 : i32
      %min3A_2470 = vector.broadcast %min3A_2469 : i32 to vector<16xi32>
      %min3A_2471 = arith.minsi %select_n3A_2377, %min3A_2470 : vector<16xi32>
      %mul3A_2472 = arith.constant 25 : i32
      %mul3A_2473 = vector.broadcast %mul3A_2472 : i32 to vector<16xi32>
      %mul3A_2474 = arith.muli %min3A_2471, %mul3A_2473 : vector<16xi32>
      %mul3A_2475 = arith.constant 5 : i32
      %mul3A_2476 = vector.broadcast %mul3A_2475 : i32 to vector<16xi32>
      %mul3A_2477 = arith.muli %gather3A_2429, %mul3A_2476 : vector<16xi32>
      %add3A_2478 = arith.addi %mul3A_2474, %mul3A_2477 : vector<16xi32>
      %add3A_2479 = arith.addi %add3A_2478, %gather3A_2468 : vector<16xi32>
      %min3A_2480 = arith.constant 99 : i32
      %min3A_2481 = vector.broadcast %min3A_2480 : i32 to vector<16xi32>
      %min3A_2482 = arith.minsi %add3A_2479, %min3A_2481 : vector<16xi32>
      %add3A_2483 = arith.constant 32 : i32
      %add3A_2484 = vector.broadcast %add3A_2483 : i32 to vector<16xi32>
      %add3A_2485 = arith.addi %add3A_2484, %iota3A : vector<16xi32>
      %jit3A_2486 = arith.constant 9 : i32
      %div3A_2487 = vector.broadcast %jit3A_2486 : i32 to vector<16xi32>
      %div3A_2488 = arith.divsi %add3A_2485, %div3A_2487 : vector<16xi32>
      %sign3A_2489 = arith.constant 0 : i32
      %sign3A_2490 = vector.broadcast %sign3A_2489 : i32 to vector<16xi32>
      %sign3A_2491 = arith.cmpi sgt, %add3A_2485, %sign3A_2490 : vector<16xi32>
      %sign3A_2492 = arith.extui %sign3A_2491 : vector<16xi1> to vector<16xi32>
      %sign3A_2493 = arith.constant 0 : i32
      %sign3A_2494 = vector.broadcast %sign3A_2493 : i32 to vector<16xi32>
      %sign3A_2495 = arith.cmpi slt, %add3A_2485, %sign3A_2494 : vector<16xi32>
      %sign3A_2496 = arith.extui %sign3A_2495 : vector<16xi1> to vector<16xi32>
      %sign3A_2497 = arith.subi %sign3A_2492, %sign3A_2496 : vector<16xi32>
      %sign3A_2498 = arith.constant 0 : i32
      %sign3A_2499 = arith.cmpi sgt, %jit3A_2486, %sign3A_2498 : i32
      %sign3A_2500 = arith.extui %sign3A_2499 : i1 to i32
      %sign3A_2501 = arith.constant 0 : i32
      %sign3A_2502 = arith.cmpi slt, %jit3A_2486, %sign3A_2501 : i32
      %sign3A_2503 = arith.extui %sign3A_2502 : i1 to i32
      %sign3A_2504 = arith.subi %sign3A_2500, %sign3A_2503 : i32
      %ne3A_2505 = vector.broadcast %sign3A_2504 : i32 to vector<16xi32>
      %ne3A_2506 = arith.cmpi ne, %sign3A_2497, %ne3A_2505 : vector<16xi32>
      %rem3A_2507 = vector.broadcast %jit3A_2486 : i32 to vector<16xi32>
      %rem3A_2508 = arith.remsi %add3A_2485, %rem3A_2507 : vector<16xi32>
      %ne3A_2509 = arith.constant 0 : i32
      %ne3A_2510 = vector.broadcast %ne3A_2509 : i32 to vector<16xi32>
      %ne3A_2511 = arith.cmpi ne, %rem3A_2508, %ne3A_2510 : vector<16xi32>
      %and3A_2512 = arith.andi %ne3A_2506, %ne3A_2511 : vector<16xi1>
      %sub3A_2513 = arith.constant 1 : i32
      %sub3A_2514 = vector.broadcast %sub3A_2513 : i32 to vector<16xi32>
      %sub3A_2515 = arith.subi %div3A_2488, %sub3A_2514 : vector<16xi32>
      %select_n3A_2516 = arith.select %and3A_2512, %sub3A_2515, %div3A_2488 : vector<16xi1>, vector<16xi32>
      %mul3A_2517 = arith.constant 9 : i32
      %mul3A_2518 = vector.broadcast %mul3A_2517 : i32 to vector<16xi32>
      %mul3A_2519 = arith.muli %select_n3A_2516, %mul3A_2518 : vector<16xi32>
      %sub3A_2520 = arith.subi %add3A_2485, %mul3A_2519 : vector<16xi32>
      %mul3A_2521 = arith.constant 3 : i32
      %mul3A_2522 = vector.broadcast %mul3A_2521 : i32 to vector<16xi32>
      %mul3A_2523 = arith.muli %select_n3A_2516, %mul3A_2522 : vector<16xi32>
      %jit3A_2524 = arith.constant 3 : i32
      %div3A_2525 = vector.broadcast %jit3A_2524 : i32 to vector<16xi32>
      %div3A_2526 = arith.divsi %sub3A_2520, %div3A_2525 : vector<16xi32>
      %sign3A_2527 = arith.constant 0 : i32
      %sign3A_2528 = vector.broadcast %sign3A_2527 : i32 to vector<16xi32>
      %sign3A_2529 = arith.cmpi sgt, %sub3A_2520, %sign3A_2528 : vector<16xi32>
      %sign3A_2530 = arith.extui %sign3A_2529 : vector<16xi1> to vector<16xi32>
      %sign3A_2531 = arith.constant 0 : i32
      %sign3A_2532 = vector.broadcast %sign3A_2531 : i32 to vector<16xi32>
      %sign3A_2533 = arith.cmpi slt, %sub3A_2520, %sign3A_2532 : vector<16xi32>
      %sign3A_2534 = arith.extui %sign3A_2533 : vector<16xi1> to vector<16xi32>
      %sign3A_2535 = arith.subi %sign3A_2530, %sign3A_2534 : vector<16xi32>
      %sign3A_2536 = arith.constant 0 : i32
      %sign3A_2537 = arith.cmpi sgt, %jit3A_2524, %sign3A_2536 : i32
      %sign3A_2538 = arith.extui %sign3A_2537 : i1 to i32
      %sign3A_2539 = arith.constant 0 : i32
      %sign3A_2540 = arith.cmpi slt, %jit3A_2524, %sign3A_2539 : i32
      %sign3A_2541 = arith.extui %sign3A_2540 : i1 to i32
      %sign3A_2542 = arith.subi %sign3A_2538, %sign3A_2541 : i32
      %ne3A_2543 = vector.broadcast %sign3A_2542 : i32 to vector<16xi32>
      %ne3A_2544 = arith.cmpi ne, %sign3A_2535, %ne3A_2543 : vector<16xi32>
      %rem3A_2545 = vector.broadcast %jit3A_2524 : i32 to vector<16xi32>
      %rem3A_2546 = arith.remsi %sub3A_2520, %rem3A_2545 : vector<16xi32>
      %ne3A_2547 = arith.constant 0 : i32
      %ne3A_2548 = vector.broadcast %ne3A_2547 : i32 to vector<16xi32>
      %ne3A_2549 = arith.cmpi ne, %rem3A_2546, %ne3A_2548 : vector<16xi32>
      %and3A_2550 = arith.andi %ne3A_2544, %ne3A_2549 : vector<16xi1>
      %sub3A_2551 = arith.constant 1 : i32
      %sub3A_2552 = vector.broadcast %sub3A_2551 : i32 to vector<16xi32>
      %sub3A_2553 = arith.subi %div3A_2526, %sub3A_2552 : vector<16xi32>
      %select_n3A_2554 = arith.select %and3A_2550, %sub3A_2553, %div3A_2526 : vector<16xi1>, vector<16xi32>
      %add3A_2555 = arith.addi %mul3A_2523, %select_n3A_2554 : vector<16xi32>
      %min3A_2556 = arith.constant 15 : i32
      %min3A_2557 = vector.broadcast %min3A_2556 : i32 to vector<16xi32>
      %min3A_2558 = arith.minsi %add3A_2555, %min3A_2557 : vector<16xi32>
      %lt3A_2559 = arith.constant 0 : i32
      %lt3A_2560 = vector.broadcast %lt3A_2559 : i32 to vector<16xi32>
      %lt3A_2561 = arith.cmpi slt, %min3A_2558, %lt3A_2560 : vector<16xi32>
      %add3A_2562 = arith.constant 16 : i32
      %add3A_2563 = vector.broadcast %add3A_2562 : i32 to vector<16xi32>
      %add3A_2564 = arith.addi %min3A_2558, %add3A_2563 : vector<16xi32>
      %select_n3A_2565 = arith.select %lt3A_2561, %add3A_2564, %min3A_2558 : vector<16xi1>, vector<16xi32>
      %reshape3A_2566 = vector.shape_cast %select_n3A_2565 : vector<16xi32> to vector<16x1xi32>
      %gather3A_2567 = vector.shape_cast %reshape3A_2566 : vector<16x1xi32> to vector<16xi32>
      %gather3A_2568 = tpu.dynamic_gather %get3A_1[%gather3A_2567] in [0] : vector<16xi32>, vector<16xi32> -> vector<16xi32>
      %mul3A_2569 = arith.constant 3 : i32
      %mul3A_2570 = vector.broadcast %mul3A_2569 : i32 to vector<16xi32>
      %mul3A_2571 = arith.muli %select_n3A_2516, %mul3A_2570 : vector<16xi32>
      %jit3A_2572 = arith.constant 3 : i32
      %eq3A_2573 = arith.constant 0 : i32
      %eq3A_2574 = arith.cmpi eq, %jit3A_2572, %eq3A_2573 : i32
      %jit3A_2575 = arith.constant 1 : i32
      %select_n3A_2576 = arith.select %eq3A_2574, %jit3A_2575, %jit3A_2572 : i32
      %rem3A_2577 = vector.broadcast %select_n3A_2576 : i32 to vector<16xi32>
      %rem3A_2578 = arith.remsi %sub3A_2520, %rem3A_2577 : vector<16xi32>
      %ne3A_2579 = arith.constant 0 : i32
      %ne3A_2580 = vector.broadcast %ne3A_2579 : i32 to vector<16xi32>
      %ne3A_2581 = arith.cmpi ne, %rem3A_2578, %ne3A_2580 : vector<16xi32>
      %lt3A_2582 = arith.constant 0 : i32
      %lt3A_2583 = vector.broadcast %lt3A_2582 : i32 to vector<16xi32>
      %lt3A_2584 = arith.cmpi slt, %rem3A_2578, %lt3A_2583 : vector<16xi32>
      %lt3A_2585 = arith.constant 0 : i32
      %lt3A_2586 = arith.cmpi slt, %select_n3A_2576, %lt3A_2585 : i32
      %ne3A_2587 = vector.broadcast %lt3A_2586 : i1 to vector<16xi1>
      %ne3A_2588 = vector.broadcast %ne3A_2587 : vector<16xi1> to vector<16xi1>
      %ne3A_2589 = arith.xori %lt3A_2584, %ne3A_2588 : vector<16xi1>
      %and3A_2590 = arith.andi %ne3A_2589, %ne3A_2581 : vector<16xi1>
      %add3A_2591 = vector.broadcast %select_n3A_2576 : i32 to vector<16xi32>
      %add3A_2592 = arith.addi %rem3A_2578, %add3A_2591 : vector<16xi32>
      %select_n3A_2593 = arith.select %and3A_2590, %add3A_2592, %rem3A_2578 : vector<16xi1>, vector<16xi32>
      %add3A_2594 = arith.addi %mul3A_2571, %select_n3A_2593 : vector<16xi32>
      %min3A_2595 = arith.constant 15 : i32
      %min3A_2596 = vector.broadcast %min3A_2595 : i32 to vector<16xi32>
      %min3A_2597 = arith.minsi %add3A_2594, %min3A_2596 : vector<16xi32>
      %lt3A_2598 = arith.constant 0 : i32
      %lt3A_2599 = vector.broadcast %lt3A_2598 : i32 to vector<16xi32>
      %lt3A_2600 = arith.cmpi slt, %min3A_2597, %lt3A_2599 : vector<16xi32>
      %add3A_2601 = arith.constant 16 : i32
      %add3A_2602 = vector.broadcast %add3A_2601 : i32 to vector<16xi32>
      %add3A_2603 = arith.addi %min3A_2597, %add3A_2602 : vector<16xi32>
      %select_n3A_2604 = arith.select %lt3A_2600, %add3A_2603, %min3A_2597 : vector<16xi1>, vector<16xi32>
      %reshape3A_2605 = vector.shape_cast %select_n3A_2604 : vector<16xi32> to vector<16x1xi32>
      %gather3A_2606 = vector.shape_cast %reshape3A_2605 : vector<16x1xi32> to vector<16xi32>
      %gather3A_2607 = tpu.dynamic_gather %get3A_1[%gather3A_2606] in [0] : vector<16xi32>, vector<16xi32> -> vector<16xi32>
      %min3A_2608 = arith.constant 3 : i32
      %min3A_2609 = vector.broadcast %min3A_2608 : i32 to vector<16xi32>
      %min3A_2610 = arith.minsi %select_n3A_2516, %min3A_2609 : vector<16xi32>
      %mul3A_2611 = arith.constant 25 : i32
      %mul3A_2612 = vector.broadcast %mul3A_2611 : i32 to vector<16xi32>
      %mul3A_2613 = arith.muli %min3A_2610, %mul3A_2612 : vector<16xi32>
      %mul3A_2614 = arith.constant 5 : i32
      %mul3A_2615 = vector.broadcast %mul3A_2614 : i32 to vector<16xi32>
      %mul3A_2616 = arith.muli %gather3A_2568, %mul3A_2615 : vector<16xi32>
      %add3A_2617 = arith.addi %mul3A_2613, %mul3A_2616 : vector<16xi32>
      %add3A_2618 = arith.addi %add3A_2617, %gather3A_2607 : vector<16xi32>
      %min3A_2619 = arith.constant 99 : i32
      %min3A_2620 = vector.broadcast %min3A_2619 : i32 to vector<16xi32>
      %min3A_2621 = arith.minsi %add3A_2618, %min3A_2620 : vector<16xi32>
      %broadcast_in_dim3A_2622 = arith.constant 0 : i32
      %broadcast_in_dim3A_2623 = vector.broadcast %broadcast_in_dim3A_2622 : i32 to vector<16xi32>
      %lt3A_2624 = arith.constant 0 : i32
      %lt3A_2625 = vector.broadcast %lt3A_2624 : i32 to vector<16xi32>
      %lt3A_2626 = arith.cmpi slt, %broadcast_in_dim3A_2623, %lt3A_2625 : vector<16xi32>
      %add3A_2627 = arith.constant 16 : i32
      %add3A_2628 = vector.broadcast %add3A_2627 : i32 to vector<16xi32>
      %add3A_2629 = arith.addi %broadcast_in_dim3A_2623, %add3A_2628 : vector<16xi32>
      %select_n3A_2630 = arith.select %lt3A_2626, %add3A_2629, %broadcast_in_dim3A_2623 : vector<16xi1>, vector<16xi32>
      %reshape3A_2631 = vector.shape_cast %select_n3A_2630 : vector<16xi32> to vector<16x1xi32>
      %gather3A_2632 = vector.shape_cast %reshape3A_2631 : vector<16x1xi32> to vector<16xi32>
      %gather3A_2633 = tpu.dynamic_gather %min3A_2343[%gather3A_2632] in [0] : vector<16xi32>, vector<16xi32> -> vector<16xi32>
      %gather3A_2634 = tpu.vector_load_idx %arg13[%gather3A_2633, %iota3A] : memref<100x16xf32, #tpu.memory_space<vmem>>[vector<16xi32>, vector<16xi32>], vector<16xf32>,
      %swap3A = arith.constant 0 : i32
      %swap3A_2635 = arith.index_cast %swap3A : i32 to index
      %swap3A_2636 = arith.constant 0 : index
      %swap3A_2637 = tpu.vector_load %arg14[%swap3A_2635, %swap3A_2636] {strides = array<i32>} : memref<36x16xf32, #tpu.memory_space<vmem>>, vector<16xf32>,
      tpu.vector_store %arg14[%swap3A_2635, %swap3A_2636], %gather3A_2634 {strides = array<i32>} : memref<36x16xf32, #tpu.memory_space<vmem>>, vector<16xf32>,
      %broadcast_in_dim3A_2638 = arith.constant 1 : i32
      %broadcast_in_dim3A_2639 = vector.broadcast %broadcast_in_dim3A_2638 : i32 to vector<16xi32>
      %lt3A_2640 = arith.constant 0 : i32
      %lt3A_2641 = vector.broadcast %lt3A_2640 : i32 to vector<16xi32>
      %lt3A_2642 = arith.cmpi slt, %broadcast_in_dim3A_2639, %lt3A_2641 : vector<16xi32>
      %add3A_2643 = arith.constant 16 : i32
      %add3A_2644 = vector.broadcast %add3A_2643 : i32 to vector<16xi32>
      %add3A_2645 = arith.addi %broadcast_in_dim3A_2639, %add3A_2644 : vector<16xi32>
      %select_n3A_2646 = arith.select %lt3A_2642, %add3A_2645, %broadcast_in_dim3A_2639 : vector<16xi1>, vector<16xi32>
      %reshape3A_2647 = vector.shape_cast %select_n3A_2646 : vector<16xi32> to vector<16x1xi32>
      %gather3A_2648 = vector.shape_cast %reshape3A_2647 : vector<16x1xi32> to vector<16xi32>
      %gather3A_2649 = tpu.dynamic_gather %min3A_2343[%gather3A_2648] in [0] : vector<16xi32>, vector<16xi32> -> vector<16xi32>
      %gather3A_2650 = tpu.vector_load_idx %arg13[%gather3A_2649, %iota3A] : memref<100x16xf32, #tpu.memory_space<vmem>>[vector<16xi32>, vector<16xi32>], vector<16xf32>,
      %swap3A_2651 = arith.constant 1 : i32
      %swap3A_2652 = arith.index_cast %swap3A_2651 : i32 to index
      %swap3A_2653 = arith.constant 0 : index
      %swap3A_2654 = tpu.vector_load %arg14[%swap3A_2652, %swap3A_2653] {strides = array<i32>} : memref<36x16xf32, #tpu.memory_space<vmem>>, vector<16xf32>,
      tpu.vector_store %arg14[%swap3A_2652, %swap3A_2653], %gather3A_2650 {strides = array<i32>} : memref<36x16xf32, #tpu.memory_space<vmem>>, vector<16xf32>,
      %broadcast_in_dim3A_2655 = arith.constant 2 : i32
      %broadcast_in_dim3A_2656 = vector.broadcast %broadcast_in_dim3A_2655 : i32 to vector<16xi32>
      %lt3A_2657 = arith.constant 0 : i32
      %lt3A_2658 = vector.broadcast %lt3A_2657 : i32 to vector<16xi32>
      %lt3A_2659 = arith.cmpi slt, %broadcast_in_dim3A_2656, %lt3A_2658 : vector<16xi32>
      %add3A_2660 = arith.constant 16 : i32
      %add3A_2661 = vector.broadcast %add3A_2660 : i32 to vector<16xi32>
      %add3A_2662 = arith.addi %broadcast_in_dim3A_2656, %add3A_2661 : vector<16xi32>
      %select_n3A_2663 = arith.select %lt3A_2659, %add3A_2662, %broadcast_in_dim3A_2656 : vector<16xi1>, vector<16xi32>
      %reshape3A_2664 = vector.shape_cast %select_n3A_2663 : vector<16xi32> to vector<16x1xi32>
      %gather3A_2665 = vector.shape_cast %reshape3A_2664 : vector<16x1xi32> to vector<16xi32>
      %gather3A_2666 = tpu.dynamic_gather %min3A_2343[%gather3A_2665] in [0] : vector<16xi32>, vector<16xi32> -> vector<16xi32>
      %gather3A_2667 = tpu.vector_load_idx %arg13[%gather3A_2666, %iota3A] : memref<100x16xf32, #tpu.memory_space<vmem>>[vector<16xi32>, vector<16xi32>], vector<16xf32>,
      %swap3A_2668 = arith.constant 2 : i32
      %swap3A_2669 = arith.index_cast %swap3A_2668 : i32 to index
      %swap3A_2670 = arith.constant 0 : index
      %swap3A_2671 = tpu.vector_load %arg14[%swap3A_2669, %swap3A_2670] {strides = array<i32>} : memref<36x16xf32, #tpu.memory_space<vmem>>, vector<16xf32>,
      tpu.vector_store %arg14[%swap3A_2669, %swap3A_2670], %gather3A_2667 {strides = array<i32>} : memref<36x16xf32, #tpu.memory_space<vmem>>, vector<16xf32>,
      %broadcast_in_dim3A_2672 = arith.constant 3 : i32
      %broadcast_in_dim3A_2673 = vector.broadcast %broadcast_in_dim3A_2672 : i32 to vector<16xi32>
      %lt3A_2674 = arith.constant 0 : i32
      %lt3A_2675 = vector.broadcast %lt3A_2674 : i32 to vector<16xi32>
      %lt3A_2676 = arith.cmpi slt, %broadcast_in_dim3A_2673, %lt3A_2675 : vector<16xi32>
      %add3A_2677 = arith.constant 16 : i32
      %add3A_2678 = vector.broadcast %add3A_2677 : i32 to vector<16xi32>
      %add3A_2679 = arith.addi %broadcast_in_dim3A_2673, %add3A_2678 : vector<16xi32>
      %select_n3A_2680 = arith.select %lt3A_2676, %add3A_2679, %broadcast_in_dim3A_2673 : vector<16xi1>, vector<16xi32>
      %reshape3A_2681 = vector.shape_cast %select_n3A_2680 : vector<16xi32> to vector<16x1xi32>
      %gather3A_2682 = vector.shape_cast %reshape3A_2681 : vector<16x1xi32> to vector<16xi32>
      %gather3A_2683 = tpu.dynamic_gather %min3A_2343[%gather3A_2682] in [0] : vector<16xi32>, vector<16xi32> -> vector<16xi32>
      %gather3A_2684 = tpu.vector_load_idx %arg13[%gather3A_2683, %iota3A] : memref<100x16xf32, #tpu.memory_space<vmem>>[vector<16xi32>, vector<16xi32>], vector<16xf32>,
      %swap3A_2685 = arith.constant 3 : i32
      %swap3A_2686 = arith.index_cast %swap3A_2685 : i32 to index
      %swap3A_2687 = arith.constant 0 : index
      %swap3A_2688 = tpu.vector_load %arg14[%swap3A_2686, %swap3A_2687] {strides = array<i32>} : memref<36x16xf32, #tpu.memory_space<vmem>>, vector<16xf32>,
      tpu.vector_store %arg14[%swap3A_2686, %swap3A_2687], %gather3A_2684 {strides = array<i32>} : memref<36x16xf32, #tpu.memory_space<vmem>>, vector<16xf32>,
      %broadcast_in_dim3A_2689 = arith.constant 4 : i32
      %broadcast_in_dim3A_2690 = vector.broadcast %broadcast_in_dim3A_2689 : i32 to vector<16xi32>
      %lt3A_2691 = arith.constant 0 : i32
      %lt3A_2692 = vector.broadcast %lt3A_2691 : i32 to vector<16xi32>
      %lt3A_2693 = arith.cmpi slt, %broadcast_in_dim3A_2690, %lt3A_2692 : vector<16xi32>
      %add3A_2694 = arith.constant 16 : i32
      %add3A_2695 = vector.broadcast %add3A_2694 : i32 to vector<16xi32>
      %add3A_2696 = arith.addi %broadcast_in_dim3A_2690, %add3A_2695 : vector<16xi32>
      %select_n3A_2697 = arith.select %lt3A_2693, %add3A_2696, %broadcast_in_dim3A_2690 : vector<16xi1>, vector<16xi32>
      %reshape3A_2698 = vector.shape_cast %select_n3A_2697 : vector<16xi32> to vector<16x1xi32>
      %gather3A_2699 = vector.shape_cast %reshape3A_2698 : vector<16x1xi32> to vector<16xi32>
      %gather3A_2700 = tpu.dynamic_gather %min3A_2343[%gather3A_2699] in [0] : vector<16xi32>, vector<16xi32> -> vector<16xi32>
      %gather3A_2701 = tpu.vector_load_idx %arg13[%gather3A_2700, %iota3A] : memref<100x16xf32, #tpu.memory_space<vmem>>[vector<16xi32>, vector<16xi32>], vector<16xf32>,
      %swap3A_2702 = arith.constant 4 : i32
      %swap3A_2703 = arith.index_cast %swap3A_2702 : i32 to index
      %swap3A_2704 = arith.constant 0 : index
      %swap3A_2705 = tpu.vector_load %arg14[%swap3A_2703, %swap3A_2704] {strides = array<i32>} : memref<36x16xf32, #tpu.memory_space<vmem>>, vector<16xf32>,
      tpu.vector_store %arg14[%swap3A_2703, %swap3A_2704], %gather3A_2701 {strides = array<i32>} : memref<36x16xf32, #tpu.memory_space<vmem>>, vector<16xf32>,
      %broadcast_in_dim3A_2706 = arith.constant 5 : i32
      %broadcast_in_dim3A_2707 = vector.broadcast %broadcast_in_dim3A_2706 : i32 to vector<16xi32>
      %lt3A_2708 = arith.constant 0 : i32
      %lt3A_2709 = vector.broadcast %lt3A_2708 : i32 to vector<16xi32>
      %lt3A_2710 = arith.cmpi slt, %broadcast_in_dim3A_2707, %lt3A_2709 : vector<16xi32>
      %add3A_2711 = arith.constant 16 : i32
      %add3A_2712 = vector.broadcast %add3A_2711 : i32 to vector<16xi32>
      %add3A_2713 = arith.addi %broadcast_in_dim3A_2707, %add3A_2712 : vector<16xi32>
      %select_n3A_2714 = arith.select %lt3A_2710, %add3A_2713, %broadcast_in_dim3A_2707 : vector<16xi1>, vector<16xi32>
      %reshape3A_2715 = vector.shape_cast %select_n3A_2714 : vector<16xi32> to vector<16x1xi32>
      %gather3A_2716 = vector.shape_cast %reshape3A_2715 : vector<16x1xi32> to vector<16xi32>
      %gather3A_2717 = tpu.dynamic_gather %min3A_2343[%gather3A_2716] in [0] : vector<16xi32>, vector<16xi32> -> vector<16xi32>
      %gather3A_2718 = tpu.vector_load_idx %arg13[%gather3A_2717, %iota3A] : memref<100x16xf32, #tpu.memory_space<vmem>>[vector<16xi32>, vector<16xi32>], vector<16xf32>,
      %swap3A_2719 = arith.constant 5 : i32
      %swap3A_2720 = arith.index_cast %swap3A_2719 : i32 to index
      %swap3A_2721 = arith.constant 0 : index
      %swap3A_2722 = tpu.vector_load %arg14[%swap3A_2720, %swap3A_2721] {strides = array<i32>} : memref<36x16xf32, #tpu.memory_space<vmem>>, vector<16xf32>,
      tpu.vector_store %arg14[%swap3A_2720, %swap3A_2721], %gather3A_2718 {strides = array<i32>} : memref<36x16xf32, #tpu.memory_space<vmem>>, vector<16xf32>,
      %broadcast_in_dim3A_2723 = arith.constant 6 : i32
      %broadcast_in_dim3A_2724 = vector.broadcast %broadcast_in_dim3A_2723 : i32 to vector<16xi32>
      %lt3A_2725 = arith.constant 0 : i32
      %lt3A_2726 = vector.broadcast %lt3A_2725 : i32 to vector<16xi32>
      %lt3A_2727 = arith.cmpi slt, %broadcast_in_dim3A_2724, %lt3A_2726 : vector<16xi32>
      %add3A_2728 = arith.constant 16 : i32
      %add3A_2729 = vector.broadcast %add3A_2728 : i32 to vector<16xi32>
      %add3A_2730 = arith.addi %broadcast_in_dim3A_2724, %add3A_2729 : vector<16xi32>
      %select_n3A_2731 = arith.select %lt3A_2727, %add3A_2730, %broadcast_in_dim3A_2724 : vector<16xi1>, vector<16xi32>
      %reshape3A_2732 = vector.shape_cast %select_n3A_2731 : vector<16xi32> to vector<16x1xi32>
      %gather3A_2733 = vector.shape_cast %reshape3A_2732 : vector<16x1xi32> to vector<16xi32>
      %gather3A_2734 = tpu.dynamic_gather %min3A_2343[%gather3A_2733] in [0] : vector<16xi32>, vector<16xi32> -> vector<16xi32>
      %gather3A_2735 = tpu.vector_load_idx %arg13[%gather3A_2734, %iota3A] : memref<100x16xf32, #tpu.memory_space<vmem>>[vector<16xi32>, vector<16xi32>], vector<16xf32>,
      %swap3A_2736 = arith.constant 6 : i32
      %swap3A_2737 = arith.index_cast %swap3A_2736 : i32 to index
      %swap3A_2738 = arith.constant 0 : index
      %swap3A_2739 = tpu.vector_load %arg14[%swap3A_2737, %swap3A_2738] {strides = array<i32>} : memref<36x16xf32, #tpu.memory_space<vmem>>, vector<16xf32>,
      tpu.vector_store %arg14[%swap3A_2737, %swap3A_2738], %gather3A_2735 {strides = array<i32>} : memref<36x16xf32, #tpu.memory_space<vmem>>, vector<16xf32>,
      %broadcast_in_dim3A_2740 = arith.constant 7 : i32
      %broadcast_in_dim3A_2741 = vector.broadcast %broadcast_in_dim3A_2740 : i32 to vector<16xi32>
      %lt3A_2742 = arith.constant 0 : i32
      %lt3A_2743 = vector.broadcast %lt3A_2742 : i32 to vector<16xi32>
      %lt3A_2744 = arith.cmpi slt, %broadcast_in_dim3A_2741, %lt3A_2743 : vector<16xi32>
      %add3A_2745 = arith.constant 16 : i32
      %add3A_2746 = vector.broadcast %add3A_2745 : i32 to vector<16xi32>
      %add3A_2747 = arith.addi %broadcast_in_dim3A_2741, %add3A_2746 : vector<16xi32>
      %select_n3A_2748 = arith.select %lt3A_2744, %add3A_2747, %broadcast_in_dim3A_2741 : vector<16xi1>, vector<16xi32>
      %reshape3A_2749 = vector.shape_cast %select_n3A_2748 : vector<16xi32> to vector<16x1xi32>
      %gather3A_2750 = vector.shape_cast %reshape3A_2749 : vector<16x1xi32> to vector<16xi32>
      %gather3A_2751 = tpu.dynamic_gather %min3A_2343[%gather3A_2750] in [0] : vector<16xi32>, vector<16xi32> -> vector<16xi32>
      %gather3A_2752 = tpu.vector_load_idx %arg13[%gather3A_2751, %iota3A] : memref<100x16xf32, #tpu.memory_space<vmem>>[vector<16xi32>, vector<16xi32>], vector<16xf32>,
      %swap3A_2753 = arith.constant 7 : i32
      %swap3A_2754 = arith.index_cast %swap3A_2753 : i32 to index
      %swap3A_2755 = arith.constant 0 : index
      %swap3A_2756 = tpu.vector_load %arg14[%swap3A_2754, %swap3A_2755] {strides = array<i32>} : memref<36x16xf32, #tpu.memory_space<vmem>>, vector<16xf32>,
      tpu.vector_store %arg14[%swap3A_2754, %swap3A_2755], %gather3A_2752 {strides = array<i32>} : memref<36x16xf32, #tpu.memory_space<vmem>>, vector<16xf32>,
      %broadcast_in_dim3A_2757 = arith.constant 8 : i32
      %broadcast_in_dim3A_2758 = vector.broadcast %broadcast_in_dim3A_2757 : i32 to vector<16xi32>
      %lt3A_2759 = arith.constant 0 : i32
      %lt3A_2760 = vector.broadcast %lt3A_2759 : i32 to vector<16xi32>
      %lt3A_2761 = arith.cmpi slt, %broadcast_in_dim3A_2758, %lt3A_2760 : vector<16xi32>
      %add3A_2762 = arith.constant 16 : i32
      %add3A_2763 = vector.broadcast %add3A_2762 : i32 to vector<16xi32>
      %add3A_2764 = arith.addi %broadcast_in_dim3A_2758, %add3A_2763 : vector<16xi32>
      %select_n3A_2765 = arith.select %lt3A_2761, %add3A_2764, %broadcast_in_dim3A_2758 : vector<16xi1>, vector<16xi32>
      %reshape3A_2766 = vector.shape_cast %select_n3A_2765 : vector<16xi32> to vector<16x1xi32>
      %gather3A_2767 = vector.shape_cast %reshape3A_2766 : vector<16x1xi32> to vector<16xi32>
      %gather3A_2768 = tpu.dynamic_gather %min3A_2343[%gather3A_2767] in [0] : vector<16xi32>, vector<16xi32> -> vector<16xi32>
      %gather3A_2769 = tpu.vector_load_idx %arg13[%gather3A_2768, %iota3A] : memref<100x16xf32, #tpu.memory_space<vmem>>[vector<16xi32>, vector<16xi32>], vector<16xf32>,
      %swap3A_2770 = arith.constant 8 : i32
      %swap3A_2771 = arith.index_cast %swap3A_2770 : i32 to index
      %swap3A_2772 = arith.constant 0 : index
      %swap3A_2773 = tpu.vector_load %arg14[%swap3A_2771, %swap3A_2772] {strides = array<i32>} : memref<36x16xf32, #tpu.memory_space<vmem>>, vector<16xf32>,
      tpu.vector_store %arg14[%swap3A_2771, %swap3A_2772], %gather3A_2769 {strides = array<i32>} : memref<36x16xf32, #tpu.memory_space<vmem>>, vector<16xf32>,
      %broadcast_in_dim3A_2774 = arith.constant 9 : i32
      %broadcast_in_dim3A_2775 = vector.broadcast %broadcast_in_dim3A_2774 : i32 to vector<16xi32>
      %lt3A_2776 = arith.constant 0 : i32
      %lt3A_2777 = vector.broadcast %lt3A_2776 : i32 to vector<16xi32>
      %lt3A_2778 = arith.cmpi slt, %broadcast_in_dim3A_2775, %lt3A_2777 : vector<16xi32>
      %add3A_2779 = arith.constant 16 : i32
      %add3A_2780 = vector.broadcast %add3A_2779 : i32 to vector<16xi32>
      %add3A_2781 = arith.addi %broadcast_in_dim3A_2775, %add3A_2780 : vector<16xi32>
      %select_n3A_2782 = arith.select %lt3A_2778, %add3A_2781, %broadcast_in_dim3A_2775 : vector<16xi1>, vector<16xi32>
      %reshape3A_2783 = vector.shape_cast %select_n3A_2782 : vector<16xi32> to vector<16x1xi32>
      %gather3A_2784 = vector.shape_cast %reshape3A_2783 : vector<16x1xi32> to vector<16xi32>
      %gather3A_2785 = tpu.dynamic_gather %min3A_2343[%gather3A_2784] in [0] : vector<16xi32>, vector<16xi32> -> vector<16xi32>
      %gather3A_2786 = tpu.vector_load_idx %arg13[%gather3A_2785, %iota3A] : memref<100x16xf32, #tpu.memory_space<vmem>>[vector<16xi32>, vector<16xi32>], vector<16xf32>,
      %swap3A_2787 = arith.constant 9 : i32
      %swap3A_2788 = arith.index_cast %swap3A_2787 : i32 to index
      %swap3A_2789 = arith.constant 0 : index
      %swap3A_2790 = tpu.vector_load %arg14[%swap3A_2788, %swap3A_2789] {strides = array<i32>} : memref<36x16xf32, #tpu.memory_space<vmem>>, vector<16xf32>,
      tpu.vector_store %arg14[%swap3A_2788, %swap3A_2789], %gather3A_2786 {strides = array<i32>} : memref<36x16xf32, #tpu.memory_space<vmem>>, vector<16xf32>,
      %broadcast_in_dim3A_2791 = arith.constant 10 : i32
      %broadcast_in_dim3A_2792 = vector.broadcast %broadcast_in_dim3A_2791 : i32 to vector<16xi32>
      %lt3A_2793 = arith.constant 0 : i32
      %lt3A_2794 = vector.broadcast %lt3A_2793 : i32 to vector<16xi32>
      %lt3A_2795 = arith.cmpi slt, %broadcast_in_dim3A_2792, %lt3A_2794 : vector<16xi32>
      %add3A_2796 = arith.constant 16 : i32
      %add3A_2797 = vector.broadcast %add3A_2796 : i32 to vector<16xi32>
      %add3A_2798 = arith.addi %broadcast_in_dim3A_2792, %add3A_2797 : vector<16xi32>
      %select_n3A_2799 = arith.select %lt3A_2795, %add3A_2798, %broadcast_in_dim3A_2792 : vector<16xi1>, vector<16xi32>
      %reshape3A_2800 = vector.shape_cast %select_n3A_2799 : vector<16xi32> to vector<16x1xi32>
      %gather3A_2801 = vector.shape_cast %reshape3A_2800 : vector<16x1xi32> to vector<16xi32>
      %gather3A_2802 = tpu.dynamic_gather %min3A_2343[%gather3A_2801] in [0] : vector<16xi32>, vector<16xi32> -> vector<16xi32>
      %gather3A_2803 = tpu.vector_load_idx %arg13[%gather3A_2802, %iota3A] : memref<100x16xf32, #tpu.memory_space<vmem>>[vector<16xi32>, vector<16xi32>], vector<16xf32>,
      %swap3A_2804 = arith.constant 10 : i32
      %swap3A_2805 = arith.index_cast %swap3A_2804 : i32 to index
      %swap3A_2806 = arith.constant 0 : index
      %swap3A_2807 = tpu.vector_load %arg14[%swap3A_2805, %swap3A_2806] {strides = array<i32>} : memref<36x16xf32, #tpu.memory_space<vmem>>, vector<16xf32>,
      tpu.vector_store %arg14[%swap3A_2805, %swap3A_2806], %gather3A_2803 {strides = array<i32>} : memref<36x16xf32, #tpu.memory_space<vmem>>, vector<16xf32>,
      %broadcast_in_dim3A_2808 = arith.constant 11 : i32
      %broadcast_in_dim3A_2809 = vector.broadcast %broadcast_in_dim3A_2808 : i32 to vector<16xi32>
      %lt3A_2810 = arith.constant 0 : i32
      %lt3A_2811 = vector.broadcast %lt3A_2810 : i32 to vector<16xi32>
      %lt3A_2812 = arith.cmpi slt, %broadcast_in_dim3A_2809, %lt3A_2811 : vector<16xi32>
      %add3A_2813 = arith.constant 16 : i32
      %add3A_2814 = vector.broadcast %add3A_2813 : i32 to vector<16xi32>
      %add3A_2815 = arith.addi %broadcast_in_dim3A_2809, %add3A_2814 : vector<16xi32>
      %select_n3A_2816 = arith.select %lt3A_2812, %add3A_2815, %broadcast_in_dim3A_2809 : vector<16xi1>, vector<16xi32>
      %reshape3A_2817 = vector.shape_cast %select_n3A_2816 : vector<16xi32> to vector<16x1xi32>
      %gather3A_2818 = vector.shape_cast %reshape3A_2817 : vector<16x1xi32> to vector<16xi32>
      %gather3A_2819 = tpu.dynamic_gather %min3A_2343[%gather3A_2818] in [0] : vector<16xi32>, vector<16xi32> -> vector<16xi32>
      %gather3A_2820 = tpu.vector_load_idx %arg13[%gather3A_2819, %iota3A] : memref<100x16xf32, #tpu.memory_space<vmem>>[vector<16xi32>, vector<16xi32>], vector<16xf32>,
      %swap3A_2821 = arith.constant 11 : i32
      %swap3A_2822 = arith.index_cast %swap3A_2821 : i32 to index
      %swap3A_2823 = arith.constant 0 : index
      %swap3A_2824 = tpu.vector_load %arg14[%swap3A_2822, %swap3A_2823] {strides = array<i32>} : memref<36x16xf32, #tpu.memory_space<vmem>>, vector<16xf32>,
      tpu.vector_store %arg14[%swap3A_2822, %swap3A_2823], %gather3A_2820 {strides = array<i32>} : memref<36x16xf32, #tpu.memory_space<vmem>>, vector<16xf32>,
      %broadcast_in_dim3A_2825 = arith.constant 12 : i32
      %broadcast_in_dim3A_2826 = vector.broadcast %broadcast_in_dim3A_2825 : i32 to vector<16xi32>
      %lt3A_2827 = arith.constant 0 : i32
      %lt3A_2828 = vector.broadcast %lt3A_2827 : i32 to vector<16xi32>
      %lt3A_2829 = arith.cmpi slt, %broadcast_in_dim3A_2826, %lt3A_2828 : vector<16xi32>
      %add3A_2830 = arith.constant 16 : i32
      %add3A_2831 = vector.broadcast %add3A_2830 : i32 to vector<16xi32>
      %add3A_2832 = arith.addi %broadcast_in_dim3A_2826, %add3A_2831 : vector<16xi32>
      %select_n3A_2833 = arith.select %lt3A_2829, %add3A_2832, %broadcast_in_dim3A_2826 : vector<16xi1>, vector<16xi32>
      %reshape3A_2834 = vector.shape_cast %select_n3A_2833 : vector<16xi32> to vector<16x1xi32>
      %gather3A_2835 = vector.shape_cast %reshape3A_2834 : vector<16x1xi32> to vector<16xi32>
      %gather3A_2836 = tpu.dynamic_gather %min3A_2343[%gather3A_2835] in [0] : vector<16xi32>, vector<16xi32> -> vector<16xi32>
      %gather3A_2837 = tpu.vector_load_idx %arg13[%gather3A_2836, %iota3A] : memref<100x16xf32, #tpu.memory_space<vmem>>[vector<16xi32>, vector<16xi32>], vector<16xf32>,
      %swap3A_2838 = arith.constant 12 : i32
      %swap3A_2839 = arith.index_cast %swap3A_2838 : i32 to index
      %swap3A_2840 = arith.constant 0 : index
      %swap3A_2841 = tpu.vector_load %arg14[%swap3A_2839, %swap3A_2840] {strides = array<i32>} : memref<36x16xf32, #tpu.memory_space<vmem>>, vector<16xf32>,
      tpu.vector_store %arg14[%swap3A_2839, %swap3A_2840], %gather3A_2837 {strides = array<i32>} : memref<36x16xf32, #tpu.memory_space<vmem>>, vector<16xf32>,
      %broadcast_in_dim3A_2842 = arith.constant 13 : i32
      %broadcast_in_dim3A_2843 = vector.broadcast %broadcast_in_dim3A_2842 : i32 to vector<16xi32>
      %lt3A_2844 = arith.constant 0 : i32
      %lt3A_2845 = vector.broadcast %lt3A_2844 : i32 to vector<16xi32>
      %lt3A_2846 = arith.cmpi slt, %broadcast_in_dim3A_2843, %lt3A_2845 : vector<16xi32>
      %add3A_2847 = arith.constant 16 : i32
      %add3A_2848 = vector.broadcast %add3A_2847 : i32 to vector<16xi32>
      %add3A_2849 = arith.addi %broadcast_in_dim3A_2843, %add3A_2848 : vector<16xi32>
      %select_n3A_2850 = arith.select %lt3A_2846, %add3A_2849, %broadcast_in_dim3A_2843 : vector<16xi1>, vector<16xi32>
      %reshape3A_2851 = vector.shape_cast %select_n3A_2850 : vector<16xi32> to vector<16x1xi32>
      %gather3A_2852 = vector.shape_cast %reshape3A_2851 : vector<16x1xi32> to vector<16xi32>
      %gather3A_2853 = tpu.dynamic_gather %min3A_2343[%gather3A_2852] in [0] : vector<16xi32>, vector<16xi32> -> vector<16xi32>
      %gather3A_2854 = tpu.vector_load_idx %arg13[%gather3A_2853, %iota3A] : memref<100x16xf32, #tpu.memory_space<vmem>>[vector<16xi32>, vector<16xi32>], vector<16xf32>,
      %swap3A_2855 = arith.constant 13 : i32
      %swap3A_2856 = arith.index_cast %swap3A_2855 : i32 to index
      %swap3A_2857 = arith.constant 0 : index
      %swap3A_2858 = tpu.vector_load %arg14[%swap3A_2856, %swap3A_2857] {strides = array<i32>} : memref<36x16xf32, #tpu.memory_space<vmem>>, vector<16xf32>,
      tpu.vector_store %arg14[%swap3A_2856, %swap3A_2857], %gather3A_2854 {strides = array<i32>} : memref<36x16xf32, #tpu.memory_space<vmem>>, vector<16xf32>,
      %broadcast_in_dim3A_2859 = arith.constant 14 : i32
      %broadcast_in_dim3A_2860 = vector.broadcast %broadcast_in_dim3A_2859 : i32 to vector<16xi32>
      %lt3A_2861 = arith.constant 0 : i32
      %lt3A_2862 = vector.broadcast %lt3A_2861 : i32 to vector<16xi32>
      %lt3A_2863 = arith.cmpi slt, %broadcast_in_dim3A_2860, %lt3A_2862 : vector<16xi32>
      %add3A_2864 = arith.constant 16 : i32
      %add3A_2865 = vector.broadcast %add3A_2864 : i32 to vector<16xi32>
      %add3A_2866 = arith.addi %broadcast_in_dim3A_2860, %add3A_2865 : vector<16xi32>
      %select_n3A_2867 = arith.select %lt3A_2863, %add3A_2866, %broadcast_in_dim3A_2860 : vector<16xi1>, vector<16xi32>
      %reshape3A_2868 = vector.shape_cast %select_n3A_2867 : vector<16xi32> to vector<16x1xi32>
      %gather3A_2869 = vector.shape_cast %reshape3A_2868 : vector<16x1xi32> to vector<16xi32>
      %gather3A_2870 = tpu.dynamic_gather %min3A_2343[%gather3A_2869] in [0] : vector<16xi32>, vector<16xi32> -> vector<16xi32>
      %gather3A_2871 = tpu.vector_load_idx %arg13[%gather3A_2870, %iota3A] : memref<100x16xf32, #tpu.memory_space<vmem>>[vector<16xi32>, vector<16xi32>], vector<16xf32>,
      %swap3A_2872 = arith.constant 14 : i32
      %swap3A_2873 = arith.index_cast %swap3A_2872 : i32 to index
      %swap3A_2874 = arith.constant 0 : index
      %swap3A_2875 = tpu.vector_load %arg14[%swap3A_2873, %swap3A_2874] {strides = array<i32>} : memref<36x16xf32, #tpu.memory_space<vmem>>, vector<16xf32>,
      tpu.vector_store %arg14[%swap3A_2873, %swap3A_2874], %gather3A_2871 {strides = array<i32>} : memref<36x16xf32, #tpu.memory_space<vmem>>, vector<16xf32>,
      %broadcast_in_dim3A_2876 = arith.constant 15 : i32
      %broadcast_in_dim3A_2877 = vector.broadcast %broadcast_in_dim3A_2876 : i32 to vector<16xi32>
      %lt3A_2878 = arith.constant 0 : i32
      %lt3A_2879 = vector.broadcast %lt3A_2878 : i32 to vector<16xi32>
      %lt3A_2880 = arith.cmpi slt, %broadcast_in_dim3A_2877, %lt3A_2879 : vector<16xi32>
      %add3A_2881 = arith.constant 16 : i32
      %add3A_2882 = vector.broadcast %add3A_2881 : i32 to vector<16xi32>
      %add3A_2883 = arith.addi %broadcast_in_dim3A_2877, %add3A_2882 : vector<16xi32>
      %select_n3A_2884 = arith.select %lt3A_2880, %add3A_2883, %broadcast_in_dim3A_2877 : vector<16xi1>, vector<16xi32>
      %reshape3A_2885 = vector.shape_cast %select_n3A_2884 : vector<16xi32> to vector<16x1xi32>
      %gather3A_2886 = vector.shape_cast %reshape3A_2885 : vector<16x1xi32> to vector<16xi32>
      %gather3A_2887 = tpu.dynamic_gather %min3A_2343[%gather3A_2886] in [0] : vector<16xi32>, vector<16xi32> -> vector<16xi32>
      %gather3A_2888 = tpu.vector_load_idx %arg13[%gather3A_2887, %iota3A] : memref<100x16xf32, #tpu.memory_space<vmem>>[vector<16xi32>, vector<16xi32>], vector<16xf32>,
      %swap3A_2889 = arith.constant 15 : i32
      %swap3A_2890 = arith.index_cast %swap3A_2889 : i32 to index
      %swap3A_2891 = arith.constant 0 : index
      %swap3A_2892 = tpu.vector_load %arg14[%swap3A_2890, %swap3A_2891] {strides = array<i32>} : memref<36x16xf32, #tpu.memory_space<vmem>>, vector<16xf32>,
      tpu.vector_store %arg14[%swap3A_2890, %swap3A_2891], %gather3A_2888 {strides = array<i32>} : memref<36x16xf32, #tpu.memory_space<vmem>>, vector<16xf32>,
      %broadcast_in_dim3A_2893 = arith.constant 0 : i32
      %broadcast_in_dim3A_2894 = vector.broadcast %broadcast_in_dim3A_2893 : i32 to vector<16xi32>
      %lt3A_2895 = arith.constant 0 : i32
      %lt3A_2896 = vector.broadcast %lt3A_2895 : i32 to vector<16xi32>
      %lt3A_2897 = arith.cmpi slt, %broadcast_in_dim3A_2894, %lt3A_2896 : vector<16xi32>
      %add3A_2898 = arith.constant 16 : i32
      %add3A_2899 = vector.broadcast %add3A_2898 : i32 to vector<16xi32>
      %add3A_2900 = arith.addi %broadcast_in_dim3A_2894, %add3A_2899 : vector<16xi32>
      %select_n3A_2901 = arith.select %lt3A_2897, %add3A_2900, %broadcast_in_dim3A_2894 : vector<16xi1>, vector<16xi32>
      %reshape3A_2902 = vector.shape_cast %select_n3A_2901 : vector<16xi32> to vector<16x1xi32>
      %gather3A_2903 = vector.shape_cast %reshape3A_2902 : vector<16x1xi32> to vector<16xi32>
      %gather3A_2904 = tpu.dynamic_gather %min3A_2482[%gather3A_2903] in [0] : vector<16xi32>, vector<16xi32> -> vector<16xi32>
      %gather3A_2905 = tpu.vector_load_idx %arg13[%gather3A_2904, %iota3A] : memref<100x16xf32, #tpu.memory_space<vmem>>[vector<16xi32>, vector<16xi32>], vector<16xf32>,
      %swap3A_2906 = arith.constant 16 : i32
      %swap3A_2907 = arith.index_cast %swap3A_2906 : i32 to index
      %swap3A_2908 = arith.constant 0 : index
      %swap3A_2909 = tpu.vector_load %arg14[%swap3A_2907, %swap3A_2908] {strides = array<i32>} : memref<36x16xf32, #tpu.memory_space<vmem>>, vector<16xf32>,
      tpu.vector_store %arg14[%swap3A_2907, %swap3A_2908], %gather3A_2905 {strides = array<i32>} : memref<36x16xf32, #tpu.memory_space<vmem>>, vector<16xf32>,
      %broadcast_in_dim3A_2910 = arith.constant 1 : i32
      %broadcast_in_dim3A_2911 = vector.broadcast %broadcast_in_dim3A_2910 : i32 to vector<16xi32>
      %lt3A_2912 = arith.constant 0 : i32
      %lt3A_2913 = vector.broadcast %lt3A_2912 : i32 to vector<16xi32>
      %lt3A_2914 = arith.cmpi slt, %broadcast_in_dim3A_2911, %lt3A_2913 : vector<16xi32>
      %add3A_2915 = arith.constant 16 : i32
      %add3A_2916 = vector.broadcast %add3A_2915 : i32 to vector<16xi32>
      %add3A_2917 = arith.addi %broadcast_in_dim3A_2911, %add3A_2916 : vector<16xi32>
      %select_n3A_2918 = arith.select %lt3A_2914, %add3A_2917, %broadcast_in_dim3A_2911 : vector<16xi1>, vector<16xi32>
      %reshape3A_2919 = vector.shape_cast %select_n3A_2918 : vector<16xi32> to vector<16x1xi32>
      %gather3A_2920 = vector.shape_cast %reshape3A_2919 : vector<16x1xi32> to vector<16xi32>
      %gather3A_2921 = tpu.dynamic_gather %min3A_2482[%gather3A_2920] in [0] : vector<16xi32>, vector<16xi32> -> vector<16xi32>
      %gather3A_2922 = tpu.vector_load_idx %arg13[%gather3A_2921, %iota3A] : memref<100x16xf32, #tpu.memory_space<vmem>>[vector<16xi32>, vector<16xi32>], vector<16xf32>,
      %swap3A_2923 = arith.constant 17 : i32
      %swap3A_2924 = arith.index_cast %swap3A_2923 : i32 to index
      %swap3A_2925 = arith.constant 0 : index
      %swap3A_2926 = tpu.vector_load %arg14[%swap3A_2924, %swap3A_2925] {strides = array<i32>} : memref<36x16xf32, #tpu.memory_space<vmem>>, vector<16xf32>,
      tpu.vector_store %arg14[%swap3A_2924, %swap3A_2925], %gather3A_2922 {strides = array<i32>} : memref<36x16xf32, #tpu.memory_space<vmem>>, vector<16xf32>,
      %broadcast_in_dim3A_2927 = arith.constant 2 : i32
      %broadcast_in_dim3A_2928 = vector.broadcast %broadcast_in_dim3A_2927 : i32 to vector<16xi32>
      %lt3A_2929 = arith.constant 0 : i32
      %lt3A_2930 = vector.broadcast %lt3A_2929 : i32 to vector<16xi32>
      %lt3A_2931 = arith.cmpi slt, %broadcast_in_dim3A_2928, %lt3A_2930 : vector<16xi32>
      %add3A_2932 = arith.constant 16 : i32
      %add3A_2933 = vector.broadcast %add3A_2932 : i32 to vector<16xi32>
      %add3A_2934 = arith.addi %broadcast_in_dim3A_2928, %add3A_2933 : vector<16xi32>
      %select_n3A_2935 = arith.select %lt3A_2931, %add3A_2934, %broadcast_in_dim3A_2928 : vector<16xi1>, vector<16xi32>
      %reshape3A_2936 = vector.shape_cast %select_n3A_2935 : vector<16xi32> to vector<16x1xi32>
      %gather3A_2937 = vector.shape_cast %reshape3A_2936 : vector<16x1xi32> to vector<16xi32>
      %gather3A_2938 = tpu.dynamic_gather %min3A_2482[%gather3A_2937] in [0] : vector<16xi32>, vector<16xi32> -> vector<16xi32>
      %gather3A_2939 = tpu.vector_load_idx %arg13[%gather3A_2938, %iota3A] : memref<100x16xf32, #tpu.memory_space<vmem>>[vector<16xi32>, vector<16xi32>], vector<16xf32>,
      %swap3A_2940 = arith.constant 18 : i32
      %swap3A_2941 = arith.index_cast %swap3A_2940 : i32 to index
      %swap3A_2942 = arith.constant 0 : index
      %swap3A_2943 = tpu.vector_load %arg14[%swap3A_2941, %swap3A_2942] {strides = array<i32>} : memref<36x16xf32, #tpu.memory_space<vmem>>, vector<16xf32>,
      tpu.vector_store %arg14[%swap3A_2941, %swap3A_2942], %gather3A_2939 {strides = array<i32>} : memref<36x16xf32, #tpu.memory_space<vmem>>, vector<16xf32>,
      %broadcast_in_dim3A_2944 = arith.constant 3 : i32
      %broadcast_in_dim3A_2945 = vector.broadcast %broadcast_in_dim3A_2944 : i32 to vector<16xi32>
      %lt3A_2946 = arith.constant 0 : i32
      %lt3A_2947 = vector.broadcast %lt3A_2946 : i32 to vector<16xi32>
      %lt3A_2948 = arith.cmpi slt, %broadcast_in_dim3A_2945, %lt3A_2947 : vector<16xi32>
      %add3A_2949 = arith.constant 16 : i32
      %add3A_2950 = vector.broadcast %add3A_2949 : i32 to vector<16xi32>
      %add3A_2951 = arith.addi %broadcast_in_dim3A_2945, %add3A_2950 : vector<16xi32>
      %select_n3A_2952 = arith.select %lt3A_2948, %add3A_2951, %broadcast_in_dim3A_2945 : vector<16xi1>, vector<16xi32>
      %reshape3A_2953 = vector.shape_cast %select_n3A_2952 : vector<16xi32> to vector<16x1xi32>
      %gather3A_2954 = vector.shape_cast %reshape3A_2953 : vector<16x1xi32> to vector<16xi32>
      %gather3A_2955 = tpu.dynamic_gather %min3A_2482[%gather3A_2954] in [0] : vector<16xi32>, vector<16xi32> -> vector<16xi32>
      %gather3A_2956 = tpu.vector_load_idx %arg13[%gather3A_2955, %iota3A] : memref<100x16xf32, #tpu.memory_space<vmem>>[vector<16xi32>, vector<16xi32>], vector<16xf32>,
      %swap3A_2957 = arith.constant 19 : i32
      %swap3A_2958 = arith.index_cast %swap3A_2957 : i32 to index
      %swap3A_2959 = arith.constant 0 : index
      %swap3A_2960 = tpu.vector_load %arg14[%swap3A_2958, %swap3A_2959] {strides = array<i32>} : memref<36x16xf32, #tpu.memory_space<vmem>>, vector<16xf32>,
      tpu.vector_store %arg14[%swap3A_2958, %swap3A_2959], %gather3A_2956 {strides = array<i32>} : memref<36x16xf32, #tpu.memory_space<vmem>>, vector<16xf32>,
      %broadcast_in_dim3A_2961 = arith.constant 4 : i32
      %broadcast_in_dim3A_2962 = vector.broadcast %broadcast_in_dim3A_2961 : i32 to vector<16xi32>
      %lt3A_2963 = arith.constant 0 : i32
      %lt3A_2964 = vector.broadcast %lt3A_2963 : i32 to vector<16xi32>
      %lt3A_2965 = arith.cmpi slt, %broadcast_in_dim3A_2962, %lt3A_2964 : vector<16xi32>
      %add3A_2966 = arith.constant 16 : i32
      %add3A_2967 = vector.broadcast %add3A_2966 : i32 to vector<16xi32>
      %add3A_2968 = arith.addi %broadcast_in_dim3A_2962, %add3A_2967 : vector<16xi32>
      %select_n3A_2969 = arith.select %lt3A_2965, %add3A_2968, %broadcast_in_dim3A_2962 : vector<16xi1>, vector<16xi32>
      %reshape3A_2970 = vector.shape_cast %select_n3A_2969 : vector<16xi32> to vector<16x1xi32>
      %gather3A_2971 = vector.shape_cast %reshape3A_2970 : vector<16x1xi32> to vector<16xi32>
      %gather3A_2972 = tpu.dynamic_gather %min3A_2482[%gather3A_2971] in [0] : vector<16xi32>, vector<16xi32> -> vector<16xi32>
      %gather3A_2973 = tpu.vector_load_idx %arg13[%gather3A_2972, %iota3A] : memref<100x16xf32, #tpu.memory_space<vmem>>[vector<16xi32>, vector<16xi32>], vector<16xf32>,
      %swap3A_2974 = arith.constant 20 : i32
      %swap3A_2975 = arith.index_cast %swap3A_2974 : i32 to index
      %swap3A_2976 = arith.constant 0 : index
      %swap3A_2977 = tpu.vector_load %arg14[%swap3A_2975, %swap3A_2976] {strides = array<i32>} : memref<36x16xf32, #tpu.memory_space<vmem>>, vector<16xf32>,
      tpu.vector_store %arg14[%swap3A_2975, %swap3A_2976], %gather3A_2973 {strides = array<i32>} : memref<36x16xf32, #tpu.memory_space<vmem>>, vector<16xf32>,
      %broadcast_in_dim3A_2978 = arith.constant 5 : i32
      %broadcast_in_dim3A_2979 = vector.broadcast %broadcast_in_dim3A_2978 : i32 to vector<16xi32>
      %lt3A_2980 = arith.constant 0 : i32
      %lt3A_2981 = vector.broadcast %lt3A_2980 : i32 to vector<16xi32>
      %lt3A_2982 = arith.cmpi slt, %broadcast_in_dim3A_2979, %lt3A_2981 : vector<16xi32>
      %add3A_2983 = arith.constant 16 : i32
      %add3A_2984 = vector.broadcast %add3A_2983 : i32 to vector<16xi32>
      %add3A_2985 = arith.addi %broadcast_in_dim3A_2979, %add3A_2984 : vector<16xi32>
      %select_n3A_2986 = arith.select %lt3A_2982, %add3A_2985, %broadcast_in_dim3A_2979 : vector<16xi1>, vector<16xi32>
      %reshape3A_2987 = vector.shape_cast %select_n3A_2986 : vector<16xi32> to vector<16x1xi32>
      %gather3A_2988 = vector.shape_cast %reshape3A_2987 : vector<16x1xi32> to vector<16xi32>
      %gather3A_2989 = tpu.dynamic_gather %min3A_2482[%gather3A_2988] in [0] : vector<16xi32>, vector<16xi32> -> vector<16xi32>
      %gather3A_2990 = tpu.vector_load_idx %arg13[%gather3A_2989, %iota3A] : memref<100x16xf32, #tpu.memory_space<vmem>>[vector<16xi32>, vector<16xi32>], vector<16xf32>,
      %swap3A_2991 = arith.constant 21 : i32
      %swap3A_2992 = arith.index_cast %swap3A_2991 : i32 to index
      %swap3A_2993 = arith.constant 0 : index
      %swap3A_2994 = tpu.vector_load %arg14[%swap3A_2992, %swap3A_2993] {strides = array<i32>} : memref<36x16xf32, #tpu.memory_space<vmem>>, vector<16xf32>,
      tpu.vector_store %arg14[%swap3A_2992, %swap3A_2993], %gather3A_2990 {strides = array<i32>} : memref<36x16xf32, #tpu.memory_space<vmem>>, vector<16xf32>,
      %broadcast_in_dim3A_2995 = arith.constant 6 : i32
      %broadcast_in_dim3A_2996 = vector.broadcast %broadcast_in_dim3A_2995 : i32 to vector<16xi32>
      %lt3A_2997 = arith.constant 0 : i32
      %lt3A_2998 = vector.broadcast %lt3A_2997 : i32 to vector<16xi32>
      %lt3A_2999 = arith.cmpi slt, %broadcast_in_dim3A_2996, %lt3A_2998 : vector<16xi32>
      %add3A_3000 = arith.constant 16 : i32
      %add3A_3001 = vector.broadcast %add3A_3000 : i32 to vector<16xi32>
      %add3A_3002 = arith.addi %broadcast_in_dim3A_2996, %add3A_3001 : vector<16xi32>
      %select_n3A_3003 = arith.select %lt3A_2999, %add3A_3002, %broadcast_in_dim3A_2996 : vector<16xi1>, vector<16xi32>
      %reshape3A_3004 = vector.shape_cast %select_n3A_3003 : vector<16xi32> to vector<16x1xi32>
      %gather3A_3005 = vector.shape_cast %reshape3A_3004 : vector<16x1xi32> to vector<16xi32>
      %gather3A_3006 = tpu.dynamic_gather %min3A_2482[%gather3A_3005] in [0] : vector<16xi32>, vector<16xi32> -> vector<16xi32>
      %gather3A_3007 = tpu.vector_load_idx %arg13[%gather3A_3006, %iota3A] : memref<100x16xf32, #tpu.memory_space<vmem>>[vector<16xi32>, vector<16xi32>], vector<16xf32>,
      %swap3A_3008 = arith.constant 22 : i32
      %swap3A_3009 = arith.index_cast %swap3A_3008 : i32 to index
      %swap3A_3010 = arith.constant 0 : index
      %swap3A_3011 = tpu.vector_load %arg14[%swap3A_3009, %swap3A_3010] {strides = array<i32>} : memref<36x16xf32, #tpu.memory_space<vmem>>, vector<16xf32>,
      tpu.vector_store %arg14[%swap3A_3009, %swap3A_3010], %gather3A_3007 {strides = array<i32>} : memref<36x16xf32, #tpu.memory_space<vmem>>, vector<16xf32>,
      %broadcast_in_dim3A_3012 = arith.constant 7 : i32
      %broadcast_in_dim3A_3013 = vector.broadcast %broadcast_in_dim3A_3012 : i32 to vector<16xi32>
      %lt3A_3014 = arith.constant 0 : i32
      %lt3A_3015 = vector.broadcast %lt3A_3014 : i32 to vector<16xi32>
      %lt3A_3016 = arith.cmpi slt, %broadcast_in_dim3A_3013, %lt3A_3015 : vector<16xi32>
      %add3A_3017 = arith.constant 16 : i32
      %add3A_3018 = vector.broadcast %add3A_3017 : i32 to vector<16xi32>
      %add3A_3019 = arith.addi %broadcast_in_dim3A_3013, %add3A_3018 : vector<16xi32>
      %select_n3A_3020 = arith.select %lt3A_3016, %add3A_3019, %broadcast_in_dim3A_3013 : vector<16xi1>, vector<16xi32>
      %reshape3A_3021 = vector.shape_cast %select_n3A_3020 : vector<16xi32> to vector<16x1xi32>
      %gather3A_3022 = vector.shape_cast %reshape3A_3021 : vector<16x1xi32> to vector<16xi32>
      %gather3A_3023 = tpu.dynamic_gather %min3A_2482[%gather3A_3022] in [0] : vector<16xi32>, vector<16xi32> -> vector<16xi32>
      %gather3A_3024 = tpu.vector_load_idx %arg13[%gather3A_3023, %iota3A] : memref<100x16xf32, #tpu.memory_space<vmem>>[vector<16xi32>, vector<16xi32>], vector<16xf32>,
      %swap3A_3025 = arith.constant 23 : i32
      %swap3A_3026 = arith.index_cast %swap3A_3025 : i32 to index
      %swap3A_3027 = arith.constant 0 : index
      %swap3A_3028 = tpu.vector_load %arg14[%swap3A_3026, %swap3A_3027] {strides = array<i32>} : memref<36x16xf32, #tpu.memory_space<vmem>>, vector<16xf32>,
      tpu.vector_store %arg14[%swap3A_3026, %swap3A_3027], %gather3A_3024 {strides = array<i32>} : memref<36x16xf32, #tpu.memory_space<vmem>>, vector<16xf32>,
      %broadcast_in_dim3A_3029 = arith.constant 8 : i32
      %broadcast_in_dim3A_3030 = vector.broadcast %broadcast_in_dim3A_3029 : i32 to vector<16xi32>
      %lt3A_3031 = arith.constant 0 : i32
      %lt3A_3032 = vector.broadcast %lt3A_3031 : i32 to vector<16xi32>
      %lt3A_3033 = arith.cmpi slt, %broadcast_in_dim3A_3030, %lt3A_3032 : vector<16xi32>
      %add3A_3034 = arith.constant 16 : i32
      %add3A_3035 = vector.broadcast %add3A_3034 : i32 to vector<16xi32>
      %add3A_3036 = arith.addi %broadcast_in_dim3A_3030, %add3A_3035 : vector<16xi32>
      %select_n3A_3037 = arith.select %lt3A_3033, %add3A_3036, %broadcast_in_dim3A_3030 : vector<16xi1>, vector<16xi32>
      %reshape3A_3038 = vector.shape_cast %select_n3A_3037 : vector<16xi32> to vector<16x1xi32>
      %gather3A_3039 = vector.shape_cast %reshape3A_3038 : vector<16x1xi32> to vector<16xi32>
      %gather3A_3040 = tpu.dynamic_gather %min3A_2482[%gather3A_3039] in [0] : vector<16xi32>, vector<16xi32> -> vector<16xi32>
      %gather3A_3041 = tpu.vector_load_idx %arg13[%gather3A_3040, %iota3A] : memref<100x16xf32, #tpu.memory_space<vmem>>[vector<16xi32>, vector<16xi32>], vector<16xf32>,
      %swap3A_3042 = arith.constant 24 : i32
      %swap3A_3043 = arith.index_cast %swap3A_3042 : i32 to index
      %swap3A_3044 = arith.constant 0 : index
      %swap3A_3045 = tpu.vector_load %arg14[%swap3A_3043, %swap3A_3044] {strides = array<i32>} : memref<36x16xf32, #tpu.memory_space<vmem>>, vector<16xf32>,
      tpu.vector_store %arg14[%swap3A_3043, %swap3A_3044], %gather3A_3041 {strides = array<i32>} : memref<36x16xf32, #tpu.memory_space<vmem>>, vector<16xf32>,
      %broadcast_in_dim3A_3046 = arith.constant 9 : i32
      %broadcast_in_dim3A_3047 = vector.broadcast %broadcast_in_dim3A_3046 : i32 to vector<16xi32>
      %lt3A_3048 = arith.constant 0 : i32
      %lt3A_3049 = vector.broadcast %lt3A_3048 : i32 to vector<16xi32>
      %lt3A_3050 = arith.cmpi slt, %broadcast_in_dim3A_3047, %lt3A_3049 : vector<16xi32>
      %add3A_3051 = arith.constant 16 : i32
      %add3A_3052 = vector.broadcast %add3A_3051 : i32 to vector<16xi32>
      %add3A_3053 = arith.addi %broadcast_in_dim3A_3047, %add3A_3052 : vector<16xi32>
      %select_n3A_3054 = arith.select %lt3A_3050, %add3A_3053, %broadcast_in_dim3A_3047 : vector<16xi1>, vector<16xi32>
      %reshape3A_3055 = vector.shape_cast %select_n3A_3054 : vector<16xi32> to vector<16x1xi32>
      %gather3A_3056 = vector.shape_cast %reshape3A_3055 : vector<16x1xi32> to vector<16xi32>
      %gather3A_3057 = tpu.dynamic_gather %min3A_2482[%gather3A_3056] in [0] : vector<16xi32>, vector<16xi32> -> vector<16xi32>
      %gather3A_3058 = tpu.vector_load_idx %arg13[%gather3A_3057, %iota3A] : memref<100x16xf32, #tpu.memory_space<vmem>>[vector<16xi32>, vector<16xi32>], vector<16xf32>,
      %swap3A_3059 = arith.constant 25 : i32
      %swap3A_3060 = arith.index_cast %swap3A_3059 : i32 to index
      %swap3A_3061 = arith.constant 0 : index
      %swap3A_3062 = tpu.vector_load %arg14[%swap3A_3060, %swap3A_3061] {strides = array<i32>} : memref<36x16xf32, #tpu.memory_space<vmem>>, vector<16xf32>,
      tpu.vector_store %arg14[%swap3A_3060, %swap3A_3061], %gather3A_3058 {strides = array<i32>} : memref<36x16xf32, #tpu.memory_space<vmem>>, vector<16xf32>,
      %broadcast_in_dim3A_3063 = arith.constant 10 : i32
      %broadcast_in_dim3A_3064 = vector.broadcast %broadcast_in_dim3A_3063 : i32 to vector<16xi32>
      %lt3A_3065 = arith.constant 0 : i32
      %lt3A_3066 = vector.broadcast %lt3A_3065 : i32 to vector<16xi32>
      %lt3A_3067 = arith.cmpi slt, %broadcast_in_dim3A_3064, %lt3A_3066 : vector<16xi32>
      %add3A_3068 = arith.constant 16 : i32
      %add3A_3069 = vector.broadcast %add3A_3068 : i32 to vector<16xi32>
      %add3A_3070 = arith.addi %broadcast_in_dim3A_3064, %add3A_3069 : vector<16xi32>
      %select_n3A_3071 = arith.select %lt3A_3067, %add3A_3070, %broadcast_in_dim3A_3064 : vector<16xi1>, vector<16xi32>
      %reshape3A_3072 = vector.shape_cast %select_n3A_3071 : vector<16xi32> to vector<16x1xi32>
      %gather3A_3073 = vector.shape_cast %reshape3A_3072 : vector<16x1xi32> to vector<16xi32>
      %gather3A_3074 = tpu.dynamic_gather %min3A_2482[%gather3A_3073] in [0] : vector<16xi32>, vector<16xi32> -> vector<16xi32>
      %gather3A_3075 = tpu.vector_load_idx %arg13[%gather3A_3074, %iota3A] : memref<100x16xf32, #tpu.memory_space<vmem>>[vector<16xi32>, vector<16xi32>], vector<16xf32>,
      %swap3A_3076 = arith.constant 26 : i32
      %swap3A_3077 = arith.index_cast %swap3A_3076 : i32 to index
      %swap3A_3078 = arith.constant 0 : index
      %swap3A_3079 = tpu.vector_load %arg14[%swap3A_3077, %swap3A_3078] {strides = array<i32>} : memref<36x16xf32, #tpu.memory_space<vmem>>, vector<16xf32>,
      tpu.vector_store %arg14[%swap3A_3077, %swap3A_3078], %gather3A_3075 {strides = array<i32>} : memref<36x16xf32, #tpu.memory_space<vmem>>, vector<16xf32>,
      %broadcast_in_dim3A_3080 = arith.constant 11 : i32
      %broadcast_in_dim3A_3081 = vector.broadcast %broadcast_in_dim3A_3080 : i32 to vector<16xi32>
      %lt3A_3082 = arith.constant 0 : i32
      %lt3A_3083 = vector.broadcast %lt3A_3082 : i32 to vector<16xi32>
      %lt3A_3084 = arith.cmpi slt, %broadcast_in_dim3A_3081, %lt3A_3083 : vector<16xi32>
      %add3A_3085 = arith.constant 16 : i32
      %add3A_3086 = vector.broadcast %add3A_3085 : i32 to vector<16xi32>
      %add3A_3087 = arith.addi %broadcast_in_dim3A_3081, %add3A_3086 : vector<16xi32>
      %select_n3A_3088 = arith.select %lt3A_3084, %add3A_3087, %broadcast_in_dim3A_3081 : vector<16xi1>, vector<16xi32>
      %reshape3A_3089 = vector.shape_cast %select_n3A_3088 : vector<16xi32> to vector<16x1xi32>
      %gather3A_3090 = vector.shape_cast %reshape3A_3089 : vector<16x1xi32> to vector<16xi32>
      %gather3A_3091 = tpu.dynamic_gather %min3A_2482[%gather3A_3090] in [0] : vector<16xi32>, vector<16xi32> -> vector<16xi32>
      %gather3A_3092 = tpu.vector_load_idx %arg13[%gather3A_3091, %iota3A] : memref<100x16xf32, #tpu.memory_space<vmem>>[vector<16xi32>, vector<16xi32>], vector<16xf32>,
      %swap3A_3093 = arith.constant 27 : i32
      %swap3A_3094 = arith.index_cast %swap3A_3093 : i32 to index
      %swap3A_3095 = arith.constant 0 : index
      %swap3A_3096 = tpu.vector_load %arg14[%swap3A_3094, %swap3A_3095] {strides = array<i32>} : memref<36x16xf32, #tpu.memory_space<vmem>>, vector<16xf32>,
      tpu.vector_store %arg14[%swap3A_3094, %swap3A_3095], %gather3A_3092 {strides = array<i32>} : memref<36x16xf32, #tpu.memory_space<vmem>>, vector<16xf32>,
      %broadcast_in_dim3A_3097 = arith.constant 12 : i32
      %broadcast_in_dim3A_3098 = vector.broadcast %broadcast_in_dim3A_3097 : i32 to vector<16xi32>
      %lt3A_3099 = arith.constant 0 : i32
      %lt3A_3100 = vector.broadcast %lt3A_3099 : i32 to vector<16xi32>
      %lt3A_3101 = arith.cmpi slt, %broadcast_in_dim3A_3098, %lt3A_3100 : vector<16xi32>
      %add3A_3102 = arith.constant 16 : i32
      %add3A_3103 = vector.broadcast %add3A_3102 : i32 to vector<16xi32>
      %add3A_3104 = arith.addi %broadcast_in_dim3A_3098, %add3A_3103 : vector<16xi32>
      %select_n3A_3105 = arith.select %lt3A_3101, %add3A_3104, %broadcast_in_dim3A_3098 : vector<16xi1>, vector<16xi32>
      %reshape3A_3106 = vector.shape_cast %select_n3A_3105 : vector<16xi32> to vector<16x1xi32>
      %gather3A_3107 = vector.shape_cast %reshape3A_3106 : vector<16x1xi32> to vector<16xi32>
      %gather3A_3108 = tpu.dynamic_gather %min3A_2482[%gather3A_3107] in [0] : vector<16xi32>, vector<16xi32> -> vector<16xi32>
      %gather3A_3109 = tpu.vector_load_idx %arg13[%gather3A_3108, %iota3A] : memref<100x16xf32, #tpu.memory_space<vmem>>[vector<16xi32>, vector<16xi32>], vector<16xf32>,
      %swap3A_3110 = arith.constant 28 : i32
      %swap3A_3111 = arith.index_cast %swap3A_3110 : i32 to index
      %swap3A_3112 = arith.constant 0 : index
      %swap3A_3113 = tpu.vector_load %arg14[%swap3A_3111, %swap3A_3112] {strides = array<i32>} : memref<36x16xf32, #tpu.memory_space<vmem>>, vector<16xf32>,
      tpu.vector_store %arg14[%swap3A_3111, %swap3A_3112], %gather3A_3109 {strides = array<i32>} : memref<36x16xf32, #tpu.memory_space<vmem>>, vector<16xf32>,
      %broadcast_in_dim3A_3114 = arith.constant 13 : i32
      %broadcast_in_dim3A_3115 = vector.broadcast %broadcast_in_dim3A_3114 : i32 to vector<16xi32>
      %lt3A_3116 = arith.constant 0 : i32
      %lt3A_3117 = vector.broadcast %lt3A_3116 : i32 to vector<16xi32>
      %lt3A_3118 = arith.cmpi slt, %broadcast_in_dim3A_3115, %lt3A_3117 : vector<16xi32>
      %add3A_3119 = arith.constant 16 : i32
      %add3A_3120 = vector.broadcast %add3A_3119 : i32 to vector<16xi32>
      %add3A_3121 = arith.addi %broadcast_in_dim3A_3115, %add3A_3120 : vector<16xi32>
      %select_n3A_3122 = arith.select %lt3A_3118, %add3A_3121, %broadcast_in_dim3A_3115 : vector<16xi1>, vector<16xi32>
      %reshape3A_3123 = vector.shape_cast %select_n3A_3122 : vector<16xi32> to vector<16x1xi32>
      %gather3A_3124 = vector.shape_cast %reshape3A_3123 : vector<16x1xi32> to vector<16xi32>
      %gather3A_3125 = tpu.dynamic_gather %min3A_2482[%gather3A_3124] in [0] : vector<16xi32>, vector<16xi32> -> vector<16xi32>
      %gather3A_3126 = tpu.vector_load_idx %arg13[%gather3A_3125, %iota3A] : memref<100x16xf32, #tpu.memory_space<vmem>>[vector<16xi32>, vector<16xi32>], vector<16xf32>,
      %swap3A_3127 = arith.constant 29 : i32
      %swap3A_3128 = arith.index_cast %swap3A_3127 : i32 to index
      %swap3A_3129 = arith.constant 0 : index
      %swap3A_3130 = tpu.vector_load %arg14[%swap3A_3128, %swap3A_3129] {strides = array<i32>} : memref<36x16xf32, #tpu.memory_space<vmem>>, vector<16xf32>,
      tpu.vector_store %arg14[%swap3A_3128, %swap3A_3129], %gather3A_3126 {strides = array<i32>} : memref<36x16xf32, #tpu.memory_space<vmem>>, vector<16xf32>,
      %broadcast_in_dim3A_3131 = arith.constant 14 : i32
      %broadcast_in_dim3A_3132 = vector.broadcast %broadcast_in_dim3A_3131 : i32 to vector<16xi32>
      %lt3A_3133 = arith.constant 0 : i32
      %lt3A_3134 = vector.broadcast %lt3A_3133 : i32 to vector<16xi32>
      %lt3A_3135 = arith.cmpi slt, %broadcast_in_dim3A_3132, %lt3A_3134 : vector<16xi32>
      %add3A_3136 = arith.constant 16 : i32
      %add3A_3137 = vector.broadcast %add3A_3136 : i32 to vector<16xi32>
      %add3A_3138 = arith.addi %broadcast_in_dim3A_3132, %add3A_3137 : vector<16xi32>
      %select_n3A_3139 = arith.select %lt3A_3135, %add3A_3138, %broadcast_in_dim3A_3132 : vector<16xi1>, vector<16xi32>
      %reshape3A_3140 = vector.shape_cast %select_n3A_3139 : vector<16xi32> to vector<16x1xi32>
      %gather3A_3141 = vector.shape_cast %reshape3A_3140 : vector<16x1xi32> to vector<16xi32>
      %gather3A_3142 = tpu.dynamic_gather %min3A_2482[%gather3A_3141] in [0] : vector<16xi32>, vector<16xi32> -> vector<16xi32>
      %gather3A_3143 = tpu.vector_load_idx %arg13[%gather3A_3142, %iota3A] : memref<100x16xf32, #tpu.memory_space<vmem>>[vector<16xi32>, vector<16xi32>], vector<16xf32>,
      %swap3A_3144 = arith.constant 30 : i32
      %swap3A_3145 = arith.index_cast %swap3A_3144 : i32 to index
      %swap3A_3146 = arith.constant 0 : index
      %swap3A_3147 = tpu.vector_load %arg14[%swap3A_3145, %swap3A_3146] {strides = array<i32>} : memref<36x16xf32, #tpu.memory_space<vmem>>, vector<16xf32>,
      tpu.vector_store %arg14[%swap3A_3145, %swap3A_3146], %gather3A_3143 {strides = array<i32>} : memref<36x16xf32, #tpu.memory_space<vmem>>, vector<16xf32>,
      %broadcast_in_dim3A_3148 = arith.constant 15 : i32
      %broadcast_in_dim3A_3149 = vector.broadcast %broadcast_in_dim3A_3148 : i32 to vector<16xi32>
      %lt3A_3150 = arith.constant 0 : i32
      %lt3A_3151 = vector.broadcast %lt3A_3150 : i32 to vector<16xi32>
      %lt3A_3152 = arith.cmpi slt, %broadcast_in_dim3A_3149, %lt3A_3151 : vector<16xi32>
      %add3A_3153 = arith.constant 16 : i32
      %add3A_3154 = vector.broadcast %add3A_3153 : i32 to vector<16xi32>
      %add3A_3155 = arith.addi %broadcast_in_dim3A_3149, %add3A_3154 : vector<16xi32>
      %select_n3A_3156 = arith.select %lt3A_3152, %add3A_3155, %broadcast_in_dim3A_3149 : vector<16xi1>, vector<16xi32>
      %reshape3A_3157 = vector.shape_cast %select_n3A_3156 : vector<16xi32> to vector<16x1xi32>
      %gather3A_3158 = vector.shape_cast %reshape3A_3157 : vector<16x1xi32> to vector<16xi32>
      %gather3A_3159 = tpu.dynamic_gather %min3A_2482[%gather3A_3158] in [0] : vector<16xi32>, vector<16xi32> -> vector<16xi32>
      %gather3A_3160 = tpu.vector_load_idx %arg13[%gather3A_3159, %iota3A] : memref<100x16xf32, #tpu.memory_space<vmem>>[vector<16xi32>, vector<16xi32>], vector<16xf32>,
      %swap3A_3161 = arith.constant 31 : i32
      %swap3A_3162 = arith.index_cast %swap3A_3161 : i32 to index
      %swap3A_3163 = arith.constant 0 : index
      %swap3A_3164 = tpu.vector_load %arg14[%swap3A_3162, %swap3A_3163] {strides = array<i32>} : memref<36x16xf32, #tpu.memory_space<vmem>>, vector<16xf32>,
      tpu.vector_store %arg14[%swap3A_3162, %swap3A_3163], %gather3A_3160 {strides = array<i32>} : memref<36x16xf32, #tpu.memory_space<vmem>>, vector<16xf32>,
      %broadcast_in_dim3A_3165 = arith.constant 0 : i32
      %broadcast_in_dim3A_3166 = vector.broadcast %broadcast_in_dim3A_3165 : i32 to vector<16xi32>
      %lt3A_3167 = arith.constant 0 : i32
      %lt3A_3168 = vector.broadcast %lt3A_3167 : i32 to vector<16xi32>
      %lt3A_3169 = arith.cmpi slt, %broadcast_in_dim3A_3166, %lt3A_3168 : vector<16xi32>
      %add3A_3170 = arith.constant 16 : i32
      %add3A_3171 = vector.broadcast %add3A_3170 : i32 to vector<16xi32>
      %add3A_3172 = arith.addi %broadcast_in_dim3A_3166, %add3A_3171 : vector<16xi32>
      %select_n3A_3173 = arith.select %lt3A_3169, %add3A_3172, %broadcast_in_dim3A_3166 : vector<16xi1>, vector<16xi32>
      %reshape3A_3174 = vector.shape_cast %select_n3A_3173 : vector<16xi32> to vector<16x1xi32>
      %gather3A_3175 = vector.shape_cast %reshape3A_3174 : vector<16x1xi32> to vector<16xi32>
      %gather3A_3176 = tpu.dynamic_gather %min3A_2621[%gather3A_3175] in [0] : vector<16xi32>, vector<16xi32> -> vector<16xi32>
      %gather3A_3177 = tpu.vector_load_idx %arg13[%gather3A_3176, %iota3A] : memref<100x16xf32, #tpu.memory_space<vmem>>[vector<16xi32>, vector<16xi32>], vector<16xf32>,
      %swap3A_3178 = arith.constant 32 : i32
      %swap3A_3179 = arith.index_cast %swap3A_3178 : i32 to index
      %swap3A_3180 = arith.constant 0 : index
      %swap3A_3181 = tpu.vector_load %arg14[%swap3A_3179, %swap3A_3180] {strides = array<i32>} : memref<36x16xf32, #tpu.memory_space<vmem>>, vector<16xf32>,
      tpu.vector_store %arg14[%swap3A_3179, %swap3A_3180], %gather3A_3177 {strides = array<i32>} : memref<36x16xf32, #tpu.memory_space<vmem>>, vector<16xf32>,
      %broadcast_in_dim3A_3182 = arith.constant 1 : i32
      %broadcast_in_dim3A_3183 = vector.broadcast %broadcast_in_dim3A_3182 : i32 to vector<16xi32>
      %lt3A_3184 = arith.constant 0 : i32
      %lt3A_3185 = vector.broadcast %lt3A_3184 : i32 to vector<16xi32>
      %lt3A_3186 = arith.cmpi slt, %broadcast_in_dim3A_3183, %lt3A_3185 : vector<16xi32>
      %add3A_3187 = arith.constant 16 : i32
      %add3A_3188 = vector.broadcast %add3A_3187 : i32 to vector<16xi32>
      %add3A_3189 = arith.addi %broadcast_in_dim3A_3183, %add3A_3188 : vector<16xi32>
      %select_n3A_3190 = arith.select %lt3A_3186, %add3A_3189, %broadcast_in_dim3A_3183 : vector<16xi1>, vector<16xi32>
      %reshape3A_3191 = vector.shape_cast %select_n3A_3190 : vector<16xi32> to vector<16x1xi32>
      %gather3A_3192 = vector.shape_cast %reshape3A_3191 : vector<16x1xi32> to vector<16xi32>
      %gather3A_3193 = tpu.dynamic_gather %min3A_2621[%gather3A_3192] in [0] : vector<16xi32>, vector<16xi32> -> vector<16xi32>
      %gather3A_3194 = tpu.vector_load_idx %arg13[%gather3A_3193, %iota3A] : memref<100x16xf32, #tpu.memory_space<vmem>>[vector<16xi32>, vector<16xi32>], vector<16xf32>,
      %swap3A_3195 = arith.constant 33 : i32
      %swap3A_3196 = arith.index_cast %swap3A_3195 : i32 to index
      %swap3A_3197 = arith.constant 0 : index
      %swap3A_3198 = tpu.vector_load %arg14[%swap3A_3196, %swap3A_3197] {strides = array<i32>} : memref<36x16xf32, #tpu.memory_space<vmem>>, vector<16xf32>,
      tpu.vector_store %arg14[%swap3A_3196, %swap3A_3197], %gather3A_3194 {strides = array<i32>} : memref<36x16xf32, #tpu.memory_space<vmem>>, vector<16xf32>,
      %broadcast_in_dim3A_3199 = arith.constant 2 : i32
      %broadcast_in_dim3A_3200 = vector.broadcast %broadcast_in_dim3A_3199 : i32 to vector<16xi32>
      %lt3A_3201 = arith.constant 0 : i32
      %lt3A_3202 = vector.broadcast %lt3A_3201 : i32 to vector<16xi32>
      %lt3A_3203 = arith.cmpi slt, %broadcast_in_dim3A_3200, %lt3A_3202 : vector<16xi32>
      %add3A_3204 = arith.constant 16 : i32
      %add3A_3205 = vector.broadcast %add3A_3204 : i32 to vector<16xi32>
      %add3A_3206 = arith.addi %broadcast_in_dim3A_3200, %add3A_3205 : vector<16xi32>
      %select_n3A_3207 = arith.select %lt3A_3203, %add3A_3206, %broadcast_in_dim3A_3200 : vector<16xi1>, vector<16xi32>
      %reshape3A_3208 = vector.shape_cast %select_n3A_3207 : vector<16xi32> to vector<16x1xi32>
      %gather3A_3209 = vector.shape_cast %reshape3A_3208 : vector<16x1xi32> to vector<16xi32>
      %gather3A_3210 = tpu.dynamic_gather %min3A_2621[%gather3A_3209] in [0] : vector<16xi32>, vector<16xi32> -> vector<16xi32>
      %gather3A_3211 = tpu.vector_load_idx %arg13[%gather3A_3210, %iota3A] : memref<100x16xf32, #tpu.memory_space<vmem>>[vector<16xi32>, vector<16xi32>], vector<16xf32>,
      %swap3A_3212 = arith.constant 34 : i32
      %swap3A_3213 = arith.index_cast %swap3A_3212 : i32 to index
      %swap3A_3214 = arith.constant 0 : index
      %swap3A_3215 = tpu.vector_load %arg14[%swap3A_3213, %swap3A_3214] {strides = array<i32>} : memref<36x16xf32, #tpu.memory_space<vmem>>, vector<16xf32>,
      tpu.vector_store %arg14[%swap3A_3213, %swap3A_3214], %gather3A_3211 {strides = array<i32>} : memref<36x16xf32, #tpu.memory_space<vmem>>, vector<16xf32>,
      %broadcast_in_dim3A_3216 = arith.constant 3 : i32
      %broadcast_in_dim3A_3217 = vector.broadcast %broadcast_in_dim3A_3216 : i32 to vector<16xi32>
      %lt3A_3218 = arith.constant 0 : i32
      %lt3A_3219 = vector.broadcast %lt3A_3218 : i32 to vector<16xi32>
      %lt3A_3220 = arith.cmpi slt, %broadcast_in_dim3A_3217, %lt3A_3219 : vector<16xi32>
      %add3A_3221 = arith.constant 16 : i32
      %add3A_3222 = vector.broadcast %add3A_3221 : i32 to vector<16xi32>
      %add3A_3223 = arith.addi %broadcast_in_dim3A_3217, %add3A_3222 : vector<16xi32>
      %select_n3A_3224 = arith.select %lt3A_3220, %add3A_3223, %broadcast_in_dim3A_3217 : vector<16xi1>, vector<16xi32>
      %reshape3A_3225 = vector.shape_cast %select_n3A_3224 : vector<16xi32> to vector<16x1xi32>
      %gather3A_3226 = vector.shape_cast %reshape3A_3225 : vector<16x1xi32> to vector<16xi32>
      %gather3A_3227 = tpu.dynamic_gather %min3A_2621[%gather3A_3226] in [0] : vector<16xi32>, vector<16xi32> -> vector<16xi32>
      %gather3A_3228 = tpu.vector_load_idx %arg13[%gather3A_3227, %iota3A] : memref<100x16xf32, #tpu.memory_space<vmem>>[vector<16xi32>, vector<16xi32>], vector<16xf32>,
      %swap3A_3229 = arith.constant 35 : i32
      %swap3A_3230 = arith.index_cast %swap3A_3229 : i32 to index
      %swap3A_3231 = arith.constant 0 : index
      %swap3A_3232 = tpu.vector_load %arg14[%swap3A_3230, %swap3A_3231] {strides = array<i32>} : memref<36x16xf32, #tpu.memory_space<vmem>>, vector<16xf32>,
      tpu.vector_store %arg14[%swap3A_3230, %swap3A_3231], %gather3A_3228 {strides = array<i32>} : memref<36x16xf32, #tpu.memory_space<vmem>>, vector<16xf32>,
      "tpu.region"() ({
        %run_scoped3A = tpu.sem_alloc : memref<!tpu.dma_semaphore, #tpu.memory_space<semaphore_mem>>
        tpu.enqueue_dma source(%arg14 : memref<36x16xf32, #tpu.memory_space<vmem>>) target(%arg7 : memref<36x16xf32, #tpu.memory_space<hbm>>) target_semaphore(%run_scoped3A : memref<!tpu.dma_semaphore, #tpu.memory_space<semaphore_mem>>)
        tpu.wait_dma2 semaphore(%run_scoped3A : memref<!tpu.dma_semaphore, #tpu.memory_space<semaphore_mem>>) src(%arg14 : memref<36x16xf32, #tpu.memory_space<vmem>>) dst(%arg7 : memref<36x16xf32, #tpu.memory_space<hbm>>)
        tpu.yield
      }) : () -> ()
    } else {
    }
    return
  }
}

</mosaic_0001>

<sc_bundles>
// kernel: kernel.3.cloned.1.call-start
scs
__scs_entry_jumppad:
0x0: {  	(pc) =	sbr.rel $0x88, $3  }
0x1: {  	(tag) =	ssettag $0x0;
	lr =	simm.s32 $0x1  }
0x2: {  	[smem:$0x3F9D] =	sst lr;
	_ =	strace $0xD0000000  }
0x3: {  	_ = 	snop  }
0x4: {  	_ = 	snop  }
0x5: {  	_ = 	snop  }
0x6: {  	_ = 	snop  }
0x7: {  	_ = 	snop  }
__scs_overlays_trampoline_lowered:
0x8: {  	[smem:$0x3FAC] =	sst s0  }
0x9: {  	[smem:$0x3FAD] =	sst s1  }
0xa: {  	[smem:$0x3FAE] =	sst s2  }
0xb: {  	[smem:$0x3FAF] =	sst s3  }
0xc: {  	[smem:$0x3FB0] =	sst s4  }
0xd: {  	[smem:$0x3FB1] =	sst s5  }
0xe: {  	[smem:$0x3FB2] =	sst s6  }
0xf: {  	[smem:$0x3FB3] =	sst s7  }
0x10: {  	[smem:$0x3FB4] =	sst s8  }
0x11: {  	[smem:$0x3FB5] =	sst s9;
	s0 =	simm.s32 @!p0 $0x0  }
0x12: {  	s1 =	sld [smem:$0x3F9B];
	s0 =	simm.s32 @p0 $0x1  }
0x13: {  	[smem:$0x3FB6] =	sst s0;
	s0 =	simm.s32 @!p1 $0x0  }
0x14: {  	s2 =	sld [smem:$0x3F9A];
	s0 =	simm.s32 @p1 $0x1  }
0x15: {  	[smem:$0x3FB7] =	sst s0;
	s0 =	simm.s32 @!p2 $0x0  }
0x16: {  	s3 =	sld [smem:$0x3FDB];
	s0 =	simm.s32 @p2 $0x1  }
0x17: {  	s4 =	simm.s32 $0x1BF5;
	[smem:$0x3FB9] =	sst s0  }
0x18: {  	s0 =	sld [smem:$0x3F9C];
	_ =	swait.ge [sflag:s4], $0x0  }
0x19: {  	s7 =	sld [smem:$0x3F9D]  }
0x1a: {  	s8 =	sadd.s32 $0xFFFFE003, lr  }
0x1b: {  	s9 =	sadd.s32 $0xFFFFFEF7, lr;
	s5 =	simm.s32 $0xFFFFFFFF;
	p2 =	slt.u32 s8, $0xFFFFF086  }
0x1c: {  	p1 =	slt.u32 s9, $0xF7A;
	s5 =	simm.s32 @!p2 $0x0  }
0x1d: {  	s5 =	simm.s32 @p1 $0x1;
	p0 =	seq.s32 s7, s2  }
0x1e: {  	s7 =	smul.u32 @!p0 $0xF7A, s2;
	p2 =	seq.s32 @!p0 s5, $0x0  }
0x1f: {  	s9 =	smul.u32 $0xF7A, s1;
	s8 =	simm.s32 @!p0 $0x1BF5;
	p2 =	por !p2, p0  }
0x20: {  	[sflag:s8] =	ssyncset.s32 @!p0 $0xFFFFF086;
	s6 =	sadd.s32 @!p0 s3, s7;
	s7 =	simm.s32 @!p0 $0x108  }
0x21: {  	s3 =	sadd.s32 s3, s9;
	s6 =	sadd.s32 @!p0 $0x88, s6;
	s7 =	simm.s32 @p2 $0x1082  }
0x22: {  	[simem:s7], [sflag:s8] =	dma.local @!p0 [hbm:s6], $0xF7A  }
0x23: {  	s9 =	sor.u32 $0xD0000000, s2;
	s6 =	simm.s32 $0x108;
	_ =	swait.ge @!p0 [sflag:s8], $0x0  }
0x24: {  	s3 =	sadd.s32 $0x88, s3;
	s6 =	simm.s32 @!p1 $0x1082;
	[sflag:s4] =	ssyncset.s32 $0xFFFFF086  }
0x25: {  	[simem:s6], [sflag:s4] =	dma.local [hbm:s3], $0xF7A  }
0x26: {  	[smem:$0x3F9D] =	sst s1;
	(tag) =	ssettag s2;
	_ =	strace s9  }
0x27: {  	s1 =	sld [smem:$0x3FAD]  }
0x28: {  	s2 =	sld [smem:$0x3FAE]  }
0x29: {  	s4 =	sld [smem:$0x3FB0]  }
0x2a: {  	p0 =	seq.s32 s5, $0x0;
	s5 =	sld [smem:$0x3FB1]  }
0x2b: {  	s6 =	sld [smem:$0x3FB2]  }
0x2c: {  	s7 =	sld [smem:$0x3FB3]  }
0x2d: {  	s3 =	simm.s32 $0x108;
	s8 =	sld [smem:$0x3FB4]  }
0x2e: {  	s3 =	simm.s32 @!p0 $0x1082;
	s9 =	sld [smem:$0x3FB5]  }
0x2f: {  	lr =	sadd.s32 s0, s3;
	s0 =	sld [smem:$0x3FAC]  }
0x30: {  	s3 =	sld [smem:$0x3FAF]  }
0x31: {  	[smem:$0x3FB8] =	sst s10  }
0x32: {  	s10 =	sld [smem:$0x3FB6];
	_ =	sdelay $0x3  }
0x33: {  	p0 =	seq.s32 s10, $0x1;
	s10 =	sld [smem:$0x3FB8];
	_ =	sdelay $0x3  }
0x34: {  	[smem:$0x3FB8] =	sst s10  }
0x35: {  	s10 =	sld [smem:$0x3FB7];
	_ =	sdelay $0x3  }
0x36: {  	p1 =	seq.s32 s10, $0x1;
	s10 =	sld [smem:$0x3FB8];
	_ =	sdelay $0x3  }
0x37: {  	[smem:$0x3FB8] =	sst s10  }
0x38: {  	s10 =	sld [smem:$0x3FB9]  }
0x39: {  	_ = 	snop;
	(pc) =	sbr.ind lr, $3  }
0x3a: {  	_ = 	snop  }
0x3b: {  	_ = 	snop  }
0x3c: {  	p2 =	seq.s32 s10, $0x1;
	s10 =	sld [smem:$0x3FB8]  }
0x3d: {  	_ =	shalt  }
0x3e: {  	_ =	shalt  }
0x3f: {  	_ =	shalt  }
0x40: {  	_ =	shalt  }
0x41: {  	_ =	shalt  }
0x42: {  	_ =	shalt  }
0x43: {  	_ =	shalt  }
0x44: {  	_ =	shalt  }
0x45: {  	_ =	shalt  }
0x46: {  	_ =	shalt  }
0x47: {  	_ =	shalt  }
0x48: {  	_ =	shalt  }
0x49: {  	_ =	shalt  }
0x4a: {  	_ =	shalt  }
0x4b: {  	_ =	shalt  }
0x4c: {  	_ =	shalt  }
0x4d: {  	_ =	shalt  }
0x4e: {  	_ =	shalt  }
0x4f: {  	_ =	shalt  }
0x50: {  	_ =	shalt  }
0x51: {  	_ =	shalt  }
0x52: {  	_ =	shalt  }
0x53: {  	_ =	shalt  }
0x54: {  	_ =	shalt  }
0x55: {  	_ =	shalt  }
0x56: {  	_ =	shalt  }
0x57: {  	_ =	shalt  }
0x58: {  	_ =	shalt  }
0x59: {  	_ =	shalt  }
0x5a: {  	_ =	shalt  }
0x5b: {  	_ =	shalt  }
0x5c: {  	_ =	shalt  }
0x5d: {  	_ =	shalt  }
0x5e: {  	_ =	shalt  }
0x5f: {  	_ =	shalt  }
0x60: {  	_ =	shalt  }
0x61: {  	_ =	shalt  }
0x62: {  	_ =	shalt  }
0x63: {  	_ =	shalt  }
0x64: {  	_ =	shalt  }
0x65: {  	_ =	shalt  }
0x66: {  	_ =	shalt  }
0x67: {  	_ =	shalt  }
0x68: {  	_ =	shalt  }
0x69: {  	_ =	shalt  }
0x6a: {  	_ =	shalt  }
0x6b: {  	_ =	shalt  }
0x6c: {  	_ =	shalt  }
0x6d: {  	_ =	shalt  }
0x6e: {  	_ =	shalt  }
0x6f: {  	_ =	shalt  }
0x70: {  	_ =	shalt  }
0x71: {  	_ =	shalt  }
0x72: {  	_ =	shalt  }
0x73: {  	_ =	shalt  }
0x74: {  	_ =	shalt  }
0x75: {  	_ =	shalt  }
0x76: {  	_ =	shalt  }
0x77: {  	_ =	shalt  }
0x78: {  	_ =	shalt  }
0x79: {  	_ =	shalt  }
0x7a: {  	_ =	shalt  }
0x7b: {  	_ =	shalt  }
0x7c: {  	_ =	shalt  }
0x7d: {  	_ =	shalt  }
0x7e: {  	_ =	shalt  }
0x7f: {  	_ =	shalt  }
0x80: {  	_ =	shalt  }
0x81: {  	_ =	shalt  }
0x82: {  	_ =	shalt  }
0x83: {  	_ =	shalt  }
0x84: {  	_ =	shalt  }
0x85: {  	_ =	shalt  }
0x86: {  	_ =	shalt  }
0x87: {  	_ =	shalt  }
.Lfunc_end0:
.L_simem_size_0:
called_computation_lowered:
.L_overlay_start_0:
0x88: {  	s2 =	sld [smem:$0x3FD9]  }
0x89: {  	s3 =	sld [smem:$0x3FFE];
	_ =	sdelay $0x1  }
0x8a: {  	s1 =	srdreg.scid  }
0x8b: {  	s0 =	sand.u32 $0x1, s1  }
0x8c: {  	s14 =	sshll.u32 s0, $0xA;
	s2 =	sadd.s32 s3, s2  }
0x8d: {  	s2 =	sadd.s32 s2, s14  }
0x8e: {  	[smem:$0x3FC4] =	sst s2  }
0x8f: {  	_ = 	snop  }
0x90: {  	s2 =	sld [smem:$0x3FD0];
	_ =	sdelay $0x2  }
0x91: {  	s4 =	simm.s32 $0xA;
	s5 =	simm.s32 $0x10;
	s15 =	sld [smem:$0x3FC9]  }
0x92: {  	[smem:s5], [sflag:s4] =	dma.local [hbm:s2], $0x1  }
0x93: {  	_ =	swait.eq [sflag:s4], $0x1  }
0x94: {  	s16 =	sld [smem:$0x10];
	[sflag:s4] =	ssyncset.done $0x0  }
0x95: {  	s17 =	sld [smem:$0x11];
	[sflag:s4] =	ssyncadd.s32 $0xFFFFFFFF  }
0x96: {  	s18 =	sld [smem:$0x12];
	(tm) =	ssettm $0x1  }
0x97: {  	s6 =	sld [smem:$0x3FFB];
	_ =	sdelay $0x3  }
0x98: {  	_ =	strace s6  }
0x99: {  	s6 =	sld [smem:$0x3FFC];
	_ =	sdelay $0x3  }
0x9a: {  	_ =	strace s6  }
0x9b: {  	s6 =	sld [smem:$0x3FFD];
	_ =	sdelay $0x3  }
0x9c: {  	_ =	strace s6  }
0x9d: {  	_ =	strace $0x8FFFFFFF  }
0x9e: {  	s19 =	sld [smem:$0x3FDB];
	_ =	sdelay $0x1  }
0x9f: {  	s7 =	simm.s32 $_scs_section_size  }
0xa0: {  	s8 =	simm.s32 $_size__tile_overlayer_lowered;
	s9 =	simm.s32 $_tile_overlayer_lowered  }
0xa1: {  	s22 =	simm.s32 $0x1BFF;
	s21 =	sshll.u32 s9, $0x1;
	s6 =	sadd.s32 s7, s19  }
0xa2: {  	s10 =	simm.s32 $0x0;
	s20 =	sshll.u32 s8, $0x1;
	s8 =	sadd.s32 s21, s6  }
0xa3: {  	[timem:s10], [sflag:s22] =	dma.local [hbm:s8], s20  }
0xa4: {  	_ =	swait.ge [sflag:s22], s20  }
0xa5: {  	s7 =	ssub.s32 $0x0, s20;
	[sflag:s22] =	ssyncset.done $0x0  }
0xa6: {  	[sflag:s22] =	ssyncadd.s32 s7;
	_ =	sdelay $0x1  }
0xa7: {  	s23 =	simm.s32 $0x1B8B  }
0xa8: {  	_ =	swait.ge [sflag:s23], $0x1  }
0xa9: {  	[sflag:s23] =	ssyncset.done $0x0  }
0xaa: {  	s25 =	simm.s32 $0x1B8E;
	s24 =	sld [smem:$0x3FFE];
	[sflag:s23] =	ssyncadd.s32 $0xFFFFFFFF  }
0xab: {  	s26 =	simm.s32 $execute0_lowered;
	[smem:$0x3FD2] =	sst s25  }
0xac: {  	s8 =	sshll.u32 s26, $0x1;
	_ =	strace $0x80000046;
	[dreg:$0x1] =	wrdreg $0xFFFFFFFF  }
0xad: {  	s28 =	simm.s32 $_size_execute0_lowered;
	s6 =	sadd.s32 s6, s8;
	[dreg:$0x0] =	wrdreg $0x0  }
0xae: {  	s8 =	sshll.u32 s28, $0x1;
	[dreg:$0x2] =	wrdreg s6  }
0xaf: {  	[dreg:$0x3] =	wrdreg s8  }
0xb0: {  	[dreg:$0x4] =	wrdreg $0xC0  }
0xb1: {  	_ =	task [dreg:s10], $0x5FFFF  }
0xb2: {  	[dreg:$0x1] =	wrdreg $0xFFFFFFFF  }
0xb3: {  	[dreg:$0x0] =	wrdreg $0x60  }
0xb4: {  	[dreg:$0x2] =	wrdreg s15  }
0xb5: {  	[dreg:$0x3] =	wrdreg s18  }
0xb6: {  	[dreg:$0x4] =	wrdreg s17  }
0xb7: {  	[dreg:$0x5] =	wrdreg s24  }
0xb8: {  	[dreg:$0x6] =	wrdreg s16  }
0xb9: {  	[dreg:$0x7] =	wrdreg $0x9  }
0xba: {  	_ =	task.clear_ibuf [dreg:s10], $0x8FFFF;
	_ =	strace $0x90000046  }
0xbb: {  	s29 =	simm.s32 $0x9;
	_ =	strace $0x80000048  }
0xbc: {  	_ =	swait.ge [sflag:s29], $0x1  }
0xbd: {  	[sflag:s29] =	ssyncadd.s32 $0xFFFFFFFF  }
0xbe: {  	_ =	strace $0x90000048  }
0xbf: {  	_ =	sfence  }
0xc0: {  	s30 =	sld [smem:$0x0];
	_ =	sdelay $0x2  }
0xc1: {  	s31 =	sshll.u32 s1, $0xD;
	s1 =	sshrl.u32 s1, $0x2  }
0xc2: {  	s3 =	sand.u32 $0x4000, s31;
	s1 =	sadd.s32 s1, s30  }
0xc3: {  	s0 =	sor.u32 s3, s0;
	s1 =	sshll.u32 s1, $0x11  }
0xc4: {  	s0 =	sor.u32 s1, s0  }
0xc5: {  	s0 =	sadd.s32 $0x8F2B, s0  }
0xc6: {  	[sflag:s0] =	ssyncadd.remote.s32 $0x1  }
0xc7: {  	_ =	sfence.sel $0xFFFF  }
0xc8: {  	[dreg:$0x0] =	wrdreg $0xFFFFFFFF;
	(pc) =	sbr.abs _section_cstart, $3  }
0xc9: {  	[dreg:$0x1] =	wrdreg $0xFFFFFFFF  }
0xca: {  	_ =	task.clear_ibuf [dreg:s10], $0x2FFFF;
	_ =	strace $0x9FFFFFFF  }
0xcb: {  	(tm) =	ssettm $0x7FFFFFFF  }
tec
execute0_lowered:
.L_overlay_start_1:
0x0: {  	(tag) =	ssettag $0x1  }
0x1: {  	s0 =	srdreg.scid;
	s1 =	stileid.u32  }
0x2: {  	s0 =	sand.u32 $0x1, s0;
	s1 =	sshll.u32 s1, $0x1  }
0x3: {  	s15 =	sor.u32 s0, s1;
	s0 =	ssub.s32 $0x2, s0  }
0x4: {  	s21 =	rddreg [dreg:$0x4];
	s1 =	smul.u32 $0x18, s15;
	s2 =	sshrl.u32 s0, $0x1  }
0x5: {  	s22 =	smul.u32 $0x1B000, s15;
	p0 =	sne.s32 s15, $0x0;
	s0 =	ssub.s32 s0, s2  }
0x6: {  	s3 =	sand.u32 $0x38, s1;
	[smem:$0x7FD] =	sst s0;
	s26 =	sshrl.u32 s1, $0x6  }
0x7: {  	s20 =	sor.u32 $0x1, s1;
	s5 =	sor.u32 $0x2, s1;
	s8 =	sadd.s32 s21, s22  }
0x8: {  	s9 =	sor.u32 $0x3, s1;
	s10 =	sor.u32 $0x4, s1;
	s22 =	sor.u32 $0x5, s1  }
0x9: {  	s18 =	sor.u32 $0x7, s1;
	s17 =	sadd.s32 $0x9, s1;
	s16 =	sadd.s32 $0xA, s1  }
0xa: {  	s14 =	sadd.s32 $0xB, s1;
	s13 =	sadd.s32 $0xC, s1;
	s19 =	smul.u32 $0x90, s3  }
0xb: {  	s12 =	sadd.s32 $0xD, s1;
	s29 =	sadd.s32 $0xF, s1;
	s2 =	smul.u32 $0x1200, s20  }
0xc: {  	s6 =	sadd.s32 $0x15, s1;
	s7 =	sadd.s32 $0x16, s1;
	s28 =	smul.u32 $0x1200, s5  }
0xd: {  	s4 =	sand.u32 $0x39, s20;
	s24 =	sand.u32 $0x3A, s5;
	s11 =	smul.u32 $0x1200, s9  }
0xe: {  	s20 =	sor.u32 $0x6, s1;
	s30 =	smul.u32 $0x1200, s10;
	[smem:$0x7F5] =	sst s29  }
0xf: {  	s3 =	sadd.s32 $0x13, s1;
	s5 =	sadd.s32 $0x17, s1;
	s31 =	smul.u32 $0x1200, s22  }
0x10: {  	v25 =	vmov s26;
	s0 =	sshrl.u32 s17, $0x6;
	s26 =	sshrl.u32 s16, $0x6;
	s16 =	sand.u32 $0x3A, s16  }
0x11: {  	s23 =	smul.u32 $0x90, s4;
	[smem:$0x7F4] =	sst s24;
	s24 =	sadd.s32 $0xE, s1  }
0x12: {  	s4 =	sadd.s32 $0x12, s1;
	v6 =	vmov s0;
	s0 =	sshrl.u32 s13, $0x6;
	[dreg:$0x6] =	wrdreg s19  }
0x13: {  	s16 =	smul.u32 $0x1200, s16;
	s25 =	sadd.s32 s21, s2;
	[smem:$0x7F7] =	sst s4  }
0x14: {  	s19 =	sadd.s32 $0x8, s1;
	s2 =	sadd.s32 $0x14, s1;
	[dreg:$0x7] =	wrdreg s23  }
0x15: {  	v8 =	vmov s26;
	s26 =	sshrl.u32 s24, $0x6;
	[dreg:$0x8] =	wrdreg s25;
	s25 =	sadd.s32 $0x10, s1  }
0x16: {  	s23 =	sadd.s32 $0x11, s1;
	s1 =	sshrl.u32 s19, $0x6;
	[smem:$0x7F6] =	sst s25  }
0x17: {  	v2 =	vmov s26;
	v7 =	vmov s1;
	s1 =	sshrl.u32 s14, $0x6;
	s26 =	sshrl.u32 s25, $0x6;
	s25 =	sshrl.u32 s23, $0x6  }
0x18: {  	v5 =	vmov s1;
	s1 =	sshrl.u32 s12, $0x6;
	v9 =	vmov s26;
	v10 =	vmov s25;
	s26 =	sshrl.u32 s3, $0x6;
	s25 =	smov.u32 s3  }
0x19: {  	s3 =	smov.u32 s5;
	v1 =	vmov s1;
	s1 =	sshrl.u32 s29, $0x6;
	s29 =	smov.u32 s8  }
0x1a: {  	s8 =	smov.u32 s23;
	v3 =	vmov s1;
	s1 =	sshrl.u32 s4, $0x6;
	s4 =	sshrl.u32 s2, $0x6  }
0x1b: {  	s23 =	smov.u32 s2;
	s2 =	sshrl.u32 s6, $0x6;
	v13 =	vmov s4;
	s4 =	smov.u32 s6  }
0x1c: {  	s6 =	sshrl.u32 s5, $0x6;
	v14 =	vmov s2;
	s2 =	sadd.s32 s21, s28;
	s5 =	sshrl.u32 s7, $0x6  }
0x1d: {  	[dreg:$0x9] =	wrdreg s2;
	s2 =	smov.u32 s7;
	s7 =	sadd.s32 s21, s30  }
0x1e: {  	s13 =	sand.u32 $0x3C, s13;
	v4 =	vmov s0;
	s0 =	smul.u32 $0x1200, s20;
	[dreg:$0xb] =	wrdreg s7  }
0x1f: {  	s15 =	simm.s32 $0x0;
	s13 =	smul.u32 $0x1200, s13;
	s7 =	sld [smem:$0x7F4]  }
0x20: {  	v0 =	vlaneseq.u32;
	vm1 =	vcmask $0x2700;
	[smem:$0x7FF] =	sst s15;
	v11 =	vmov s1;
	s1 =	smul.u32 $0x1200, s18  }
0x21: {  	vm2 =	vcmask $0x3730;
	vm3 =	vcmask $0xF00;
	s0 =	sadd.s32 s21, s0;
	v15 =	vmov s6;
	s6 =	sadd.s32 s21, s11;
	s11 =	smul.u32 $0x1200, s19  }
0x22: {  	v17 =	vimm.s32 $0x8;
	v18 =	vimm.s32 $0x9;
	v19 =	vimm.s32 $0xA;
	s22 =	sand.u32 $0x3D, s22;
	[dreg:$0xd] =	wrdreg s0;
	s0 =	smul.u32 $0x90, s7  }
0x23: {  	v20 =	vimm.s32 $0xB;
	v21 =	vimm.s32 $0xC;
	v22 =	vimm.s32 $0xD;
	[dreg:$0xa] =	wrdreg s6;
	s6 =	sadd.s32 s21, s11;
	s11 =	sand.u32 $0x3B, s9  }
0x24: {  	v23 =	vimm.s32 $0xE;
	vm5 =	veq.s32 v25, v0;
	v25 =	vimm.s32 $0x0;
	s28 =	sadd.s32 s21, s31;
	[dreg:$0x10] =	wrdreg s0;
	s0 =	smul.u32 $0x90, s11  }
0x25: {  	v24 =	vimm.s32 $0xF;
	v25 =	vsel vm5, $0xFFFFFFFF, v25;
	v16 =	vmov s5;
	[dreg:$0xc] =	wrdreg s28;
	s5 =	sadd.s32 s21, s1;
	s21 =	sand.u32 $0x3C, s10  }
0x26: {  	vm5 =	vmmov $0x7;
	vm4 =	veq.s32 v4, v0;
	vm14 =	veq.s32 v2, v0;
	s14 =	sand.u32 $0x3B, s14;
	[dreg:$0x11] =	wrdreg s0;
	s0 =	smul.u32 $0x90, s21  }
0x27: {  	s14 =	smul.u32 $0x1200, s14;
	v12 =	vmov s26;
	vm0 =	veq.s32 v15, v0;
	v15 =	vimm.s32 $0x0;
	s1 =	sand.u32 $0x3F, s18;
	s18 =	rddreg [dreg:$0x0]  }
0x28: {  	s12 =	sand.u32 $0x3D, s12;
	vm6 =	veq.s32 v16, v0;
	v16 =	vimm.s32 $0xE4924;
	v15 =	vsel vm0, $0xFFFFFFFF, v15;
	[dreg:$0x12] =	wrdreg s0;
	s0 =	smul.u32 $0x90, s22  }
0x29: {  	s26 =	sand.u32 $0x3E, s20;
	s12 =	smul.u32 $0x1200, s12;
	vm8 =	veq.s32 v13, v0;
	[dreg:$0xe] =	wrdreg s5;
	v13 =	vunpack.c.l.s2.s4 v16;
	[tilespmem:$0x1FF90] =	vst v15;
	v15 =	vimm.s32 $0xFEA540  }
0x2a: {  	vm11 =	veq.s32 v10, v0;
	vm12 =	veq.s32 v9, v0;
	s8 =	sand.u32 $0x39, s8;
	v15 =	vunpack.c.l.s2.s4 v15;
	[dreg:$0x13] =	wrdreg s0;
	s0 =	smul.u32 $0x90, s26  }
0x2b: {  	vm9 =	veq.s32 v12, v0;
	vm13 =	veq.s32 v3, v0;
	s8 =	smul.u32 $0x1200, s8;
	s31 =	simm.s32 $0x100;
	[dreg:$0xf] =	wrdreg s6;
	v9 =	vunpack.c.l.s4.s8 v13  }
0x2c: {  	v3 =	vimm.s32 $0x35435430;
	vm10 =	veq.s32 v11, v0;
	s4 =	sand.u32 $0x3D, s4;
	v11 =	vunpack.c.l.s4.s8 v15;
	[dreg:$0x14] =	wrdreg s0;
	s0 =	smul.u32 $0x90, s1  }
0x2d: {  	vm15 =	veq.s32 v1, v0;
	v3 =	vunpack.c.l.s4.s8 v3;
	s28 =	sadd.s32 $0x18C00, s29;
	s6 =	sand.u32 $0x39, s17;
	s7 =	rddreg [dreg:$0x3];
	v1 =	vunpack.c.0.s8.s32 v9  }
0x2e: {  	vm7 =	veq.s32 v14, v0;
	vm0 =	vcmask $0x2F00;
	s9 =	sadd.s32 $0x800, s7;
	v2 =	vunpack.c.0.s8.s32 v11;
	s1 =	smul.u32 $0x1200, s6;
	[dreg:$0x15] =	wrdreg s0  }
0x2f: {  	v3 =	vunpack.c.0.s8.s32 v3;
	s17 =	sadd.s32 $0xA00, s7;
	v9 =	vimm.s32 $0x77766655;
	v1 =	vand.u32 $0x3, v1;
	_ =	strace $0x80000047;
	[dreg:$0x16] =	wrdreg s9  }
0x30: {  	s30 =	simm.s32 $0x3;
	v9 =	vunpack.c.l.s4.s8 v9;
	v10 =	vnsel vm1, $0x3, v1;
	v2 =	vand.u32 $0x3, v2;
	s1 =	sadd.s32 s18, s1;
	[dreg:$0x17] =	wrdreg s17  }
0x31: {  	s4 =	smul.u32 $0x1200, s4;
	vm1 =	vcmask $0x3F24;
	s22 =	sadd.s32 s18, s16;
	v2 =	vnsel vm0, $0x5, v2;
	vm0 =	vcmask $0x3B30;
	[dreg:$0x19] =	wrdreg s1  }
0x32: {  	s10 =	sand.u32 $0x3E, s24;
	s24 =	sadd.s32 s18, s14;
	v9 =	vunpack.c.0.s8.s32 v9;
	v1 =	vsel vm0, $0x4, v2;
	v2 =	vsel vm1, v3, v10;
	[dreg:$0x1a] =	wrdreg s22  }
0x33: {  	s5 =	sand.u32 $0x38, s19;
	v3 =	vimm.s32 $0x19;
	vm0 =	vcmask $0x2300;
	v10 =	vimm.s32 $0x9080808;
	s6 =	sadd.s32 s18, s13;
	[dreg:$0x1b] =	wrdreg s24  }
0x34: {  	s14 =	sand.u32 $0x3C, s23;
	v3 =	vsel vm0, $0x0, v3;
	vm0 =	vcmask $0x1F00;
	v10 =	vunpack.c.0.s8.s32 v10;
	s13 =	sadd.s32 s18, s12;
	[dreg:$0x1c] =	wrdreg s6  }
0x35: {  	s4 =	sadd.s32 s18, s4;
	v11 =	vimm.s32 $0x32321919;
	s16 =	smul.u32 $0x1200, s14;
	vm1 =	vcmask $0x2F20;
	v9 =	vnsel vm0, $0xA, v9;
	[dreg:$0x1d] =	wrdreg s13  }
0x36: {  	s14 =	sadd.s32 $0x10E00, s29;
	s12 =	sadd.s32 $0xEA00, s29;
	v9 =	vsel vm1, v10, v9;
	v10 =	vunpack.c.0.s8.s32 v11;
	v11 =	vimm.s32 $0xDCCCBBBA;
	s11 =	sld [smem:$0x7F5]  }
0x37: {  	s0 =	smul.u32 $0x1200, s5;
	v11 =	vunpack.c.l.s4.s8 v11;
	v4 =	vsel vm2, $0x9, v9;
	vm2 =	vcmask $0x2B10;
	s22 =	sadd.s32 s18, s8;
	s20 =	sld [smem:$0x7F6]  }
0x38: {  	v9 =	vnsel vm3, $0x4B, v10;
	vm3 =	veq.s32 v5, v0;
	s8 =	sadd.s32 $0xA200, s29;
	s13 =	sadd.s32 $0xFC00, s29;
	[tilespmem:$0x1FFA0] =	vst v25;
	v25 =	vimm.s32 $0x0;
	s26 =	sld [smem:$0x7F7]  }
0x39: {  	s0 =	sadd.s32 s18, s0;
	v10 =	vunpack.c.0.s8.s32 v11;
	v11 =	vimm.s32 $0xE0E0D0D;
	v5 =	vsel vm2, $0x32, v9;
	[smem:$0x7F9] =	sst s22;
	s22 =	simm.s32 $0x9100  }
0x3a: {  	vm2 =	veq.s32 v8, v0;
	v25 =	vsel vm5, $0xFFFFFFFF, v25;
	vm5 =	vmmov $0x3f;
	[dreg:$0x18] =	wrdreg s0;
	s0 =	smul.u32 $0x1200, s10;
	s17 =	sand.u32 $0x3F, s11  }
0x3b: {  	v9 =	vunpack.c.0.s8.s32 v11;
	s10 =	sadd.s32 $0xC600, s29;
	[tilespmem:$0x1FFB0] =	vst v25;
	v25 =	vimm.s32 $0x0;
	v8 =	vnsel vm0, $0xF, v10;
	s21 =	sand.u32 $0x38, s20;
	s19 =	smul.u32 $0x1200, s17  }
0x3c: {  	vm0 =	veq.s32 v6, v0;
	v10 =	vimm.s32 $0xA9BA9876;
	v25 =	vsel vm5, $0xFFFFFFFF, v25;
	s5 =	sand.u32 $0x3A, s26;
	s11 =	sand.u32 $0x3B, s25;
	s9 =	smul.u32 $0x1200, s21  }
0x3d: {  	vm5 =	vmmov $0x1ff;
	s0 =	sadd.s32 s18, s0;
	v6 =	vsel vm1, v9, v8;
	vm1 =	vmmov vm3;
	s26 =	sld [smem:$0x7FD];
	s7 =	smul.u32 $0x1200, s5  }
0x3e: {  	vm3 =	vmmov vm0;
	vm0 =	vcmask $0x3330;
	v9 =	vunpack.c.l.s4.s8 v10;
	s6 =	smul.u32 $0x1200, s11;
	[dreg:$0x1e] =	wrdreg s0;
	s17 =	sand.u32 $0x3E, s2  }
0x3f: {  	v8 =	vimm.s32 $0xFFFEDCED;
	v10 =	vimm.s32 $0xCEDCBA9B;
	[tilespmem:$0x1FFC0] =	vst v25;
	v25 =	vimm.s32 $0x0;
	s21 =	sand.u32 $0x3F, s3;
	s0 =	sadd.s32 s18, s16;
	s11 =	sadd.s32 $0xD800, s29  }
0x40: {  	v6 =	vsel vm0, $0xE, v6;
	vm0 =	vmmov vm4;
	vm4 =	veq.s32 v7, v0;
	s16 =	sadd.s32 $0x12000, s29;
	s3 =	sadd.s32 $0x15600, s29;
	s20 =	smul.u32 $0x1200, s17  }
0x41: {  	v7 =	vimm.s32 $0x87687654;
	v12 =	vunpack.c.l.s4.s8 v8;
	v10 =	vunpack.c.l.s4.s8 v10;
	s24 =	smul.u32 $0x1200, s21;
	[smem:$0x7FC] =	sst s0;
	s17 =	sadd.s32 $0x13200, s29  }
0x42: {  	v8 =	vimm.s32 $0x1;
	v25 =	vsel vm5, $0xFFFFFFFF, v25;
	vm5 =	vmmov $0xfff;
	s0 =	simm.s32 $0x12100;
	s21 =	simm.s32 $0x1B100;
	s1 =	sadd.s32 s18, s19  }
0x43: {  	v11 =	vunpack.c.l.s4.s8 v7;
	v7 =	vimm.s32 $0x0;
	v13 =	vunpack.c.0.s8.s32 v9;
	s19 =	sadd.s32 s18, s9;
	s23 =	sadd.s32 s18, s7;
	[dreg:$0x1f] =	wrdreg s1  }
.Ltmp0:
0x44: {  	v9 =	vimm.s32 $0x2;
	[tilespmem:$0x1FFD0] =	vst v25;
	v25 =	vimm.s32 $0x0;
	s25 =	sadd.s32 s18, s6;
	v15 =	vunpack.c.0.s8.s32 v12;
	[smem:$0x7F8] =	sst s19;
	(pc) =	sbr.rel .LBB2_1-.Ltmp0, $4  }
0x45: {  	s7 =	smax.u32 s26, $0x1;
	v16 =	vunpack.c.0.s8.s32 v10;
	s9 =	sadd.s32 $0xB400, s29;
	v25 =	vsel vm5, $0xFFFFFFFF, v25;
	[smem:$0x7FA] =	sst s23;
	v14 =	vunpack.c.0.s8.s32 v11  }
0x46: {  	v10 =	vimm.s32 $0x3;
	s26 =	sadd.s32 $0x17A00, s29;
	[smem:$0x7FB] =	sst s25;
	s5 =	sadd.s32 s18, s20;
	v11 =	vimm.s32 $0x5;
	[tilespmem:$0x1FFE0] =	vst v25;
	v25 =	vimm.s32 $0x0  }
0x47: {  	s6 =	sadd.s32 s18, s24;
	s19 =	sadd.s32 $0x14400, s29;
	s23 =	sadd.s32 $0x16800, s29;
	v25 =	vsel vm4, $0xFFFFFFFF, v25;
	v12 =	vcombine.low v14, v13;
	v13 =	vcombine.low v16, v15  }
0x48: {  	s25 =	sadd.s32 $0x19E00, s29;
	s20 =	simm.s32 $0x1;
	s24 =	simm.s32 $0x2;
	v14 =	vimm.s32 $0x7;
	v15 =	vimm.s32 $0x4;
	v16 =	vimm.s32 $0x6;
	[tilespmem:$0x1FFF0] =	vst v25  }
.LBB2_3:
0x49: {  	s7 =	sadd.s32 $0xFFFFFFFF, s7  }
0x4a: {  	p1 =	sne.s32 s7, $0x0  }
.Ltmp1:
0x4b: {  	_ = 	snop;
	(pc) =	sbr.rel @!p1 .LBB2_4-.Ltmp1, $1  }
0x4c: {  	_ =	sdelay $0x3  }
.LBB2_1:
0x4d: {  	s1 =	rddreg [dreg:$0x2]  }
0x4e: {  	[tilespmem:s15], [sflag:$0x3] =	stream.linear.gather [hbm4b:s1+s15], $0x80, $0x38;
	[tilespmem:$0x1F900] =	vst v63  }
0x4f: {  	_ =	swait.ge [sflag:s30], $0x80  }
0x50: {  	[sflag:s30] =	ssyncset.done $0x0  }
0x51: {  	s2 =	simm.s32 $0x80;
	s1 =	rddreg [dreg:$0x16];
	[sflag:s30] =	ssyncadd.s32 $0xFFFFFF80  }
0x52: {  	[tilespmem:s2], [sflag:$0x3] =	stream.linear.gather [hbm4b:s1+s15], $0x80, $0x38;
	[tilespmem:$0x1F900] =	vst v63  }
0x53: {  	_ =	swait.ge [sflag:s30], $0x80  }
0x54: {  	[sflag:s30] =	ssyncset.done $0x0  }
0x55: {  	v29 =	vld [tilespmem:$0x1FFB0];
	[sflag:s30] =	ssyncadd.s32 $0xFFFFFF80  }
0x56: {  	v26 =	vld [tilespmem:$0x80]  }
0x57: {  	v30 =	vld [tilespmem:$0x1FFC0]  }
0x58: {  	v62 =	vld [tilespmem:$0x1FFD0]  }
0x59: {  	v25 =	vld [tilespmem:$0x0]  }
0x5a: {  	v63 =	vld [tilespmem:$0x1FFE0]  }
0x5b: {  	v27 =	vperm.xlane v26, v7  }
0x5c: {  	vm5 =	vnez.u8 v29;
	v28 =	vperm.xlane v26, v8;
	v61 =	vperm.xlane v26, v9  }
0x5d: {  	v26 =	vperm.xlane v26, v10;
	v27 =	vsel vm5, $0x0, v27;
	vm5 =	vnez.u8 v30  }
0x5e: {  	v27 =	vadd.s32 v25, v27;
	v28 =	vsel vm5, $0x0, v28;
	vm5 =	vnez.u8 v62  }
0x5f: {  	v27 =	vadd.s32 v28, v27;
	v28 =	vsel vm5, $0x0, v61;
	vm5 =	vnez.u8 v63  }
0x60: {  	v27 =	vadd.s32 v28, v27;
	v26 =	vsel vm5, $0x0, v26  }
0x61: {  	v26 =	vadd.s32 v26, v27;
	v27 =	vld [tilespmem:$0x1FFA0];
	_ =	sdelay $0x4  }
0x62: {  	v26 =	vxor.u32 $0x80000000, v26;
	vm5 =	vnez.u8 v27  }
0x63: {  	v27 =	vnsel vm5, $0x80000000, v26  }
0x64: {  	(xrf0) =	vmax.scan.msk.u32 $0xffff, v27;
	_ =	sdelay $0x5  }
0x65: {  	v27, _, _ =	vpop (xrf0)  }
0x66: {  	(v2sf) =	vpush v27, $0xF;
	_ =	sdelay $0xe  }
0x67: {  	s2 =	spop (v2sf)  }
0x68: {  	s1 =	smul.u32 $0x2400, s2  }
0x69: {  	s2 =	rddreg [dreg:$0x6]  }
0x6a: {  	s2 =	sadd.s32 s2, s1  }
0x6b: {  	s2 =	sshll.u32 s2, $0x5  }
0x6c: {  	s2 =	sadd.s32 s18, s2  }
0x6d: {  	[tilespmem:s31], [sflag:$0x1] =	stream.linear.gather [hbm4b:s2+s15], $0x9000, $0x38;
	[tilespmem:$0x1F900] =	vst v63  }
0x6e: {  	s2 =	rddreg [dreg:$0x7]  }
0x6f: {  	s2 =	sadd.s32 s2, s1  }
0x70: {  	s2 =	sshll.u32 s2, $0x5  }
0x71: {  	s2 =	sadd.s32 s18, s2  }
0x72: {  	[tilespmem:s22], [sflag:$0x1] =	stream.linear.gather [hbm4b:s2+s15], $0x9000, $0x38;
	[tilespmem:$0x1F900] =	vst v63  }
0x73: {  	s2 =	rddreg [dreg:$0x10]  }
0x74: {  	s2 =	sadd.s32 s2, s1  }
0x75: {  	s2 =	sshll.u32 s2, $0x5  }
0x76: {  	s2 =	sadd.s32 s18, s2  }
0x77: {  	[tilespmem:s0], [sflag:$0x1] =	stream.linear.gather [hbm4b:s2+s15], $0x9000, $0x38;
	[tilespmem:$0x1F900] =	vst v63  }
0x78: {  	_ =	swait.ge [sflag:s20], $0x9000  }
0x79: {  	[sflag:s20] =	ssyncset.done $0x0  }
0x7a: {  	[sflag:s20] =	ssyncadd.s32 $0xFFFF7000  }
0x7b: {  	[hbm4b:s29+s15] =	stream.linear.scatter [tilespmem:s31], [sflag:$0x2], $0x9000, $0x38;
	[tilespmem:$0x1F900] =	vst v63  }
0x7c: {  	_ =	swait.ge [sflag:s24], $0x9000  }
0x7d: {  	s2 =	rddreg [dreg:$0x11]  }
0x7e: {  	s2 =	sadd.s32 s2, s1  }
0x7f: {  	[sflag:s24] =	ssyncset.done $0x0;
	s2 =	sshll.u32 s2, $0x5  }
0x80: {  	[sflag:s24] =	ssyncadd.s32 $0xFFFF7000;
	s2 =	sadd.s32 s18, s2  }
0x81: {  	[tilespmem:s31], [sflag:$0x1] =	stream.linear.gather [hbm4b:s2+s15], $0x9000, $0x38;
	[tilespmem:$0x1F900] =	vst v63  }
0x82: {  	_ =	swait.ge [sflag:s20], $0x9000  }
0x83: {  	[sflag:s20] =	ssyncset.done $0x0  }
0x84: {  	s2 =	rddreg [dreg:$0x8];
	[sflag:s20] =	ssyncadd.s32 $0xFFFF7000  }
0x85: {  	[hbm4b:s2+s15] =	stream.linear.scatter [tilespmem:s22], [sflag:$0x2], $0x9000, $0x38;
	[tilespmem:$0x1F900] =	vst v63  }
0x86: {  	_ =	swait.ge [sflag:s24], $0x9000  }
0x87: {  	s2 =	rddreg [dreg:$0x12]  }
0x88: {  	s2 =	sadd.s32 s2, s1  }
0x89: {  	[sflag:s24] =	ssyncset.done $0x0;
	s2 =	sshll.u32 s2, $0x5  }
0x8a: {  	[sflag:s24] =	ssyncadd.s32 $0xFFFF7000;
	s2 =	sadd.s32 s18, s2  }
0x8b: {  	[tilespmem:s22], [sflag:$0x1] =	stream.linear.gather [hbm4b:s2+s15], $0x9000, $0x38;
	[tilespmem:$0x1F900] =	vst v63  }
0x8c: {  	_ =	swait.ge [sflag:s20], $0x9000  }
0x8d: {  	[sflag:s20] =	ssyncset.done $0x0  }
0x8e: {  	s2 =	rddreg [dreg:$0x9];
	[sflag:s20] =	ssyncadd.s32 $0xFFFF7000  }
0x8f: {  	[hbm4b:s2+s15] =	stream.linear.scatter [tilespmem:s0], [sflag:$0x2], $0x9000, $0x38;
	[tilespmem:$0x1F900] =	vst v63  }
0x90: {  	_ =	swait.ge [sflag:s24], $0x9000  }
0x91: {  	s2 =	rddreg [dreg:$0x13]  }
0x92: {  	s2 =	sadd.s32 s2, s1  }
0x93: {  	[sflag:s24] =	ssyncset.done $0x0;
	s2 =	sshll.u32 s2, $0x5  }
0x94: {  	[sflag:s24] =	ssyncadd.s32 $0xFFFF7000;
	s2 =	sadd.s32 s18, s2  }
0x95: {  	[tilespmem:s0], [sflag:$0x1] =	stream.linear.gather [hbm4b:s2+s15], $0x9000, $0x38;
	[tilespmem:$0x1F900] =	vst v63  }
0x96: {  	_ =	swait.ge [sflag:s20], $0x9000  }
0x97: {  	[sflag:s20] =	ssyncset.done $0x0  }
0x98: {  	s2 =	rddreg [dreg:$0xa];
	[sflag:s20] =	ssyncadd.s32 $0xFFFF7000  }
0x99: {  	[hbm4b:s2+s15] =	stream.linear.scatter [tilespmem:s31], [sflag:$0x2], $0x9000, $0x38;
	[tilespmem:$0x1F900] =	vst v63  }
0x9a: {  	_ =	swait.ge [sflag:s24], $0x9000  }
0x9b: {  	s2 =	rddreg [dreg:$0x14]  }
0x9c: {  	s2 =	sadd.s32 s2, s1  }
0x9d: {  	[sflag:s24] =	ssyncset.done $0x0;
	s2 =	sshll.u32 s2, $0x5  }
0x9e: {  	[sflag:s24] =	ssyncadd.s32 $0xFFFF7000;
	s2 =	sadd.s32 s18, s2  }
0x9f: {  	[tilespmem:s31], [sflag:$0x1] =	stream.linear.gather [hbm4b:s2+s15], $0x9000, $0x38;
	[tilespmem:$0x1F900] =	vst v63  }
0xa0: {  	_ =	swait.ge [sflag:s20], $0x9000  }
0xa1: {  	[sflag:s20] =	ssyncset.done $0x0  }
0xa2: {  	s2 =	rddreg [dreg:$0xb];
	[sflag:s20] =	ssyncadd.s32 $0xFFFF7000  }
0xa3: {  	[hbm4b:s2+s15] =	stream.linear.scatter [tilespmem:s22], [sflag:$0x2], $0x9000, $0x38;
	[tilespmem:$0x1F900] =	vst v63  }
0xa4: {  	_ =	swait.ge [sflag:s24], $0x9000  }
0xa5: {  	s2 =	rddreg [dreg:$0x15]  }
0xa6: {  	s1 =	sadd.s32 s2, s1  }
0xa7: {  	[sflag:s24] =	ssyncset.done $0x0;
	s1 =	sshll.u32 s1, $0x5  }
0xa8: {  	[sflag:s24] =	ssyncadd.s32 $0xFFFF7000;
	s1 =	sadd.s32 s18, s1  }
0xa9: {  	[tilespmem:s22], [sflag:$0x1] =	stream.linear.gather [hbm4b:s1+s15], $0x9000, $0x38;
	[tilespmem:$0x1F900] =	vst v63  }
0xaa: {  	_ =	swait.ge [sflag:s20], $0x9000  }
0xab: {  	[sflag:s20] =	ssyncset.done $0x0  }
0xac: {  	s2 =	rddreg [dreg:$0xc];
	[sflag:s20] =	ssyncadd.s32 $0xFFFF7000  }
0xad: {  	[hbm4b:s2+s15] =	stream.linear.scatter [tilespmem:s0], [sflag:$0x2], $0x9000, $0x38;
	[tilespmem:$0x1F900] =	vst v63  }
0xae: {  	v27 =	vnsel vm4, $0x80000000, v26;
	_ =	swait.ge [sflag:s24], $0x9000  }
0xaf: {  	(xrf0) =	vmax.scan.msk.u32 $0xffff, v27;
	_ =	sdelay $0x5  }
0xb0: {  	v27, _, _ =	vpop (xrf0)  }
0xb1: {  	(v2sf) =	vpush v27, $0xF;
	_ =	sdelay $0xe  }
0xb2: {  	s2 =	spop (v2sf)  }
0xb3: {  	s1 =	smul.u32 $0x48000, s2  }
0xb4: {  	[sflag:s24] =	ssyncset.done $0x0;
	s2 =	rddreg [dreg:$0x18]  }
0xb5: {  	[sflag:s24] =	ssyncadd.s32 $0xFFFF7000;
	s1 =	sadd.s32 s2, s1  }
0xb6: {  	[tilespmem:s0], [sflag:$0x1] =	stream.linear.gather [hbm4b:s1+s15], $0x9000, $0x38;
	[tilespmem:$0x1F900] =	vst v63  }
0xb7: {  	_ =	swait.ge [sflag:s20], $0x9000  }
0xb8: {  	[sflag:s20] =	ssyncset.done $0x0  }
0xb9: {  	s2 =	rddreg [dreg:$0xd];
	[sflag:s20] =	ssyncadd.s32 $0xFFFF7000  }
0xba: {  	[hbm4b:s2+s15] =	stream.linear.scatter [tilespmem:s31], [sflag:$0x2], $0x9000, $0x38;
	[tilespmem:$0x1F900] =	vst v63  }
0xbb: {  	v27 =	vnsel vm3, $0x80000000, v26;
	_ =	swait.ge [sflag:s24], $0x9000  }
0xbc: {  	(xrf0) =	vmax.scan.msk.u32 $0xffff, v27;
	_ =	sdelay $0x5  }
0xbd: {  	v27, _, _ =	vpop (xrf0)  }
0xbe: {  	(v2sf) =	vpush v27, $0xF;
	_ =	sdelay $0xe  }
0xbf: {  	s2 =	spop (v2sf)  }
0xc0: {  	s1 =	smul.u32 $0x48000, s2  }
0xc1: {  	[sflag:s24] =	ssyncset.done $0x0;
	s2 =	rddreg [dreg:$0x19]  }
0xc2: {  	[sflag:s24] =	ssyncadd.s32 $0xFFFF7000;
	s1 =	sadd.s32 s2, s1  }
0xc3: {  	[tilespmem:s31], [sflag:$0x1] =	stream.linear.gather [hbm4b:s1+s15], $0x9000, $0x38;
	[tilespmem:$0x1F900] =	vst v63  }
0xc4: {  	_ =	swait.ge [sflag:s20], $0x9000  }
0xc5: {  	[sflag:s20] =	ssyncset.done $0x0  }
0xc6: {  	s2 =	rddreg [dreg:$0xe];
	[sflag:s20] =	ssyncadd.s32 $0xFFFF7000  }
0xc7: {  	[hbm4b:s2+s15] =	stream.linear.scatter [tilespmem:s22], [sflag:$0x2], $0x9000, $0x38;
	[tilespmem:$0x1F900] =	vst v63  }
0xc8: {  	v27 =	vnsel vm2, $0x80000000, v26;
	_ =	swait.ge [sflag:s24], $0x9000  }
0xc9: {  	(xrf0) =	vmax.scan.msk.u32 $0xffff, v27;
	_ =	sdelay $0x5  }
0xca: {  	v27, _, _ =	vpop (xrf0)  }
0xcb: {  	(v2sf) =	vpush v27, $0xF;
	_ =	sdelay $0xe  }
0xcc: {  	s2 =	spop (v2sf)  }
0xcd: {  	s1 =	smul.u32 $0x48000, s2  }
0xce: {  	[sflag:s24] =	ssyncset.done $0x0;
	s2 =	rddreg [dreg:$0x1a]  }
0xcf: {  	[sflag:s24] =	ssyncadd.s32 $0xFFFF7000;
	s1 =	sadd.s32 s2, s1  }
0xd0: {  	[tilespmem:s22], [sflag:$0x1] =	stream.linear.gather [hbm4b:s1+s15], $0x9000, $0x38;
	[tilespmem:$0x1F900] =	vst v63  }
0xd1: {  	_ =	swait.ge [sflag:s20], $0x9000  }
0xd2: {  	[sflag:s20] =	ssyncset.done $0x0  }
0xd3: {  	s2 =	rddreg [dreg:$0xf];
	[sflag:s20] =	ssyncadd.s32 $0xFFFF7000  }
0xd4: {  	[hbm4b:s2+s15] =	stream.linear.scatter [tilespmem:s0], [sflag:$0x2], $0x9000, $0x38;
	[tilespmem:$0x1F900] =	vst v63  }
0xd5: {  	v27 =	vnsel vm1, $0x80000000, v26;
	_ =	swait.ge [sflag:s24], $0x9000  }
0xd6: {  	(xrf0) =	vmax.scan.msk.u32 $0xffff, v27;
	_ =	sdelay $0x5  }
0xd7: {  	v27, _, _ =	vpop (xrf0)  }
0xd8: {  	(v2sf) =	vpush v27, $0xF;
	_ =	sdelay $0xe  }
0xd9: {  	s2 =	spop (v2sf)  }
0xda: {  	s1 =	smul.u32 $0x48000, s2  }
0xdb: {  	[sflag:s24] =	ssyncset.done $0x0;
	s2 =	rddreg [dreg:$0x1b]  }
0xdc: {  	[sflag:s24] =	ssyncadd.s32 $0xFFFF7000;
	s1 =	sadd.s32 s2, s1  }
0xdd: {  	[tilespmem:s0], [sflag:$0x1] =	stream.linear.gather [hbm4b:s1+s15], $0x9000, $0x38;
	[tilespmem:$0x1F900] =	vst v63  }
0xde: {  	_ =	swait.ge [sflag:s20], $0x9000  }
0xdf: {  	[sflag:s20] =	ssyncset.done $0x0  }
0xe0: {  	[sflag:s20] =	ssyncadd.s32 $0xFFFF7000  }
0xe1: {  	[hbm4b:s8+s15] =	stream.linear.scatter [tilespmem:s31], [sflag:$0x2], $0x9000, $0x38;
	[tilespmem:$0x1F900] =	vst v63  }
0xe2: {  	v27 =	vnsel vm0, $0x80000000, v26;
	_ =	swait.ge [sflag:s24], $0x9000  }
0xe3: {  	(xrf0) =	vmax.scan.msk.u32 $0xffff, v27;
	_ =	sdelay $0x5  }
0xe4: {  	v27, _, _ =	vpop (xrf0)  }
0xe5: {  	(v2sf) =	vpush v27, $0xF;
	_ =	sdelay $0xe  }
0xe6: {  	s2 =	spop (v2sf)  }
0xe7: {  	s1 =	smul.u32 $0x48000, s2  }
0xe8: {  	[sflag:s24] =	ssyncset.done $0x0;
	s2 =	rddreg [dreg:$0x1c]  }
0xe9: {  	[sflag:s24] =	ssyncadd.s32 $0xFFFF7000;
	s1 =	sadd.s32 s2, s1  }
0xea: {  	[tilespmem:s31], [sflag:$0x1] =	stream.linear.gather [hbm4b:s1+s15], $0x9000, $0x38;
	[tilespmem:$0x1F900] =	vst v63  }
0xeb: {  	_ =	swait.ge [sflag:s20], $0x9000  }
0xec: {  	[sflag:s20] =	ssyncset.done $0x0  }
0xed: {  	[sflag:s20] =	ssyncadd.s32 $0xFFFF7000  }
0xee: {  	[hbm4b:s9+s15] =	stream.linear.scatter [tilespmem:s22], [sflag:$0x2], $0x9000, $0x38;
	[tilespmem:$0x1F900] =	vst v63  }
0xef: {  	v27 =	vnsel vm15, $0x80000000, v26;
	_ =	swait.ge [sflag:s24], $0x9000  }
0xf0: {  	(xrf0) =	vmax.scan.msk.u32 $0xffff, v27;
	_ =	sdelay $0x5  }
0xf1: {  	v27, _, _ =	vpop (xrf0)  }
0xf2: {  	(v2sf) =	vpush v27, $0xF;
	_ =	sdelay $0xe  }
0xf3: {  	s2 =	spop (v2sf)  }
0xf4: {  	s1 =	smul.u32 $0x48000, s2  }
0xf5: {  	[sflag:s24] =	ssyncset.done $0x0;
	s2 =	rddreg [dreg:$0x1d]  }
0xf6: {  	[sflag:s24] =	ssyncadd.s32 $0xFFFF7000;
	s1 =	sadd.s32 s2, s1  }
0xf7: {  	[tilespmem:s22], [sflag:$0x1] =	stream.linear.gather [hbm4b:s1+s15], $0x9000, $0x38;
	[tilespmem:$0x1F900] =	vst v63  }
0xf8: {  	_ =	swait.ge [sflag:s20], $0x9000  }
0xf9: {  	[sflag:s20] =	ssyncset.done $0x0  }
0xfa: {  	[sflag:s20] =	ssyncadd.s32 $0xFFFF7000  }
0xfb: {  	[hbm4b:s10+s15] =	stream.linear.scatter [tilespmem:s0], [sflag:$0x2], $0x9000, $0x38;
	[tilespmem:$0x1F900] =	vst v63  }
0xfc: {  	v27 =	vnsel vm14, $0x80000000, v26;
	_ =	swait.ge [sflag:s24], $0x9000  }
0xfd: {  	(xrf0) =	vmax.scan.msk.u32 $0xffff, v27;
	_ =	sdelay $0x5  }
0xfe: {  	v27, _, _ =	vpop (xrf0)  }
0xff: {  	(v2sf) =	vpush v27, $0xF;
	_ =	sdelay $0xe  }
0x100: {  	s2 =	spop (v2sf)  }
0x101: {  	s1 =	smul.u32 $0x48000, s2  }
0x102: {  	[sflag:s24] =	ssyncset.done $0x0;
	s2 =	rddreg [dreg:$0x1e]  }
0x103: {  	[sflag:s24] =	ssyncadd.s32 $0xFFFF7000;
	s1 =	sadd.s32 s2, s1  }
0x104: {  	[tilespmem:s0], [sflag:$0x1] =	stream.linear.gather [hbm4b:s1+s15], $0x9000, $0x38;
	[tilespmem:$0x1F900] =	vst v63  }
0x105: {  	_ =	swait.ge [sflag:s20], $0x9000  }
0x106: {  	[sflag:s20] =	ssyncset.done $0x0  }
0x107: {  	[sflag:s20] =	ssyncadd.s32 $0xFFFF7000  }
0x108: {  	[hbm4b:s11+s15] =	stream.linear.scatter [tilespmem:s31], [sflag:$0x2], $0x9000, $0x38;
	[tilespmem:$0x1F900] =	vst v63  }
0x109: {  	v27 =	vnsel vm13, $0x80000000, v26;
	_ =	swait.ge [sflag:s24], $0x9000  }
0x10a: {  	(xrf0) =	vmax.scan.msk.u32 $0xffff, v27;
	_ =	sdelay $0x5  }
0x10b: {  	v27, _, _ =	vpop (xrf0)  }
0x10c: {  	(v2sf) =	vpush v27, $0xF;
	_ =	sdelay $0xe  }
0x10d: {  	s2 =	spop (v2sf)  }
0x10e: {  	s1 =	smul.u32 $0x48000, s2  }
0x10f: {  	[sflag:s24] =	ssyncset.done $0x0;
	s2 =	rddreg [dreg:$0x1f]  }
0x110: {  	[sflag:s24] =	ssyncadd.s32 $0xFFFF7000;
	s1 =	sadd.s32 s2, s1  }
0x111: {  	[tilespmem:s31], [sflag:$0x1] =	stream.linear.gather [hbm4b:s1+s15], $0x9000, $0x38;
	[tilespmem:$0x1F900] =	vst v63  }
0x112: {  	_ =	swait.ge [sflag:s20], $0x9000  }
0x113: {  	[sflag:s20] =	ssyncset.done $0x0  }
0x114: {  	[sflag:s20] =	ssyncadd.s32 $0xFFFF7000  }
0x115: {  	[hbm4b:s12+s15] =	stream.linear.scatter [tilespmem:s22], [sflag:$0x2], $0x9000, $0x38;
	[tilespmem:$0x1F900] =	vst v63  }
0x116: {  	v27 =	vnsel vm12, $0x80000000, v26;
	_ =	swait.ge [sflag:s24], $0x9000  }
0x117: {  	(xrf0) =	vmax.scan.msk.u32 $0xffff, v27;
	_ =	sdelay $0x5  }
0x118: {  	v27, _, _ =	vpop (xrf0)  }
0x119: {  	(v2sf) =	vpush v27, $0xF;
	_ =	sdelay $0xe  }
0x11a: {  	s2 =	spop (v2sf)  }
0x11b: {  	s1 =	smul.u32 $0x48000, s2;
	s2 =	sld [smem:$0x7F8]  }
0x11c: {  	_ = 	snop  }
0x11d: {  	[sflag:s24] =	ssyncset.done $0x0  }
0x11e: {  	[sflag:s24] =	ssyncadd.s32 $0xFFFF7000;
	s1 =	sadd.s32 s2, s1  }
0x11f: {  	[tilespmem:s22], [sflag:$0x1] =	stream.linear.gather [hbm4b:s1+s15], $0x9000, $0x38;
	[tilespmem:$0x1F900] =	vst v63  }
0x120: {  	_ =	swait.ge [sflag:s20], $0x9000  }
0x121: {  	[sflag:s20] =	ssyncset.done $0x0  }
0x122: {  	[sflag:s20] =	ssyncadd.s32 $0xFFFF7000  }
0x123: {  	[hbm4b:s13+s15] =	stream.linear.scatter [tilespmem:s0], [sflag:$0x2], $0x9000, $0x38;
	[tilespmem:$0x1F900] =	vst v63  }
0x124: {  	v27 =	vnsel vm11, $0x80000000, v26;
	_ =	swait.ge [sflag:s24], $0x9000  }
0x125: {  	(xrf0) =	vmax.scan.msk.u32 $0xffff, v27;
	_ =	sdelay $0x5  }
0x126: {  	v27, _, _ =	vpop (xrf0)  }
0x127: {  	(v2sf) =	vpush v27, $0xF;
	_ =	sdelay $0xe  }
0x128: {  	s2 =	spop (v2sf)  }
0x129: {  	s1 =	smul.u32 $0x48000, s2;
	s2 =	sld [smem:$0x7F9]  }
0x12a: {  	_ = 	snop  }
0x12b: {  	[sflag:s24] =	ssyncset.done $0x0  }
0x12c: {  	[sflag:s24] =	ssyncadd.s32 $0xFFFF7000;
	s1 =	sadd.s32 s2, s1  }
0x12d: {  	[tilespmem:s0], [sflag:$0x1] =	stream.linear.gather [hbm4b:s1+s15], $0x9000, $0x38;
	[tilespmem:$0x1F900] =	vst v63  }
0x12e: {  	_ =	swait.ge [sflag:s20], $0x9000  }
0x12f: {  	[sflag:s20] =	ssyncset.done $0x0  }
0x130: {  	[sflag:s20] =	ssyncadd.s32 $0xFFFF7000  }
0x131: {  	[hbm4b:s14+s15] =	stream.linear.scatter [tilespmem:s31], [sflag:$0x2], $0x9000, $0x38;
	[tilespmem:$0x1F900] =	vst v63  }
0x132: {  	v27 =	vnsel vm10, $0x80000000, v26;
	_ =	swait.ge [sflag:s24], $0x9000  }
0x133: {  	(xrf0) =	vmax.scan.msk.u32 $0xffff, v27;
	_ =	sdelay $0x5  }
0x134: {  	v27, _, _ =	vpop (xrf0)  }
0x135: {  	(v2sf) =	vpush v27, $0xF;
	_ =	sdelay $0xe  }
0x136: {  	s2 =	spop (v2sf)  }
0x137: {  	s1 =	smul.u32 $0x48000, s2;
	s2 =	sld [smem:$0x7FA]  }
0x138: {  	_ = 	snop  }
0x139: {  	[sflag:s24] =	ssyncset.done $0x0  }
0x13a: {  	[sflag:s24] =	ssyncadd.s32 $0xFFFF7000;
	s1 =	sadd.s32 s2, s1  }
0x13b: {  	[tilespmem:s31], [sflag:$0x1] =	stream.linear.gather [hbm4b:s1+s15], $0x9000, $0x38;
	[tilespmem:$0x1F900] =	vst v63  }
0x13c: {  	_ =	swait.ge [sflag:s20], $0x9000  }
0x13d: {  	[sflag:s20] =	ssyncset.done $0x0  }
0x13e: {  	[sflag:s20] =	ssyncadd.s32 $0xFFFF7000  }
0x13f: {  	[hbm4b:s16+s15] =	stream.linear.scatter [tilespmem:s22], [sflag:$0x2], $0x9000, $0x38;
	[tilespmem:$0x1F900] =	vst v63  }
0x140: {  	v27 =	vnsel vm9, $0x80000000, v26;
	_ =	swait.ge [sflag:s24], $0x9000  }
0x141: {  	(xrf0) =	vmax.scan.msk.u32 $0xffff, v27;
	_ =	sdelay $0x5  }
0x142: {  	v27, _, _ =	vpop (xrf0)  }
0x143: {  	(v2sf) =	vpush v27, $0xF;
	_ =	sdelay $0xe  }
0x144: {  	s2 =	spop (v2sf)  }
0x145: {  	s1 =	smul.u32 $0x48000, s2;
	s2 =	sld [smem:$0x7FB]  }
0x146: {  	_ = 	snop  }
0x147: {  	[sflag:s24] =	ssyncset.done $0x0  }
0x148: {  	[sflag:s24] =	ssyncadd.s32 $0xFFFF7000;
	s1 =	sadd.s32 s2, s1  }
0x149: {  	[tilespmem:s22], [sflag:$0x1] =	stream.linear.gather [hbm4b:s1+s15], $0x9000, $0x38;
	[tilespmem:$0x1F900] =	vst v63  }
0x14a: {  	_ =	swait.ge [sflag:s20], $0x9000  }
0x14b: {  	[sflag:s20] =	ssyncset.done $0x0  }
0x14c: {  	[sflag:s20] =	ssyncadd.s32 $0xFFFF7000  }
0x14d: {  	[hbm4b:s17+s15] =	stream.linear.scatter [tilespmem:s0], [sflag:$0x2], $0x9000, $0x38;
	[tilespmem:$0x1F900] =	vst v63  }
0x14e: {  	v27 =	vnsel vm8, $0x80000000, v26;
	_ =	swait.ge [sflag:s24], $0x9000  }
0x14f: {  	(xrf0) =	vmax.scan.msk.u32 $0xffff, v27;
	_ =	sdelay $0x5  }
0x150: {  	v27, _, _ =	vpop (xrf0)  }
0x151: {  	(v2sf) =	vpush v27, $0xF;
	_ =	sdelay $0xe  }
0x152: {  	s2 =	spop (v2sf)  }
0x153: {  	s1 =	smul.u32 $0x48000, s2;
	s2 =	sld [smem:$0x7FC]  }
0x154: {  	_ = 	snop  }
0x155: {  	[sflag:s24] =	ssyncset.done $0x0  }
0x156: {  	[sflag:s24] =	ssyncadd.s32 $0xFFFF7000;
	s1 =	sadd.s32 s2, s1  }
0x157: {  	[tilespmem:s0], [sflag:$0x1] =	stream.linear.gather [hbm4b:s1+s15], $0x9000, $0x38;
	[tilespmem:$0x1F900] =	vst v63  }
0x158: {  	_ =	swait.ge [sflag:s20], $0x9000  }
0x159: {  	[sflag:s20] =	ssyncset.done $0x0  }
0x15a: {  	[sflag:s20] =	ssyncadd.s32 $0xFFFF7000  }
0x15b: {  	[hbm4b:s19+s15] =	stream.linear.scatter [tilespmem:s31], [sflag:$0x2], $0x9000, $0x38;
	[tilespmem:$0x1F900] =	vst v63  }
0x15c: {  	v27 =	vnsel vm7, $0x80000000, v26;
	_ =	swait.ge [sflag:s24], $0x9000  }
0x15d: {  	(xrf0) =	vmax.scan.msk.u32 $0xffff, v27;
	_ =	sdelay $0x5  }
0x15e: {  	v27, _, _ =	vpop (xrf0)  }
0x15f: {  	(v2sf) =	vpush v27, $0xF;
	_ =	sdelay $0xe  }
0x160: {  	s2 =	spop (v2sf)  }
0x161: {  	s1 =	smul.u32 $0x48000, s2  }
0x162: {  	[sflag:s24] =	ssyncset.done $0x0  }
0x163: {  	[sflag:s24] =	ssyncadd.s32 $0xFFFF7000;
	s1 =	sadd.s32 s4, s1  }
0x164: {  	[tilespmem:s31], [sflag:$0x1] =	stream.linear.gather [hbm4b:s1+s15], $0x9000, $0x38;
	[tilespmem:$0x1F900] =	vst v63  }
0x165: {  	_ =	swait.ge [sflag:s20], $0x9000  }
0x166: {  	[sflag:s20] =	ssyncset.done $0x0  }
0x167: {  	[sflag:s20] =	ssyncadd.s32 $0xFFFF7000  }
0x168: {  	[hbm4b:s3+s15] =	stream.linear.scatter [tilespmem:s22], [sflag:$0x2], $0x9000, $0x38;
	[tilespmem:$0x1F900] =	vst v63  }
0x169: {  	v27 =	vnsel vm6, $0x80000000, v26;
	_ =	swait.ge [sflag:s24], $0x9000  }
0x16a: {  	(xrf0) =	vmax.scan.msk.u32 $0xffff, v27;
	_ =	sdelay $0x5  }
0x16b: {  	v27, _, _ =	vpop (xrf0)  }
0x16c: {  	(v2sf) =	vpush v27, $0xF;
	_ =	sdelay $0xe  }
0x16d: {  	s2 =	spop (v2sf)  }
0x16e: {  	s1 =	smul.u32 $0x48000, s2  }
0x16f: {  	[sflag:s24] =	ssyncset.done $0x0  }
0x170: {  	[sflag:s24] =	ssyncadd.s32 $0xFFFF7000;
	s1 =	sadd.s32 s5, s1  }
0x171: {  	[tilespmem:s22], [sflag:$0x1] =	stream.linear.gather [hbm4b:s1+s15], $0x9000, $0x38;
	[tilespmem:$0x1F900] =	vst v63  }
0x172: {  	_ =	swait.ge [sflag:s20], $0x9000  }
0x173: {  	[sflag:s20] =	ssyncset.done $0x0  }
0x174: {  	[sflag:s20] =	ssyncadd.s32 $0xFFFF7000  }
0x175: {  	[hbm4b:s23+s15] =	stream.linear.scatter [tilespmem:s0], [sflag:$0x2], $0x9000, $0x38;
	[tilespmem:$0x1F900] =	vst v63  }
0x176: {  	_ =	swait.ge [sflag:s24], $0x9000  }
0x177: {  	v27 =	vld [tilespmem:$0x1FF90];
	_ =	sdelay $0x4  }
0x178: {  	vm5 =	vnez.u8 v27  }
0x179: {  	v26 =	vnsel vm5, $0x80000000, v26  }
0x17a: {  	(xrf0) =	vmax.scan.msk.u32 $0xffff, v26;
	_ =	sdelay $0x5  }
0x17b: {  	v26, _, _ =	vpop (xrf0)  }
0x17c: {  	(v2sf) =	vpush v26, $0xF;
	_ =	sdelay $0xe  }
0x17d: {  	s2 =	spop (v2sf)  }
0x17e: {  	s1 =	smul.u32 $0x48000, s2  }
0x17f: {  	[sflag:s24] =	ssyncset.done $0x0  }
0x180: {  	[sflag:s24] =	ssyncadd.s32 $0xFFFF7000;
	s1 =	sadd.s32 s6, s1  }
0x181: {  	[tilespmem:s0], [sflag:$0x1] =	stream.linear.gather [hbm4b:s1+s15], $0x9000, $0x38;
	[tilespmem:$0x1F900] =	vst v63  }
0x182: {  	_ =	swait.ge [sflag:s20], $0x9000  }
0x183: {  	[sflag:s20] =	ssyncset.done $0x0  }
0x184: {  	[sflag:s20] =	ssyncadd.s32 $0xFFFF7000  }
0x185: {  	[hbm4b:s26+s15] =	stream.linear.scatter [tilespmem:s31], [sflag:$0x2], $0x9000, $0x38;
	[tilespmem:$0x1F900] =	vst v63  }
0x186: {  	_ =	swait.ge [sflag:s20], $0x9000  }
0x187: {  	[sflag:s20] =	ssyncset.done $0x0  }
0x188: {  	[sflag:s20] =	ssyncadd.s32 $0xFFFF7000  }
0x189: {  	[hbm4b:s28+s15] =	stream.linear.scatter [tilespmem:s22], [sflag:$0x2], $0x9000, $0x38;
	[tilespmem:$0x1F900] =	vst v63  }
0x18a: {  	_ =	swait.ge [sflag:s20], $0x9000  }
0x18b: {  	[sflag:s20] =	ssyncset.done $0x0  }
0x18c: {  	[sflag:s20] =	ssyncadd.s32 $0xFFFF7000  }
0x18d: {  	[hbm4b:s25+s15] =	stream.linear.scatter [tilespmem:s0], [sflag:$0x2], $0x9000, $0x38;
	[tilespmem:$0x1F900] =	vst v63  }
0x18e: {  	_ =	swait.ge [sflag:s24], $0x9000  }
0x18f: {  	[sflag:s24] =	ssyncset.done $0x0  }
0x190: {  	[sflag:s24] =	ssyncadd.s32 $0xFFFF7000  }
0x191: {  	_ =	swait.ge [sflag:s24], $0x9000  }
.Ltmp2:
0x192: {  	[sflag:s24] =	ssyncset.done $0x0;
	(pc) =	sbr.rel @p0 .LBB2_3-.Ltmp2, $4  }
0x193: {  	[sflag:s24] =	ssyncadd.s32 $0xFFFF7000  }
0x194: {  	_ =	swait.ge [sflag:s24], $0x9000  }
0x195: {  	[sflag:s24] =	ssyncset.done $0x0  }
0x196: {  	[sflag:s24] =	ssyncadd.s32 $0xFFFF7000  }
0x197: {  	v26 =	vperm.xlane v25, v1;
	_ =	sdelay $0x1  }
0x198: {  	v27 =	vperm.xlane v25, v2;
	v26 =	vmul.u32 $0x5, v26;
	_ =	sdelay $0x1  }
0x199: {  	v26 =	vadd.s32 v27, v26  }
0x19a: {  	v26 =	vadd.s32 v3, v26  }
0x19b: {  	vm5 =	vlt.s32 v26, $0x63  }
0x19c: {  	v26 =	vnsel vm5, $0x63, v26  }
0x19d: {  	v27 =	vperm.xlane v26, v7;
	_ =	sdelay $0x1  }
0x19e: {  	v27 =	vshll.u32 v27, $0x7  }
0x19f: {  	s1 =	rddreg [dreg:$0x1];
	v27 =	vor.u32 v0, v27  }
0x1a0: {  	[tilespmem:s21], [sflag:$0x3] =	stream.linear.gather [hbm4b:s1+s15], $0x3200, $0x38;
	[tilespmem:$0x1F900] =	vst v63  }
0x1a1: {  	_ =	swait.ge [sflag:s30], $0x3200  }
0x1a2: {  	[sflag:s30] =	ssyncset.done $0x0;
	v28 =	vperm.xlane v26, v8  }
0x1a3: {  	[sflag:s30] =	ssyncadd.s32 $0xFFFFCE00  }
0x1a4: {  	v28 =	vshll.u32 v28, $0x7;
	v27 =	vld.idx.msk [tilespmem:v27+s21+$0x0], $0xffff  }
0x1a5: {  	v28 =	vor.u32 v0, v28;
	_ =	sdelay $0x2  }
0x1a6: {  	v29 =	vperm.xlane v26, v9  }
0x1a7: {  	[tilespmem:$0x1E500] =	vst v27  }
0x1a8: {  	v35 =	vshll.u32 v29, $0x7;
	v27 =	vld.idx.msk [tilespmem:v28+s21+$0x0], $0xffff  }
0x1a9: {  	v28 =	vor.u32 v0, v35;
	_ =	sdelay $0x2  }
0x1aa: {  	v36 =	vperm.xlane v26, v10  }
0x1ab: {  	[tilespmem:$0x1E580] =	vst v27  }
0x1ac: {  	v37 =	vshll.u32 v36, $0x7;
	v27 =	vld.idx.msk [tilespmem:v28+s21+$0x0], $0xffff  }
0x1ad: {  	v28 =	vor.u32 v0, v37;
	_ =	sdelay $0x2  }
0x1ae: {  	v38 =	vperm.xlane v26, v15  }
0x1af: {  	[tilespmem:$0x1E600] =	vst v27  }
0x1b0: {  	v39 =	vshll.u32 v38, $0x7;
	v27 =	vld.idx.msk [tilespmem:v28+s21+$0x0], $0xffff  }
0x1b1: {  	v28 =	vor.u32 v0, v39;
	_ =	sdelay $0x2  }
0x1b2: {  	v40 =	vperm.xlane v26, v11  }
0x1b3: {  	[tilespmem:$0x1E680] =	vst v27  }
0x1b4: {  	v41 =	vshll.u32 v40, $0x7;
	v27 =	vld.idx.msk [tilespmem:v28+s21+$0x0], $0xffff  }
0x1b5: {  	v28 =	vor.u32 v0, v41;
	_ =	sdelay $0x2  }
0x1b6: {  	v42 =	vperm.xlane v26, v16  }
0x1b7: {  	[tilespmem:$0x1E700] =	vst v27  }
0x1b8: {  	v43 =	vshll.u32 v42, $0x7;
	v27 =	vld.idx.msk [tilespmem:v28+s21+$0x0], $0xffff  }
0x1b9: {  	v28 =	vor.u32 v0, v43;
	_ =	sdelay $0x2  }
0x1ba: {  	v44 =	vperm.xlane v26, v14  }
0x1bb: {  	[tilespmem:$0x1E780] =	vst v27  }
0x1bc: {  	v45 =	vshll.u32 v44, $0x7;
	v27 =	vld.idx.msk [tilespmem:v28+s21+$0x0], $0xffff  }
0x1bd: {  	v28 =	vor.u32 v0, v45;
	_ =	sdelay $0x2  }
0x1be: {  	v46 =	vperm.xlane v26, v17  }
0x1bf: {  	[tilespmem:$0x1E800] =	vst v27  }
0x1c0: {  	v47 =	vshll.u32 v46, $0x7;
	v27 =	vld.idx.msk [tilespmem:v28+s21+$0x0], $0xffff  }
0x1c1: {  	v28 =	vor.u32 v0, v47;
	_ =	sdelay $0x2  }
0x1c2: {  	v48 =	vperm.xlane v26, v18  }
0x1c3: {  	[tilespmem:$0x1E880] =	vst v27  }
0x1c4: {  	v49 =	vshll.u32 v48, $0x7;
	v27 =	vld.idx.msk [tilespmem:v28+s21+$0x0], $0xffff  }
0x1c5: {  	v28 =	vor.u32 v0, v49;
	_ =	sdelay $0x2  }
0x1c6: {  	v50 =	vperm.xlane v26, v19  }
0x1c7: {  	[tilespmem:$0x1E900] =	vst v27  }
0x1c8: {  	v51 =	vshll.u32 v50, $0x7;
	v27 =	vld.idx.msk [tilespmem:v28+s21+$0x0], $0xffff  }
0x1c9: {  	v28 =	vor.u32 v0, v51;
	_ =	sdelay $0x2  }
0x1ca: {  	v52 =	vperm.xlane v26, v20  }
0x1cb: {  	[tilespmem:$0x1E980] =	vst v27  }
0x1cc: {  	v53 =	vshll.u32 v52, $0x7;
	v27 =	vld.idx.msk [tilespmem:v28+s21+$0x0], $0xffff  }
0x1cd: {  	v28 =	vor.u32 v0, v53;
	_ =	sdelay $0x2  }
0x1ce: {  	v54 =	vperm.xlane v26, v21  }
0x1cf: {  	[tilespmem:$0x1EA00] =	vst v27  }
0x1d0: {  	v55 =	vshll.u32 v54, $0x7;
	v27 =	vld.idx.msk [tilespmem:v28+s21+$0x0], $0xffff  }
0x1d1: {  	v28 =	vor.u32 v0, v55;
	_ =	sdelay $0x2  }
0x1d2: {  	v56 =	vperm.xlane v26, v22  }
0x1d3: {  	[tilespmem:$0x1EA80] =	vst v27  }
0x1d4: {  	v57 =	vshll.u32 v56, $0x7;
	v27 =	vld.idx.msk [tilespmem:v28+s21+$0x0], $0xffff  }
0x1d5: {  	v28 =	vor.u32 v0, v57;
	_ =	sdelay $0x2  }
0x1d6: {  	v58 =	vperm.xlane v26, v23  }
0x1d7: {  	[tilespmem:$0x1EB00] =	vst v27  }
0x1d8: {  	v59 =	vshll.u32 v58, $0x7;
	v27 =	vld.idx.msk [tilespmem:v28+s21+$0x0], $0xffff  }
0x1d9: {  	v28 =	vor.u32 v0, v59  }
0x1da: {  	v60 =	vperm.xlane v25, v4;
	_ =	sdelay $0x1  }
0x1db: {  	v30 =	vperm.xlane v25, v12;
	v26 =	vperm.xlane v26, v24;
	v29 =	vmul.u32 $0x5, v60  }
0x1dc: {  	[tilespmem:$0x1EB80] =	vst v27  }
0x1dd: {  	v26 =	vshll.u32 v26, $0x7;
	v27 =	vadd.s32 v30, v29;
	v28 =	vld.idx.msk [tilespmem:v28+s21+$0x0], $0xffff  }
0x1de: {  	v26 =	vor.u32 v0, v26;
	v27 =	vadd.s32 v5, v27  }
0x1df: {  	vm5 =	vlt.s32 v27, $0x63  }
0x1e0: {  	v27 =	vnsel vm5, $0x63, v27  }
0x1e1: {  	v61 =	vperm.xlane v27, v7  }
0x1e2: {  	[tilespmem:$0x1EC00] =	vst v28  }
0x1e3: {  	v62 =	vshll.u32 v61, $0x7;
	v26 =	vld.idx.msk [tilespmem:v26+s21+$0x0], $0xffff  }
0x1e4: {  	v28 =	vor.u32 v0, v62;
	_ =	sdelay $0x2  }
0x1e5: {  	v63 =	vperm.xlane v27, v8  }
0x1e6: {  	[tilespmem:$0x1EC80] =	vst v26  }
0x1e7: {  	v32 =	vshll.u32 v63, $0x7;
	v26 =	vld.idx.msk [tilespmem:v28+s21+$0x0], $0xffff  }
0x1e8: {  	v28 =	vor.u32 v0, v32;
	_ =	sdelay $0x2  }
0x1e9: {  	v33 =	vperm.xlane v27, v9  }
0x1ea: {  	[tilespmem:$0x1ED00] =	vst v26  }
0x1eb: {  	v34 =	vshll.u32 v33, $0x7;
	v26 =	vld.idx.msk [tilespmem:v28+s21+$0x0], $0xffff  }
0x1ec: {  	v28 =	vor.u32 v0, v34;
	_ =	sdelay $0x2  }
0x1ed: {  	v35 =	vperm.xlane v27, v10  }
0x1ee: {  	[tilespmem:$0x1ED80] =	vst v26  }
0x1ef: {  	v36 =	vshll.u32 v35, $0x7;
	v26 =	vld.idx.msk [tilespmem:v28+s21+$0x0], $0xffff  }
0x1f0: {  	v28 =	vor.u32 v0, v36;
	_ =	sdelay $0x2  }
0x1f1: {  	v37 =	vperm.xlane v27, v15  }
0x1f2: {  	[tilespmem:$0x1EE00] =	vst v26  }
0x1f3: {  	v38 =	vshll.u32 v37, $0x7;
	v26 =	vld.idx.msk [tilespmem:v28+s21+$0x0], $0xffff  }
0x1f4: {  	v28 =	vor.u32 v0, v38;
	_ =	sdelay $0x2  }
0x1f5: {  	v39 =	vperm.xlane v27, v11  }
0x1f6: {  	[tilespmem:$0x1EE80] =	vst v26  }
0x1f7: {  	v40 =	vshll.u32 v39, $0x7;
	v26 =	vld.idx.msk [tilespmem:v28+s21+$0x0], $0xffff  }
0x1f8: {  	v28 =	vor.u32 v0, v40;
	_ =	sdelay $0x2  }
0x1f9: {  	v41 =	vperm.xlane v27, v16  }
0x1fa: {  	[tilespmem:$0x1EF00] =	vst v26  }
0x1fb: {  	v42 =	vshll.u32 v41, $0x7;
	v26 =	vld.idx.msk [tilespmem:v28+s21+$0x0], $0xffff  }
0x1fc: {  	v28 =	vor.u32 v0, v42;
	_ =	sdelay $0x2  }
0x1fd: {  	v43 =	vperm.xlane v27, v14  }
0x1fe: {  	[tilespmem:$0x1EF80] =	vst v26  }
0x1ff: {  	v44 =	vshll.u32 v43, $0x7;
	v26 =	vld.idx.msk [tilespmem:v28+s21+$0x0], $0xffff  }
0x200: {  	v28 =	vor.u32 v0, v44;
	_ =	sdelay $0x2  }
0x201: {  	v45 =	vperm.xlane v27, v17  }
0x202: {  	[tilespmem:$0x1F000] =	vst v26  }
0x203: {  	v46 =	vshll.u32 v45, $0x7;
	v26 =	vld.idx.msk [tilespmem:v28+s21+$0x0], $0xffff  }
0x204: {  	v28 =	vor.u32 v0, v46;
	_ =	sdelay $0x2  }
0x205: {  	v47 =	vperm.xlane v27, v18  }
0x206: {  	[tilespmem:$0x1F080] =	vst v26  }
0x207: {  	v48 =	vshll.u32 v47, $0x7;
	v26 =	vld.idx.msk [tilespmem:v28+s21+$0x0], $0xffff  }
0x208: {  	v28 =	vor.u32 v0, v48;
	_ =	sdelay $0x2  }
0x209: {  	v49 =	vperm.xlane v27, v19  }
0x20a: {  	[tilespmem:$0x1F100] =	vst v26  }
0x20b: {  	v50 =	vshll.u32 v49, $0x7;
	v26 =	vld.idx.msk [tilespmem:v28+s21+$0x0], $0xffff  }
0x20c: {  	v28 =	vor.u32 v0, v50;
	_ =	sdelay $0x2  }
0x20d: {  	v51 =	vperm.xlane v27, v20  }
0x20e: {  	[tilespmem:$0x1F180] =	vst v26  }
0x20f: {  	v52 =	vshll.u32 v51, $0x7;
	v26 =	vld.idx.msk [tilespmem:v28+s21+$0x0], $0xffff  }
0x210: {  	v28 =	vor.u32 v0, v52;
	_ =	sdelay $0x2  }
0x211: {  	v53 =	vperm.xlane v27, v21  }
0x212: {  	[tilespmem:$0x1F200] =	vst v26  }
0x213: {  	v54 =	vshll.u32 v53, $0x7;
	v26 =	vld.idx.msk [tilespmem:v28+s21+$0x0], $0xffff  }
0x214: {  	v28 =	vor.u32 v0, v54;
	_ =	sdelay $0x2  }
0x215: {  	v55 =	vperm.xlane v27, v22  }
0x216: {  	[tilespmem:$0x1F280] =	vst v26  }
0x217: {  	v56 =	vshll.u32 v55, $0x7;
	v26 =	vld.idx.msk [tilespmem:v28+s21+$0x0], $0xffff  }
0x218: {  	v28 =	vor.u32 v0, v56;
	_ =	sdelay $0x2  }
0x219: {  	v57 =	vperm.xlane v27, v23  }
0x21a: {  	[tilespmem:$0x1F300] =	vst v26  }
0x21b: {  	v58 =	vshll.u32 v57, $0x7;
	v26 =	vld.idx.msk [tilespmem:v28+s21+$0x0], $0xffff  }
0x21c: {  	v28 =	vor.u32 v0, v58  }
0x21d: {  	v59 =	vperm.xlane v25, v6;
	_ =	sdelay $0x1  }
0x21e: {  	v25 =	vperm.xlane v25, v13;
	v29 =	vmul.u32 $0x5, v59;
	v27 =	vperm.xlane v27, v24  }
0x21f: {  	[tilespmem:$0x1F380] =	vst v26  }
0x220: {  	v25 =	vadd.s32 v25, v29;
	v27 =	vshll.u32 v27, $0x7;
	v26 =	vld.idx.msk [tilespmem:v28+s21+$0x0], $0xffff  }
0x221: {  	v25 =	vadd.s32 $0x4B, v25;
	v27 =	vor.u32 v0, v27  }
0x222: {  	vm5 =	vlt.s32 v25, $0x63  }
0x223: {  	v25 =	vnsel vm5, $0x63, v25  }
0x224: {  	v61 =	vperm.xlane v25, v7  }
0x225: {  	[tilespmem:$0x1F400] =	vst v26  }
0x226: {  	v26 =	vld.idx.msk [tilespmem:v27+s21+$0x0], $0xffff;
	v27 =	vshll.u32 v61, $0x7  }
0x227: {  	v27 =	vor.u32 v0, v27;
	_ =	sdelay $0x2  }
0x228: {  	v62 =	vperm.xlane v25, v8  }
0x229: {  	[tilespmem:$0x1F480] =	vst v26  }
0x22a: {  	v26 =	vld.idx.msk [tilespmem:v27+s21+$0x0], $0xffff;
	v27 =	vshll.u32 v62, $0x7  }
0x22b: {  	v27 =	vor.u32 v0, v27;
	_ =	sdelay $0x2  }
0x22c: {  	v63 =	vperm.xlane v25, v9  }
0x22d: {  	[tilespmem:$0x1F500] =	vst v26  }
0x22e: {  	v26 =	vld.idx.msk [tilespmem:v27+s21+$0x0], $0xffff;
	v27 =	vshll.u32 v63, $0x7  }
0x22f: {  	v27 =	vor.u32 v0, v27;
	_ =	sdelay $0x2  }
0x230: {  	v25 =	vperm.xlane v25, v10  }
0x231: {  	[tilespmem:$0x1F580] =	vst v26  }
0x232: {  	v25 =	vshll.u32 v25, $0x7;
	v26 =	vld.idx.msk [tilespmem:v27+s21+$0x0], $0xffff  }
0x233: {  	v25 =	vor.u32 v0, v25;
	_ =	sdelay $0x3  }
0x234: {  	[tilespmem:$0x1F600] =	vst v26  }
0x235: {  	v25 =	vld.idx.msk [tilespmem:v25+s21+$0x0], $0xffff  }
0x236: {  	vm4 =	vmmov vm3;
	vm3 =	vmmov vm2;
	vm2 =	vmmov vm1  }
0x237: {  	vm1 =	vmmov vm0;
	vm0 =	vmmov vm15;
	vm15 =	vmmov vm14  }
0x238: {  	vm14 =	vmmov vm13;
	vm13 =	vmmov vm12;
	vm12 =	vmmov vm11  }
0x239: {  	vm11 =	vmmov vm10;
	vm10 =	vmmov vm9;
	vm9 =	vmmov vm8;
	v60 =	vld [tilespmem:$0x1FFF0]  }
.Ltmp3:
0x23a: {  	s2 =	simm.s32 $0x1E500;
	vm8 =	vmmov vm9;
	s1 =	rddreg [dreg:$0x17];
	[tilespmem:$0x1F680] =	vst v25;
	(pc) =	sbr.rel .LBB2_3-.Ltmp3, $4  }
0x23b: {  	vm9 =	vmmov vm10;
	vm10 =	vmmov vm11;
	vm11 =	vmmov vm12;
	[hbm4b:s1+s15] =	stream.linear.scatter [tilespmem:s2], [sflag:$0x3], $0x1200, $0x38;
	[tilespmem:$0x1F900] =	vst v63  }
0x23c: {  	vm12 =	vmmov vm13;
	vm13 =	vmmov vm14;
	vm14 =	vmmov vm15;
	_ =	swait.ge [sflag:s30], $0x1200  }
0x23d: {  	vm15 =	vmmov vm0;
	vm0 =	vmmov vm1;
	vm1 =	vmmov vm2;
	[sflag:s30] =	ssyncset.done $0x0  }
0x23e: {  	vm2 =	vmmov vm3;
	vm3 =	vmmov vm4;
	vm4 =	vnez.u8 v60;
	[sflag:s30] =	ssyncadd.s32 $0xFFFFEE00  }
.LBB2_4:
0x23f: {  	_ =	sfence.sel $0x180000  }
0x240: {  	[bflag:$0x0] =	sbarrier.arrive $0xFFFF  }
0x241: {  	_ =	strace $0x90000047  }
0x242: {  	s0 =	stileid.u32;
	[bflag:$0x2] =	sbarrier.arrive $0xFFFF  }
0x243: {  	p0 =	sne.s32 s0, $0x0;
	s0 =	rddreg [dreg:$0x5]  }
0x244: {  	s0 =	sadd.s32 @!p0 $0x100000, s0  }
0x245: {  	[sflag:s0] =	ssyncadd.tile.s32 @!p0 $0x1;
	_ =	shalt  }
.Lfunc_end2:
_tile_overlayer_lowered:
.L_overlay_start_2:
0x246: {  	(tag) =	ssettag $0x2  }
0x247: {  	s0 =	rddreg [dreg:$0x0];
	s2 =	stileid.u32  }
0x248: {  	s1 =	rddreg [dreg:$0x1];
	p0 =	sne.s32 s2, $0x0  }
0x249: {  	s3 =	rddreg [dreg:$0x2];
	[bflag:$0x3] =	sbarrier.arrive $0xFFFF;
	s2 =	simm.s32 @!p0 $0x1C03  }
0x24a: {  	[timem:s3], [sflag:s2] =	dma.local @!p0 [hbm:s0], s1  }
0x24b: {  	s0 =	simm.s32 @!p0 $0x3  }
0x24c: {  	_ =	swait.ge @!p0 [sflag:s0], s1  }
0x24d: {  	s1 =	ssub.s32 @!p0 $0x0, s1;
	[sflag:s0] =	ssyncset.done @!p0 $0x0  }
0x24e: {  	[sflag:s0] =	ssyncadd.s32 @!p0 s1  }
0x24f: {  	[bflag:$0x3] =	sbarrier.arrive $0xFFFF  }
0x250: {  	_ =	shalt  }

</sc_bundles>
